<compile_context>
chip_gen: v7x
topology: tpu7x:2x2x1
jax: 0.10.2.dev20260603
libtpu: 0.0.44.dev20260713+nightly
codegen_flags: <defaults>
</compile_context>

<pallas_src>
import functools

import jax
import jax.numpy as jnp
from jax import lax
from jax.experimental import pallas as pl
from jax.experimental.pallas import tpu as pltpu
from jax.experimental.pallas import tpu_sc as plsc

NC = 2
NS = 16
NW = NC * NS
LANES = 16
EPS = 1e-5
SCALING = 0.25

NPAD = 10240
RPT = NPAD // NW
CH = 80
BIG = 2000
STG = 128


def _tile_id():
    return lax.axis_index("s") * NC + lax.axis_index("c")


def _prefix16(mi):
    csum = mi
    iota = lax.iota(jnp.int32, LANES)
    zv = jnp.zeros((LANES,), jnp.int32)
    onev = jnp.full((LANES,), 1, jnp.int32)
    sh31 = jnp.full((LANES,), 31, jnp.int32)
    for dshift in (1, 2, 4, 8):
        dv = jnp.full((LANES,), dshift, jnp.int32)
        im = iota - dv
        perm = jnp.maximum(im, zv)
        mk = onev - lax.shift_right_logical(im, sh31)
        csum = csum + csum.at[perm].get(mode="promise_in_bounds") * mk
    return csum


def _make_index_kernel(e):
    nbig = e // BIG
    nin = BIG // LANES
    mesh = plsc.VectorSubcoreMesh(core_axis_name="c", subcore_axis_name="s")

    @functools.partial(
        pl.kernel,
        mesh=mesh,
        out_type=(
            jax.ShapeDtypeStruct((NW * e,), jnp.int32),
            jax.ShapeDtypeStruct((NW * e,), jnp.int32),
            jax.ShapeDtypeStruct((NW * 16,), jnp.int32),
            jax.ShapeDtypeStruct((NPAD * 16,), jnp.float32),
        ),
        scratch_types=[
            pltpu.VMEM((BIG,), jnp.int32),
            pltpu.VMEM((BIG,), jnp.int32),
            pltpu.VMEM((STG,), jnp.int32),
            pltpu.VMEM((STG,), jnp.int32),
            pltpu.VMEM((16,), jnp.int32),
            pltpu.VMEM((16,), jnp.int32),
            pltpu.VMEM((RPT * 16,), jnp.float32),
        ],
    )
    def index_kernel(src_hbm, dst_hbm, slist_hbm, dlist_hbm, cnt_hbm,
                     deg_hbm, sbig, dbig, sstage, dstage, lreg, crow, dacc):
        t = _tile_id()
        lo = t * RPT
        lreg[pl.ds(0, 16)] = jnp.full((LANES,), lo, jnp.int32)

        for z in range(STG // LANES):
            sstage[pl.ds(z * LANES, LANES)] = jnp.zeros((LANES,), jnp.int32)
            dstage[pl.ds(z * LANES, LANES)] = jnp.zeros((LANES,), jnp.int32)

        def zrow(i, carry):
            dacc[pl.ds(i * LANES, LANES)] = jnp.zeros((LANES,), jnp.float32)
            return carry

        lax.fori_loop(0, RPT, zrow, 0)

        def flush(listk):
            def bump(i, carry):
                r = dstage[pl.ds(i, 16)][0]
                v = dacc[pl.ds(r * LANES, LANES)]
                dacc[pl.ds(r * LANES, LANES)] = v + jnp.ones(
                    (LANES,), jnp.float32)
                return carry

            lax.fori_loop(0, CH, bump, 0)
            base = t * e + listk * CH
            pltpu.sync_copy(sstage.at[pl.ds(0, CH)],
                            slist_hbm.at[pl.ds(base, CH)])
            pltpu.sync_copy(dstage.at[pl.ds(0, CH)],
                            dlist_hbm.at[pl.ds(base, CH)])
            sv = sstage[pl.ds(CH, 16)]
            dv = dstage[pl.ds(CH, 16)]
            sstage[pl.ds(0, 16)] = sv
            dstage[pl.ds(0, 16)] = dv

        def big_step(g, carry):
            off, listk = carry
            pltpu.sync_copy(src_hbm.at[pl.ds(g * BIG, BIG)], sbig)
            pltpu.sync_copy(dst_hbm.at[pl.ds(g * BIG, BIG)], dbig)

            def chunk(q, carry2):
                off2, listk2 = carry2
                d16 = dbig[pl.ds(q * LANES, LANES)]
                s16 = sbig[pl.ds(q * LANES, LANES)]
                lo_v = lreg[pl.ds(0, 16)]
                a = d16 - lo_v
                b = jnp.full((LANES,), RPT - 1, jnp.int32) - a
                mi = (jnp.full((LANES,), 1, jnp.int32)
                      - lax.shift_right_logical(
                          jnp.bitwise_or(a, b),
                          jnp.full((LANES,), 31, jnp.int32)))
                csum = _prefix16(mi)
                nsel = csum[15]

                @pl.when(nsel > 0)
                def _():
                    keep = jnp.minimum(lax.iota(jnp.int32, LANES),
                                       jnp.full((LANES,), 1, jnp.int32))
                    put = jnp.full((LANES,), 1, jnp.int32) - keep
                    for k in range(LANES):
                        sel = mi[k]
                        slot = off2 + csum[k] - sel

                        @pl.when(sel == 1)
                        def _():
                            kv = jnp.full((LANES,), k, jnp.int32)
                            s_spl = s16.at[kv].get(mode="promise_in_bounds")
                            a_spl = a.at[kv].get(mode="promise_in_bounds")
                            w = sstage[pl.ds(slot, 16)]
                            sstage[pl.ds(slot, 16)] = w * keep + s_spl * put
                            w2 = dstage[pl.ds(slot, 16)]
                            dstage[pl.ds(slot, 16)] = w2 * keep + a_spl * put

                off2 = off2 + nsel

                def do_flush(args):
                    o, kk = args
                    flush(kk)
                    return o - CH, kk + 1

                off2, listk2 = lax.cond(off2 >= CH, do_flush,
                                        lambda args: args, (off2, listk2))
                return off2, listk2

            return lax.fori_loop(0, nin, chunk, (off, listk))

        off, listk = lax.fori_loop(0, nbig, big_step, (0, 0))

        def bump_tail(i, carry):
            r = dstage[pl.ds(i, 16)][0]
            v = dacc[pl.ds(r * LANES, LANES)]
            dacc[pl.ds(r * LANES, LANES)] = v + jnp.ones((LANES,), jnp.float32)
            return carry

        lax.fori_loop(0, off, bump_tail, 0)
        base = t * e + listk * CH
        pltpu.sync_copy(sstage.at[pl.ds(0, CH)], slist_hbm.at[pl.ds(base, CH)])
        pltpu.sync_copy(dstage.at[pl.ds(0, CH)], dlist_hbm.at[pl.ds(base, CH)])

        crow[pl.ds(0, 16)] = jnp.full((LANES,), listk * CH + off, jnp.int32)
        pltpu.sync_copy(crow, cnt_hbm.at[pl.ds(t * 16, 16)])
        pltpu.sync_copy(dacc, deg_hbm.at[pl.ds(t * RPT * 16, RPT * 16)])

    return index_kernel


def _make_agg_kernel(d, e):
    mesh = plsc.VectorSubcoreMesh(core_axis_name="c", subcore_axis_name="s")

    @functools.partial(
        pl.kernel,
        mesh=mesh,
        out_type=jax.ShapeDtypeStruct((NPAD * d,), jnp.float32),
        scratch_types=[
            pltpu.VMEM((CH,), jnp.int32),
            pltpu.VMEM((CH + 16,), jnp.int32),
            pltpu.VMEM((16,), jnp.int32),
            pltpu.VMEM((CH, d), jnp.float32),
            pltpu.VMEM((RPT * d,), jnp.float32),
            pltpu.SemaphoreType.DMA,
        ],
    )
    def agg_kernel(x_hbm, slist_hbm, dlist_hbm, cnt_hbm, out_hbm,
                   sbuf, dbuf, crow, rows, acc, gsem):
        t = _tile_id()

        def zrow(i, carry):
            acc[pl.ds(i * LANES, LANES)] = jnp.zeros((LANES,), jnp.float32)
            return carry

        lax.fori_loop(0, RPT * d // LANES, zrow, 0)
        pltpu.sync_copy(cnt_hbm.at[pl.ds(t * 16, 16)], crow)
        cnt = crow[pl.ds(0, 16)][0]
        nblk = (cnt + CH - 1) // CH

        def blk(k, carry):
            base = t * e + k * CH
            pltpu.sync_copy(slist_hbm.at[pl.ds(base, CH)], sbuf)
            pltpu.sync_copy(dlist_hbm.at[pl.ds(base, CH)],
                            dbuf.at[pl.ds(0, CH)])
            pltpu.async_copy(x_hbm.at[sbuf], rows, gsem).wait()
            nsel = jnp.minimum(cnt - k * CH, CH)

            def rmw(i, carry2):
                r = dbuf[pl.ds(i, 16)][0]
                rb = r * d
                for u in range(d // LANES):
                    v = acc[pl.ds(rb + u * LANES, LANES)]
                    acc[pl.ds(rb + u * LANES, LANES)] = v + rows[
                        i, pl.ds(u * LANES, LANES)]
                return carry2

            lax.fori_loop(0, nsel, rmw, 0)
            return carry

        lax.fori_loop(0, nblk, blk, 0)
        pltpu.sync_copy(acc, out_hbm.at[pl.ds(t * RPT * d, RPT * d)])

    return agg_kernel


def _make_edge_kernel(n, d, e):
    nch = (e // NW) // CH
    mesh = plsc.VectorSubcoreMesh(core_axis_name="c", subcore_axis_name="s")

    @functools.partial(
        pl.kernel,
        mesh=mesh,
        out_type=jax.ShapeDtypeStruct((e, d), jnp.float32),
        scratch_types=[
            pltpu.VMEM((CH,), jnp.int32),
            pltpu.VMEM((CH,), jnp.int32),
            pltpu.VMEM((CH, d), jnp.float32),
            pltpu.VMEM((CH, d), jnp.float32),
            pltpu.SemaphoreType.DMA,
            pltpu.SemaphoreType.DMA,
        ],
    )
    def edge_kernel(h_hbm, src_hbm, dst_hbm, out_hbm,
                    sidx_v, didx_v, rowa_v, rowb_v, sema, semb):
        wid = _tile_id()

        def step(j, carry):
            base = wid * (nch * CH) + j * CH
            pltpu.sync_copy(src_hbm.at[pl.ds(base, CH)], sidx_v)
            pltpu.sync_copy(dst_hbm.at[pl.ds(base, CH)], didx_v)
            cpa = pltpu.async_copy(h_hbm.at[sidx_v], rowa_v, sema)
            cpb = pltpu.async_copy(h_hbm.at[didx_v], rowb_v, semb)
            cpa.wait()
            cpb.wait()

            def mul_row(i, carry2):
                for u in range(d // LANES):
                    sl = pl.ds(u * LANES, LANES)
                    rowa_v[i, sl] = rowa_v[i, sl] * rowb_v[i, sl]
                return carry2

            lax.fori_loop(0, CH, mul_row, 0)
            pltpu.sync_copy(rowa_v, out_hbm.at[pl.ds(base, CH)])
            return carry

        lax.fori_loop(0, nch, step, 0)

    return edge_kernel


def _prep_body(degp_ref, nf_ref, dinv_ref, x1_ref):
    deg = degp_ref[:, 0:1] + 1.0
    dinv = lax.rsqrt(deg)
    dinv_ref[...] = jnp.broadcast_to(dinv, dinv_ref.shape)
    x1_ref[...] = nf_ref[...] * dinv


def _run_prep(degp, node_feat, blk=1000):
    n, d = node_feat.shape
    grid = n // blk
    return pl.pallas_call(
        _prep_body,
        grid=(grid,),
        in_specs=[
            pl.BlockSpec((blk, 16), lambda i: (i, 0)),
            pl.BlockSpec((blk, d), lambda i: (i, 0)),
        ],
        out_specs=[
            pl.BlockSpec((blk, 8), lambda i: (i, 0)),
            pl.BlockSpec((blk, d), lambda i: (i, 0)),
        ],
        out_shape=[
            jax.ShapeDtypeStruct((n, 8), jnp.float32),
            jax.ShapeDtypeStruct((n, d), jnp.float32),
        ],
    )(degp, node_feat)


def _layer_body(p_ref, h_ref, dinv_ref, w_ref, a_ref, b_ref, g_ref, be_ref,
                hn_ref, xn_ref=None, *, last):
    dinv = dinv_ref[:, 0:1]
    z = dinv * p_ref[...] + (dinv * dinv) * h_ref[...]
    w_eff = w_ref[...] + SCALING * lax.dot_general(
        a_ref[...], b_ref[...], (((1,), (1,)), ((), ())),
        preferred_element_type=jnp.float32)
    t = lax.dot_general(z, w_eff, (((1,), (1,)), ((), ())),
                        preferred_element_type=jnp.float32)
    mu = jnp.mean(t, axis=-1, keepdims=True)
    var = jnp.mean(jnp.square(t - mu), axis=-1, keepdims=True)
    t = (t - mu) * lax.rsqrt(var + EPS) * g_ref[...] + be_ref[...]
    h_next = jnp.maximum(t, 0.0)
    hn_ref[...] = h_next
    if not last:
        xn_ref[...] = h_next * dinv


def _run_layer(p, h, dinv, w, a, b, g, be, last, blk=1000):
    n, d = h.shape
    grid = n // blk
    out_shapes = [jax.ShapeDtypeStruct((n, d), jnp.float32)]
    out_specs = [pl.BlockSpec((blk, d), lambda i: (i, 0))]
    if not last:
        out_shapes.append(jax.ShapeDtypeStruct((n, d), jnp.float32))
        out_specs.append(pl.BlockSpec((blk, d), lambda i: (i, 0)))
    res = pl.pallas_call(
        functools.partial(_layer_body, last=last),
        grid=(grid,),
        in_specs=[
            pl.BlockSpec((blk, d), lambda i: (i, 0)),
            pl.BlockSpec((blk, d), lambda i: (i, 0)),
            pl.BlockSpec((blk, 8), lambda i: (i, 0)),
            pl.BlockSpec((d, d), lambda i: (0, 0)),
            pl.BlockSpec((d, 4), lambda i: (0, 0)),
            pl.BlockSpec((d, 4), lambda i: (0, 0)),
            pl.BlockSpec((d,), lambda i: (0,)),
            pl.BlockSpec((d,), lambda i: (0,)),
        ],
        out_specs=out_specs,
        out_shape=out_shapes,
    )(p, h, dinv, w, a, b, g, be)
    if last:
        return res[0], None
    return res


def _logits_body(he_ref, wc_ref, ac_ref, bc_ref, out_ref):
    wc_eff = wc_ref[...] + SCALING * lax.dot_general(
        ac_ref[...], bc_ref[...], (((1,), (1,)), ((), ())),
        preferred_element_type=jnp.float32)
    out_ref[...] = lax.dot_general(
        he_ref[...], wc_eff, (((1,), (1,)), ((), ())),
        preferred_element_type=jnp.float32)


def _run_logits(h_edge, wc, ac, bc, blk=8000):
    e, d = h_edge.shape
    c = wc.shape[0]
    grid = e // blk
    return pl.pallas_call(
        _logits_body,
        grid=(grid,),
        in_specs=[
            pl.BlockSpec((blk, d), lambda i: (i, 0)),
            pl.BlockSpec((c, d), lambda i: (0, 0)),
            pl.BlockSpec((c, 4), lambda i: (0, 0)),
            pl.BlockSpec((d, 4), lambda i: (0, 0)),
        ],
        out_specs=pl.BlockSpec((blk, c), lambda i: (i, 0)),
        out_shape=jax.ShapeDtypeStruct((e, c), jnp.float32),
    )(h_edge, wc, ac, bc)


def kernel(node_feat, edge_index, W1_base, W2_base, W3_base, W_cls_base,
           A1, B1, A2, B2, A3, B3, Ac, Bc, g1, be1, g2, be2, g3, be3):
    n, d = node_feat.shape
    e = edge_index.shape[1]
    src = edge_index[0]
    dst = edge_index[1]

    index_k = _make_index_kernel(e)
    agg_k = _make_agg_kernel(d, e)
    edge_k = _make_edge_kernel(n, d, e)

    slist, dlist, cnts, degf = index_k(src, dst)
    degp = degf.reshape(NPAD, 16)
    dinv, x = _run_prep(degp[:n], node_feat)

    h = node_feat
    for w, a, b, g, be, last in (
            (W1_base, A1, B1, g1, be1, False),
            (W2_base, A2, B2, g2, be2, False),
            (W3_base, A3, B3, g3, be3, True)):
        pf = agg_k(x, slist, dlist, cnts)
        p = pf.reshape(NPAD, d)
        h, x = _run_layer(p[:n], h, dinv, w, a, b, g, be, last)

    h_edge = edge_k(h, src, dst)
    logits = _run_logits(h_edge, W_cls_base, Ac, Bc)
    return (logits, h)

# --- scband reference (transcript-rebuilt; emitter-appended) ---
"""Pipeline reference for scband-lo-ratiny-gnn-38285338476795 (READ-ONLY COPY).

The authoritative reference and input builder live on the scoring server;
editing this copy changes nothing except your own understanding.
"""

import jax, jax.numpy as jnp
import numpy as np

N = 10000
E = 320000
D = 128
H = 128
C = 2
R = 4
SCALING = 1.0 / R
EPS = 1e-5


def setup_inputs(seed: int = 0) -> dict:
    key = jax.random.key(seed)
    ks = jax.random.split(key, 16)
    node_feat = jax.random.normal(ks[0], (N, D), dtype=jnp.float32)
    edge_index = jax.random.randint(ks[1], (2, E), 0, N, dtype=jnp.int32)
    # frozen base weights (as produced by some pretrained TinyGNN)
    W1_base = jax.random.normal(ks[2], (H, D), dtype=jnp.float32) / np.sqrt(D)
    W2_base = jax.random.normal(ks[3], (H, H), dtype=jnp.float32) / np.sqrt(H)
    W3_base = jax.random.normal(ks[4], (H, H), dtype=jnp.float32) / np.sqrt(H)
    W_cls_base = jax.random.normal(ks[5], (C, H), dtype=jnp.float32) / np.sqrt(H)
    # LoRA adapters (A ~ N(0, 0.01); B small random so the delta is nontrivial)
    A1 = jax.random.normal(ks[6], (H, R), dtype=jnp.float32) * 0.01
    B1 = jax.random.normal(ks[7], (D, R), dtype=jnp.float32) * 0.01
    A2 = jax.random.normal(ks[8], (H, R), dtype=jnp.float32) * 0.01
    B2 = jax.random.normal(ks[9], (H, R), dtype=jnp.float32) * 0.01
    A3 = jax.random.normal(ks[10], (H, R), dtype=jnp.float32) * 0.01
    B3 = jax.random.normal(ks[11], (H, R), dtype=jnp.float32) * 0.01
    Ac = jax.random.normal(ks[12], (C, R), dtype=jnp.float32) * 0.01
    Bc = jax.random.normal(ks[13], (H, R), dtype=jnp.float32) * 0.01
    # LayerNorm params
    g1 = jnp.ones((H,), jnp.float32); be1 = jnp.zeros((H,), jnp.float32)
    g2 = jnp.ones((H,), jnp.float32); be2 = jnp.zeros((H,), jnp.float32)
    g3 = jnp.ones((H,), jnp.float32); be3 = jnp.zeros((H,), jnp.float32)
    return {
        'node_feat': node_feat, 'edge_index': edge_index,
        'W1_base': W1_base, 'W2_base': W2_base, 'W3_base': W3_base, 'W_cls_base': W_cls_base,
        'A1': A1, 'B1': B1, 'A2': A2, 'B2': B2, 'A3': A3, 'B3': B3, 'Ac': Ac, 'Bc': Bc,
        'g1': g1, 'be1': be1, 'g2': g2, 'be2': be2, 'g3': g3, 'be3': be3,
    }


def _layer_norm(x, g, b):
    mu = jnp.mean(x, axis=-1, keepdims=True)
    var = jnp.mean(jnp.square(x - mu), axis=-1, keepdims=True)
    return (x - mu) / jnp.sqrt(var + EPS) * g + b


def reference(node_feat, edge_index, W1_base, W2_base, W3_base, W_cls_base,
              A1, B1, A2, B2, A3, B3, Ac, Bc, g1, be1, g2, be2, g3, be3):
    n = node_feat.shape[0]
    # GCN symmetric normalization with self loops: A_norm = D^{-1/2}(A+I)D^{-1/2}
    self_loop = jnp.arange(n, dtype=edge_index.dtype)
    src = jnp.concatenate([edge_index[0], self_loop])
    dst = jnp.concatenate([edge_index[1], self_loop])
    deg = jax.ops.segment_sum(jnp.ones_like(src, jnp.float32), dst, num_segments=n)
    dinv = 1.0 / jnp.sqrt(jnp.clip(deg, 1.0, None))
    norm = dinv[src] * dinv[dst]

    def agg(h):
        # sparse A_norm @ h as gather + scatter-add
        return jax.ops.segment_sum(h[src] * norm[:, None], dst, num_segments=n)

    W1_eff = W1_base + SCALING * (A1 @ B1.T)
    h = agg(node_feat) @ W1_eff.T
    h = jax.nn.relu(_layer_norm(h, g1, be1))

    W2_eff = W2_base + SCALING * (A2 @ B2.T)
    h = agg(h) @ W2_eff.T
    h = jax.nn.relu(_layer_norm(h, g2, be2))

    W3_eff = W3_base + SCALING * (A3 @ B3.T)
    h = agg(h) @ W3_eff.T
    h = jax.nn.relu(_layer_norm(h, g3, be3))

    W_cls_eff = W_cls_base + SCALING * (Ac @ Bc.T)
    e_src, e_dst = edge_index[0], edge_index[1]
    h_edge = h[e_src] * h[e_dst]
    logits = h_edge @ W_cls_eff.T
    return (logits, h)

if __name__ == "__main__":
    import jax
    _d = setup_inputs()
    print(jax.jit(kernel)(*tuple(_d.values())))

</pallas_src>

<mosaic_0001>
#map = affine_map<(d0, d1) -> (0)>
module attributes {stable_mosaic.version = 14 : i64} {
  func.func @index_kernel(%arg0: i32, %arg1: i32, %arg2: memref<320000xi32, #tpu.memory_space<hbm>>, %arg3: memref<320000xi32, #tpu.memory_space<hbm>>, %arg4: memref<10240000xi32, #tpu.memory_space<hbm>>, %arg5: memref<10240000xi32, #tpu.memory_space<hbm>>, %arg6: memref<512xi32, #tpu.memory_space<hbm>>, %arg7: memref<163840xf32, #tpu.memory_space<hbm>>, %arg8: memref<2000xi32, #tpu.memory_space<vmem>>, %arg9: memref<2000xi32, #tpu.memory_space<vmem>>, %arg10: memref<128xi32, #tpu.memory_space<vmem>>, %arg11: memref<128xi32, #tpu.memory_space<vmem>>, %arg12: memref<16xi32, #tpu.memory_space<vmem>>, %arg13: memref<16xi32, #tpu.memory_space<vmem>>, %arg14: memref<5120xf32, #tpu.memory_space<vmem>>) attributes {dimension_semantics = [#tpu.dimension_semantics<core_parallel>, #tpu.dimension_semantics<subcore_parallel>], iteration_bounds = array<i64: 2, 16>, scalar_prefetch = 0 : i64, scratch_operands = 7 : i64, tpu.core_type = #tpu.core_type<sc_vector_subcore>, window_params = [{transform_indices = #map}, {transform_indices = #map}, {transform_indices = #map}, {transform_indices = #map}, {transform_indices = #map}, {transform_indices = #map}]} {
    %mul3A = arith.constant 2 : i32
    %mul3A_0 = arith.muli %arg1, %mul3A : i32
    %add3A = arith.addi %mul3A_0, %arg0 : i32
    %mul3A_1 = arith.constant 320 : i32
    %mul3A_2 = arith.muli %add3A, %mul3A_1 : i32
    %broadcast_in_dim3A = vector.broadcast %mul3A_2 : i32 to vector<16xi32>
    %swap3A = arith.constant 0 : index
    %swap3A_3 = tpu.vector_load %arg12[%swap3A] {strides = array<i32>} : memref<16xi32, #tpu.memory_space<vmem>>, vector<16xi32>,
    %swap3A_4 = vector.shape_cast %swap3A_3 : vector<16xi32> to vector<16xi32>
    %swap3A_5 = vector.shape_cast %broadcast_in_dim3A : vector<16xi32> to vector<16xi32>
    tpu.vector_store %arg12[%swap3A], %swap3A_5 {strides = array<i32>} : memref<16xi32, #tpu.memory_space<vmem>>, vector<16xi32>,
    %broadcast_in_dim3A_6 = arith.constant 0 : i32
    %broadcast_in_dim3A_7 = vector.broadcast %broadcast_in_dim3A_6 : i32 to vector<16xi32>
    %swap3A_8 = arith.constant 0 : index
    %swap3A_9 = tpu.vector_load %arg10[%swap3A_8] {strides = array<i32>} : memref<128xi32, #tpu.memory_space<vmem>>, vector<16xi32>,
    %swap3A_10 = vector.shape_cast %swap3A_9 : vector<16xi32> to vector<16xi32>
    %swap3A_11 = vector.shape_cast %broadcast_in_dim3A_7 : vector<16xi32> to vector<16xi32>
    tpu.vector_store %arg10[%swap3A_8], %swap3A_11 {strides = array<i32>} : memref<128xi32, #tpu.memory_space<vmem>>, vector<16xi32>,
    %broadcast_in_dim3A_12 = arith.constant 0 : i32
    %broadcast_in_dim3A_13 = vector.broadcast %broadcast_in_dim3A_12 : i32 to vector<16xi32>
    %swap3A_14 = arith.constant 0 : index
    %swap3A_15 = tpu.vector_load %arg11[%swap3A_14] {strides = array<i32>} : memref<128xi32, #tpu.memory_space<vmem>>, vector<16xi32>,
    %swap3A_16 = vector.shape_cast %swap3A_15 : vector<16xi32> to vector<16xi32>
    %swap3A_17 = vector.shape_cast %broadcast_in_dim3A_13 : vector<16xi32> to vector<16xi32>
    tpu.vector_store %arg11[%swap3A_14], %swap3A_17 {strides = array<i32>} : memref<128xi32, #tpu.memory_space<vmem>>, vector<16xi32>,
    %broadcast_in_dim3A_18 = arith.constant 0 : i32
    %broadcast_in_dim3A_19 = vector.broadcast %broadcast_in_dim3A_18 : i32 to vector<16xi32>
    %swap3A_20 = arith.constant 16 : index
    %swap3A_21 = tpu.vector_load %arg10[%swap3A_20] {strides = array<i32>} : memref<128xi32, #tpu.memory_space<vmem>>, vector<16xi32>,
    %swap3A_22 = vector.shape_cast %swap3A_21 : vector<16xi32> to vector<16xi32>
    %swap3A_23 = vector.shape_cast %broadcast_in_dim3A_19 : vector<16xi32> to vector<16xi32>
    tpu.vector_store %arg10[%swap3A_20], %swap3A_23 {strides = array<i32>} : memref<128xi32, #tpu.memory_space<vmem>>, vector<16xi32>,
    %broadcast_in_dim3A_24 = arith.constant 0 : i32
    %broadcast_in_dim3A_25 = vector.broadcast %broadcast_in_dim3A_24 : i32 to vector<16xi32>
    %swap3A_26 = arith.constant 16 : index
    %swap3A_27 = tpu.vector_load %arg11[%swap3A_26] {strides = array<i32>} : memref<128xi32, #tpu.memory_space<vmem>>, vector<16xi32>,
    %swap3A_28 = vector.shape_cast %swap3A_27 : vector<16xi32> to vector<16xi32>
    %swap3A_29 = vector.shape_cast %broadcast_in_dim3A_25 : vector<16xi32> to vector<16xi32>
    tpu.vector_store %arg11[%swap3A_26], %swap3A_29 {strides = array<i32>} : memref<128xi32, #tpu.memory_space<vmem>>, vector<16xi32>,
    %broadcast_in_dim3A_30 = arith.constant 0 : i32
    %broadcast_in_dim3A_31 = vector.broadcast %broadcast_in_dim3A_30 : i32 to vector<16xi32>
    %swap3A_32 = arith.constant 32 : index
    %swap3A_33 = tpu.vector_load %arg10[%swap3A_32] {strides = array<i32>} : memref<128xi32, #tpu.memory_space<vmem>>, vector<16xi32>,
    %swap3A_34 = vector.shape_cast %swap3A_33 : vector<16xi32> to vector<16xi32>
    %swap3A_35 = vector.shape_cast %broadcast_in_dim3A_31 : vector<16xi32> to vector<16xi32>
    tpu.vector_store %arg10[%swap3A_32], %swap3A_35 {strides = array<i32>} : memref<128xi32, #tpu.memory_space<vmem>>, vector<16xi32>,
    %broadcast_in_dim3A_36 = arith.constant 0 : i32
    %broadcast_in_dim3A_37 = vector.broadcast %broadcast_in_dim3A_36 : i32 to vector<16xi32>
    %swap3A_38 = arith.constant 32 : index
    %swap3A_39 = tpu.vector_load %arg11[%swap3A_38] {strides = array<i32>} : memref<128xi32, #tpu.memory_space<vmem>>, vector<16xi32>,
    %swap3A_40 = vector.shape_cast %swap3A_39 : vector<16xi32> to vector<16xi32>
    %swap3A_41 = vector.shape_cast %broadcast_in_dim3A_37 : vector<16xi32> to vector<16xi32>
    tpu.vector_store %arg11[%swap3A_38], %swap3A_41 {strides = array<i32>} : memref<128xi32, #tpu.memory_space<vmem>>, vector<16xi32>,
    %broadcast_in_dim3A_42 = arith.constant 0 : i32
    %broadcast_in_dim3A_43 = vector.broadcast %broadcast_in_dim3A_42 : i32 to vector<16xi32>
    %swap3A_44 = arith.constant 48 : index
    %swap3A_45 = tpu.vector_load %arg10[%swap3A_44] {strides = array<i32>} : memref<128xi32, #tpu.memory_space<vmem>>, vector<16xi32>,
    %swap3A_46 = vector.shape_cast %swap3A_45 : vector<16xi32> to vector<16xi32>
    %swap3A_47 = vector.shape_cast %broadcast_in_dim3A_43 : vector<16xi32> to vector<16xi32>
    tpu.vector_store %arg10[%swap3A_44], %swap3A_47 {strides = array<i32>} : memref<128xi32, #tpu.memory_space<vmem>>, vector<16xi32>,
    %broadcast_in_dim3A_48 = arith.constant 0 : i32
    %broadcast_in_dim3A_49 = vector.broadcast %broadcast_in_dim3A_48 : i32 to vector<16xi32>
    %swap3A_50 = arith.constant 48 : index
    %swap3A_51 = tpu.vector_load %arg11[%swap3A_50] {strides = array<i32>} : memref<128xi32, #tpu.memory_space<vmem>>, vector<16xi32>,
    %swap3A_52 = vector.shape_cast %swap3A_51 : vector<16xi32> to vector<16xi32>
    %swap3A_53 = vector.shape_cast %broadcast_in_dim3A_49 : vector<16xi32> to vector<16xi32>
    tpu.vector_store %arg11[%swap3A_50], %swap3A_53 {strides = array<i32>} : memref<128xi32, #tpu.memory_space<vmem>>, vector<16xi32>,
    %broadcast_in_dim3A_54 = arith.constant 0 : i32
    %broadcast_in_dim3A_55 = vector.broadcast %broadcast_in_dim3A_54 : i32 to vector<16xi32>
    %swap3A_56 = arith.constant 64 : index
    %swap3A_57 = tpu.vector_load %arg10[%swap3A_56] {strides = array<i32>} : memref<128xi32, #tpu.memory_space<vmem>>, vector<16xi32>,
    %swap3A_58 = vector.shape_cast %swap3A_57 : vector<16xi32> to vector<16xi32>
    %swap3A_59 = vector.shape_cast %broadcast_in_dim3A_55 : vector<16xi32> to vector<16xi32>
    tpu.vector_store %arg10[%swap3A_56], %swap3A_59 {strides = array<i32>} : memref<128xi32, #tpu.memory_space<vmem>>, vector<16xi32>,
    %broadcast_in_dim3A_60 = arith.constant 0 : i32
    %broadcast_in_dim3A_61 = vector.broadcast %broadcast_in_dim3A_60 : i32 to vector<16xi32>
    %swap3A_62 = arith.constant 64 : index
    %swap3A_63 = tpu.vector_load %arg11[%swap3A_62] {strides = array<i32>} : memref<128xi32, #tpu.memory_space<vmem>>, vector<16xi32>,
    %swap3A_64 = vector.shape_cast %swap3A_63 : vector<16xi32> to vector<16xi32>
    %swap3A_65 = vector.shape_cast %broadcast_in_dim3A_61 : vector<16xi32> to vector<16xi32>
    tpu.vector_store %arg11[%swap3A_62], %swap3A_65 {strides = array<i32>} : memref<128xi32, #tpu.memory_space<vmem>>, vector<16xi32>,
    %broadcast_in_dim3A_66 = arith.constant 0 : i32
    %broadcast_in_dim3A_67 = vector.broadcast %broadcast_in_dim3A_66 : i32 to vector<16xi32>
    %swap3A_68 = arith.constant 80 : index
    %swap3A_69 = tpu.vector_load %arg10[%swap3A_68] {strides = array<i32>} : memref<128xi32, #tpu.memory_space<vmem>>, vector<16xi32>,
    %swap3A_70 = vector.shape_cast %swap3A_69 : vector<16xi32> to vector<16xi32>
    %swap3A_71 = vector.shape_cast %broadcast_in_dim3A_67 : vector<16xi32> to vector<16xi32>
    tpu.vector_store %arg10[%swap3A_68], %swap3A_71 {strides = array<i32>} : memref<128xi32, #tpu.memory_space<vmem>>, vector<16xi32>,
    %broadcast_in_dim3A_72 = arith.constant 0 : i32
    %broadcast_in_dim3A_73 = vector.broadcast %broadcast_in_dim3A_72 : i32 to vector<16xi32>
    %swap3A_74 = arith.constant 80 : index
    %swap3A_75 = tpu.vector_load %arg11[%swap3A_74] {strides = array<i32>} : memref<128xi32, #tpu.memory_space<vmem>>, vector<16xi32>,
    %swap3A_76 = vector.shape_cast %swap3A_75 : vector<16xi32> to vector<16xi32>
    %swap3A_77 = vector.shape_cast %broadcast_in_dim3A_73 : vector<16xi32> to vector<16xi32>
    tpu.vector_store %arg11[%swap3A_74], %swap3A_77 {strides = array<i32>} : memref<128xi32, #tpu.memory_space<vmem>>, vector<16xi32>,
    %broadcast_in_dim3A_78 = arith.constant 0 : i32
    %broadcast_in_dim3A_79 = vector.broadcast %broadcast_in_dim3A_78 : i32 to vector<16xi32>
    %swap3A_80 = arith.constant 96 : index
    %swap3A_81 = tpu.vector_load %arg10[%swap3A_80] {strides = array<i32>} : memref<128xi32, #tpu.memory_space<vmem>>, vector<16xi32>,
    %swap3A_82 = vector.shape_cast %swap3A_81 : vector<16xi32> to vector<16xi32>
    %swap3A_83 = vector.shape_cast %broadcast_in_dim3A_79 : vector<16xi32> to vector<16xi32>
    tpu.vector_store %arg10[%swap3A_80], %swap3A_83 {strides = array<i32>} : memref<128xi32, #tpu.memory_space<vmem>>, vector<16xi32>,
    %broadcast_in_dim3A_84 = arith.constant 0 : i32
    %broadcast_in_dim3A_85 = vector.broadcast %broadcast_in_dim3A_84 : i32 to vector<16xi32>
    %swap3A_86 = arith.constant 96 : index
    %swap3A_87 = tpu.vector_load %arg11[%swap3A_86] {strides = array<i32>} : memref<128xi32, #tpu.memory_space<vmem>>, vector<16xi32>,
    %swap3A_88 = vector.shape_cast %swap3A_87 : vector<16xi32> to vector<16xi32>
    %swap3A_89 = vector.shape_cast %broadcast_in_dim3A_85 : vector<16xi32> to vector<16xi32>
    tpu.vector_store %arg11[%swap3A_86], %swap3A_89 {strides = array<i32>} : memref<128xi32, #tpu.memory_space<vmem>>, vector<16xi32>,
    %broadcast_in_dim3A_90 = arith.constant 0 : i32
    %broadcast_in_dim3A_91 = vector.broadcast %broadcast_in_dim3A_90 : i32 to vector<16xi32>
    %swap3A_92 = arith.constant 112 : index
    %swap3A_93 = tpu.vector_load %arg10[%swap3A_92] {strides = array<i32>} : memref<128xi32, #tpu.memory_space<vmem>>, vector<16xi32>,
    %swap3A_94 = vector.shape_cast %swap3A_93 : vector<16xi32> to vector<16xi32>
    %swap3A_95 = vector.shape_cast %broadcast_in_dim3A_91 : vector<16xi32> to vector<16xi32>
    tpu.vector_store %arg10[%swap3A_92], %swap3A_95 {strides = array<i32>} : memref<128xi32, #tpu.memory_space<vmem>>, vector<16xi32>,
    %broadcast_in_dim3A_96 = arith.constant 0 : i32
    %broadcast_in_dim3A_97 = vector.broadcast %broadcast_in_dim3A_96 : i32 to vector<16xi32>
    %swap3A_98 = arith.constant 112 : index
    %swap3A_99 = tpu.vector_load %arg11[%swap3A_98] {strides = array<i32>} : memref<128xi32, #tpu.memory_space<vmem>>, vector<16xi32>,
    %swap3A_100 = vector.shape_cast %swap3A_99 : vector<16xi32> to vector<16xi32>
    %swap3A_101 = vector.shape_cast %broadcast_in_dim3A_97 : vector<16xi32> to vector<16xi32>
    tpu.vector_store %arg11[%swap3A_98], %swap3A_101 {strides = array<i32>} : memref<128xi32, #tpu.memory_space<vmem>>, vector<16xi32>,
    %scan3A = arith.constant 0 : i32
    %scan3A_102 = arith.constant 0 : i32
    %scan3A_103 = arith.constant 320 : i32
    %scan3A_104 = arith.addi %scan3A_102, %scan3A_103 : i32
    %scan3A_105 = arith.constant 1 : i32
    scf.for %scan3A_143 = %scan3A_102 to %scan3A_104 step %scan3A_105  : i32 {
      %broadcast_in_dim3A_144 = arith.constant 0.000000e+00 : f32
      %broadcast_in_dim3A_145 = vector.broadcast %broadcast_in_dim3A_144 : f32 to vector<16xf32>
      %mul3A_146 = arith.constant 16 : i32
      %mul3A_147 = arith.muli %scan3A_143, %mul3A_146 : i32
      %swap3A_148 = arith.index_cast %mul3A_147 : i32 to index
      %swap3A_149 = tpu.vector_load %arg14[%swap3A_148] {strides = array<i32>} : memref<5120xf32, #tpu.memory_space<vmem>>, vector<16xf32>,
      %swap3A_150 = vector.shape_cast %swap3A_149 : vector<16xf32> to vector<16xf32>
      %swap3A_151 = vector.shape_cast %broadcast_in_dim3A_145 : vector<16xf32> to vector<16xf32>
      tpu.vector_store %arg14[%swap3A_148], %swap3A_151 {strides = array<i32>} : memref<5120xf32, #tpu.memory_space<vmem>>, vector<16xf32>,
    }
    %scan3A_106 = arith.constant 320 : i32
    %scan3A_107 = arith.constant 0 : i32
    %scan3A_108 = arith.constant 0 : i32
    %scan3A_109 = arith.constant 0 : i32
    %scan3A_110 = arith.constant 160 : i32
    %scan3A_111 = arith.addi %scan3A_109, %scan3A_110 : i32
    %scan3A_112 = arith.constant 1 : i32
    %scan3A_113:2 = scf.for %scan3A_143 = %scan3A_109 to %scan3A_111 step %scan3A_112 iter_args(%scan3A_144 = %scan3A_107, %scan3A_145 = %scan3A_108) -> (i32, i32)  : i32 {
      %mul3A_146 = arith.constant 2000 : i32
      %mul3A_147 = arith.muli %scan3A_143, %mul3A_146 : i32
      "tpu.region"() ({
        %run_scoped3A = tpu.sem_alloc : memref<!tpu.dma_semaphore, #tpu.memory_space<semaphore_mem>>
        %dma_start3A = tpu.memref_slice %arg2[%mul3A_147] : memref<320000xi32, #tpu.memory_space<hbm>> -> memref<2000xi32, #tpu.memory_space<hbm>>
        %dma_start3A_156 = tpu.memref_slice %arg2[%mul3A_147] : memref<320000xi32, #tpu.memory_space<hbm>> -> memref<2000xi32, #tpu.memory_space<hbm>>
        tpu.enqueue_dma source(%dma_start3A_156 : memref<2000xi32, #tpu.memory_space<hbm>>) target(%arg8 : memref<2000xi32, #tpu.memory_space<vmem>>) target_semaphore(%run_scoped3A : memref<!tpu.dma_semaphore, #tpu.memory_space<semaphore_mem>>)
        %dma_wait3A = tpu.memref_slice %arg2[%mul3A_147] : memref<320000xi32, #tpu.memory_space<hbm>> -> memref<2000xi32, #tpu.memory_space<hbm>>
        %dma_wait3A_157 = tpu.memref_slice %arg2[%mul3A_147] : memref<320000xi32, #tpu.memory_space<hbm>> -> memref<2000xi32, #tpu.memory_space<hbm>>
        tpu.wait_dma2 semaphore(%run_scoped3A : memref<!tpu.dma_semaphore, #tpu.memory_space<semaphore_mem>>) src(%dma_wait3A_157 : memref<2000xi32, #tpu.memory_space<hbm>>) dst(%arg8 : memref<2000xi32, #tpu.memory_space<vmem>>)
        tpu.yield
      }) : () -> ()
      %mul3A_148 = arith.constant 2000 : i32
      %mul3A_149 = arith.muli %scan3A_143, %mul3A_148 : i32
      "tpu.region"() ({
        %run_scoped3A = tpu.sem_alloc : memref<!tpu.dma_semaphore, #tpu.memory_space<semaphore_mem>>
        %dma_start3A = tpu.memref_slice %arg3[%mul3A_149] : memref<320000xi32, #tpu.memory_space<hbm>> -> memref<2000xi32, #tpu.memory_space<hbm>>
        %dma_start3A_156 = tpu.memref_slice %arg3[%mul3A_149] : memref<320000xi32, #tpu.memory_space<hbm>> -> memref<2000xi32, #tpu.memory_space<hbm>>
        tpu.enqueue_dma source(%dma_start3A_156 : memref<2000xi32, #tpu.memory_space<hbm>>) target(%arg9 : memref<2000xi32, #tpu.memory_space<vmem>>) target_semaphore(%run_scoped3A : memref<!tpu.dma_semaphore, #tpu.memory_space<semaphore_mem>>)
        %dma_wait3A = tpu.memref_slice %arg3[%mul3A_149] : memref<320000xi32, #tpu.memory_space<hbm>> -> memref<2000xi32, #tpu.memory_space<hbm>>
        %dma_wait3A_157 = tpu.memref_slice %arg3[%mul3A_149] : memref<320000xi32, #tpu.memory_space<hbm>> -> memref<2000xi32, #tpu.memory_space<hbm>>
        tpu.wait_dma2 semaphore(%run_scoped3A : memref<!tpu.dma_semaphore, #tpu.memory_space<semaphore_mem>>) src(%dma_wait3A_157 : memref<2000xi32, #tpu.memory_space<hbm>>) dst(%arg9 : memref<2000xi32, #tpu.memory_space<vmem>>)
        tpu.yield
      }) : () -> ()
      %scan3A_150 = arith.constant 0 : i32
      %scan3A_151 = arith.constant 125 : i32
      %scan3A_152 = arith.addi %scan3A_150, %scan3A_151 : i32
      %scan3A_153 = arith.constant 1 : i32
      %scan3A_154:2 = scf.for %scan3A_156 = %scan3A_150 to %scan3A_152 step %scan3A_153 iter_args(%scan3A_157 = %scan3A_144, %scan3A_158 = %scan3A_145) -> (i32, i32)  : i32 {
        %mul3A_159 = arith.constant 16 : i32
        %mul3A_160 = arith.muli %scan3A_156, %mul3A_159 : i32
        %get3A = arith.index_cast %mul3A_160 : i32 to index
        %get3A_161 = tpu.vector_load %arg9[%get3A] {strides = array<i32>} : memref<2000xi32, #tpu.memory_space<vmem>>, vector<16xi32>,
        %get3A_162 = vector.shape_cast %get3A_161 : vector<16xi32> to vector<16xi32>
        %mul3A_163 = arith.constant 16 : i32
        %mul3A_164 = arith.muli %scan3A_156, %mul3A_163 : i32
        %get3A_165 = arith.index_cast %mul3A_164 : i32 to index
        %get3A_166 = tpu.vector_load %arg8[%get3A_165] {strides = array<i32>} : memref<2000xi32, #tpu.memory_space<vmem>>, vector<16xi32>,
        %get3A_167 = vector.shape_cast %get3A_166 : vector<16xi32> to vector<16xi32>
        %get3A_168 = arith.constant 0 : index
        %get3A_169 = tpu.vector_load %arg12[%get3A_168] {strides = array<i32>} : memref<16xi32, #tpu.memory_space<vmem>>, vector<16xi32>,
        %get3A_170 = vector.shape_cast %get3A_169 : vector<16xi32> to vector<16xi32>
        %sub3A = arith.subi %get3A_162, %get3A_170 : vector<16xi32>
        %broadcast_in_dim3A_171 = arith.constant 319 : i32
        %broadcast_in_dim3A_172 = vector.broadcast %broadcast_in_dim3A_171 : i32 to vector<16xi32>
        %sub3A_173 = arith.subi %broadcast_in_dim3A_172, %sub3A : vector<16xi32>
        %broadcast_in_dim3A_174 = arith.constant 1 : i32
        %broadcast_in_dim3A_175 = vector.broadcast %broadcast_in_dim3A_174 : i32 to vector<16xi32>
        %or3A = arith.ori %sub3A, %sub3A_173 : vector<16xi32>
        %broadcast_in_dim3A_176 = arith.constant 31 : i32
        %broadcast_in_dim3A_177 = vector.broadcast %broadcast_in_dim3A_176 : i32 to vector<16xi32>
        %shift_right_logical3A = arith.shrui %or3A, %broadcast_in_dim3A_177 : vector<16xi32>
        %sub3A_178 = arith.subi %broadcast_in_dim3A_175, %shift_right_logical3A : vector<16xi32>
        %iota3A = tpu.iota {dimensions = array<i32: 0>} : vector<16xi32>
        %broadcast_in_dim3A_179 = arith.constant 0 : i32
        %broadcast_in_dim3A_180 = vector.broadcast %broadcast_in_dim3A_179 : i32 to vector<16xi32>
        %broadcast_in_dim3A_181 = arith.constant 1 : i32
        %broadcast_in_dim3A_182 = vector.broadcast %broadcast_in_dim3A_181 : i32 to vector<16xi32>
        %broadcast_in_dim3A_183 = arith.constant 31 : i32
        %broadcast_in_dim3A_184 = vector.broadcast %broadcast_in_dim3A_183 : i32 to vector<16xi32>
        %broadcast_in_dim3A_185 = arith.constant 1 : i32
        %broadcast_in_dim3A_186 = vector.broadcast %broadcast_in_dim3A_185 : i32 to vector<16xi32>
        %sub3A_187 = arith.subi %iota3A, %broadcast_in_dim3A_186 : vector<16xi32>
        %max3A = arith.maxsi %sub3A_187, %broadcast_in_dim3A_180 : vector<16xi32>
        %shift_right_logical3A_188 = arith.shrui %sub3A_187, %broadcast_in_dim3A_184 : vector<16xi32>
        %sub3A_189 = arith.subi %broadcast_in_dim3A_182, %shift_right_logical3A_188 : vector<16xi32>
        %lt3A = arith.constant 0 : i32
        %lt3A_190 = vector.broadcast %lt3A : i32 to vector<16xi32>
        %lt3A_191 = arith.cmpi slt, %max3A, %lt3A_190 : vector<16xi32>
        %add3A_192 = arith.constant 16 : i32
        %add3A_193 = vector.broadcast %add3A_192 : i32 to vector<16xi32>
        %add3A_194 = arith.addi %max3A, %add3A_193 : vector<16xi32>
        %select_n3A = arith.select %lt3A_191, %add3A_194, %max3A : vector<16xi1>, vector<16xi32>
        %broadcast_in_dim3A_195 = vector.shape_cast %select_n3A : vector<16xi32> to vector<16x1xi32>
        %gather3A = vector.shape_cast %broadcast_in_dim3A_195 : vector<16x1xi32> to vector<16xi32>
        %gather3A_196 = tpu.dynamic_gather %sub3A_178[%gather3A] in [0] : vector<16xi32>, vector<16xi32> -> vector<16xi32>
        %mul3A_197 = arith.muli %gather3A_196, %sub3A_189 : vector<16xi32>
        %add3A_198 = arith.addi %sub3A_178, %mul3A_197 : vector<16xi32>
        %broadcast_in_dim3A_199 = arith.constant 2 : i32
        %broadcast_in_dim3A_200 = vector.broadcast %broadcast_in_dim3A_199 : i32 to vector<16xi32>
        %sub3A_201 = arith.subi %iota3A, %broadcast_in_dim3A_200 : vector<16xi32>
        %max3A_202 = arith.maxsi %sub3A_201, %broadcast_in_dim3A_180 : vector<16xi32>
        %shift_right_logical3A_203 = arith.shrui %sub3A_201, %broadcast_in_dim3A_184 : vector<16xi32>
        %sub3A_204 = arith.subi %broadcast_in_dim3A_182, %shift_right_logical3A_203 : vector<16xi32>
        %lt3A_205 = arith.constant 0 : i32
        %lt3A_206 = vector.broadcast %lt3A_205 : i32 to vector<16xi32>
        %lt3A_207 = arith.cmpi slt, %max3A_202, %lt3A_206 : vector<16xi32>
        %add3A_208 = arith.constant 16 : i32
        %add3A_209 = vector.broadcast %add3A_208 : i32 to vector<16xi32>
        %add3A_210 = arith.addi %max3A_202, %add3A_209 : vector<16xi32>
        %select_n3A_211 = arith.select %lt3A_207, %add3A_210, %max3A_202 : vector<16xi1>, vector<16xi32>
        %broadcast_in_dim3A_212 = vector.shape_cast %select_n3A_211 : vector<16xi32> to vector<16x1xi32>
        %gather3A_213 = vector.shape_cast %broadcast_in_dim3A_212 : vector<16x1xi32> to vector<16xi32>
        %gather3A_214 = tpu.dynamic_gather %add3A_198[%gather3A_213] in [0] : vector<16xi32>, vector<16xi32> -> vector<16xi32>
        %mul3A_215 = arith.muli %gather3A_214, %sub3A_204 : vector<16xi32>
        %add3A_216 = arith.addi %add3A_198, %mul3A_215 : vector<16xi32>
        %broadcast_in_dim3A_217 = arith.constant 4 : i32
        %broadcast_in_dim3A_218 = vector.broadcast %broadcast_in_dim3A_217 : i32 to vector<16xi32>
        %sub3A_219 = arith.subi %iota3A, %broadcast_in_dim3A_218 : vector<16xi32>
        %max3A_220 = arith.maxsi %sub3A_219, %broadcast_in_dim3A_180 : vector<16xi32>
        %shift_right_logical3A_221 = arith.shrui %sub3A_219, %broadcast_in_dim3A_184 : vector<16xi32>
        %sub3A_222 = arith.subi %broadcast_in_dim3A_182, %shift_right_logical3A_221 : vector<16xi32>
        %lt3A_223 = arith.constant 0 : i32
        %lt3A_224 = vector.broadcast %lt3A_223 : i32 to vector<16xi32>
        %lt3A_225 = arith.cmpi slt, %max3A_220, %lt3A_224 : vector<16xi32>
        %add3A_226 = arith.constant 16 : i32
        %add3A_227 = vector.broadcast %add3A_226 : i32 to vector<16xi32>
        %add3A_228 = arith.addi %max3A_220, %add3A_227 : vector<16xi32>
        %select_n3A_229 = arith.select %lt3A_225, %add3A_228, %max3A_220 : vector<16xi1>, vector<16xi32>
        %broadcast_in_dim3A_230 = vector.shape_cast %select_n3A_229 : vector<16xi32> to vector<16x1xi32>
        %gather3A_231 = vector.shape_cast %broadcast_in_dim3A_230 : vector<16x1xi32> to vector<16xi32>
        %gather3A_232 = tpu.dynamic_gather %add3A_216[%gather3A_231] in [0] : vector<16xi32>, vector<16xi32> -> vector<16xi32>
        %mul3A_233 = arith.muli %gather3A_232, %sub3A_222 : vector<16xi32>
        %add3A_234 = arith.addi %add3A_216, %mul3A_233 : vector<16xi32>
        %broadcast_in_dim3A_235 = arith.constant 8 : i32
        %broadcast_in_dim3A_236 = vector.broadcast %broadcast_in_dim3A_235 : i32 to vector<16xi32>
        %sub3A_237 = arith.subi %iota3A, %broadcast_in_dim3A_236 : vector<16xi32>
        %max3A_238 = arith.maxsi %sub3A_237, %broadcast_in_dim3A_180 : vector<16xi32>
        %shift_right_logical3A_239 = arith.shrui %sub3A_237, %broadcast_in_dim3A_184 : vector<16xi32>
        %sub3A_240 = arith.subi %broadcast_in_dim3A_182, %shift_right_logical3A_239 : vector<16xi32>
        %lt3A_241 = arith.constant 0 : i32
        %lt3A_242 = vector.broadcast %lt3A_241 : i32 to vector<16xi32>
        %lt3A_243 = arith.cmpi slt, %max3A_238, %lt3A_242 : vector<16xi32>
        %add3A_244 = arith.constant 16 : i32
        %add3A_245 = vector.broadcast %add3A_244 : i32 to vector<16xi32>
        %add3A_246 = arith.addi %max3A_238, %add3A_245 : vector<16xi32>
        %select_n3A_247 = arith.select %lt3A_243, %add3A_246, %max3A_238 : vector<16xi1>, vector<16xi32>
        %broadcast_in_dim3A_248 = vector.shape_cast %select_n3A_247 : vector<16xi32> to vector<16x1xi32>
        %gather3A_249 = vector.shape_cast %broadcast_in_dim3A_248 : vector<16x1xi32> to vector<16xi32>
        %gather3A_250 = tpu.dynamic_gather %add3A_234[%gather3A_249] in [0] : vector<16xi32>, vector<16xi32> -> vector<16xi32>
        %mul3A_251 = arith.muli %gather3A_250, %sub3A_240 : vector<16xi32>
        %add3A_252 = arith.addi %add3A_234, %mul3A_251 : vector<16xi32>
        %slice3A = vector.extract_strided_slice %add3A_252 {offsets = [15], sizes = [1], strides = [1]} : vector<16xi32> to vector<1xi32>
        %squeeze3A = vector.extract %slice3A[0] : i32 from vector<1xi32>
        %gt3A = arith.constant 0 : i32
        %gt3A_253 = arith.cmpi sgt, %squeeze3A, %gt3A : i32
        %convert_element_type3A = arith.extui %gt3A_253 : i1 to i32
        %cond3A = arith.constant 0 : i32
        %cond3A_254 = arith.cmpi ne, %convert_element_type3A, %cond3A : i32
        scf.if %cond3A_254 {
          %iota3A_261 = tpu.iota {dimensions = array<i32: 0>} : vector<16xi32>
          %broadcast_in_dim3A_262 = arith.constant 1 : i32
          %broadcast_in_dim3A_263 = vector.broadcast %broadcast_in_dim3A_262 : i32 to vector<16xi32>
          %min3A = arith.minsi %iota3A_261, %broadcast_in_dim3A_263 : vector<16xi32>
          %broadcast_in_dim3A_264 = arith.constant 1 : i32
          %broadcast_in_dim3A_265 = vector.broadcast %broadcast_in_dim3A_264 : i32 to vector<16xi32>
          %sub3A_266 = arith.subi %broadcast_in_dim3A_265, %min3A : vector<16xi32>
          %slice3A_267 = vector.extract_strided_slice %sub3A_178 {offsets = [0], sizes = [1], strides = [1]} : vector<16xi32> to vector<1xi32>
          %squeeze3A_268 = vector.extract %slice3A_267[0] : i32 from vector<1xi32>
          %slice3A_269 = vector.extract_strided_slice %add3A_252 {offsets = [0], sizes = [1], strides = [1]} : vector<16xi32> to vector<1xi32>
          %squeeze3A_270 = vector.extract %slice3A_269[0] : i32 from vector<1xi32>
          %add3A_271 = arith.addi %scan3A_157, %squeeze3A_270 : i32
          %sub3A_272 = arith.subi %add3A_271, %squeeze3A_268 : i32
          %eq3A = arith.constant 1 : i32
          %eq3A_273 = arith.cmpi eq, %squeeze3A_268, %eq3A : i32
          %convert_element_type3A_274 = arith.extui %eq3A_273 : i1 to i32
          %cond3A_275 = arith.constant 0 : i32
          %cond3A_276 = arith.cmpi ne, %convert_element_type3A_274, %cond3A_275 : i32
          scf.if %cond3A_276 {
            %broadcast_in_dim3A_442 = arith.constant 0 : i32
            %broadcast_in_dim3A_443 = vector.broadcast %broadcast_in_dim3A_442 : i32 to vector<16xi32>
            %lt3A_444 = arith.constant 0 : i32
            %lt3A_445 = vector.broadcast %lt3A_444 : i32 to vector<16xi32>
            %lt3A_446 = arith.cmpi slt, %broadcast_in_dim3A_443, %lt3A_445 : vector<16xi32>
            %add3A_447 = arith.constant 16 : i32
            %add3A_448 = vector.broadcast %add3A_447 : i32 to vector<16xi32>
            %add3A_449 = arith.addi %broadcast_in_dim3A_443, %add3A_448 : vector<16xi32>
            %select_n3A_450 = arith.select %lt3A_446, %add3A_449, %broadcast_in_dim3A_443 : vector<16xi1>, vector<16xi32>
            %broadcast_in_dim3A_451 = vector.shape_cast %select_n3A_450 : vector<16xi32> to vector<16x1xi32>
            %gather3A_452 = vector.shape_cast %broadcast_in_dim3A_451 : vector<16x1xi32> to vector<16xi32>
            %gather3A_453 = tpu.dynamic_gather %get3A_167[%gather3A_452] in [0] : vector<16xi32>, vector<16xi32> -> vector<16xi32>
            %lt3A_454 = arith.constant 0 : i32
            %lt3A_455 = vector.broadcast %lt3A_454 : i32 to vector<16xi32>
            %lt3A_456 = arith.cmpi slt, %broadcast_in_dim3A_443, %lt3A_455 : vector<16xi32>
            %add3A_457 = arith.constant 16 : i32
            %add3A_458 = vector.broadcast %add3A_457 : i32 to vector<16xi32>
            %add3A_459 = arith.addi %broadcast_in_dim3A_443, %add3A_458 : vector<16xi32>
            %select_n3A_460 = arith.select %lt3A_456, %add3A_459, %broadcast_in_dim3A_443 : vector<16xi1>, vector<16xi32>
            %broadcast_in_dim3A_461 = vector.shape_cast %select_n3A_460 : vector<16xi32> to vector<16x1xi32>
            %gather3A_462 = vector.shape_cast %broadcast_in_dim3A_461 : vector<16x1xi32> to vector<16xi32>
            %gather3A_463 = tpu.dynamic_gather %sub3A[%gather3A_462] in [0] : vector<16xi32>, vector<16xi32> -> vector<16xi32>
            %get3A_464 = arith.index_cast %sub3A_272 : i32 to index
            %get3A_465 = tpu.vector_load %arg10[%get3A_464] {strides = array<i32>} : memref<128xi32, #tpu.memory_space<vmem>>, vector<16xi32>,
            %get3A_466 = vector.shape_cast %get3A_465 : vector<16xi32> to vector<16xi32>
            %mul3A_467 = arith.muli %get3A_466, %min3A : vector<16xi32>
            %mul3A_468 = arith.muli %gather3A_453, %sub3A_266 : vector<16xi32>
            %add3A_469 = arith.addi %mul3A_467, %mul3A_468 : vector<16xi32>
            %swap3A_470 = arith.index_cast %sub3A_272 : i32 to index
            %swap3A_471 = tpu.vector_load %arg10[%swap3A_470] {strides = array<i32>} : memref<128xi32, #tpu.memory_space<vmem>>, vector<16xi32>,
            %swap3A_472 = vector.shape_cast %swap3A_471 : vector<16xi32> to vector<16xi32>
            %swap3A_473 = vector.shape_cast %add3A_469 : vector<16xi32> to vector<16xi32>
            tpu.vector_store %arg10[%swap3A_470], %swap3A_473 {strides = array<i32>} : memref<128xi32, #tpu.memory_space<vmem>>, vector<16xi32>,
            %get3A_474 = arith.index_cast %sub3A_272 : i32 to index
            %get3A_475 = tpu.vector_load %arg11[%get3A_474] {strides = array<i32>} : memref<128xi32, #tpu.memory_space<vmem>>, vector<16xi32>,
            %get3A_476 = vector.shape_cast %get3A_475 : vector<16xi32> to vector<16xi32>
            %mul3A_477 = arith.muli %get3A_476, %min3A : vector<16xi32>
            %mul3A_478 = arith.muli %gather3A_463, %sub3A_266 : vector<16xi32>
            %add3A_479 = arith.addi %mul3A_477, %mul3A_478 : vector<16xi32>
            %swap3A_480 = arith.index_cast %sub3A_272 : i32 to index
            %swap3A_481 = tpu.vector_load %arg11[%swap3A_480] {strides = array<i32>} : memref<128xi32, #tpu.memory_space<vmem>>, vector<16xi32>,
            %swap3A_482 = vector.shape_cast %swap3A_481 : vector<16xi32> to vector<16xi32>
            %swap3A_483 = vector.shape_cast %add3A_479 : vector<16xi32> to vector<16xi32>
            tpu.vector_store %arg11[%swap3A_480], %swap3A_483 {strides = array<i32>} : memref<128xi32, #tpu.memory_space<vmem>>, vector<16xi32>,
          } else {
          }
          %slice3A_277 = vector.extract_strided_slice %sub3A_178 {offsets = [1], sizes = [1], strides = [1]} : vector<16xi32> to vector<1xi32>
          %squeeze3A_278 = vector.extract %slice3A_277[0] : i32 from vector<1xi32>
          %slice3A_279 = vector.extract_strided_slice %add3A_252 {offsets = [1], sizes = [1], strides = [1]} : vector<16xi32> to vector<1xi32>
          %squeeze3A_280 = vector.extract %slice3A_279[0] : i32 from vector<1xi32>
          %add3A_281 = arith.addi %scan3A_157, %squeeze3A_280 : i32
          %sub3A_282 = arith.subi %add3A_281, %squeeze3A_278 : i32
          %eq3A_283 = arith.constant 1 : i32
          %eq3A_284 = arith.cmpi eq, %squeeze3A_278, %eq3A_283 : i32
          %convert_element_type3A_285 = arith.extui %eq3A_284 : i1 to i32
          %cond3A_286 = arith.constant 0 : i32
          %cond3A_287 = arith.cmpi ne, %convert_element_type3A_285, %cond3A_286 : i32
          scf.if %cond3A_287 {
            %broadcast_in_dim3A_442 = arith.constant 1 : i32
            %broadcast_in_dim3A_443 = vector.broadcast %broadcast_in_dim3A_442 : i32 to vector<16xi32>
            %lt3A_444 = arith.constant 0 : i32
            %lt3A_445 = vector.broadcast %lt3A_444 : i32 to vector<16xi32>
            %lt3A_446 = arith.cmpi slt, %broadcast_in_dim3A_443, %lt3A_445 : vector<16xi32>
            %add3A_447 = arith.constant 16 : i32
            %add3A_448 = vector.broadcast %add3A_447 : i32 to vector<16xi32>
            %add3A_449 = arith.addi %broadcast_in_dim3A_443, %add3A_448 : vector<16xi32>
            %select_n3A_450 = arith.select %lt3A_446, %add3A_449, %broadcast_in_dim3A_443 : vector<16xi1>, vector<16xi32>
            %broadcast_in_dim3A_451 = vector.shape_cast %select_n3A_450 : vector<16xi32> to vector<16x1xi32>
            %gather3A_452 = vector.shape_cast %broadcast_in_dim3A_451 : vector<16x1xi32> to vector<16xi32>
            %gather3A_453 = tpu.dynamic_gather %get3A_167[%gather3A_452] in [0] : vector<16xi32>, vector<16xi32> -> vector<16xi32>
            %lt3A_454 = arith.constant 0 : i32
            %lt3A_455 = vector.broadcast %lt3A_454 : i32 to vector<16xi32>
            %lt3A_456 = arith.cmpi slt, %broadcast_in_dim3A_443, %lt3A_455 : vector<16xi32>
            %add3A_457 = arith.constant 16 : i32
            %add3A_458 = vector.broadcast %add3A_457 : i32 to vector<16xi32>
            %add3A_459 = arith.addi %broadcast_in_dim3A_443, %add3A_458 : vector<16xi32>
            %select_n3A_460 = arith.select %lt3A_456, %add3A_459, %broadcast_in_dim3A_443 : vector<16xi1>, vector<16xi32>
            %broadcast_in_dim3A_461 = vector.shape_cast %select_n3A_460 : vector<16xi32> to vector<16x1xi32>
            %gather3A_462 = vector.shape_cast %broadcast_in_dim3A_461 : vector<16x1xi32> to vector<16xi32>
            %gather3A_463 = tpu.dynamic_gather %sub3A[%gather3A_462] in [0] : vector<16xi32>, vector<16xi32> -> vector<16xi32>
            %get3A_464 = arith.index_cast %sub3A_282 : i32 to index
            %get3A_465 = tpu.vector_load %arg10[%get3A_464] {strides = array<i32>} : memref<128xi32, #tpu.memory_space<vmem>>, vector<16xi32>,
            %get3A_466 = vector.shape_cast %get3A_465 : vector<16xi32> to vector<16xi32>
            %mul3A_467 = arith.muli %get3A_466, %min3A : vector<16xi32>
            %mul3A_468 = arith.muli %gather3A_453, %sub3A_266 : vector<16xi32>
            %add3A_469 = arith.addi %mul3A_467, %mul3A_468 : vector<16xi32>
            %swap3A_470 = arith.index_cast %sub3A_282 : i32 to index
            %swap3A_471 = tpu.vector_load %arg10[%swap3A_470] {strides = array<i32>} : memref<128xi32, #tpu.memory_space<vmem>>, vector<16xi32>,
            %swap3A_472 = vector.shape_cast %swap3A_471 : vector<16xi32> to vector<16xi32>
            %swap3A_473 = vector.shape_cast %add3A_469 : vector<16xi32> to vector<16xi32>
            tpu.vector_store %arg10[%swap3A_470], %swap3A_473 {strides = array<i32>} : memref<128xi32, #tpu.memory_space<vmem>>, vector<16xi32>,
            %get3A_474 = arith.index_cast %sub3A_282 : i32 to index
            %get3A_475 = tpu.vector_load %arg11[%get3A_474] {strides = array<i32>} : memref<128xi32, #tpu.memory_space<vmem>>, vector<16xi32>,
            %get3A_476 = vector.shape_cast %get3A_475 : vector<16xi32> to vector<16xi32>
            %mul3A_477 = arith.muli %get3A_476, %min3A : vector<16xi32>
            %mul3A_478 = arith.muli %gather3A_463, %sub3A_266 : vector<16xi32>
            %add3A_479 = arith.addi %mul3A_477, %mul3A_478 : vector<16xi32>
            %swap3A_480 = arith.index_cast %sub3A_282 : i32 to index
            %swap3A_481 = tpu.vector_load %arg11[%swap3A_480] {strides = array<i32>} : memref<128xi32, #tpu.memory_space<vmem>>, vector<16xi32>,
            %swap3A_482 = vector.shape_cast %swap3A_481 : vector<16xi32> to vector<16xi32>
            %swap3A_483 = vector.shape_cast %add3A_479 : vector<16xi32> to vector<16xi32>
            tpu.vector_store %arg11[%swap3A_480], %swap3A_483 {strides = array<i32>} : memref<128xi32, #tpu.memory_space<vmem>>, vector<16xi32>,
          } else {
          }
          %slice3A_288 = vector.extract_strided_slice %sub3A_178 {offsets = [2], sizes = [1], strides = [1]} : vector<16xi32> to vector<1xi32>
          %squeeze3A_289 = vector.extract %slice3A_288[0] : i32 from vector<1xi32>
          %slice3A_290 = vector.extract_strided_slice %add3A_252 {offsets = [2], sizes = [1], strides = [1]} : vector<16xi32> to vector<1xi32>
          %squeeze3A_291 = vector.extract %slice3A_290[0] : i32 from vector<1xi32>
          %add3A_292 = arith.addi %scan3A_157, %squeeze3A_291 : i32
          %sub3A_293 = arith.subi %add3A_292, %squeeze3A_289 : i32
          %eq3A_294 = arith.constant 1 : i32
          %eq3A_295 = arith.cmpi eq, %squeeze3A_289, %eq3A_294 : i32
          %convert_element_type3A_296 = arith.extui %eq3A_295 : i1 to i32
          %cond3A_297 = arith.constant 0 : i32
          %cond3A_298 = arith.cmpi ne, %convert_element_type3A_296, %cond3A_297 : i32
          scf.if %cond3A_298 {
            %broadcast_in_dim3A_442 = arith.constant 2 : i32
            %broadcast_in_dim3A_443 = vector.broadcast %broadcast_in_dim3A_442 : i32 to vector<16xi32>
            %lt3A_444 = arith.constant 0 : i32
            %lt3A_445 = vector.broadcast %lt3A_444 : i32 to vector<16xi32>
            %lt3A_446 = arith.cmpi slt, %broadcast_in_dim3A_443, %lt3A_445 : vector<16xi32>
            %add3A_447 = arith.constant 16 : i32
            %add3A_448 = vector.broadcast %add3A_447 : i32 to vector<16xi32>
            %add3A_449 = arith.addi %broadcast_in_dim3A_443, %add3A_448 : vector<16xi32>
            %select_n3A_450 = arith.select %lt3A_446, %add3A_449, %broadcast_in_dim3A_443 : vector<16xi1>, vector<16xi32>
            %broadcast_in_dim3A_451 = vector.shape_cast %select_n3A_450 : vector<16xi32> to vector<16x1xi32>
            %gather3A_452 = vector.shape_cast %broadcast_in_dim3A_451 : vector<16x1xi32> to vector<16xi32>
            %gather3A_453 = tpu.dynamic_gather %get3A_167[%gather3A_452] in [0] : vector<16xi32>, vector<16xi32> -> vector<16xi32>
            %lt3A_454 = arith.constant 0 : i32
            %lt3A_455 = vector.broadcast %lt3A_454 : i32 to vector<16xi32>
            %lt3A_456 = arith.cmpi slt, %broadcast_in_dim3A_443, %lt3A_455 : vector<16xi32>
            %add3A_457 = arith.constant 16 : i32
            %add3A_458 = vector.broadcast %add3A_457 : i32 to vector<16xi32>
            %add3A_459 = arith.addi %broadcast_in_dim3A_443, %add3A_458 : vector<16xi32>
            %select_n3A_460 = arith.select %lt3A_456, %add3A_459, %broadcast_in_dim3A_443 : vector<16xi1>, vector<16xi32>
            %broadcast_in_dim3A_461 = vector.shape_cast %select_n3A_460 : vector<16xi32> to vector<16x1xi32>
            %gather3A_462 = vector.shape_cast %broadcast_in_dim3A_461 : vector<16x1xi32> to vector<16xi32>
            %gather3A_463 = tpu.dynamic_gather %sub3A[%gather3A_462] in [0] : vector<16xi32>, vector<16xi32> -> vector<16xi32>
            %get3A_464 = arith.index_cast %sub3A_293 : i32 to index
            %get3A_465 = tpu.vector_load %arg10[%get3A_464] {strides = array<i32>} : memref<128xi32, #tpu.memory_space<vmem>>, vector<16xi32>,
            %get3A_466 = vector.shape_cast %get3A_465 : vector<16xi32> to vector<16xi32>
            %mul3A_467 = arith.muli %get3A_466, %min3A : vector<16xi32>
            %mul3A_468 = arith.muli %gather3A_453, %sub3A_266 : vector<16xi32>
            %add3A_469 = arith.addi %mul3A_467, %mul3A_468 : vector<16xi32>
            %swap3A_470 = arith.index_cast %sub3A_293 : i32 to index
            %swap3A_471 = tpu.vector_load %arg10[%swap3A_470] {strides = array<i32>} : memref<128xi32, #tpu.memory_space<vmem>>, vector<16xi32>,
            %swap3A_472 = vector.shape_cast %swap3A_471 : vector<16xi32> to vector<16xi32>
            %swap3A_473 = vector.shape_cast %add3A_469 : vector<16xi32> to vector<16xi32>
            tpu.vector_store %arg10[%swap3A_470], %swap3A_473 {strides = array<i32>} : memref<128xi32, #tpu.memory_space<vmem>>, vector<16xi32>,
            %get3A_474 = arith.index_cast %sub3A_293 : i32 to index
            %get3A_475 = tpu.vector_load %arg11[%get3A_474] {strides = array<i32>} : memref<128xi32, #tpu.memory_space<vmem>>, vector<16xi32>,
            %get3A_476 = vector.shape_cast %get3A_475 : vector<16xi32> to vector<16xi32>
            %mul3A_477 = arith.muli %get3A_476, %min3A : vector<16xi32>
            %mul3A_478 = arith.muli %gather3A_463, %sub3A_266 : vector<16xi32>
            %add3A_479 = arith.addi %mul3A_477, %mul3A_478 : vector<16xi32>
            %swap3A_480 = arith.index_cast %sub3A_293 : i32 to index
            %swap3A_481 = tpu.vector_load %arg11[%swap3A_480] {strides = array<i32>} : memref<128xi32, #tpu.memory_space<vmem>>, vector<16xi32>,
            %swap3A_482 = vector.shape_cast %swap3A_481 : vector<16xi32> to vector<16xi32>
            %swap3A_483 = vector.shape_cast %add3A_479 : vector<16xi32> to vector<16xi32>
            tpu.vector_store %arg11[%swap3A_480], %swap3A_483 {strides = array<i32>} : memref<128xi32, #tpu.memory_space<vmem>>, vector<16xi32>,
          } else {
          }
          %slice3A_299 = vector.extract_strided_slice %sub3A_178 {offsets = [3], sizes = [1], strides = [1]} : vector<16xi32> to vector<1xi32>
          %squeeze3A_300 = vector.extract %slice3A_299[0] : i32 from vector<1xi32>
          %slice3A_301 = vector.extract_strided_slice %add3A_252 {offsets = [3], sizes = [1], strides = [1]} : vector<16xi32> to vector<1xi32>
          %squeeze3A_302 = vector.extract %slice3A_301[0] : i32 from vector<1xi32>
          %add3A_303 = arith.addi %scan3A_157, %squeeze3A_302 : i32
          %sub3A_304 = arith.subi %add3A_303, %squeeze3A_300 : i32
          %eq3A_305 = arith.constant 1 : i32
          %eq3A_306 = arith.cmpi eq, %squeeze3A_300, %eq3A_305 : i32
          %convert_element_type3A_307 = arith.extui %eq3A_306 : i1 to i32
          %cond3A_308 = arith.constant 0 : i32
          %cond3A_309 = arith.cmpi ne, %convert_element_type3A_307, %cond3A_308 : i32
          scf.if %cond3A_309 {
            %broadcast_in_dim3A_442 = arith.constant 3 : i32
            %broadcast_in_dim3A_443 = vector.broadcast %broadcast_in_dim3A_442 : i32 to vector<16xi32>
            %lt3A_444 = arith.constant 0 : i32
            %lt3A_445 = vector.broadcast %lt3A_444 : i32 to vector<16xi32>
            %lt3A_446 = arith.cmpi slt, %broadcast_in_dim3A_443, %lt3A_445 : vector<16xi32>
            %add3A_447 = arith.constant 16 : i32
            %add3A_448 = vector.broadcast %add3A_447 : i32 to vector<16xi32>
            %add3A_449 = arith.addi %broadcast_in_dim3A_443, %add3A_448 : vector<16xi32>
            %select_n3A_450 = arith.select %lt3A_446, %add3A_449, %broadcast_in_dim3A_443 : vector<16xi1>, vector<16xi32>
            %broadcast_in_dim3A_451 = vector.shape_cast %select_n3A_450 : vector<16xi32> to vector<16x1xi32>
            %gather3A_452 = vector.shape_cast %broadcast_in_dim3A_451 : vector<16x1xi32> to vector<16xi32>
            %gather3A_453 = tpu.dynamic_gather %get3A_167[%gather3A_452] in [0] : vector<16xi32>, vector<16xi32> -> vector<16xi32>
            %lt3A_454 = arith.constant 0 : i32
            %lt3A_455 = vector.broadcast %lt3A_454 : i32 to vector<16xi32>
            %lt3A_456 = arith.cmpi slt, %broadcast_in_dim3A_443, %lt3A_455 : vector<16xi32>
            %add3A_457 = arith.constant 16 : i32
            %add3A_458 = vector.broadcast %add3A_457 : i32 to vector<16xi32>
            %add3A_459 = arith.addi %broadcast_in_dim3A_443, %add3A_458 : vector<16xi32>
            %select_n3A_460 = arith.select %lt3A_456, %add3A_459, %broadcast_in_dim3A_443 : vector<16xi1>, vector<16xi32>
            %broadcast_in_dim3A_461 = vector.shape_cast %select_n3A_460 : vector<16xi32> to vector<16x1xi32>
            %gather3A_462 = vector.shape_cast %broadcast_in_dim3A_461 : vector<16x1xi32> to vector<16xi32>
            %gather3A_463 = tpu.dynamic_gather %sub3A[%gather3A_462] in [0] : vector<16xi32>, vector<16xi32> -> vector<16xi32>
            %get3A_464 = arith.index_cast %sub3A_304 : i32 to index
            %get3A_465 = tpu.vector_load %arg10[%get3A_464] {strides = array<i32>} : memref<128xi32, #tpu.memory_space<vmem>>, vector<16xi32>,
            %get3A_466 = vector.shape_cast %get3A_465 : vector<16xi32> to vector<16xi32>
            %mul3A_467 = arith.muli %get3A_466, %min3A : vector<16xi32>
            %mul3A_468 = arith.muli %gather3A_453, %sub3A_266 : vector<16xi32>
            %add3A_469 = arith.addi %mul3A_467, %mul3A_468 : vector<16xi32>
            %swap3A_470 = arith.index_cast %sub3A_304 : i32 to index
            %swap3A_471 = tpu.vector_load %arg10[%swap3A_470] {strides = array<i32>} : memref<128xi32, #tpu.memory_space<vmem>>, vector<16xi32>,
            %swap3A_472 = vector.shape_cast %swap3A_471 : vector<16xi32> to vector<16xi32>
            %swap3A_473 = vector.shape_cast %add3A_469 : vector<16xi32> to vector<16xi32>
            tpu.vector_store %arg10[%swap3A_470], %swap3A_473 {strides = array<i32>} : memref<128xi32, #tpu.memory_space<vmem>>, vector<16xi32>,
            %get3A_474 = arith.index_cast %sub3A_304 : i32 to index
            %get3A_475 = tpu.vector_load %arg11[%get3A_474] {strides = array<i32>} : memref<128xi32, #tpu.memory_space<vmem>>, vector<16xi32>,
            %get3A_476 = vector.shape_cast %get3A_475 : vector<16xi32> to vector<16xi32>
            %mul3A_477 = arith.muli %get3A_476, %min3A : vector<16xi32>
            %mul3A_478 = arith.muli %gather3A_463, %sub3A_266 : vector<16xi32>
            %add3A_479 = arith.addi %mul3A_477, %mul3A_478 : vector<16xi32>
            %swap3A_480 = arith.index_cast %sub3A_304 : i32 to index
            %swap3A_481 = tpu.vector_load %arg11[%swap3A_480] {strides = array<i32>} : memref<128xi32, #tpu.memory_space<vmem>>, vector<16xi32>,
            %swap3A_482 = vector.shape_cast %swap3A_481 : vector<16xi32> to vector<16xi32>
            %swap3A_483 = vector.shape_cast %add3A_479 : vector<16xi32> to vector<16xi32>
            tpu.vector_store %arg11[%swap3A_480], %swap3A_483 {strides = array<i32>} : memref<128xi32, #tpu.memory_space<vmem>>, vector<16xi32>,
          } else {
          }
          %slice3A_310 = vector.extract_strided_slice %sub3A_178 {offsets = [4], sizes = [1], strides = [1]} : vector<16xi32> to vector<1xi32>
          %squeeze3A_311 = vector.extract %slice3A_310[0] : i32 from vector<1xi32>
          %slice3A_312 = vector.extract_strided_slice %add3A_252 {offsets = [4], sizes = [1], strides = [1]} : vector<16xi32> to vector<1xi32>
          %squeeze3A_313 = vector.extract %slice3A_312[0] : i32 from vector<1xi32>
          %add3A_314 = arith.addi %scan3A_157, %squeeze3A_313 : i32
          %sub3A_315 = arith.subi %add3A_314, %squeeze3A_311 : i32
          %eq3A_316 = arith.constant 1 : i32
          %eq3A_317 = arith.cmpi eq, %squeeze3A_311, %eq3A_316 : i32
          %convert_element_type3A_318 = arith.extui %eq3A_317 : i1 to i32
          %cond3A_319 = arith.constant 0 : i32
          %cond3A_320 = arith.cmpi ne, %convert_element_type3A_318, %cond3A_319 : i32
          scf.if %cond3A_320 {
            %broadcast_in_dim3A_442 = arith.constant 4 : i32
            %broadcast_in_dim3A_443 = vector.broadcast %broadcast_in_dim3A_442 : i32 to vector<16xi32>
            %lt3A_444 = arith.constant 0 : i32
            %lt3A_445 = vector.broadcast %lt3A_444 : i32 to vector<16xi32>
            %lt3A_446 = arith.cmpi slt, %broadcast_in_dim3A_443, %lt3A_445 : vector<16xi32>
            %add3A_447 = arith.constant 16 : i32
            %add3A_448 = vector.broadcast %add3A_447 : i32 to vector<16xi32>
            %add3A_449 = arith.addi %broadcast_in_dim3A_443, %add3A_448 : vector<16xi32>
            %select_n3A_450 = arith.select %lt3A_446, %add3A_449, %broadcast_in_dim3A_443 : vector<16xi1>, vector<16xi32>
            %broadcast_in_dim3A_451 = vector.shape_cast %select_n3A_450 : vector<16xi32> to vector<16x1xi32>
            %gather3A_452 = vector.shape_cast %broadcast_in_dim3A_451 : vector<16x1xi32> to vector<16xi32>
            %gather3A_453 = tpu.dynamic_gather %get3A_167[%gather3A_452] in [0] : vector<16xi32>, vector<16xi32> -> vector<16xi32>
            %lt3A_454 = arith.constant 0 : i32
            %lt3A_455 = vector.broadcast %lt3A_454 : i32 to vector<16xi32>
            %lt3A_456 = arith.cmpi slt, %broadcast_in_dim3A_443, %lt3A_455 : vector<16xi32>
            %add3A_457 = arith.constant 16 : i32
            %add3A_458 = vector.broadcast %add3A_457 : i32 to vector<16xi32>
            %add3A_459 = arith.addi %broadcast_in_dim3A_443, %add3A_458 : vector<16xi32>
            %select_n3A_460 = arith.select %lt3A_456, %add3A_459, %broadcast_in_dim3A_443 : vector<16xi1>, vector<16xi32>
            %broadcast_in_dim3A_461 = vector.shape_cast %select_n3A_460 : vector<16xi32> to vector<16x1xi32>
            %gather3A_462 = vector.shape_cast %broadcast_in_dim3A_461 : vector<16x1xi32> to vector<16xi32>
            %gather3A_463 = tpu.dynamic_gather %sub3A[%gather3A_462] in [0] : vector<16xi32>, vector<16xi32> -> vector<16xi32>
            %get3A_464 = arith.index_cast %sub3A_315 : i32 to index
            %get3A_465 = tpu.vector_load %arg10[%get3A_464] {strides = array<i32>} : memref<128xi32, #tpu.memory_space<vmem>>, vector<16xi32>,
            %get3A_466 = vector.shape_cast %get3A_465 : vector<16xi32> to vector<16xi32>
            %mul3A_467 = arith.muli %get3A_466, %min3A : vector<16xi32>
            %mul3A_468 = arith.muli %gather3A_453, %sub3A_266 : vector<16xi32>
            %add3A_469 = arith.addi %mul3A_467, %mul3A_468 : vector<16xi32>
            %swap3A_470 = arith.index_cast %sub3A_315 : i32 to index
            %swap3A_471 = tpu.vector_load %arg10[%swap3A_470] {strides = array<i32>} : memref<128xi32, #tpu.memory_space<vmem>>, vector<16xi32>,
            %swap3A_472 = vector.shape_cast %swap3A_471 : vector<16xi32> to vector<16xi32>
            %swap3A_473 = vector.shape_cast %add3A_469 : vector<16xi32> to vector<16xi32>
            tpu.vector_store %arg10[%swap3A_470], %swap3A_473 {strides = array<i32>} : memref<128xi32, #tpu.memory_space<vmem>>, vector<16xi32>,
            %get3A_474 = arith.index_cast %sub3A_315 : i32 to index
            %get3A_475 = tpu.vector_load %arg11[%get3A_474] {strides = array<i32>} : memref<128xi32, #tpu.memory_space<vmem>>, vector<16xi32>,
            %get3A_476 = vector.shape_cast %get3A_475 : vector<16xi32> to vector<16xi32>
            %mul3A_477 = arith.muli %get3A_476, %min3A : vector<16xi32>
            %mul3A_478 = arith.muli %gather3A_463, %sub3A_266 : vector<16xi32>
            %add3A_479 = arith.addi %mul3A_477, %mul3A_478 : vector<16xi32>
            %swap3A_480 = arith.index_cast %sub3A_315 : i32 to index
            %swap3A_481 = tpu.vector_load %arg11[%swap3A_480] {strides = array<i32>} : memref<128xi32, #tpu.memory_space<vmem>>, vector<16xi32>,
            %swap3A_482 = vector.shape_cast %swap3A_481 : vector<16xi32> to vector<16xi32>
            %swap3A_483 = vector.shape_cast %add3A_479 : vector<16xi32> to vector<16xi32>
            tpu.vector_store %arg11[%swap3A_480], %swap3A_483 {strides = array<i32>} : memref<128xi32, #tpu.memory_space<vmem>>, vector<16xi32>,
          } else {
          }
          %slice3A_321 = vector.extract_strided_slice %sub3A_178 {offsets = [5], sizes = [1], strides = [1]} : vector<16xi32> to vector<1xi32>
          %squeeze3A_322 = vector.extract %slice3A_321[0] : i32 from vector<1xi32>
          %slice3A_323 = vector.extract_strided_slice %add3A_252 {offsets = [5], sizes = [1], strides = [1]} : vector<16xi32> to vector<1xi32>
          %squeeze3A_324 = vector.extract %slice3A_323[0] : i32 from vector<1xi32>
          %add3A_325 = arith.addi %scan3A_157, %squeeze3A_324 : i32
          %sub3A_326 = arith.subi %add3A_325, %squeeze3A_322 : i32
          %eq3A_327 = arith.constant 1 : i32
          %eq3A_328 = arith.cmpi eq, %squeeze3A_322, %eq3A_327 : i32
          %convert_element_type3A_329 = arith.extui %eq3A_328 : i1 to i32
          %cond3A_330 = arith.constant 0 : i32
          %cond3A_331 = arith.cmpi ne, %convert_element_type3A_329, %cond3A_330 : i32
          scf.if %cond3A_331 {
            %broadcast_in_dim3A_442 = arith.constant 5 : i32
            %broadcast_in_dim3A_443 = vector.broadcast %broadcast_in_dim3A_442 : i32 to vector<16xi32>
            %lt3A_444 = arith.constant 0 : i32
            %lt3A_445 = vector.broadcast %lt3A_444 : i32 to vector<16xi32>
            %lt3A_446 = arith.cmpi slt, %broadcast_in_dim3A_443, %lt3A_445 : vector<16xi32>
            %add3A_447 = arith.constant 16 : i32
            %add3A_448 = vector.broadcast %add3A_447 : i32 to vector<16xi32>
            %add3A_449 = arith.addi %broadcast_in_dim3A_443, %add3A_448 : vector<16xi32>
            %select_n3A_450 = arith.select %lt3A_446, %add3A_449, %broadcast_in_dim3A_443 : vector<16xi1>, vector<16xi32>
            %broadcast_in_dim3A_451 = vector.shape_cast %select_n3A_450 : vector<16xi32> to vector<16x1xi32>
            %gather3A_452 = vector.shape_cast %broadcast_in_dim3A_451 : vector<16x1xi32> to vector<16xi32>
            %gather3A_453 = tpu.dynamic_gather %get3A_167[%gather3A_452] in [0] : vector<16xi32>, vector<16xi32> -> vector<16xi32>
            %lt3A_454 = arith.constant 0 : i32
            %lt3A_455 = vector.broadcast %lt3A_454 : i32 to vector<16xi32>
            %lt3A_456 = arith.cmpi slt, %broadcast_in_dim3A_443, %lt3A_455 : vector<16xi32>
            %add3A_457 = arith.constant 16 : i32
            %add3A_458 = vector.broadcast %add3A_457 : i32 to vector<16xi32>
            %add3A_459 = arith.addi %broadcast_in_dim3A_443, %add3A_458 : vector<16xi32>
            %select_n3A_460 = arith.select %lt3A_456, %add3A_459, %broadcast_in_dim3A_443 : vector<16xi1>, vector<16xi32>
            %broadcast_in_dim3A_461 = vector.shape_cast %select_n3A_460 : vector<16xi32> to vector<16x1xi32>
            %gather3A_462 = vector.shape_cast %broadcast_in_dim3A_461 : vector<16x1xi32> to vector<16xi32>
            %gather3A_463 = tpu.dynamic_gather %sub3A[%gather3A_462] in [0] : vector<16xi32>, vector<16xi32> -> vector<16xi32>
            %get3A_464 = arith.index_cast %sub3A_326 : i32 to index
            %get3A_465 = tpu.vector_load %arg10[%get3A_464] {strides = array<i32>} : memref<128xi32, #tpu.memory_space<vmem>>, vector<16xi32>,
            %get3A_466 = vector.shape_cast %get3A_465 : vector<16xi32> to vector<16xi32>
            %mul3A_467 = arith.muli %get3A_466, %min3A : vector<16xi32>
            %mul3A_468 = arith.muli %gather3A_453, %sub3A_266 : vector<16xi32>
            %add3A_469 = arith.addi %mul3A_467, %mul3A_468 : vector<16xi32>
            %swap3A_470 = arith.index_cast %sub3A_326 : i32 to index
            %swap3A_471 = tpu.vector_load %arg10[%swap3A_470] {strides = array<i32>} : memref<128xi32, #tpu.memory_space<vmem>>, vector<16xi32>,
            %swap3A_472 = vector.shape_cast %swap3A_471 : vector<16xi32> to vector<16xi32>
            %swap3A_473 = vector.shape_cast %add3A_469 : vector<16xi32> to vector<16xi32>
            tpu.vector_store %arg10[%swap3A_470], %swap3A_473 {strides = array<i32>} : memref<128xi32, #tpu.memory_space<vmem>>, vector<16xi32>,
            %get3A_474 = arith.index_cast %sub3A_326 : i32 to index
            %get3A_475 = tpu.vector_load %arg11[%get3A_474] {strides = array<i32>} : memref<128xi32, #tpu.memory_space<vmem>>, vector<16xi32>,
            %get3A_476 = vector.shape_cast %get3A_475 : vector<16xi32> to vector<16xi32>
            %mul3A_477 = arith.muli %get3A_476, %min3A : vector<16xi32>
            %mul3A_478 = arith.muli %gather3A_463, %sub3A_266 : vector<16xi32>
            %add3A_479 = arith.addi %mul3A_477, %mul3A_478 : vector<16xi32>
            %swap3A_480 = arith.index_cast %sub3A_326 : i32 to index
            %swap3A_481 = tpu.vector_load %arg11[%swap3A_480] {strides = array<i32>} : memref<128xi32, #tpu.memory_space<vmem>>, vector<16xi32>,
            %swap3A_482 = vector.shape_cast %swap3A_481 : vector<16xi32> to vector<16xi32>
            %swap3A_483 = vector.shape_cast %add3A_479 : vector<16xi32> to vector<16xi32>
            tpu.vector_store %arg11[%swap3A_480], %swap3A_483 {strides = array<i32>} : memref<128xi32, #tpu.memory_space<vmem>>, vector<16xi32>,
          } else {
          }
          %slice3A_332 = vector.extract_strided_slice %sub3A_178 {offsets = [6], sizes = [1], strides = [1]} : vector<16xi32> to vector<1xi32>
          %squeeze3A_333 = vector.extract %slice3A_332[0] : i32 from vector<1xi32>
          %slice3A_334 = vector.extract_strided_slice %add3A_252 {offsets = [6], sizes = [1], strides = [1]} : vector<16xi32> to vector<1xi32>
          %squeeze3A_335 = vector.extract %slice3A_334[0] : i32 from vector<1xi32>
          %add3A_336 = arith.addi %scan3A_157, %squeeze3A_335 : i32
          %sub3A_337 = arith.subi %add3A_336, %squeeze3A_333 : i32
          %eq3A_338 = arith.constant 1 : i32
          %eq3A_339 = arith.cmpi eq, %squeeze3A_333, %eq3A_338 : i32
          %convert_element_type3A_340 = arith.extui %eq3A_339 : i1 to i32
          %cond3A_341 = arith.constant 0 : i32
          %cond3A_342 = arith.cmpi ne, %convert_element_type3A_340, %cond3A_341 : i32
          scf.if %cond3A_342 {
            %broadcast_in_dim3A_442 = arith.constant 6 : i32
            %broadcast_in_dim3A_443 = vector.broadcast %broadcast_in_dim3A_442 : i32 to vector<16xi32>
            %lt3A_444 = arith.constant 0 : i32
            %lt3A_445 = vector.broadcast %lt3A_444 : i32 to vector<16xi32>
            %lt3A_446 = arith.cmpi slt, %broadcast_in_dim3A_443, %lt3A_445 : vector<16xi32>
            %add3A_447 = arith.constant 16 : i32
            %add3A_448 = vector.broadcast %add3A_447 : i32 to vector<16xi32>
            %add3A_449 = arith.addi %broadcast_in_dim3A_443, %add3A_448 : vector<16xi32>
            %select_n3A_450 = arith.select %lt3A_446, %add3A_449, %broadcast_in_dim3A_443 : vector<16xi1>, vector<16xi32>
            %broadcast_in_dim3A_451 = vector.shape_cast %select_n3A_450 : vector<16xi32> to vector<16x1xi32>
            %gather3A_452 = vector.shape_cast %broadcast_in_dim3A_451 : vector<16x1xi32> to vector<16xi32>
            %gather3A_453 = tpu.dynamic_gather %get3A_167[%gather3A_452] in [0] : vector<16xi32>, vector<16xi32> -> vector<16xi32>
            %lt3A_454 = arith.constant 0 : i32
            %lt3A_455 = vector.broadcast %lt3A_454 : i32 to vector<16xi32>
            %lt3A_456 = arith.cmpi slt, %broadcast_in_dim3A_443, %lt3A_455 : vector<16xi32>
            %add3A_457 = arith.constant 16 : i32
            %add3A_458 = vector.broadcast %add3A_457 : i32 to vector<16xi32>
            %add3A_459 = arith.addi %broadcast_in_dim3A_443, %add3A_458 : vector<16xi32>
            %select_n3A_460 = arith.select %lt3A_456, %add3A_459, %broadcast_in_dim3A_443 : vector<16xi1>, vector<16xi32>
            %broadcast_in_dim3A_461 = vector.shape_cast %select_n3A_460 : vector<16xi32> to vector<16x1xi32>
            %gather3A_462 = vector.shape_cast %broadcast_in_dim3A_461 : vector<16x1xi32> to vector<16xi32>
            %gather3A_463 = tpu.dynamic_gather %sub3A[%gather3A_462] in [0] : vector<16xi32>, vector<16xi32> -> vector<16xi32>
            %get3A_464 = arith.index_cast %sub3A_337 : i32 to index
            %get3A_465 = tpu.vector_load %arg10[%get3A_464] {strides = array<i32>} : memref<128xi32, #tpu.memory_space<vmem>>, vector<16xi32>,
            %get3A_466 = vector.shape_cast %get3A_465 : vector<16xi32> to vector<16xi32>
            %mul3A_467 = arith.muli %get3A_466, %min3A : vector<16xi32>
            %mul3A_468 = arith.muli %gather3A_453, %sub3A_266 : vector<16xi32>
            %add3A_469 = arith.addi %mul3A_467, %mul3A_468 : vector<16xi32>
            %swap3A_470 = arith.index_cast %sub3A_337 : i32 to index
            %swap3A_471 = tpu.vector_load %arg10[%swap3A_470] {strides = array<i32>} : memref<128xi32, #tpu.memory_space<vmem>>, vector<16xi32>,
            %swap3A_472 = vector.shape_cast %swap3A_471 : vector<16xi32> to vector<16xi32>
            %swap3A_473 = vector.shape_cast %add3A_469 : vector<16xi32> to vector<16xi32>
            tpu.vector_store %arg10[%swap3A_470], %swap3A_473 {strides = array<i32>} : memref<128xi32, #tpu.memory_space<vmem>>, vector<16xi32>,
            %get3A_474 = arith.index_cast %sub3A_337 : i32 to index
            %get3A_475 = tpu.vector_load %arg11[%get3A_474] {strides = array<i32>} : memref<128xi32, #tpu.memory_space<vmem>>, vector<16xi32>,
            %get3A_476 = vector.shape_cast %get3A_475 : vector<16xi32> to vector<16xi32>
            %mul3A_477 = arith.muli %get3A_476, %min3A : vector<16xi32>
            %mul3A_478 = arith.muli %gather3A_463, %sub3A_266 : vector<16xi32>
            %add3A_479 = arith.addi %mul3A_477, %mul3A_478 : vector<16xi32>
            %swap3A_480 = arith.index_cast %sub3A_337 : i32 to index
            %swap3A_481 = tpu.vector_load %arg11[%swap3A_480] {strides = array<i32>} : memref<128xi32, #tpu.memory_space<vmem>>, vector<16xi32>,
            %swap3A_482 = vector.shape_cast %swap3A_481 : vector<16xi32> to vector<16xi32>
            %swap3A_483 = vector.shape_cast %add3A_479 : vector<16xi32> to vector<16xi32>
            tpu.vector_store %arg11[%swap3A_480], %swap3A_483 {strides = array<i32>} : memref<128xi32, #tpu.memory_space<vmem>>, vector<16xi32>,
          } else {
          }
          %slice3A_343 = vector.extract_strided_slice %sub3A_178 {offsets = [7], sizes = [1], strides = [1]} : vector<16xi32> to vector<1xi32>
          %squeeze3A_344 = vector.extract %slice3A_343[0] : i32 from vector<1xi32>
          %slice3A_345 = vector.extract_strided_slice %add3A_252 {offsets = [7], sizes = [1], strides = [1]} : vector<16xi32> to vector<1xi32>
          %squeeze3A_346 = vector.extract %slice3A_345[0] : i32 from vector<1xi32>
          %add3A_347 = arith.addi %scan3A_157, %squeeze3A_346 : i32
          %sub3A_348 = arith.subi %add3A_347, %squeeze3A_344 : i32
          %eq3A_349 = arith.constant 1 : i32
          %eq3A_350 = arith.cmpi eq, %squeeze3A_344, %eq3A_349 : i32
          %convert_element_type3A_351 = arith.extui %eq3A_350 : i1 to i32
          %cond3A_352 = arith.constant 0 : i32
          %cond3A_353 = arith.cmpi ne, %convert_element_type3A_351, %cond3A_352 : i32
          scf.if %cond3A_353 {
            %broadcast_in_dim3A_442 = arith.constant 7 : i32
            %broadcast_in_dim3A_443 = vector.broadcast %broadcast_in_dim3A_442 : i32 to vector<16xi32>
            %lt3A_444 = arith.constant 0 : i32
            %lt3A_445 = vector.broadcast %lt3A_444 : i32 to vector<16xi32>
            %lt3A_446 = arith.cmpi slt, %broadcast_in_dim3A_443, %lt3A_445 : vector<16xi32>
            %add3A_447 = arith.constant 16 : i32
            %add3A_448 = vector.broadcast %add3A_447 : i32 to vector<16xi32>
            %add3A_449 = arith.addi %broadcast_in_dim3A_443, %add3A_448 : vector<16xi32>
            %select_n3A_450 = arith.select %lt3A_446, %add3A_449, %broadcast_in_dim3A_443 : vector<16xi1>, vector<16xi32>
            %broadcast_in_dim3A_451 = vector.shape_cast %select_n3A_450 : vector<16xi32> to vector<16x1xi32>
            %gather3A_452 = vector.shape_cast %broadcast_in_dim3A_451 : vector<16x1xi32> to vector<16xi32>
            %gather3A_453 = tpu.dynamic_gather %get3A_167[%gather3A_452] in [0] : vector<16xi32>, vector<16xi32> -> vector<16xi32>
            %lt3A_454 = arith.constant 0 : i32
            %lt3A_455 = vector.broadcast %lt3A_454 : i32 to vector<16xi32>
            %lt3A_456 = arith.cmpi slt, %broadcast_in_dim3A_443, %lt3A_455 : vector<16xi32>
            %add3A_457 = arith.constant 16 : i32
            %add3A_458 = vector.broadcast %add3A_457 : i32 to vector<16xi32>
            %add3A_459 = arith.addi %broadcast_in_dim3A_443, %add3A_458 : vector<16xi32>
            %select_n3A_460 = arith.select %lt3A_456, %add3A_459, %broadcast_in_dim3A_443 : vector<16xi1>, vector<16xi32>
            %broadcast_in_dim3A_461 = vector.shape_cast %select_n3A_460 : vector<16xi32> to vector<16x1xi32>
            %gather3A_462 = vector.shape_cast %broadcast_in_dim3A_461 : vector<16x1xi32> to vector<16xi32>
            %gather3A_463 = tpu.dynamic_gather %sub3A[%gather3A_462] in [0] : vector<16xi32>, vector<16xi32> -> vector<16xi32>
            %get3A_464 = arith.index_cast %sub3A_348 : i32 to index
            %get3A_465 = tpu.vector_load %arg10[%get3A_464] {strides = array<i32>} : memref<128xi32, #tpu.memory_space<vmem>>, vector<16xi32>,
            %get3A_466 = vector.shape_cast %get3A_465 : vector<16xi32> to vector<16xi32>
            %mul3A_467 = arith.muli %get3A_466, %min3A : vector<16xi32>
            %mul3A_468 = arith.muli %gather3A_453, %sub3A_266 : vector<16xi32>
            %add3A_469 = arith.addi %mul3A_467, %mul3A_468 : vector<16xi32>
            %swap3A_470 = arith.index_cast %sub3A_348 : i32 to index
            %swap3A_471 = tpu.vector_load %arg10[%swap3A_470] {strides = array<i32>} : memref<128xi32, #tpu.memory_space<vmem>>, vector<16xi32>,
            %swap3A_472 = vector.shape_cast %swap3A_471 : vector<16xi32> to vector<16xi32>
            %swap3A_473 = vector.shape_cast %add3A_469 : vector<16xi32> to vector<16xi32>
            tpu.vector_store %arg10[%swap3A_470], %swap3A_473 {strides = array<i32>} : memref<128xi32, #tpu.memory_space<vmem>>, vector<16xi32>,
            %get3A_474 = arith.index_cast %sub3A_348 : i32 to index
            %get3A_475 = tpu.vector_load %arg11[%get3A_474] {strides = array<i32>} : memref<128xi32, #tpu.memory_space<vmem>>, vector<16xi32>,
            %get3A_476 = vector.shape_cast %get3A_475 : vector<16xi32> to vector<16xi32>
            %mul3A_477 = arith.muli %get3A_476, %min3A : vector<16xi32>
            %mul3A_478 = arith.muli %gather3A_463, %sub3A_266 : vector<16xi32>
            %add3A_479 = arith.addi %mul3A_477, %mul3A_478 : vector<16xi32>
            %swap3A_480 = arith.index_cast %sub3A_348 : i32 to index
            %swap3A_481 = tpu.vector_load %arg11[%swap3A_480] {strides = array<i32>} : memref<128xi32, #tpu.memory_space<vmem>>, vector<16xi32>,
            %swap3A_482 = vector.shape_cast %swap3A_481 : vector<16xi32> to vector<16xi32>
            %swap3A_483 = vector.shape_cast %add3A_479 : vector<16xi32> to vector<16xi32>
            tpu.vector_store %arg11[%swap3A_480], %swap3A_483 {strides = array<i32>} : memref<128xi32, #tpu.memory_space<vmem>>, vector<16xi32>,
          } else {
          }
          %slice3A_354 = vector.extract_strided_slice %sub3A_178 {offsets = [8], sizes = [1], strides = [1]} : vector<16xi32> to vector<1xi32>
          %squeeze3A_355 = vector.extract %slice3A_354[0] : i32 from vector<1xi32>
          %slice3A_356 = vector.extract_strided_slice %add3A_252 {offsets = [8], sizes = [1], strides = [1]} : vector<16xi32> to vector<1xi32>
          %squeeze3A_357 = vector.extract %slice3A_356[0] : i32 from vector<1xi32>
          %add3A_358 = arith.addi %scan3A_157, %squeeze3A_357 : i32
          %sub3A_359 = arith.subi %add3A_358, %squeeze3A_355 : i32
          %eq3A_360 = arith.constant 1 : i32
          %eq3A_361 = arith.cmpi eq, %squeeze3A_355, %eq3A_360 : i32
          %convert_element_type3A_362 = arith.extui %eq3A_361 : i1 to i32
          %cond3A_363 = arith.constant 0 : i32
          %cond3A_364 = arith.cmpi ne, %convert_element_type3A_362, %cond3A_363 : i32
          scf.if %cond3A_364 {
            %broadcast_in_dim3A_442 = arith.constant 8 : i32
            %broadcast_in_dim3A_443 = vector.broadcast %broadcast_in_dim3A_442 : i32 to vector<16xi32>
            %lt3A_444 = arith.constant 0 : i32
            %lt3A_445 = vector.broadcast %lt3A_444 : i32 to vector<16xi32>
            %lt3A_446 = arith.cmpi slt, %broadcast_in_dim3A_443, %lt3A_445 : vector<16xi32>
            %add3A_447 = arith.constant 16 : i32
            %add3A_448 = vector.broadcast %add3A_447 : i32 to vector<16xi32>
            %add3A_449 = arith.addi %broadcast_in_dim3A_443, %add3A_448 : vector<16xi32>
            %select_n3A_450 = arith.select %lt3A_446, %add3A_449, %broadcast_in_dim3A_443 : vector<16xi1>, vector<16xi32>
            %broadcast_in_dim3A_451 = vector.shape_cast %select_n3A_450 : vector<16xi32> to vector<16x1xi32>
            %gather3A_452 = vector.shape_cast %broadcast_in_dim3A_451 : vector<16x1xi32> to vector<16xi32>
            %gather3A_453 = tpu.dynamic_gather %get3A_167[%gather3A_452] in [0] : vector<16xi32>, vector<16xi32> -> vector<16xi32>
            %lt3A_454 = arith.constant 0 : i32
            %lt3A_455 = vector.broadcast %lt3A_454 : i32 to vector<16xi32>
            %lt3A_456 = arith.cmpi slt, %broadcast_in_dim3A_443, %lt3A_455 : vector<16xi32>
            %add3A_457 = arith.constant 16 : i32
            %add3A_458 = vector.broadcast %add3A_457 : i32 to vector<16xi32>
            %add3A_459 = arith.addi %broadcast_in_dim3A_443, %add3A_458 : vector<16xi32>
            %select_n3A_460 = arith.select %lt3A_456, %add3A_459, %broadcast_in_dim3A_443 : vector<16xi1>, vector<16xi32>
            %broadcast_in_dim3A_461 = vector.shape_cast %select_n3A_460 : vector<16xi32> to vector<16x1xi32>
            %gather3A_462 = vector.shape_cast %broadcast_in_dim3A_461 : vector<16x1xi32> to vector<16xi32>
            %gather3A_463 = tpu.dynamic_gather %sub3A[%gather3A_462] in [0] : vector<16xi32>, vector<16xi32> -> vector<16xi32>
            %get3A_464 = arith.index_cast %sub3A_359 : i32 to index
            %get3A_465 = tpu.vector_load %arg10[%get3A_464] {strides = array<i32>} : memref<128xi32, #tpu.memory_space<vmem>>, vector<16xi32>,
            %get3A_466 = vector.shape_cast %get3A_465 : vector<16xi32> to vector<16xi32>
            %mul3A_467 = arith.muli %get3A_466, %min3A : vector<16xi32>
            %mul3A_468 = arith.muli %gather3A_453, %sub3A_266 : vector<16xi32>
            %add3A_469 = arith.addi %mul3A_467, %mul3A_468 : vector<16xi32>
            %swap3A_470 = arith.index_cast %sub3A_359 : i32 to index
            %swap3A_471 = tpu.vector_load %arg10[%swap3A_470] {strides = array<i32>} : memref<128xi32, #tpu.memory_space<vmem>>, vector<16xi32>,
            %swap3A_472 = vector.shape_cast %swap3A_471 : vector<16xi32> to vector<16xi32>
            %swap3A_473 = vector.shape_cast %add3A_469 : vector<16xi32> to vector<16xi32>
            tpu.vector_store %arg10[%swap3A_470], %swap3A_473 {strides = array<i32>} : memref<128xi32, #tpu.memory_space<vmem>>, vector<16xi32>,
            %get3A_474 = arith.index_cast %sub3A_359 : i32 to index
            %get3A_475 = tpu.vector_load %arg11[%get3A_474] {strides = array<i32>} : memref<128xi32, #tpu.memory_space<vmem>>, vector<16xi32>,
            %get3A_476 = vector.shape_cast %get3A_475 : vector<16xi32> to vector<16xi32>
            %mul3A_477 = arith.muli %get3A_476, %min3A : vector<16xi32>
            %mul3A_478 = arith.muli %gather3A_463, %sub3A_266 : vector<16xi32>
            %add3A_479 = arith.addi %mul3A_477, %mul3A_478 : vector<16xi32>
            %swap3A_480 = arith.index_cast %sub3A_359 : i32 to index
            %swap3A_481 = tpu.vector_load %arg11[%swap3A_480] {strides = array<i32>} : memref<128xi32, #tpu.memory_space<vmem>>, vector<16xi32>,
            %swap3A_482 = vector.shape_cast %swap3A_481 : vector<16xi32> to vector<16xi32>
            %swap3A_483 = vector.shape_cast %add3A_479 : vector<16xi32> to vector<16xi32>
            tpu.vector_store %arg11[%swap3A_480], %swap3A_483 {strides = array<i32>} : memref<128xi32, #tpu.memory_space<vmem>>, vector<16xi32>,
          } else {
          }
          %slice3A_365 = vector.extract_strided_slice %sub3A_178 {offsets = [9], sizes = [1], strides = [1]} : vector<16xi32> to vector<1xi32>
          %squeeze3A_366 = vector.extract %slice3A_365[0] : i32 from vector<1xi32>
          %slice3A_367 = vector.extract_strided_slice %add3A_252 {offsets = [9], sizes = [1], strides = [1]} : vector<16xi32> to vector<1xi32>
          %squeeze3A_368 = vector.extract %slice3A_367[0] : i32 from vector<1xi32>
          %add3A_369 = arith.addi %scan3A_157, %squeeze3A_368 : i32
          %sub3A_370 = arith.subi %add3A_369, %squeeze3A_366 : i32
          %eq3A_371 = arith.constant 1 : i32
          %eq3A_372 = arith.cmpi eq, %squeeze3A_366, %eq3A_371 : i32
          %convert_element_type3A_373 = arith.extui %eq3A_372 : i1 to i32
          %cond3A_374 = arith.constant 0 : i32
          %cond3A_375 = arith.cmpi ne, %convert_element_type3A_373, %cond3A_374 : i32
          scf.if %cond3A_375 {
            %broadcast_in_dim3A_442 = arith.constant 9 : i32
            %broadcast_in_dim3A_443 = vector.broadcast %broadcast_in_dim3A_442 : i32 to vector<16xi32>
            %lt3A_444 = arith.constant 0 : i32
            %lt3A_445 = vector.broadcast %lt3A_444 : i32 to vector<16xi32>
            %lt3A_446 = arith.cmpi slt, %broadcast_in_dim3A_443, %lt3A_445 : vector<16xi32>
            %add3A_447 = arith.constant 16 : i32
            %add3A_448 = vector.broadcast %add3A_447 : i32 to vector<16xi32>
            %add3A_449 = arith.addi %broadcast_in_dim3A_443, %add3A_448 : vector<16xi32>
            %select_n3A_450 = arith.select %lt3A_446, %add3A_449, %broadcast_in_dim3A_443 : vector<16xi1>, vector<16xi32>
            %broadcast_in_dim3A_451 = vector.shape_cast %select_n3A_450 : vector<16xi32> to vector<16x1xi32>
            %gather3A_452 = vector.shape_cast %broadcast_in_dim3A_451 : vector<16x1xi32> to vector<16xi32>
            %gather3A_453 = tpu.dynamic_gather %get3A_167[%gather3A_452] in [0] : vector<16xi32>, vector<16xi32> -> vector<16xi32>
            %lt3A_454 = arith.constant 0 : i32
            %lt3A_455 = vector.broadcast %lt3A_454 : i32 to vector<16xi32>
            %lt3A_456 = arith.cmpi slt, %broadcast_in_dim3A_443, %lt3A_455 : vector<16xi32>
            %add3A_457 = arith.constant 16 : i32
            %add3A_458 = vector.broadcast %add3A_457 : i32 to vector<16xi32>
            %add3A_459 = arith.addi %broadcast_in_dim3A_443, %add3A_458 : vector<16xi32>
            %select_n3A_460 = arith.select %lt3A_456, %add3A_459, %broadcast_in_dim3A_443 : vector<16xi1>, vector<16xi32>
            %broadcast_in_dim3A_461 = vector.shape_cast %select_n3A_460 : vector<16xi32> to vector<16x1xi32>
            %gather3A_462 = vector.shape_cast %broadcast_in_dim3A_461 : vector<16x1xi32> to vector<16xi32>
            %gather3A_463 = tpu.dynamic_gather %sub3A[%gather3A_462] in [0] : vector<16xi32>, vector<16xi32> -> vector<16xi32>
            %get3A_464 = arith.index_cast %sub3A_370 : i32 to index
            %get3A_465 = tpu.vector_load %arg10[%get3A_464] {strides = array<i32>} : memref<128xi32, #tpu.memory_space<vmem>>, vector<16xi32>,
            %get3A_466 = vector.shape_cast %get3A_465 : vector<16xi32> to vector<16xi32>
            %mul3A_467 = arith.muli %get3A_466, %min3A : vector<16xi32>
            %mul3A_468 = arith.muli %gather3A_453, %sub3A_266 : vector<16xi32>
            %add3A_469 = arith.addi %mul3A_467, %mul3A_468 : vector<16xi32>
            %swap3A_470 = arith.index_cast %sub3A_370 : i32 to index
            %swap3A_471 = tpu.vector_load %arg10[%swap3A_470] {strides = array<i32>} : memref<128xi32, #tpu.memory_space<vmem>>, vector<16xi32>,
            %swap3A_472 = vector.shape_cast %swap3A_471 : vector<16xi32> to vector<16xi32>
            %swap3A_473 = vector.shape_cast %add3A_469 : vector<16xi32> to vector<16xi32>
            tpu.vector_store %arg10[%swap3A_470], %swap3A_473 {strides = array<i32>} : memref<128xi32, #tpu.memory_space<vmem>>, vector<16xi32>,
            %get3A_474 = arith.index_cast %sub3A_370 : i32 to index
            %get3A_475 = tpu.vector_load %arg11[%get3A_474] {strides = array<i32>} : memref<128xi32, #tpu.memory_space<vmem>>, vector<16xi32>,
            %get3A_476 = vector.shape_cast %get3A_475 : vector<16xi32> to vector<16xi32>
            %mul3A_477 = arith.muli %get3A_476, %min3A : vector<16xi32>
            %mul3A_478 = arith.muli %gather3A_463, %sub3A_266 : vector<16xi32>
            %add3A_479 = arith.addi %mul3A_477, %mul3A_478 : vector<16xi32>
            %swap3A_480 = arith.index_cast %sub3A_370 : i32 to index
            %swap3A_481 = tpu.vector_load %arg11[%swap3A_480] {strides = array<i32>} : memref<128xi32, #tpu.memory_space<vmem>>, vector<16xi32>,
            %swap3A_482 = vector.shape_cast %swap3A_481 : vector<16xi32> to vector<16xi32>
            %swap3A_483 = vector.shape_cast %add3A_479 : vector<16xi32> to vector<16xi32>
            tpu.vector_store %arg11[%swap3A_480], %swap3A_483 {strides = array<i32>} : memref<128xi32, #tpu.memory_space<vmem>>, vector<16xi32>,
          } else {
          }
          %slice3A_376 = vector.extract_strided_slice %sub3A_178 {offsets = [10], sizes = [1], strides = [1]} : vector<16xi32> to vector<1xi32>
          %squeeze3A_377 = vector.extract %slice3A_376[0] : i32 from vector<1xi32>
          %slice3A_378 = vector.extract_strided_slice %add3A_252 {offsets = [10], sizes = [1], strides = [1]} : vector<16xi32> to vector<1xi32>
          %squeeze3A_379 = vector.extract %slice3A_378[0] : i32 from vector<1xi32>
          %add3A_380 = arith.addi %scan3A_157, %squeeze3A_379 : i32
          %sub3A_381 = arith.subi %add3A_380, %squeeze3A_377 : i32
          %eq3A_382 = arith.constant 1 : i32
          %eq3A_383 = arith.cmpi eq, %squeeze3A_377, %eq3A_382 : i32
          %convert_element_type3A_384 = arith.extui %eq3A_383 : i1 to i32
          %cond3A_385 = arith.constant 0 : i32
          %cond3A_386 = arith.cmpi ne, %convert_element_type3A_384, %cond3A_385 : i32
          scf.if %cond3A_386 {
            %broadcast_in_dim3A_442 = arith.constant 10 : i32
            %broadcast_in_dim3A_443 = vector.broadcast %broadcast_in_dim3A_442 : i32 to vector<16xi32>
            %lt3A_444 = arith.constant 0 : i32
            %lt3A_445 = vector.broadcast %lt3A_444 : i32 to vector<16xi32>
            %lt3A_446 = arith.cmpi slt, %broadcast_in_dim3A_443, %lt3A_445 : vector<16xi32>
            %add3A_447 = arith.constant 16 : i32
            %add3A_448 = vector.broadcast %add3A_447 : i32 to vector<16xi32>
            %add3A_449 = arith.addi %broadcast_in_dim3A_443, %add3A_448 : vector<16xi32>
            %select_n3A_450 = arith.select %lt3A_446, %add3A_449, %broadcast_in_dim3A_443 : vector<16xi1>, vector<16xi32>
            %broadcast_in_dim3A_451 = vector.shape_cast %select_n3A_450 : vector<16xi32> to vector<16x1xi32>
            %gather3A_452 = vector.shape_cast %broadcast_in_dim3A_451 : vector<16x1xi32> to vector<16xi32>
            %gather3A_453 = tpu.dynamic_gather %get3A_167[%gather3A_452] in [0] : vector<16xi32>, vector<16xi32> -> vector<16xi32>
            %lt3A_454 = arith.constant 0 : i32
            %lt3A_455 = vector.broadcast %lt3A_454 : i32 to vector<16xi32>
            %lt3A_456 = arith.cmpi slt, %broadcast_in_dim3A_443, %lt3A_455 : vector<16xi32>
            %add3A_457 = arith.constant 16 : i32
            %add3A_458 = vector.broadcast %add3A_457 : i32 to vector<16xi32>
            %add3A_459 = arith.addi %broadcast_in_dim3A_443, %add3A_458 : vector<16xi32>
            %select_n3A_460 = arith.select %lt3A_456, %add3A_459, %broadcast_in_dim3A_443 : vector<16xi1>, vector<16xi32>
            %broadcast_in_dim3A_461 = vector.shape_cast %select_n3A_460 : vector<16xi32> to vector<16x1xi32>
            %gather3A_462 = vector.shape_cast %broadcast_in_dim3A_461 : vector<16x1xi32> to vector<16xi32>
            %gather3A_463 = tpu.dynamic_gather %sub3A[%gather3A_462] in [0] : vector<16xi32>, vector<16xi32> -> vector<16xi32>
            %get3A_464 = arith.index_cast %sub3A_381 : i32 to index
            %get3A_465 = tpu.vector_load %arg10[%get3A_464] {strides = array<i32>} : memref<128xi32, #tpu.memory_space<vmem>>, vector<16xi32>,
            %get3A_466 = vector.shape_cast %get3A_465 : vector<16xi32> to vector<16xi32>
            %mul3A_467 = arith.muli %get3A_466, %min3A : vector<16xi32>
            %mul3A_468 = arith.muli %gather3A_453, %sub3A_266 : vector<16xi32>
            %add3A_469 = arith.addi %mul3A_467, %mul3A_468 : vector<16xi32>
            %swap3A_470 = arith.index_cast %sub3A_381 : i32 to index
            %swap3A_471 = tpu.vector_load %arg10[%swap3A_470] {strides = array<i32>} : memref<128xi32, #tpu.memory_space<vmem>>, vector<16xi32>,
            %swap3A_472 = vector.shape_cast %swap3A_471 : vector<16xi32> to vector<16xi32>
            %swap3A_473 = vector.shape_cast %add3A_469 : vector<16xi32> to vector<16xi32>
            tpu.vector_store %arg10[%swap3A_470], %swap3A_473 {strides = array<i32>} : memref<128xi32, #tpu.memory_space<vmem>>, vector<16xi32>,
            %get3A_474 = arith.index_cast %sub3A_381 : i32 to index
            %get3A_475 = tpu.vector_load %arg11[%get3A_474] {strides = array<i32>} : memref<128xi32, #tpu.memory_space<vmem>>, vector<16xi32>,
            %get3A_476 = vector.shape_cast %get3A_475 : vector<16xi32> to vector<16xi32>
            %mul3A_477 = arith.muli %get3A_476, %min3A : vector<16xi32>
            %mul3A_478 = arith.muli %gather3A_463, %sub3A_266 : vector<16xi32>
            %add3A_479 = arith.addi %mul3A_477, %mul3A_478 : vector<16xi32>
            %swap3A_480 = arith.index_cast %sub3A_381 : i32 to index
            %swap3A_481 = tpu.vector_load %arg11[%swap3A_480] {strides = array<i32>} : memref<128xi32, #tpu.memory_space<vmem>>, vector<16xi32>,
            %swap3A_482 = vector.shape_cast %swap3A_481 : vector<16xi32> to vector<16xi32>
            %swap3A_483 = vector.shape_cast %add3A_479 : vector<16xi32> to vector<16xi32>
            tpu.vector_store %arg11[%swap3A_480], %swap3A_483 {strides = array<i32>} : memref<128xi32, #tpu.memory_space<vmem>>, vector<16xi32>,
          } else {
          }
          %slice3A_387 = vector.extract_strided_slice %sub3A_178 {offsets = [11], sizes = [1], strides = [1]} : vector<16xi32> to vector<1xi32>
          %squeeze3A_388 = vector.extract %slice3A_387[0] : i32 from vector<1xi32>
          %slice3A_389 = vector.extract_strided_slice %add3A_252 {offsets = [11], sizes = [1], strides = [1]} : vector<16xi32> to vector<1xi32>
          %squeeze3A_390 = vector.extract %slice3A_389[0] : i32 from vector<1xi32>
          %add3A_391 = arith.addi %scan3A_157, %squeeze3A_390 : i32
          %sub3A_392 = arith.subi %add3A_391, %squeeze3A_388 : i32
          %eq3A_393 = arith.constant 1 : i32
          %eq3A_394 = arith.cmpi eq, %squeeze3A_388, %eq3A_393 : i32
          %convert_element_type3A_395 = arith.extui %eq3A_394 : i1 to i32
          %cond3A_396 = arith.constant 0 : i32
          %cond3A_397 = arith.cmpi ne, %convert_element_type3A_395, %cond3A_396 : i32
          scf.if %cond3A_397 {
            %broadcast_in_dim3A_442 = arith.constant 11 : i32
            %broadcast_in_dim3A_443 = vector.broadcast %broadcast_in_dim3A_442 : i32 to vector<16xi32>
            %lt3A_444 = arith.constant 0 : i32
            %lt3A_445 = vector.broadcast %lt3A_444 : i32 to vector<16xi32>
            %lt3A_446 = arith.cmpi slt, %broadcast_in_dim3A_443, %lt3A_445 : vector<16xi32>
            %add3A_447 = arith.constant 16 : i32
            %add3A_448 = vector.broadcast %add3A_447 : i32 to vector<16xi32>
            %add3A_449 = arith.addi %broadcast_in_dim3A_443, %add3A_448 : vector<16xi32>
            %select_n3A_450 = arith.select %lt3A_446, %add3A_449, %broadcast_in_dim3A_443 : vector<16xi1>, vector<16xi32>
            %broadcast_in_dim3A_451 = vector.shape_cast %select_n3A_450 : vector<16xi32> to vector<16x1xi32>
            %gather3A_452 = vector.shape_cast %broadcast_in_dim3A_451 : vector<16x1xi32> to vector<16xi32>
            %gather3A_453 = tpu.dynamic_gather %get3A_167[%gather3A_452] in [0] : vector<16xi32>, vector<16xi32> -> vector<16xi32>
            %lt3A_454 = arith.constant 0 : i32
            %lt3A_455 = vector.broadcast %lt3A_454 : i32 to vector<16xi32>
            %lt3A_456 = arith.cmpi slt, %broadcast_in_dim3A_443, %lt3A_455 : vector<16xi32>
            %add3A_457 = arith.constant 16 : i32
            %add3A_458 = vector.broadcast %add3A_457 : i32 to vector<16xi32>
            %add3A_459 = arith.addi %broadcast_in_dim3A_443, %add3A_458 : vector<16xi32>
            %select_n3A_460 = arith.select %lt3A_456, %add3A_459, %broadcast_in_dim3A_443 : vector<16xi1>, vector<16xi32>
            %broadcast_in_dim3A_461 = vector.shape_cast %select_n3A_460 : vector<16xi32> to vector<16x1xi32>
            %gather3A_462 = vector.shape_cast %broadcast_in_dim3A_461 : vector<16x1xi32> to vector<16xi32>
            %gather3A_463 = tpu.dynamic_gather %sub3A[%gather3A_462] in [0] : vector<16xi32>, vector<16xi32> -> vector<16xi32>
            %get3A_464 = arith.index_cast %sub3A_392 : i32 to index
            %get3A_465 = tpu.vector_load %arg10[%get3A_464] {strides = array<i32>} : memref<128xi32, #tpu.memory_space<vmem>>, vector<16xi32>,
            %get3A_466 = vector.shape_cast %get3A_465 : vector<16xi32> to vector<16xi32>
            %mul3A_467 = arith.muli %get3A_466, %min3A : vector<16xi32>
            %mul3A_468 = arith.muli %gather3A_453, %sub3A_266 : vector<16xi32>
            %add3A_469 = arith.addi %mul3A_467, %mul3A_468 : vector<16xi32>
            %swap3A_470 = arith.index_cast %sub3A_392 : i32 to index
            %swap3A_471 = tpu.vector_load %arg10[%swap3A_470] {strides = array<i32>} : memref<128xi32, #tpu.memory_space<vmem>>, vector<16xi32>,
            %swap3A_472 = vector.shape_cast %swap3A_471 : vector<16xi32> to vector<16xi32>
            %swap3A_473 = vector.shape_cast %add3A_469 : vector<16xi32> to vector<16xi32>
            tpu.vector_store %arg10[%swap3A_470], %swap3A_473 {strides = array<i32>} : memref<128xi32, #tpu.memory_space<vmem>>, vector<16xi32>,
            %get3A_474 = arith.index_cast %sub3A_392 : i32 to index
            %get3A_475 = tpu.vector_load %arg11[%get3A_474] {strides = array<i32>} : memref<128xi32, #tpu.memory_space<vmem>>, vector<16xi32>,
            %get3A_476 = vector.shape_cast %get3A_475 : vector<16xi32> to vector<16xi32>
            %mul3A_477 = arith.muli %get3A_476, %min3A : vector<16xi32>
            %mul3A_478 = arith.muli %gather3A_463, %sub3A_266 : vector<16xi32>
            %add3A_479 = arith.addi %mul3A_477, %mul3A_478 : vector<16xi32>
            %swap3A_480 = arith.index_cast %sub3A_392 : i32 to index
            %swap3A_481 = tpu.vector_load %arg11[%swap3A_480] {strides = array<i32>} : memref<128xi32, #tpu.memory_space<vmem>>, vector<16xi32>,
            %swap3A_482 = vector.shape_cast %swap3A_481 : vector<16xi32> to vector<16xi32>
            %swap3A_483 = vector.shape_cast %add3A_479 : vector<16xi32> to vector<16xi32>
            tpu.vector_store %arg11[%swap3A_480], %swap3A_483 {strides = array<i32>} : memref<128xi32, #tpu.memory_space<vmem>>, vector<16xi32>,
          } else {
          }
          %slice3A_398 = vector.extract_strided_slice %sub3A_178 {offsets = [12], sizes = [1], strides = [1]} : vector<16xi32> to vector<1xi32>
          %squeeze3A_399 = vector.extract %slice3A_398[0] : i32 from vector<1xi32>
          %slice3A_400 = vector.extract_strided_slice %add3A_252 {offsets = [12], sizes = [1], strides = [1]} : vector<16xi32> to vector<1xi32>
          %squeeze3A_401 = vector.extract %slice3A_400[0] : i32 from vector<1xi32>
          %add3A_402 = arith.addi %scan3A_157, %squeeze3A_401 : i32
          %sub3A_403 = arith.subi %add3A_402, %squeeze3A_399 : i32
          %eq3A_404 = arith.constant 1 : i32
          %eq3A_405 = arith.cmpi eq, %squeeze3A_399, %eq3A_404 : i32
          %convert_element_type3A_406 = arith.extui %eq3A_405 : i1 to i32
          %cond3A_407 = arith.constant 0 : i32
          %cond3A_408 = arith.cmpi ne, %convert_element_type3A_406, %cond3A_407 : i32
          scf.if %cond3A_408 {
            %broadcast_in_dim3A_442 = arith.constant 12 : i32
            %broadcast_in_dim3A_443 = vector.broadcast %broadcast_in_dim3A_442 : i32 to vector<16xi32>
            %lt3A_444 = arith.constant 0 : i32
            %lt3A_445 = vector.broadcast %lt3A_444 : i32 to vector<16xi32>
            %lt3A_446 = arith.cmpi slt, %broadcast_in_dim3A_443, %lt3A_445 : vector<16xi32>
            %add3A_447 = arith.constant 16 : i32
            %add3A_448 = vector.broadcast %add3A_447 : i32 to vector<16xi32>
            %add3A_449 = arith.addi %broadcast_in_dim3A_443, %add3A_448 : vector<16xi32>
            %select_n3A_450 = arith.select %lt3A_446, %add3A_449, %broadcast_in_dim3A_443 : vector<16xi1>, vector<16xi32>
            %broadcast_in_dim3A_451 = vector.shape_cast %select_n3A_450 : vector<16xi32> to vector<16x1xi32>
            %gather3A_452 = vector.shape_cast %broadcast_in_dim3A_451 : vector<16x1xi32> to vector<16xi32>
            %gather3A_453 = tpu.dynamic_gather %get3A_167[%gather3A_452] in [0] : vector<16xi32>, vector<16xi32> -> vector<16xi32>
            %lt3A_454 = arith.constant 0 : i32
            %lt3A_455 = vector.broadcast %lt3A_454 : i32 to vector<16xi32>
            %lt3A_456 = arith.cmpi slt, %broadcast_in_dim3A_443, %lt3A_455 : vector<16xi32>
            %add3A_457 = arith.constant 16 : i32
            %add3A_458 = vector.broadcast %add3A_457 : i32 to vector<16xi32>
            %add3A_459 = arith.addi %broadcast_in_dim3A_443, %add3A_458 : vector<16xi32>
            %select_n3A_460 = arith.select %lt3A_456, %add3A_459, %broadcast_in_dim3A_443 : vector<16xi1>, vector<16xi32>
            %broadcast_in_dim3A_461 = vector.shape_cast %select_n3A_460 : vector<16xi32> to vector<16x1xi32>
            %gather3A_462 = vector.shape_cast %broadcast_in_dim3A_461 : vector<16x1xi32> to vector<16xi32>
            %gather3A_463 = tpu.dynamic_gather %sub3A[%gather3A_462] in [0] : vector<16xi32>, vector<16xi32> -> vector<16xi32>
            %get3A_464 = arith.index_cast %sub3A_403 : i32 to index
            %get3A_465 = tpu.vector_load %arg10[%get3A_464] {strides = array<i32>} : memref<128xi32, #tpu.memory_space<vmem>>, vector<16xi32>,
            %get3A_466 = vector.shape_cast %get3A_465 : vector<16xi32> to vector<16xi32>
            %mul3A_467 = arith.muli %get3A_466, %min3A : vector<16xi32>
            %mul3A_468 = arith.muli %gather3A_453, %sub3A_266 : vector<16xi32>
            %add3A_469 = arith.addi %mul3A_467, %mul3A_468 : vector<16xi32>
            %swap3A_470 = arith.index_cast %sub3A_403 : i32 to index
            %swap3A_471 = tpu.vector_load %arg10[%swap3A_470] {strides = array<i32>} : memref<128xi32, #tpu.memory_space<vmem>>, vector<16xi32>,
            %swap3A_472 = vector.shape_cast %swap3A_471 : vector<16xi32> to vector<16xi32>
            %swap3A_473 = vector.shape_cast %add3A_469 : vector<16xi32> to vector<16xi32>
            tpu.vector_store %arg10[%swap3A_470], %swap3A_473 {strides = array<i32>} : memref<128xi32, #tpu.memory_space<vmem>>, vector<16xi32>,
            %get3A_474 = arith.index_cast %sub3A_403 : i32 to index
            %get3A_475 = tpu.vector_load %arg11[%get3A_474] {strides = array<i32>} : memref<128xi32, #tpu.memory_space<vmem>>, vector<16xi32>,
            %get3A_476 = vector.shape_cast %get3A_475 : vector<16xi32> to vector<16xi32>
            %mul3A_477 = arith.muli %get3A_476, %min3A : vector<16xi32>
            %mul3A_478 = arith.muli %gather3A_463, %sub3A_266 : vector<16xi32>
            %add3A_479 = arith.addi %mul3A_477, %mul3A_478 : vector<16xi32>
            %swap3A_480 = arith.index_cast %sub3A_403 : i32 to index
            %swap3A_481 = tpu.vector_load %arg11[%swap3A_480] {strides = array<i32>} : memref<128xi32, #tpu.memory_space<vmem>>, vector<16xi32>,
            %swap3A_482 = vector.shape_cast %swap3A_481 : vector<16xi32> to vector<16xi32>
            %swap3A_483 = vector.shape_cast %add3A_479 : vector<16xi32> to vector<16xi32>
            tpu.vector_store %arg11[%swap3A_480], %swap3A_483 {strides = array<i32>} : memref<128xi32, #tpu.memory_space<vmem>>, vector<16xi32>,
          } else {
          }
          %slice3A_409 = vector.extract_strided_slice %sub3A_178 {offsets = [13], sizes = [1], strides = [1]} : vector<16xi32> to vector<1xi32>
          %squeeze3A_410 = vector.extract %slice3A_409[0] : i32 from vector<1xi32>
          %slice3A_411 = vector.extract_strided_slice %add3A_252 {offsets = [13], sizes = [1], strides = [1]} : vector<16xi32> to vector<1xi32>
          %squeeze3A_412 = vector.extract %slice3A_411[0] : i32 from vector<1xi32>
          %add3A_413 = arith.addi %scan3A_157, %squeeze3A_412 : i32
          %sub3A_414 = arith.subi %add3A_413, %squeeze3A_410 : i32
          %eq3A_415 = arith.constant 1 : i32
          %eq3A_416 = arith.cmpi eq, %squeeze3A_410, %eq3A_415 : i32
          %convert_element_type3A_417 = arith.extui %eq3A_416 : i1 to i32
          %cond3A_418 = arith.constant 0 : i32
          %cond3A_419 = arith.cmpi ne, %convert_element_type3A_417, %cond3A_418 : i32
          scf.if %cond3A_419 {
            %broadcast_in_dim3A_442 = arith.constant 13 : i32
            %broadcast_in_dim3A_443 = vector.broadcast %broadcast_in_dim3A_442 : i32 to vector<16xi32>
            %lt3A_444 = arith.constant 0 : i32
            %lt3A_445 = vector.broadcast %lt3A_444 : i32 to vector<16xi32>
            %lt3A_446 = arith.cmpi slt, %broadcast_in_dim3A_443, %lt3A_445 : vector<16xi32>
            %add3A_447 = arith.constant 16 : i32
            %add3A_448 = vector.broadcast %add3A_447 : i32 to vector<16xi32>
            %add3A_449 = arith.addi %broadcast_in_dim3A_443, %add3A_448 : vector<16xi32>
            %select_n3A_450 = arith.select %lt3A_446, %add3A_449, %broadcast_in_dim3A_443 : vector<16xi1>, vector<16xi32>
            %broadcast_in_dim3A_451 = vector.shape_cast %select_n3A_450 : vector<16xi32> to vector<16x1xi32>
            %gather3A_452 = vector.shape_cast %broadcast_in_dim3A_451 : vector<16x1xi32> to vector<16xi32>
            %gather3A_453 = tpu.dynamic_gather %get3A_167[%gather3A_452] in [0] : vector<16xi32>, vector<16xi32> -> vector<16xi32>
            %lt3A_454 = arith.constant 0 : i32
            %lt3A_455 = vector.broadcast %lt3A_454 : i32 to vector<16xi32>
            %lt3A_456 = arith.cmpi slt, %broadcast_in_dim3A_443, %lt3A_455 : vector<16xi32>
            %add3A_457 = arith.constant 16 : i32
            %add3A_458 = vector.broadcast %add3A_457 : i32 to vector<16xi32>
            %add3A_459 = arith.addi %broadcast_in_dim3A_443, %add3A_458 : vector<16xi32>
            %select_n3A_460 = arith.select %lt3A_456, %add3A_459, %broadcast_in_dim3A_443 : vector<16xi1>, vector<16xi32>
            %broadcast_in_dim3A_461 = vector.shape_cast %select_n3A_460 : vector<16xi32> to vector<16x1xi32>
            %gather3A_462 = vector.shape_cast %broadcast_in_dim3A_461 : vector<16x1xi32> to vector<16xi32>
            %gather3A_463 = tpu.dynamic_gather %sub3A[%gather3A_462] in [0] : vector<16xi32>, vector<16xi32> -> vector<16xi32>
            %get3A_464 = arith.index_cast %sub3A_414 : i32 to index
            %get3A_465 = tpu.vector_load %arg10[%get3A_464] {strides = array<i32>} : memref<128xi32, #tpu.memory_space<vmem>>, vector<16xi32>,
            %get3A_466 = vector.shape_cast %get3A_465 : vector<16xi32> to vector<16xi32>
            %mul3A_467 = arith.muli %get3A_466, %min3A : vector<16xi32>
            %mul3A_468 = arith.muli %gather3A_453, %sub3A_266 : vector<16xi32>
            %add3A_469 = arith.addi %mul3A_467, %mul3A_468 : vector<16xi32>
            %swap3A_470 = arith.index_cast %sub3A_414 : i32 to index
            %swap3A_471 = tpu.vector_load %arg10[%swap3A_470] {strides = array<i32>} : memref<128xi32, #tpu.memory_space<vmem>>, vector<16xi32>,
            %swap3A_472 = vector.shape_cast %swap3A_471 : vector<16xi32> to vector<16xi32>
            %swap3A_473 = vector.shape_cast %add3A_469 : vector<16xi32> to vector<16xi32>
            tpu.vector_store %arg10[%swap3A_470], %swap3A_473 {strides = array<i32>} : memref<128xi32, #tpu.memory_space<vmem>>, vector<16xi32>,
            %get3A_474 = arith.index_cast %sub3A_414 : i32 to index
            %get3A_475 = tpu.vector_load %arg11[%get3A_474] {strides = array<i32>} : memref<128xi32, #tpu.memory_space<vmem>>, vector<16xi32>,
            %get3A_476 = vector.shape_cast %get3A_475 : vector<16xi32> to vector<16xi32>
            %mul3A_477 = arith.muli %get3A_476, %min3A : vector<16xi32>
            %mul3A_478 = arith.muli %gather3A_463, %sub3A_266 : vector<16xi32>
            %add3A_479 = arith.addi %mul3A_477, %mul3A_478 : vector<16xi32>
            %swap3A_480 = arith.index_cast %sub3A_414 : i32 to index
            %swap3A_481 = tpu.vector_load %arg11[%swap3A_480] {strides = array<i32>} : memref<128xi32, #tpu.memory_space<vmem>>, vector<16xi32>,
            %swap3A_482 = vector.shape_cast %swap3A_481 : vector<16xi32> to vector<16xi32>
            %swap3A_483 = vector.shape_cast %add3A_479 : vector<16xi32> to vector<16xi32>
            tpu.vector_store %arg11[%swap3A_480], %swap3A_483 {strides = array<i32>} : memref<128xi32, #tpu.memory_space<vmem>>, vector<16xi32>,
          } else {
          }
          %slice3A_420 = vector.extract_strided_slice %sub3A_178 {offsets = [14], sizes = [1], strides = [1]} : vector<16xi32> to vector<1xi32>
          %squeeze3A_421 = vector.extract %slice3A_420[0] : i32 from vector<1xi32>
          %slice3A_422 = vector.extract_strided_slice %add3A_252 {offsets = [14], sizes = [1], strides = [1]} : vector<16xi32> to vector<1xi32>
          %squeeze3A_423 = vector.extract %slice3A_422[0] : i32 from vector<1xi32>
          %add3A_424 = arith.addi %scan3A_157, %squeeze3A_423 : i32
          %sub3A_425 = arith.subi %add3A_424, %squeeze3A_421 : i32
          %eq3A_426 = arith.constant 1 : i32
          %eq3A_427 = arith.cmpi eq, %squeeze3A_421, %eq3A_426 : i32
          %convert_element_type3A_428 = arith.extui %eq3A_427 : i1 to i32
          %cond3A_429 = arith.constant 0 : i32
          %cond3A_430 = arith.cmpi ne, %convert_element_type3A_428, %cond3A_429 : i32
          scf.if %cond3A_430 {
            %broadcast_in_dim3A_442 = arith.constant 14 : i32
            %broadcast_in_dim3A_443 = vector.broadcast %broadcast_in_dim3A_442 : i32 to vector<16xi32>
            %lt3A_444 = arith.constant 0 : i32
            %lt3A_445 = vector.broadcast %lt3A_444 : i32 to vector<16xi32>
            %lt3A_446 = arith.cmpi slt, %broadcast_in_dim3A_443, %lt3A_445 : vector<16xi32>
            %add3A_447 = arith.constant 16 : i32
            %add3A_448 = vector.broadcast %add3A_447 : i32 to vector<16xi32>
            %add3A_449 = arith.addi %broadcast_in_dim3A_443, %add3A_448 : vector<16xi32>
            %select_n3A_450 = arith.select %lt3A_446, %add3A_449, %broadcast_in_dim3A_443 : vector<16xi1>, vector<16xi32>
            %broadcast_in_dim3A_451 = vector.shape_cast %select_n3A_450 : vector<16xi32> to vector<16x1xi32>
            %gather3A_452 = vector.shape_cast %broadcast_in_dim3A_451 : vector<16x1xi32> to vector<16xi32>
            %gather3A_453 = tpu.dynamic_gather %get3A_167[%gather3A_452] in [0] : vector<16xi32>, vector<16xi32> -> vector<16xi32>
            %lt3A_454 = arith.constant 0 : i32
            %lt3A_455 = vector.broadcast %lt3A_454 : i32 to vector<16xi32>
            %lt3A_456 = arith.cmpi slt, %broadcast_in_dim3A_443, %lt3A_455 : vector<16xi32>
            %add3A_457 = arith.constant 16 : i32
            %add3A_458 = vector.broadcast %add3A_457 : i32 to vector<16xi32>
            %add3A_459 = arith.addi %broadcast_in_dim3A_443, %add3A_458 : vector<16xi32>
            %select_n3A_460 = arith.select %lt3A_456, %add3A_459, %broadcast_in_dim3A_443 : vector<16xi1>, vector<16xi32>
            %broadcast_in_dim3A_461 = vector.shape_cast %select_n3A_460 : vector<16xi32> to vector<16x1xi32>
            %gather3A_462 = vector.shape_cast %broadcast_in_dim3A_461 : vector<16x1xi32> to vector<16xi32>
            %gather3A_463 = tpu.dynamic_gather %sub3A[%gather3A_462] in [0] : vector<16xi32>, vector<16xi32> -> vector<16xi32>
            %get3A_464 = arith.index_cast %sub3A_425 : i32 to index
            %get3A_465 = tpu.vector_load %arg10[%get3A_464] {strides = array<i32>} : memref<128xi32, #tpu.memory_space<vmem>>, vector<16xi32>,
            %get3A_466 = vector.shape_cast %get3A_465 : vector<16xi32> to vector<16xi32>
            %mul3A_467 = arith.muli %get3A_466, %min3A : vector<16xi32>
            %mul3A_468 = arith.muli %gather3A_453, %sub3A_266 : vector<16xi32>
            %add3A_469 = arith.addi %mul3A_467, %mul3A_468 : vector<16xi32>
            %swap3A_470 = arith.index_cast %sub3A_425 : i32 to index
            %swap3A_471 = tpu.vector_load %arg10[%swap3A_470] {strides = array<i32>} : memref<128xi32, #tpu.memory_space<vmem>>, vector<16xi32>,
            %swap3A_472 = vector.shape_cast %swap3A_471 : vector<16xi32> to vector<16xi32>
            %swap3A_473 = vector.shape_cast %add3A_469 : vector<16xi32> to vector<16xi32>
            tpu.vector_store %arg10[%swap3A_470], %swap3A_473 {strides = array<i32>} : memref<128xi32, #tpu.memory_space<vmem>>, vector<16xi32>,
            %get3A_474 = arith.index_cast %sub3A_425 : i32 to index
            %get3A_475 = tpu.vector_load %arg11[%get3A_474] {strides = array<i32>} : memref<128xi32, #tpu.memory_space<vmem>>, vector<16xi32>,
            %get3A_476 = vector.shape_cast %get3A_475 : vector<16xi32> to vector<16xi32>
            %mul3A_477 = arith.muli %get3A_476, %min3A : vector<16xi32>
            %mul3A_478 = arith.muli %gather3A_463, %sub3A_266 : vector<16xi32>
            %add3A_479 = arith.addi %mul3A_477, %mul3A_478 : vector<16xi32>
            %swap3A_480 = arith.index_cast %sub3A_425 : i32 to index
            %swap3A_481 = tpu.vector_load %arg11[%swap3A_480] {strides = array<i32>} : memref<128xi32, #tpu.memory_space<vmem>>, vector<16xi32>,
            %swap3A_482 = vector.shape_cast %swap3A_481 : vector<16xi32> to vector<16xi32>
            %swap3A_483 = vector.shape_cast %add3A_479 : vector<16xi32> to vector<16xi32>
            tpu.vector_store %arg11[%swap3A_480], %swap3A_483 {strides = array<i32>} : memref<128xi32, #tpu.memory_space<vmem>>, vector<16xi32>,
          } else {
          }
          %slice3A_431 = vector.extract_strided_slice %sub3A_178 {offsets = [15], sizes = [1], strides = [1]} : vector<16xi32> to vector<1xi32>
          %squeeze3A_432 = vector.extract %slice3A_431[0] : i32 from vector<1xi32>
          %slice3A_433 = vector.extract_strided_slice %add3A_252 {offsets = [15], sizes = [1], strides = [1]} : vector<16xi32> to vector<1xi32>
          %squeeze3A_434 = vector.extract %slice3A_433[0] : i32 from vector<1xi32>
          %add3A_435 = arith.addi %scan3A_157, %squeeze3A_434 : i32
          %sub3A_436 = arith.subi %add3A_435, %squeeze3A_432 : i32
          %eq3A_437 = arith.constant 1 : i32
          %eq3A_438 = arith.cmpi eq, %squeeze3A_432, %eq3A_437 : i32
          %convert_element_type3A_439 = arith.extui %eq3A_438 : i1 to i32
          %cond3A_440 = arith.constant 0 : i32
          %cond3A_441 = arith.cmpi ne, %convert_element_type3A_439, %cond3A_440 : i32
          scf.if %cond3A_441 {
            %broadcast_in_dim3A_442 = arith.constant 15 : i32
            %broadcast_in_dim3A_443 = vector.broadcast %broadcast_in_dim3A_442 : i32 to vector<16xi32>
            %lt3A_444 = arith.constant 0 : i32
            %lt3A_445 = vector.broadcast %lt3A_444 : i32 to vector<16xi32>
            %lt3A_446 = arith.cmpi slt, %broadcast_in_dim3A_443, %lt3A_445 : vector<16xi32>
            %add3A_447 = arith.constant 16 : i32
            %add3A_448 = vector.broadcast %add3A_447 : i32 to vector<16xi32>
            %add3A_449 = arith.addi %broadcast_in_dim3A_443, %add3A_448 : vector<16xi32>
            %select_n3A_450 = arith.select %lt3A_446, %add3A_449, %broadcast_in_dim3A_443 : vector<16xi1>, vector<16xi32>
            %broadcast_in_dim3A_451 = vector.shape_cast %select_n3A_450 : vector<16xi32> to vector<16x1xi32>
            %gather3A_452 = vector.shape_cast %broadcast_in_dim3A_451 : vector<16x1xi32> to vector<16xi32>
            %gather3A_453 = tpu.dynamic_gather %get3A_167[%gather3A_452] in [0] : vector<16xi32>, vector<16xi32> -> vector<16xi32>
            %lt3A_454 = arith.constant 0 : i32
            %lt3A_455 = vector.broadcast %lt3A_454 : i32 to vector<16xi32>
            %lt3A_456 = arith.cmpi slt, %broadcast_in_dim3A_443, %lt3A_455 : vector<16xi32>
            %add3A_457 = arith.constant 16 : i32
            %add3A_458 = vector.broadcast %add3A_457 : i32 to vector<16xi32>
            %add3A_459 = arith.addi %broadcast_in_dim3A_443, %add3A_458 : vector<16xi32>
            %select_n3A_460 = arith.select %lt3A_456, %add3A_459, %broadcast_in_dim3A_443 : vector<16xi1>, vector<16xi32>
            %broadcast_in_dim3A_461 = vector.shape_cast %select_n3A_460 : vector<16xi32> to vector<16x1xi32>
            %gather3A_462 = vector.shape_cast %broadcast_in_dim3A_461 : vector<16x1xi32> to vector<16xi32>
            %gather3A_463 = tpu.dynamic_gather %sub3A[%gather3A_462] in [0] : vector<16xi32>, vector<16xi32> -> vector<16xi32>
            %get3A_464 = arith.index_cast %sub3A_436 : i32 to index
            %get3A_465 = tpu.vector_load %arg10[%get3A_464] {strides = array<i32>} : memref<128xi32, #tpu.memory_space<vmem>>, vector<16xi32>,
            %get3A_466 = vector.shape_cast %get3A_465 : vector<16xi32> to vector<16xi32>
            %mul3A_467 = arith.muli %get3A_466, %min3A : vector<16xi32>
            %mul3A_468 = arith.muli %gather3A_453, %sub3A_266 : vector<16xi32>
            %add3A_469 = arith.addi %mul3A_467, %mul3A_468 : vector<16xi32>
            %swap3A_470 = arith.index_cast %sub3A_436 : i32 to index
            %swap3A_471 = tpu.vector_load %arg10[%swap3A_470] {strides = array<i32>} : memref<128xi32, #tpu.memory_space<vmem>>, vector<16xi32>,
            %swap3A_472 = vector.shape_cast %swap3A_471 : vector<16xi32> to vector<16xi32>
            %swap3A_473 = vector.shape_cast %add3A_469 : vector<16xi32> to vector<16xi32>
            tpu.vector_store %arg10[%swap3A_470], %swap3A_473 {strides = array<i32>} : memref<128xi32, #tpu.memory_space<vmem>>, vector<16xi32>,
            %get3A_474 = arith.index_cast %sub3A_436 : i32 to index
            %get3A_475 = tpu.vector_load %arg11[%get3A_474] {strides = array<i32>} : memref<128xi32, #tpu.memory_space<vmem>>, vector<16xi32>,
            %get3A_476 = vector.shape_cast %get3A_475 : vector<16xi32> to vector<16xi32>
            %mul3A_477 = arith.muli %get3A_476, %min3A : vector<16xi32>
            %mul3A_478 = arith.muli %gather3A_463, %sub3A_266 : vector<16xi32>
            %add3A_479 = arith.addi %mul3A_477, %mul3A_478 : vector<16xi32>
            %swap3A_480 = arith.index_cast %sub3A_436 : i32 to index
            %swap3A_481 = tpu.vector_load %arg11[%swap3A_480] {strides = array<i32>} : memref<128xi32, #tpu.memory_space<vmem>>, vector<16xi32>,
            %swap3A_482 = vector.shape_cast %swap3A_481 : vector<16xi32> to vector<16xi32>
            %swap3A_483 = vector.shape_cast %add3A_479 : vector<16xi32> to vector<16xi32>
            tpu.vector_store %arg11[%swap3A_480], %swap3A_483 {strides = array<i32>} : memref<128xi32, #tpu.memory_space<vmem>>, vector<16xi32>,
          } else {
          }
        } else {
        }
        %add3A_255 = arith.addi %scan3A_157, %squeeze3A : i32
        %ge3A = arith.constant 80 : i32
        %ge3A_256 = arith.cmpi sge, %add3A_255, %ge3A : i32
        %convert_element_type3A_257 = arith.extui %ge3A_256 : i1 to i32
        %cond3A_258 = arith.constant 0 : i32
        %cond3A_259 = arith.cmpi ne, %convert_element_type3A_257, %cond3A_258 : i32
        %cond3A_260:2 = scf.if %cond3A_259 -> (i32, i32) {
          %scan3A_261 = arith.constant 0 : i32
          %scan3A_262 = arith.constant 0 : i32
          %scan3A_263 = arith.constant 80 : i32
          %scan3A_264 = arith.addi %scan3A_262, %scan3A_263 : i32
          %scan3A_265 = arith.constant 1 : i32
          scf.for %scan3A_290 = %scan3A_262 to %scan3A_264 step %scan3A_265  : i32 {
            %get3A_291 = arith.index_cast %scan3A_290 : i32 to index
            %get3A_292 = tpu.vector_load %arg11[%get3A_291] {strides = array<i32>} : memref<128xi32, #tpu.memory_space<vmem>>, vector<16xi32>,
            %get3A_293 = vector.shape_cast %get3A_292 : vector<16xi32> to vector<16xi32>
            %slice3A_294 = vector.extract_strided_slice %get3A_293 {offsets = [0], sizes = [1], strides = [1]} : vector<16xi32> to vector<1xi32>
            %squeeze3A_295 = vector.extract %slice3A_294[0] : i32 from vector<1xi32>
            %mul3A_296 = arith.constant 16 : i32
            %mul3A_297 = arith.muli %squeeze3A_295, %mul3A_296 : i32
            %get3A_298 = arith.index_cast %mul3A_297 : i32 to index
            %get3A_299 = tpu.vector_load %arg14[%get3A_298] {strides = array<i32>} : memref<5120xf32, #tpu.memory_space<vmem>>, vector<16xf32>,
            %get3A_300 = vector.shape_cast %get3A_299 : vector<16xf32> to vector<16xf32>
            %broadcast_in_dim3A_301 = arith.constant 1.000000e+00 : f32
            %broadcast_in_dim3A_302 = vector.broadcast %broadcast_in_dim3A_301 : f32 to vector<16xf32>
            %add3A_303 = arith.addf %get3A_300, %broadcast_in_dim3A_302 : vector<16xf32>
            %mul3A_304 = arith.constant 16 : i32
            %mul3A_305 = arith.muli %squeeze3A_295, %mul3A_304 : i32
            %swap3A_306 = arith.index_cast %mul3A_305 : i32 to index
            %swap3A_307 = tpu.vector_load %arg14[%swap3A_306] {strides = array<i32>} : memref<5120xf32, #tpu.memory_space<vmem>>, vector<16xf32>,
            %swap3A_308 = vector.shape_cast %swap3A_307 : vector<16xf32> to vector<16xf32>
            %swap3A_309 = vector.shape_cast %add3A_303 : vector<16xf32> to vector<16xf32>
            tpu.vector_store %arg14[%swap3A_306], %swap3A_309 {strides = array<i32>} : memref<5120xf32, #tpu.memory_space<vmem>>, vector<16xf32>,
          }
          %scan3A_266 = arith.constant 80 : i32
          %mul3A_267 = arith.constant 320000 : i32
          %mul3A_268 = arith.muli %add3A, %mul3A_267 : i32
          %mul3A_269 = arith.constant 80 : i32
          %mul3A_270 = arith.muli %scan3A_158, %mul3A_269 : i32
          %add3A_271 = arith.addi %mul3A_268, %mul3A_270 : i32
          "tpu.region"() ({
            %run_scoped3A = tpu.sem_alloc : memref<!tpu.dma_semaphore, #tpu.memory_space<semaphore_mem>>
            %dma_start3A = arith.constant 0 : i32
            %dma_start3A_290 = tpu.memref_slice %arg10[%dma_start3A] : memref<128xi32, #tpu.memory_space<vmem>> -> memref<80xi32, #tpu.memory_space<vmem>>
            %dma_start3A_291 = tpu.memref_slice %arg4[%add3A_271] : memref<10240000xi32, #tpu.memory_space<hbm>> -> memref<80xi32, #tpu.memory_space<hbm>>
            %dma_start3A_292 = tpu.memref_slice %arg4[%add3A_271] : memref<10240000xi32, #tpu.memory_space<hbm>> -> memref<80xi32, #tpu.memory_space<hbm>>
            %dma_start3A_293 = arith.constant 0 : i32
            %dma_start3A_294 = tpu.memref_slice %arg10[%dma_start3A_293] : memref<128xi32, #tpu.memory_space<vmem>> -> memref<80xi32, #tpu.memory_space<vmem>>
            tpu.enqueue_dma source(%dma_start3A_294 : memref<80xi32, #tpu.memory_space<vmem>>) target(%dma_start3A_292 : memref<80xi32, #tpu.memory_space<hbm>>) target_semaphore(%run_scoped3A : memref<!tpu.dma_semaphore, #tpu.memory_space<semaphore_mem>>)
            %dma_wait3A = arith.constant 0 : i32
            %dma_wait3A_295 = tpu.memref_slice %arg10[%dma_wait3A] : memref<128xi32, #tpu.memory_space<vmem>> -> memref<80xi32, #tpu.memory_space<vmem>>
            %dma_wait3A_296 = tpu.memref_slice %arg4[%add3A_271] : memref<10240000xi32, #tpu.memory_space<hbm>> -> memref<80xi32, #tpu.memory_space<hbm>>
            %dma_wait3A_297 = tpu.memref_slice %arg4[%add3A_271] : memref<10240000xi32, #tpu.memory_space<hbm>> -> memref<80xi32, #tpu.memory_space<hbm>>
            %dma_wait3A_298 = arith.constant 0 : i32
            %dma_wait3A_299 = tpu.memref_slice %arg10[%dma_wait3A_298] : memref<128xi32, #tpu.memory_space<vmem>> -> memref<80xi32, #tpu.memory_space<vmem>>
            tpu.wait_dma2 semaphore(%run_scoped3A : memref<!tpu.dma_semaphore, #tpu.memory_space<semaphore_mem>>) src(%dma_wait3A_299 : memref<80xi32, #tpu.memory_space<vmem>>) dst(%dma_wait3A_297 : memref<80xi32, #tpu.memory_space<hbm>>)
            tpu.yield
          }) : () -> ()
          "tpu.region"() ({
            %run_scoped3A = tpu.sem_alloc : memref<!tpu.dma_semaphore, #tpu.memory_space<semaphore_mem>>
            %dma_start3A = arith.constant 0 : i32
            %dma_start3A_290 = tpu.memref_slice %arg11[%dma_start3A] : memref<128xi32, #tpu.memory_space<vmem>> -> memref<80xi32, #tpu.memory_space<vmem>>
            %dma_start3A_291 = tpu.memref_slice %arg5[%add3A_271] : memref<10240000xi32, #tpu.memory_space<hbm>> -> memref<80xi32, #tpu.memory_space<hbm>>
            %dma_start3A_292 = tpu.memref_slice %arg5[%add3A_271] : memref<10240000xi32, #tpu.memory_space<hbm>> -> memref<80xi32, #tpu.memory_space<hbm>>
            %dma_start3A_293 = arith.constant 0 : i32
            %dma_start3A_294 = tpu.memref_slice %arg11[%dma_start3A_293] : memref<128xi32, #tpu.memory_space<vmem>> -> memref<80xi32, #tpu.memory_space<vmem>>
            tpu.enqueue_dma source(%dma_start3A_294 : memref<80xi32, #tpu.memory_space<vmem>>) target(%dma_start3A_292 : memref<80xi32, #tpu.memory_space<hbm>>) target_semaphore(%run_scoped3A : memref<!tpu.dma_semaphore, #tpu.memory_space<semaphore_mem>>)
            %dma_wait3A = arith.constant 0 : i32
            %dma_wait3A_295 = tpu.memref_slice %arg11[%dma_wait3A] : memref<128xi32, #tpu.memory_space<vmem>> -> memref<80xi32, #tpu.memory_space<vmem>>
            %dma_wait3A_296 = tpu.memref_slice %arg5[%add3A_271] : memref<10240000xi32, #tpu.memory_space<hbm>> -> memref<80xi32, #tpu.memory_space<hbm>>
            %dma_wait3A_297 = tpu.memref_slice %arg5[%add3A_271] : memref<10240000xi32, #tpu.memory_space<hbm>> -> memref<80xi32, #tpu.memory_space<hbm>>
            %dma_wait3A_298 = arith.constant 0 : i32
            %dma_wait3A_299 = tpu.memref_slice %arg11[%dma_wait3A_298] : memref<128xi32, #tpu.memory_space<vmem>> -> memref<80xi32, #tpu.memory_space<vmem>>
            tpu.wait_dma2 semaphore(%run_scoped3A : memref<!tpu.dma_semaphore, #tpu.memory_space<semaphore_mem>>) src(%dma_wait3A_299 : memref<80xi32, #tpu.memory_space<vmem>>) dst(%dma_wait3A_297 : memref<80xi32, #tpu.memory_space<hbm>>)
            tpu.yield
          }) : () -> ()
          %get3A_272 = arith.constant 80 : index
          %get3A_273 = tpu.vector_load %arg10[%get3A_272] {strides = array<i32>} : memref<128xi32, #tpu.memory_space<vmem>>, vector<16xi32>,
          %get3A_274 = vector.shape_cast %get3A_273 : vector<16xi32> to vector<16xi32>
          %get3A_275 = arith.constant 80 : index
          %get3A_276 = tpu.vector_load %arg11[%get3A_275] {strides = array<i32>} : memref<128xi32, #tpu.memory_space<vmem>>, vector<16xi32>,
          %get3A_277 = vector.shape_cast %get3A_276 : vector<16xi32> to vector<16xi32>
          %swap3A_278 = arith.constant 0 : index
          %swap3A_279 = tpu.vector_load %arg10[%swap3A_278] {strides = array<i32>} : memref<128xi32, #tpu.memory_space<vmem>>, vector<16xi32>,
          %swap3A_280 = vector.shape_cast %swap3A_279 : vector<16xi32> to vector<16xi32>
          %swap3A_281 = vector.shape_cast %get3A_274 : vector<16xi32> to vector<16xi32>
          tpu.vector_store %arg10[%swap3A_278], %swap3A_281 {strides = array<i32>} : memref<128xi32, #tpu.memory_space<vmem>>, vector<16xi32>,
          %swap3A_282 = arith.constant 0 : index
          %swap3A_283 = tpu.vector_load %arg11[%swap3A_282] {strides = array<i32>} : memref<128xi32, #tpu.memory_space<vmem>>, vector<16xi32>,
          %swap3A_284 = vector.shape_cast %swap3A_283 : vector<16xi32> to vector<16xi32>
          %swap3A_285 = vector.shape_cast %get3A_277 : vector<16xi32> to vector<16xi32>
          tpu.vector_store %arg11[%swap3A_282], %swap3A_285 {strides = array<i32>} : memref<128xi32, #tpu.memory_space<vmem>>, vector<16xi32>,
          %sub3A_286 = arith.constant 80 : i32
          %sub3A_287 = arith.subi %add3A_255, %sub3A_286 : i32
          %add3A_288 = arith.constant 1 : i32
          %add3A_289 = arith.addi %scan3A_158, %add3A_288 : i32
          scf.yield %sub3A_287, %add3A_289 : i32, i32
        } else {
          scf.yield %add3A_255, %scan3A_158 : i32, i32
        }
        scf.yield %cond3A_260#0, %cond3A_260#1 : i32, i32
      }
      %scan3A_155 = arith.constant 125 : i32
      scf.yield %scan3A_154#0, %scan3A_154#1 : i32, i32
    }
    %scan3A_114 = arith.constant 160 : i32
    %while3A = arith.constant 0 : i32
    %while3A_115 = arith.constant 0 : i32
    %while3A_116 = arith.subi %scan3A_113#0, %while3A_115 : i32
    %while3A_117 = arith.addi %while3A_115, %while3A_116 : i32
    %while3A_118 = arith.constant 1 : i32
    %while3A_119 = arith.divsi %while3A_116, %while3A_118 : i32
    %while3A_120 = arith.muli %while3A_119, %while3A_118 : i32
    %while3A_121 = arith.addi %while3A_115, %while3A_120 : i32
    %while3A_122 = arith.constant 1 : i32
    scf.for %while3A_143 = %while3A_115 to %while3A_121 step %while3A_122  : i32 {
      %get3A = arith.index_cast %while3A_143 : i32 to index
      %get3A_144 = tpu.vector_load %arg11[%get3A] {strides = array<i32>} : memref<128xi32, #tpu.memory_space<vmem>>, vector<16xi32>,
      %get3A_145 = vector.shape_cast %get3A_144 : vector<16xi32> to vector<16xi32>
      %slice3A = vector.extract_strided_slice %get3A_145 {offsets = [0], sizes = [1], strides = [1]} : vector<16xi32> to vector<1xi32>
      %squeeze3A = vector.extract %slice3A[0] : i32 from vector<1xi32>
      %mul3A_146 = arith.constant 16 : i32
      %mul3A_147 = arith.muli %squeeze3A, %mul3A_146 : i32
      %get3A_148 = arith.index_cast %mul3A_147 : i32 to index
      %get3A_149 = tpu.vector_load %arg14[%get3A_148] {strides = array<i32>} : memref<5120xf32, #tpu.memory_space<vmem>>, vector<16xf32>,
      %get3A_150 = vector.shape_cast %get3A_149 : vector<16xf32> to vector<16xf32>
      %broadcast_in_dim3A_151 = arith.constant 1.000000e+00 : f32
      %broadcast_in_dim3A_152 = vector.broadcast %broadcast_in_dim3A_151 : f32 to vector<16xf32>
      %add3A_153 = arith.addf %get3A_150, %broadcast_in_dim3A_152 : vector<16xf32>
      %mul3A_154 = arith.constant 16 : i32
      %mul3A_155 = arith.muli %squeeze3A, %mul3A_154 : i32
      %swap3A_156 = arith.index_cast %mul3A_155 : i32 to index
      %swap3A_157 = tpu.vector_load %arg14[%swap3A_156] {strides = array<i32>} : memref<5120xf32, #tpu.memory_space<vmem>>, vector<16xf32>,
      %swap3A_158 = vector.shape_cast %swap3A_157 : vector<16xf32> to vector<16xf32>
      %swap3A_159 = vector.shape_cast %add3A_153 : vector<16xf32> to vector<16xf32>
      tpu.vector_store %arg14[%swap3A_156], %swap3A_159 {strides = array<i32>} : memref<5120xf32, #tpu.memory_space<vmem>>, vector<16xf32>,
    }
    %while3A_123 = arith.constant 1 : i32
    scf.for %while3A_143 = %while3A_121 to %while3A_117 step %while3A_123  : i32 {
      %get3A = arith.index_cast %while3A_143 : i32 to index
      %get3A_144 = tpu.vector_load %arg11[%get3A] {strides = array<i32>} : memref<128xi32, #tpu.memory_space<vmem>>, vector<16xi32>,
      %get3A_145 = vector.shape_cast %get3A_144 : vector<16xi32> to vector<16xi32>
      %slice3A = vector.extract_strided_slice %get3A_145 {offsets = [0], sizes = [1], strides = [1]} : vector<16xi32> to vector<1xi32>
      %squeeze3A = vector.extract %slice3A[0] : i32 from vector<1xi32>
      %mul3A_146 = arith.constant 16 : i32
      %mul3A_147 = arith.muli %squeeze3A, %mul3A_146 : i32
      %get3A_148 = arith.index_cast %mul3A_147 : i32 to index
      %get3A_149 = tpu.vector_load %arg14[%get3A_148] {strides = array<i32>} : memref<5120xf32, #tpu.memory_space<vmem>>, vector<16xf32>,
      %get3A_150 = vector.shape_cast %get3A_149 : vector<16xf32> to vector<16xf32>
      %broadcast_in_dim3A_151 = arith.constant 1.000000e+00 : f32
      %broadcast_in_dim3A_152 = vector.broadcast %broadcast_in_dim3A_151 : f32 to vector<16xf32>
      %add3A_153 = arith.addf %get3A_150, %broadcast_in_dim3A_152 : vector<16xf32>
      %mul3A_154 = arith.constant 16 : i32
      %mul3A_155 = arith.muli %squeeze3A, %mul3A_154 : i32
      %swap3A_156 = arith.index_cast %mul3A_155 : i32 to index
      %swap3A_157 = tpu.vector_load %arg14[%swap3A_156] {strides = array<i32>} : memref<5120xf32, #tpu.memory_space<vmem>>, vector<16xf32>,
      %swap3A_158 = vector.shape_cast %swap3A_157 : vector<16xf32> to vector<16xf32>
      %swap3A_159 = vector.shape_cast %add3A_153 : vector<16xf32> to vector<16xf32>
      tpu.vector_store %arg14[%swap3A_156], %swap3A_159 {strides = array<i32>} : memref<5120xf32, #tpu.memory_space<vmem>>, vector<16xf32>,
    }
    %mul3A_124 = arith.constant 320000 : i32
    %mul3A_125 = arith.muli %add3A, %mul3A_124 : i32
    %mul3A_126 = arith.constant 80 : i32
    %mul3A_127 = arith.muli %scan3A_113#1, %mul3A_126 : i32
    %add3A_128 = arith.addi %mul3A_125, %mul3A_127 : i32
    "tpu.region"() ({
      %run_scoped3A = tpu.sem_alloc : memref<!tpu.dma_semaphore, #tpu.memory_space<semaphore_mem>>
      %dma_start3A = arith.constant 0 : i32
      %dma_start3A_143 = tpu.memref_slice %arg10[%dma_start3A] : memref<128xi32, #tpu.memory_space<vmem>> -> memref<80xi32, #tpu.memory_space<vmem>>
      %dma_start3A_144 = tpu.memref_slice %arg4[%add3A_128] : memref<10240000xi32, #tpu.memory_space<hbm>> -> memref<80xi32, #tpu.memory_space<hbm>>
      %dma_start3A_145 = tpu.memref_slice %arg4[%add3A_128] : memref<10240000xi32, #tpu.memory_space<hbm>> -> memref<80xi32, #tpu.memory_space<hbm>>
      %dma_start3A_146 = arith.constant 0 : i32
      %dma_start3A_147 = tpu.memref_slice %arg10[%dma_start3A_146] : memref<128xi32, #tpu.memory_space<vmem>> -> memref<80xi32, #tpu.memory_space<vmem>>
      tpu.enqueue_dma source(%dma_start3A_147 : memref<80xi32, #tpu.memory_space<vmem>>) target(%dma_start3A_145 : memref<80xi32, #tpu.memory_space<hbm>>) target_semaphore(%run_scoped3A : memref<!tpu.dma_semaphore, #tpu.memory_space<semaphore_mem>>)
      %dma_wait3A = arith.constant 0 : i32
      %dma_wait3A_148 = tpu.memref_slice %arg10[%dma_wait3A] : memref<128xi32, #tpu.memory_space<vmem>> -> memref<80xi32, #tpu.memory_space<vmem>>
      %dma_wait3A_149 = tpu.memref_slice %arg4[%add3A_128] : memref<10240000xi32, #tpu.memory_space<hbm>> -> memref<80xi32, #tpu.memory_space<hbm>>
      %dma_wait3A_150 = tpu.memref_slice %arg4[%add3A_128] : memref<10240000xi32, #tpu.memory_space<hbm>> -> memref<80xi32, #tpu.memory_space<hbm>>
      %dma_wait3A_151 = arith.constant 0 : i32
      %dma_wait3A_152 = tpu.memref_slice %arg10[%dma_wait3A_151] : memref<128xi32, #tpu.memory_space<vmem>> -> memref<80xi32, #tpu.memory_space<vmem>>
      tpu.wait_dma2 semaphore(%run_scoped3A : memref<!tpu.dma_semaphore, #tpu.memory_space<semaphore_mem>>) src(%dma_wait3A_152 : memref<80xi32, #tpu.memory_space<vmem>>) dst(%dma_wait3A_150 : memref<80xi32, #tpu.memory_space<hbm>>)
      tpu.yield
    }) : () -> ()
    "tpu.region"() ({
      %run_scoped3A = tpu.sem_alloc : memref<!tpu.dma_semaphore, #tpu.memory_space<semaphore_mem>>
      %dma_start3A = arith.constant 0 : i32
      %dma_start3A_143 = tpu.memref_slice %arg11[%dma_start3A] : memref<128xi32, #tpu.memory_space<vmem>> -> memref<80xi32, #tpu.memory_space<vmem>>
      %dma_start3A_144 = tpu.memref_slice %arg5[%add3A_128] : memref<10240000xi32, #tpu.memory_space<hbm>> -> memref<80xi32, #tpu.memory_space<hbm>>
      %dma_start3A_145 = tpu.memref_slice %arg5[%add3A_128] : memref<10240000xi32, #tpu.memory_space<hbm>> -> memref<80xi32, #tpu.memory_space<hbm>>
      %dma_start3A_146 = arith.constant 0 : i32
      %dma_start3A_147 = tpu.memref_slice %arg11[%dma_start3A_146] : memref<128xi32, #tpu.memory_space<vmem>> -> memref<80xi32, #tpu.memory_space<vmem>>
      tpu.enqueue_dma source(%dma_start3A_147 : memref<80xi32, #tpu.memory_space<vmem>>) target(%dma_start3A_145 : memref<80xi32, #tpu.memory_space<hbm>>) target_semaphore(%run_scoped3A : memref<!tpu.dma_semaphore, #tpu.memory_space<semaphore_mem>>)
      %dma_wait3A = arith.constant 0 : i32
      %dma_wait3A_148 = tpu.memref_slice %arg11[%dma_wait3A] : memref<128xi32, #tpu.memory_space<vmem>> -> memref<80xi32, #tpu.memory_space<vmem>>
      %dma_wait3A_149 = tpu.memref_slice %arg5[%add3A_128] : memref<10240000xi32, #tpu.memory_space<hbm>> -> memref<80xi32, #tpu.memory_space<hbm>>
      %dma_wait3A_150 = tpu.memref_slice %arg5[%add3A_128] : memref<10240000xi32, #tpu.memory_space<hbm>> -> memref<80xi32, #tpu.memory_space<hbm>>
      %dma_wait3A_151 = arith.constant 0 : i32
      %dma_wait3A_152 = tpu.memref_slice %arg11[%dma_wait3A_151] : memref<128xi32, #tpu.memory_space<vmem>> -> memref<80xi32, #tpu.memory_space<vmem>>
      tpu.wait_dma2 semaphore(%run_scoped3A : memref<!tpu.dma_semaphore, #tpu.memory_space<semaphore_mem>>) src(%dma_wait3A_152 : memref<80xi32, #tpu.memory_space<vmem>>) dst(%dma_wait3A_150 : memref<80xi32, #tpu.memory_space<hbm>>)
      tpu.yield
    }) : () -> ()
    %mul3A_129 = arith.constant 80 : i32
    %mul3A_130 = arith.muli %scan3A_113#1, %mul3A_129 : i32
    %add3A_131 = arith.addi %mul3A_130, %scan3A_113#0 : i32
    %broadcast_in_dim3A_132 = vector.broadcast %add3A_131 : i32 to vector<16xi32>
    %swap3A_133 = arith.constant 0 : index
    %swap3A_134 = tpu.vector_load %arg13[%swap3A_133] {strides = array<i32>} : memref<16xi32, #tpu.memory_space<vmem>>, vector<16xi32>,
    %swap3A_135 = vector.shape_cast %swap3A_134 : vector<16xi32> to vector<16xi32>
    %swap3A_136 = vector.shape_cast %broadcast_in_dim3A_132 : vector<16xi32> to vector<16xi32>
    tpu.vector_store %arg13[%swap3A_133], %swap3A_136 {strides = array<i32>} : memref<16xi32, #tpu.memory_space<vmem>>, vector<16xi32>,
    %mul3A_137 = arith.constant 16 : i32
    %mul3A_138 = arith.muli %add3A, %mul3A_137 : i32
    "tpu.region"() ({
      %run_scoped3A = tpu.sem_alloc : memref<!tpu.dma_semaphore, #tpu.memory_space<semaphore_mem>>
      %dma_start3A = tpu.memref_slice %arg6[%mul3A_138] : memref<512xi32, #tpu.memory_space<hbm>> -> memref<16xi32, #tpu.memory_space<hbm>>
      %dma_start3A_143 = tpu.memref_slice %arg6[%mul3A_138] : memref<512xi32, #tpu.memory_space<hbm>> -> memref<16xi32, #tpu.memory_space<hbm>>
      tpu.enqueue_dma source(%arg13 : memref<16xi32, #tpu.memory_space<vmem>>) target(%dma_start3A_143 : memref<16xi32, #tpu.memory_space<hbm>>) target_semaphore(%run_scoped3A : memref<!tpu.dma_semaphore, #tpu.memory_space<semaphore_mem>>)
      %dma_wait3A = tpu.memref_slice %arg6[%mul3A_138] : memref<512xi32, #tpu.memory_space<hbm>> -> memref<16xi32, #tpu.memory_space<hbm>>
      %dma_wait3A_144 = tpu.memref_slice %arg6[%mul3A_138] : memref<512xi32, #tpu.memory_space<hbm>> -> memref<16xi32, #tpu.memory_space<hbm>>
      tpu.wait_dma2 semaphore(%run_scoped3A : memref<!tpu.dma_semaphore, #tpu.memory_space<semaphore_mem>>) src(%arg13 : memref<16xi32, #tpu.memory_space<vmem>>) dst(%dma_wait3A_144 : memref<16xi32, #tpu.memory_space<hbm>>)
      tpu.yield
    }) : () -> ()
    %mul3A_139 = arith.constant 320 : i32
    %mul3A_140 = arith.muli %add3A, %mul3A_139 : i32
    %mul3A_141 = arith.constant 16 : i32
    %mul3A_142 = arith.muli %mul3A_140, %mul3A_141 : i32
    "tpu.region"() ({
      %run_scoped3A = tpu.sem_alloc : memref<!tpu.dma_semaphore, #tpu.memory_space<semaphore_mem>>
      %dma_start3A = tpu.memref_slice %arg7[%mul3A_142] : memref<163840xf32, #tpu.memory_space<hbm>> -> memref<5120xf32, #tpu.memory_space<hbm>>
      %dma_start3A_143 = tpu.memref_slice %arg7[%mul3A_142] : memref<163840xf32, #tpu.memory_space<hbm>> -> memref<5120xf32, #tpu.memory_space<hbm>>
      tpu.enqueue_dma source(%arg14 : memref<5120xf32, #tpu.memory_space<vmem>>) target(%dma_start3A_143 : memref<5120xf32, #tpu.memory_space<hbm>>) target_semaphore(%run_scoped3A : memref<!tpu.dma_semaphore, #tpu.memory_space<semaphore_mem>>)
      %dma_wait3A = tpu.memref_slice %arg7[%mul3A_142] : memref<163840xf32, #tpu.memory_space<hbm>> -> memref<5120xf32, #tpu.memory_space<hbm>>
      %dma_wait3A_144 = tpu.memref_slice %arg7[%mul3A_142] : memref<163840xf32, #tpu.memory_space<hbm>> -> memref<5120xf32, #tpu.memory_space<hbm>>
      tpu.wait_dma2 semaphore(%run_scoped3A : memref<!tpu.dma_semaphore, #tpu.memory_space<semaphore_mem>>) src(%arg14 : memref<5120xf32, #tpu.memory_space<vmem>>) dst(%dma_wait3A_144 : memref<5120xf32, #tpu.memory_space<hbm>>)
      tpu.yield
    }) : () -> ()
    return
  }
}

#map = affine_map<(d0, d1) -> (0, 0)>
#map1 = affine_map<(d0, d1) -> (0)>
module attributes {stable_mosaic.version = 14 : i64} {
  func.func @agg_kernel(%arg0: i32, %arg1: i32, %arg2: memref<10000x128xf32, #tpu.memory_space<hbm>>, %arg3: memref<10240000xi32, #tpu.memory_space<hbm>>, %arg4: memref<10240000xi32, #tpu.memory_space<hbm>>, %arg5: memref<512xi32, #tpu.memory_space<hbm>>, %arg6: memref<1310720xf32, #tpu.memory_space<hbm>>, %arg7: memref<80xi32, #tpu.memory_space<vmem>>, %arg8: memref<96xi32, #tpu.memory_space<vmem>>, %arg9: memref<16xi32, #tpu.memory_space<vmem>>, %arg10: memref<80x128xf32, #tpu.memory_space<vmem>>, %arg11: memref<40960xf32, #tpu.memory_space<vmem>>, %arg12: memref<!tpu.dma_semaphore, #tpu.memory_space<semaphore_mem>>) attributes {dimension_semantics = [#tpu.dimension_semantics<core_parallel>, #tpu.dimension_semantics<subcore_parallel>], iteration_bounds = array<i64: 2, 16>, scalar_prefetch = 0 : i64, scratch_operands = 6 : i64, tpu.core_type = #tpu.core_type<sc_vector_subcore>, window_params = [{transform_indices = #map}, {transform_indices = #map1}, {transform_indices = #map1}, {transform_indices = #map1}, {transform_indices = #map1}]} {
    %mul3A = arith.constant 2 : i32
    %mul3A_0 = arith.muli %arg1, %mul3A : i32
    %add3A = arith.addi %mul3A_0, %arg0 : i32
    %scan3A = arith.constant 0 : i32
    %scan3A_1 = arith.constant 0 : i32
    %scan3A_2 = arith.constant 2560 : i32
    %scan3A_3 = arith.addi %scan3A_1, %scan3A_2 : i32
    %scan3A_4 = arith.constant 1 : i32
    scf.for %scan3A_43 = %scan3A_1 to %scan3A_3 step %scan3A_4  : i32 {
      %broadcast_in_dim3A = arith.constant 0.000000e+00 : f32
      %broadcast_in_dim3A_44 = vector.broadcast %broadcast_in_dim3A : f32 to vector<16xf32>
      %mul3A_45 = arith.constant 16 : i32
      %mul3A_46 = arith.muli %scan3A_43, %mul3A_45 : i32
      %swap3A = arith.index_cast %mul3A_46 : i32 to index
      %swap3A_47 = tpu.vector_load %arg11[%swap3A] {strides = array<i32>} : memref<40960xf32, #tpu.memory_space<vmem>>, vector<16xf32>,
      %swap3A_48 = vector.shape_cast %swap3A_47 : vector<16xf32> to vector<16xf32>
      %swap3A_49 = vector.shape_cast %broadcast_in_dim3A_44 : vector<16xf32> to vector<16xf32>
      tpu.vector_store %arg11[%swap3A], %swap3A_49 {strides = array<i32>} : memref<40960xf32, #tpu.memory_space<vmem>>, vector<16xf32>,
    }
    %scan3A_5 = arith.constant 2560 : i32
    %mul3A_6 = arith.constant 16 : i32
    %mul3A_7 = arith.muli %add3A, %mul3A_6 : i32
    "tpu.region"() ({
      %run_scoped3A = tpu.sem_alloc : memref<!tpu.dma_semaphore, #tpu.memory_space<semaphore_mem>>
      %dma_start3A = tpu.memref_slice %arg5[%mul3A_7] : memref<512xi32, #tpu.memory_space<hbm>> -> memref<16xi32, #tpu.memory_space<hbm>>
      %dma_start3A_43 = tpu.memref_slice %arg5[%mul3A_7] : memref<512xi32, #tpu.memory_space<hbm>> -> memref<16xi32, #tpu.memory_space<hbm>>
      tpu.enqueue_dma source(%dma_start3A_43 : memref<16xi32, #tpu.memory_space<hbm>>) target(%arg9 : memref<16xi32, #tpu.memory_space<vmem>>) target_semaphore(%run_scoped3A : memref<!tpu.dma_semaphore, #tpu.memory_space<semaphore_mem>>)
      %dma_wait3A = tpu.memref_slice %arg5[%mul3A_7] : memref<512xi32, #tpu.memory_space<hbm>> -> memref<16xi32, #tpu.memory_space<hbm>>
      %dma_wait3A_44 = tpu.memref_slice %arg5[%mul3A_7] : memref<512xi32, #tpu.memory_space<hbm>> -> memref<16xi32, #tpu.memory_space<hbm>>
      tpu.wait_dma2 semaphore(%run_scoped3A : memref<!tpu.dma_semaphore, #tpu.memory_space<semaphore_mem>>) src(%dma_wait3A_44 : memref<16xi32, #tpu.memory_space<hbm>>) dst(%arg9 : memref<16xi32, #tpu.memory_space<vmem>>)
      tpu.yield
    }) : () -> ()
    %get3A = arith.constant 0 : index
    %get3A_8 = tpu.vector_load %arg9[%get3A] {strides = array<i32>} : memref<16xi32, #tpu.memory_space<vmem>>, vector<16xi32>,
    %get3A_9 = vector.shape_cast %get3A_8 : vector<16xi32> to vector<16xi32>
    %slice3A = vector.extract_strided_slice %get3A_9 {offsets = [0], sizes = [1], strides = [1]} : vector<16xi32> to vector<1xi32>
    %squeeze3A = vector.extract %slice3A[0] : i32 from vector<1xi32>
    %add3A_10 = arith.constant 80 : i32
    %add3A_11 = arith.addi %squeeze3A, %add3A_10 : i32
    %sub3A = arith.constant 1 : i32
    %sub3A_12 = arith.subi %add3A_11, %sub3A : i32
    %jit3A = arith.constant 80 : i32
    %div3A = arith.divsi %sub3A_12, %jit3A : i32
    %sign3A = arith.constant 0 : i32
    %sign3A_13 = arith.cmpi sgt, %sub3A_12, %sign3A : i32
    %sign3A_14 = arith.extui %sign3A_13 : i1 to i32
    %sign3A_15 = arith.constant 0 : i32
    %sign3A_16 = arith.cmpi slt, %sub3A_12, %sign3A_15 : i32
    %sign3A_17 = arith.extui %sign3A_16 : i1 to i32
    %sign3A_18 = arith.subi %sign3A_14, %sign3A_17 : i32
    %sign3A_19 = arith.constant 0 : i32
    %sign3A_20 = arith.cmpi sgt, %jit3A, %sign3A_19 : i32
    %sign3A_21 = arith.extui %sign3A_20 : i1 to i32
    %sign3A_22 = arith.constant 0 : i32
    %sign3A_23 = arith.cmpi slt, %jit3A, %sign3A_22 : i32
    %sign3A_24 = arith.extui %sign3A_23 : i1 to i32
    %sign3A_25 = arith.subi %sign3A_21, %sign3A_24 : i32
    %ne3A = arith.cmpi ne, %sign3A_18, %sign3A_25 : i32
    %rem3A = arith.remsi %sub3A_12, %jit3A : i32
    %ne3A_26 = arith.constant 0 : i32
    %ne3A_27 = arith.cmpi ne, %rem3A, %ne3A_26 : i32
    %and3A = arith.andi %ne3A, %ne3A_27 : i1
    %sub3A_28 = arith.constant 1 : i32
    %sub3A_29 = arith.subi %div3A, %sub3A_28 : i32
    %select_n3A = arith.select %and3A, %sub3A_29, %div3A : i32
    %while3A = arith.constant 0 : i32
    %while3A_30 = arith.constant 0 : i32
    %while3A_31 = arith.subi %select_n3A, %while3A_30 : i32
    %while3A_32 = arith.addi %while3A_30, %while3A_31 : i32
    %while3A_33 = arith.constant 1 : i32
    %while3A_34 = arith.divsi %while3A_31, %while3A_33 : i32
    %while3A_35 = arith.muli %while3A_34, %while3A_33 : i32
    %while3A_36 = arith.addi %while3A_30, %while3A_35 : i32
    %while3A_37 = arith.constant 1 : i32
    scf.for %while3A_43 = %while3A_30 to %while3A_36 step %while3A_37  : i32 {
      %mul3A_44 = arith.constant 320000 : i32
      %mul3A_45 = arith.muli %add3A, %mul3A_44 : i32
      %mul3A_46 = arith.constant 80 : i32
      %mul3A_47 = arith.muli %while3A_43, %mul3A_46 : i32
      %add3A_48 = arith.addi %mul3A_45, %mul3A_47 : i32
      "tpu.region"() ({
        %run_scoped3A = tpu.sem_alloc : memref<!tpu.dma_semaphore, #tpu.memory_space<semaphore_mem>>
        %dma_start3A_67 = tpu.memref_slice %arg3[%add3A_48] : memref<10240000xi32, #tpu.memory_space<hbm>> -> memref<80xi32, #tpu.memory_space<hbm>>
        %dma_start3A_68 = tpu.memref_slice %arg3[%add3A_48] : memref<10240000xi32, #tpu.memory_space<hbm>> -> memref<80xi32, #tpu.memory_space<hbm>>
        tpu.enqueue_dma source(%dma_start3A_68 : memref<80xi32, #tpu.memory_space<hbm>>) target(%arg7 : memref<80xi32, #tpu.memory_space<vmem>>) target_semaphore(%run_scoped3A : memref<!tpu.dma_semaphore, #tpu.memory_space<semaphore_mem>>)
        %dma_wait3A_69 = tpu.memref_slice %arg3[%add3A_48] : memref<10240000xi32, #tpu.memory_space<hbm>> -> memref<80xi32, #tpu.memory_space<hbm>>
        %dma_wait3A_70 = tpu.memref_slice %arg3[%add3A_48] : memref<10240000xi32, #tpu.memory_space<hbm>> -> memref<80xi32, #tpu.memory_space<hbm>>
        tpu.wait_dma2 semaphore(%run_scoped3A : memref<!tpu.dma_semaphore, #tpu.memory_space<semaphore_mem>>) src(%dma_wait3A_70 : memref<80xi32, #tpu.memory_space<hbm>>) dst(%arg7 : memref<80xi32, #tpu.memory_space<vmem>>)
        tpu.yield
      }) : () -> ()
      "tpu.region"() ({
        %run_scoped3A = tpu.sem_alloc : memref<!tpu.dma_semaphore, #tpu.memory_space<semaphore_mem>>
        %dma_start3A_67 = arith.constant 0 : i32
        %dma_start3A_68 = tpu.memref_slice %arg8[%dma_start3A_67] : memref<96xi32, #tpu.memory_space<vmem>> -> memref<80xi32, #tpu.memory_space<vmem>>
        %dma_start3A_69 = tpu.memref_slice %arg4[%add3A_48] : memref<10240000xi32, #tpu.memory_space<hbm>> -> memref<80xi32, #tpu.memory_space<hbm>>
        %dma_start3A_70 = arith.constant 0 : i32
        %dma_start3A_71 = tpu.memref_slice %arg8[%dma_start3A_70] : memref<96xi32, #tpu.memory_space<vmem>> -> memref<80xi32, #tpu.memory_space<vmem>>
        %dma_start3A_72 = tpu.memref_slice %arg4[%add3A_48] : memref<10240000xi32, #tpu.memory_space<hbm>> -> memref<80xi32, #tpu.memory_space<hbm>>
        tpu.enqueue_dma source(%dma_start3A_72 : memref<80xi32, #tpu.memory_space<hbm>>) target(%dma_start3A_71 : memref<80xi32, #tpu.memory_space<vmem>>) target_semaphore(%run_scoped3A : memref<!tpu.dma_semaphore, #tpu.memory_space<semaphore_mem>>)
        %dma_wait3A_73 = arith.constant 0 : i32
        %dma_wait3A_74 = tpu.memref_slice %arg8[%dma_wait3A_73] : memref<96xi32, #tpu.memory_space<vmem>> -> memref<80xi32, #tpu.memory_space<vmem>>
        %dma_wait3A_75 = tpu.memref_slice %arg4[%add3A_48] : memref<10240000xi32, #tpu.memory_space<hbm>> -> memref<80xi32, #tpu.memory_space<hbm>>
        %dma_wait3A_76 = arith.constant 0 : i32
        %dma_wait3A_77 = tpu.memref_slice %arg8[%dma_wait3A_76] : memref<96xi32, #tpu.memory_space<vmem>> -> memref<80xi32, #tpu.memory_space<vmem>>
        %dma_wait3A_78 = tpu.memref_slice %arg4[%add3A_48] : memref<10240000xi32, #tpu.memory_space<hbm>> -> memref<80xi32, #tpu.memory_space<hbm>>
        tpu.wait_dma2 semaphore(%run_scoped3A : memref<!tpu.dma_semaphore, #tpu.memory_space<semaphore_mem>>) src(%dma_wait3A_78 : memref<80xi32, #tpu.memory_space<hbm>>) dst(%dma_wait3A_77 : memref<80xi32, #tpu.memory_space<vmem>>)
        tpu.yield
      }) : () -> ()
      %dma_start3A = arith.constant 0 : i32
      %dma_start3A_49 = arith.constant 0 : i32
      %dma_start3A_50 = tpu.memref_slice %arg2[%dma_start3A, %dma_start3A_49] : memref<10000x128xf32, #tpu.memory_space<hbm>> -> memref<10000x128xf32, #tpu.memory_space<hbm>>
      tpu.enqueue_indirect_dma source(%dma_start3A_50 : memref<10000x128xf32, #tpu.memory_space<hbm>>) target(%arg10 : memref<80x128xf32, #tpu.memory_space<vmem>>) offsets(%arg7 : memref<80xi32, #tpu.memory_space<vmem>>) semaphore(%arg12 : memref<!tpu.dma_semaphore, #tpu.memory_space<semaphore_mem>>)
      %dma_wait3A = arith.constant 0 : i32
      %dma_wait3A_51 = arith.constant 0 : i32
      %dma_wait3A_52 = tpu.memref_slice %arg2[%dma_wait3A, %dma_wait3A_51] : memref<10000x128xf32, #tpu.memory_space<hbm>> -> memref<10000x128xf32, #tpu.memory_space<hbm>>
      tpu.wait_indirect_dma semaphore(%arg12 : memref<!tpu.dma_semaphore, #tpu.memory_space<semaphore_mem>>) src(%dma_wait3A_52 : memref<10000x128xf32, #tpu.memory_space<hbm>>) dst(%arg10 : memref<80x128xf32, #tpu.memory_space<vmem>>)
      %mul3A_53 = arith.constant 80 : i32
      %mul3A_54 = arith.muli %while3A_43, %mul3A_53 : i32
      %sub3A_55 = arith.subi %squeeze3A, %mul3A_54 : i32
      %min3A = arith.constant 80 : i32
      %min3A_56 = arith.minsi %sub3A_55, %min3A : i32
      %while3A_57 = arith.constant 0 : i32
      %while3A_58 = arith.constant 0 : i32
      %while3A_59 = arith.subi %min3A_56, %while3A_58 : i32
      %while3A_60 = arith.addi %while3A_58, %while3A_59 : i32
      %while3A_61 = arith.constant 1 : i32
      %while3A_62 = arith.divsi %while3A_59, %while3A_61 : i32
      %while3A_63 = arith.muli %while3A_62, %while3A_61 : i32
      %while3A_64 = arith.addi %while3A_58, %while3A_63 : i32
      %while3A_65 = arith.constant 1 : i32
      scf.for %while3A_67 = %while3A_58 to %while3A_64 step %while3A_65  : i32 {
        %get3A_68 = arith.index_cast %while3A_67 : i32 to index
        %get3A_69 = tpu.vector_load %arg8[%get3A_68] {strides = array<i32>} : memref<96xi32, #tpu.memory_space<vmem>>, vector<16xi32>,
        %get3A_70 = vector.shape_cast %get3A_69 : vector<16xi32> to vector<16xi32>
        %slice3A_71 = vector.extract_strided_slice %get3A_70 {offsets = [0], sizes = [1], strides = [1]} : vector<16xi32> to vector<1xi32>
        %squeeze3A_72 = vector.extract %slice3A_71[0] : i32 from vector<1xi32>
        %mul3A_73 = arith.constant 128 : i32
        %mul3A_74 = arith.muli %squeeze3A_72, %mul3A_73 : i32
        %add3A_75 = arith.constant 0 : i32
        %add3A_76 = arith.addi %mul3A_74, %add3A_75 : i32
        %get3A_77 = arith.index_cast %add3A_76 : i32 to index
        %get3A_78 = tpu.vector_load %arg11[%get3A_77] {strides = array<i32>} : memref<40960xf32, #tpu.memory_space<vmem>>, vector<16xf32>,
        %get3A_79 = vector.shape_cast %get3A_78 : vector<16xf32> to vector<16xf32>
        %get3A_80 = arith.index_cast %while3A_67 : i32 to index
        %get3A_81 = arith.constant 0 : index
        %get3A_82 = tpu.vector_load %arg10[%get3A_80, %get3A_81] {strides = array<i32>} : memref<80x128xf32, #tpu.memory_space<vmem>>, vector<1x16xf32>,
        %get3A_83 = vector.shape_cast %get3A_82 : vector<1x16xf32> to vector<16xf32>
        %add3A_84 = arith.addf %get3A_79, %get3A_83 : vector<16xf32>
        %add3A_85 = arith.constant 0 : i32
        %add3A_86 = arith.addi %mul3A_74, %add3A_85 : i32
        %swap3A = arith.index_cast %add3A_86 : i32 to index
        %swap3A_87 = tpu.vector_load %arg11[%swap3A] {strides = array<i32>} : memref<40960xf32, #tpu.memory_space<vmem>>, vector<16xf32>,
        %swap3A_88 = vector.shape_cast %swap3A_87 : vector<16xf32> to vector<16xf32>
        %swap3A_89 = vector.shape_cast %add3A_84 : vector<16xf32> to vector<16xf32>
        tpu.vector_store %arg11[%swap3A], %swap3A_89 {strides = array<i32>} : memref<40960xf32, #tpu.memory_space<vmem>>, vector<16xf32>,
        %add3A_90 = arith.constant 16 : i32
        %add3A_91 = arith.addi %mul3A_74, %add3A_90 : i32
        %get3A_92 = arith.index_cast %add3A_91 : i32 to index
        %get3A_93 = tpu.vector_load %arg11[%get3A_92] {strides = array<i32>} : memref<40960xf32, #tpu.memory_space<vmem>>, vector<16xf32>,
        %get3A_94 = vector.shape_cast %get3A_93 : vector<16xf32> to vector<16xf32>
        %get3A_95 = arith.index_cast %while3A_67 : i32 to index
        %get3A_96 = arith.constant 16 : index
        %get3A_97 = tpu.vector_load %arg10[%get3A_95, %get3A_96] {strides = array<i32>} : memref<80x128xf32, #tpu.memory_space<vmem>>, vector<1x16xf32>,
        %get3A_98 = vector.shape_cast %get3A_97 : vector<1x16xf32> to vector<16xf32>
        %add3A_99 = arith.addf %get3A_94, %get3A_98 : vector<16xf32>
        %add3A_100 = arith.constant 16 : i32
        %add3A_101 = arith.addi %mul3A_74, %add3A_100 : i32
        %swap3A_102 = arith.index_cast %add3A_101 : i32 to index
        %swap3A_103 = tpu.vector_load %arg11[%swap3A_102] {strides = array<i32>} : memref<40960xf32, #tpu.memory_space<vmem>>, vector<16xf32>,
        %swap3A_104 = vector.shape_cast %swap3A_103 : vector<16xf32> to vector<16xf32>
        %swap3A_105 = vector.shape_cast %add3A_99 : vector<16xf32> to vector<16xf32>
        tpu.vector_store %arg11[%swap3A_102], %swap3A_105 {strides = array<i32>} : memref<40960xf32, #tpu.memory_space<vmem>>, vector<16xf32>,
        %add3A_106 = arith.constant 32 : i32
        %add3A_107 = arith.addi %mul3A_74, %add3A_106 : i32
        %get3A_108 = arith.index_cast %add3A_107 : i32 to index
        %get3A_109 = tpu.vector_load %arg11[%get3A_108] {strides = array<i32>} : memref<40960xf32, #tpu.memory_space<vmem>>, vector<16xf32>,
        %get3A_110 = vector.shape_cast %get3A_109 : vector<16xf32> to vector<16xf32>
        %get3A_111 = arith.index_cast %while3A_67 : i32 to index
        %get3A_112 = arith.constant 32 : index
        %get3A_113 = tpu.vector_load %arg10[%get3A_111, %get3A_112] {strides = array<i32>} : memref<80x128xf32, #tpu.memory_space<vmem>>, vector<1x16xf32>,
        %get3A_114 = vector.shape_cast %get3A_113 : vector<1x16xf32> to vector<16xf32>
        %add3A_115 = arith.addf %get3A_110, %get3A_114 : vector<16xf32>
        %add3A_116 = arith.constant 32 : i32
        %add3A_117 = arith.addi %mul3A_74, %add3A_116 : i32
        %swap3A_118 = arith.index_cast %add3A_117 : i32 to index
        %swap3A_119 = tpu.vector_load %arg11[%swap3A_118] {strides = array<i32>} : memref<40960xf32, #tpu.memory_space<vmem>>, vector<16xf32>,
        %swap3A_120 = vector.shape_cast %swap3A_119 : vector<16xf32> to vector<16xf32>
        %swap3A_121 = vector.shape_cast %add3A_115 : vector<16xf32> to vector<16xf32>
        tpu.vector_store %arg11[%swap3A_118], %swap3A_121 {strides = array<i32>} : memref<40960xf32, #tpu.memory_space<vmem>>, vector<16xf32>,
        %add3A_122 = arith.constant 48 : i32
        %add3A_123 = arith.addi %mul3A_74, %add3A_122 : i32
        %get3A_124 = arith.index_cast %add3A_123 : i32 to index
        %get3A_125 = tpu.vector_load %arg11[%get3A_124] {strides = array<i32>} : memref<40960xf32, #tpu.memory_space<vmem>>, vector<16xf32>,
        %get3A_126 = vector.shape_cast %get3A_125 : vector<16xf32> to vector<16xf32>
        %get3A_127 = arith.index_cast %while3A_67 : i32 to index
        %get3A_128 = arith.constant 48 : index
        %get3A_129 = tpu.vector_load %arg10[%get3A_127, %get3A_128] {strides = array<i32>} : memref<80x128xf32, #tpu.memory_space<vmem>>, vector<1x16xf32>,
        %get3A_130 = vector.shape_cast %get3A_129 : vector<1x16xf32> to vector<16xf32>
        %add3A_131 = arith.addf %get3A_126, %get3A_130 : vector<16xf32>
        %add3A_132 = arith.constant 48 : i32
        %add3A_133 = arith.addi %mul3A_74, %add3A_132 : i32
        %swap3A_134 = arith.index_cast %add3A_133 : i32 to index
        %swap3A_135 = tpu.vector_load %arg11[%swap3A_134] {strides = array<i32>} : memref<40960xf32, #tpu.memory_space<vmem>>, vector<16xf32>,
        %swap3A_136 = vector.shape_cast %swap3A_135 : vector<16xf32> to vector<16xf32>
        %swap3A_137 = vector.shape_cast %add3A_131 : vector<16xf32> to vector<16xf32>
        tpu.vector_store %arg11[%swap3A_134], %swap3A_137 {strides = array<i32>} : memref<40960xf32, #tpu.memory_space<vmem>>, vector<16xf32>,
        %add3A_138 = arith.constant 64 : i32
        %add3A_139 = arith.addi %mul3A_74, %add3A_138 : i32
        %get3A_140 = arith.index_cast %add3A_139 : i32 to index
        %get3A_141 = tpu.vector_load %arg11[%get3A_140] {strides = array<i32>} : memref<40960xf32, #tpu.memory_space<vmem>>, vector<16xf32>,
        %get3A_142 = vector.shape_cast %get3A_141 : vector<16xf32> to vector<16xf32>
        %get3A_143 = arith.index_cast %while3A_67 : i32 to index
        %get3A_144 = arith.constant 64 : index
        %get3A_145 = tpu.vector_load %arg10[%get3A_143, %get3A_144] {strides = array<i32>} : memref<80x128xf32, #tpu.memory_space<vmem>>, vector<1x16xf32>,
        %get3A_146 = vector.shape_cast %get3A_145 : vector<1x16xf32> to vector<16xf32>
        %add3A_147 = arith.addf %get3A_142, %get3A_146 : vector<16xf32>
        %add3A_148 = arith.constant 64 : i32
        %add3A_149 = arith.addi %mul3A_74, %add3A_148 : i32
        %swap3A_150 = arith.index_cast %add3A_149 : i32 to index
        %swap3A_151 = tpu.vector_load %arg11[%swap3A_150] {strides = array<i32>} : memref<40960xf32, #tpu.memory_space<vmem>>, vector<16xf32>,
        %swap3A_152 = vector.shape_cast %swap3A_151 : vector<16xf32> to vector<16xf32>
        %swap3A_153 = vector.shape_cast %add3A_147 : vector<16xf32> to vector<16xf32>
        tpu.vector_store %arg11[%swap3A_150], %swap3A_153 {strides = array<i32>} : memref<40960xf32, #tpu.memory_space<vmem>>, vector<16xf32>,
        %add3A_154 = arith.constant 80 : i32
        %add3A_155 = arith.addi %mul3A_74, %add3A_154 : i32
        %get3A_156 = arith.index_cast %add3A_155 : i32 to index
        %get3A_157 = tpu.vector_load %arg11[%get3A_156] {strides = array<i32>} : memref<40960xf32, #tpu.memory_space<vmem>>, vector<16xf32>,
        %get3A_158 = vector.shape_cast %get3A_157 : vector<16xf32> to vector<16xf32>
        %get3A_159 = arith.index_cast %while3A_67 : i32 to index
        %get3A_160 = arith.constant 80 : index
        %get3A_161 = tpu.vector_load %arg10[%get3A_159, %get3A_160] {strides = array<i32>} : memref<80x128xf32, #tpu.memory_space<vmem>>, vector<1x16xf32>,
        %get3A_162 = vector.shape_cast %get3A_161 : vector<1x16xf32> to vector<16xf32>
        %add3A_163 = arith.addf %get3A_158, %get3A_162 : vector<16xf32>
        %add3A_164 = arith.constant 80 : i32
        %add3A_165 = arith.addi %mul3A_74, %add3A_164 : i32
        %swap3A_166 = arith.index_cast %add3A_165 : i32 to index
        %swap3A_167 = tpu.vector_load %arg11[%swap3A_166] {strides = array<i32>} : memref<40960xf32, #tpu.memory_space<vmem>>, vector<16xf32>,
        %swap3A_168 = vector.shape_cast %swap3A_167 : vector<16xf32> to vector<16xf32>
        %swap3A_169 = vector.shape_cast %add3A_163 : vector<16xf32> to vector<16xf32>
        tpu.vector_store %arg11[%swap3A_166], %swap3A_169 {strides = array<i32>} : memref<40960xf32, #tpu.memory_space<vmem>>, vector<16xf32>,
        %add3A_170 = arith.constant 96 : i32
        %add3A_171 = arith.addi %mul3A_74, %add3A_170 : i32
        %get3A_172 = arith.index_cast %add3A_171 : i32 to index
        %get3A_173 = tpu.vector_load %arg11[%get3A_172] {strides = array<i32>} : memref<40960xf32, #tpu.memory_space<vmem>>, vector<16xf32>,
        %get3A_174 = vector.shape_cast %get3A_173 : vector<16xf32> to vector<16xf32>
        %get3A_175 = arith.index_cast %while3A_67 : i32 to index
        %get3A_176 = arith.constant 96 : index
        %get3A_177 = tpu.vector_load %arg10[%get3A_175, %get3A_176] {strides = array<i32>} : memref<80x128xf32, #tpu.memory_space<vmem>>, vector<1x16xf32>,
        %get3A_178 = vector.shape_cast %get3A_177 : vector<1x16xf32> to vector<16xf32>
        %add3A_179 = arith.addf %get3A_174, %get3A_178 : vector<16xf32>
        %add3A_180 = arith.constant 96 : i32
        %add3A_181 = arith.addi %mul3A_74, %add3A_180 : i32
        %swap3A_182 = arith.index_cast %add3A_181 : i32 to index
        %swap3A_183 = tpu.vector_load %arg11[%swap3A_182] {strides = array<i32>} : memref<40960xf32, #tpu.memory_space<vmem>>, vector<16xf32>,
        %swap3A_184 = vector.shape_cast %swap3A_183 : vector<16xf32> to vector<16xf32>
        %swap3A_185 = vector.shape_cast %add3A_179 : vector<16xf32> to vector<16xf32>
        tpu.vector_store %arg11[%swap3A_182], %swap3A_185 {strides = array<i32>} : memref<40960xf32, #tpu.memory_space<vmem>>, vector<16xf32>,
        %add3A_186 = arith.constant 112 : i32
        %add3A_187 = arith.addi %mul3A_74, %add3A_186 : i32
        %get3A_188 = arith.index_cast %add3A_187 : i32 to index
        %get3A_189 = tpu.vector_load %arg11[%get3A_188] {strides = array<i32>} : memref<40960xf32, #tpu.memory_space<vmem>>, vector<16xf32>,
        %get3A_190 = vector.shape_cast %get3A_189 : vector<16xf32> to vector<16xf32>
        %get3A_191 = arith.index_cast %while3A_67 : i32 to index
        %get3A_192 = arith.constant 112 : index
        %get3A_193 = tpu.vector_load %arg10[%get3A_191, %get3A_192] {strides = array<i32>} : memref<80x128xf32, #tpu.memory_space<vmem>>, vector<1x16xf32>,
        %get3A_194 = vector.shape_cast %get3A_193 : vector<1x16xf32> to vector<16xf32>
        %add3A_195 = arith.addf %get3A_190, %get3A_194 : vector<16xf32>
        %add3A_196 = arith.constant 112 : i32
        %add3A_197 = arith.addi %mul3A_74, %add3A_196 : i32
        %swap3A_198 = arith.index_cast %add3A_197 : i32 to index
        %swap3A_199 = tpu.vector_load %arg11[%swap3A_198] {strides = array<i32>} : memref<40960xf32, #tpu.memory_space<vmem>>, vector<16xf32>,
        %swap3A_200 = vector.shape_cast %swap3A_199 : vector<16xf32> to vector<16xf32>
        %swap3A_201 = vector.shape_cast %add3A_195 : vector<16xf32> to vector<16xf32>
        tpu.vector_store %arg11[%swap3A_198], %swap3A_201 {strides = array<i32>} : memref<40960xf32, #tpu.memory_space<vmem>>, vector<16xf32>,
      }
      %while3A_66 = arith.constant 1 : i32
      scf.for %while3A_67 = %while3A_64 to %while3A_60 step %while3A_66  : i32 {
        %get3A_68 = arith.index_cast %while3A_67 : i32 to index
        %get3A_69 = tpu.vector_load %arg8[%get3A_68] {strides = array<i32>} : memref<96xi32, #tpu.memory_space<vmem>>, vector<16xi32>,
        %get3A_70 = vector.shape_cast %get3A_69 : vector<16xi32> to vector<16xi32>
        %slice3A_71 = vector.extract_strided_slice %get3A_70 {offsets = [0], sizes = [1], strides = [1]} : vector<16xi32> to vector<1xi32>
        %squeeze3A_72 = vector.extract %slice3A_71[0] : i32 from vector<1xi32>
        %mul3A_73 = arith.constant 128 : i32
        %mul3A_74 = arith.muli %squeeze3A_72, %mul3A_73 : i32
        %add3A_75 = arith.constant 0 : i32
        %add3A_76 = arith.addi %mul3A_74, %add3A_75 : i32
        %get3A_77 = arith.index_cast %add3A_76 : i32 to index
        %get3A_78 = tpu.vector_load %arg11[%get3A_77] {strides = array<i32>} : memref<40960xf32, #tpu.memory_space<vmem>>, vector<16xf32>,
        %get3A_79 = vector.shape_cast %get3A_78 : vector<16xf32> to vector<16xf32>
        %get3A_80 = arith.index_cast %while3A_67 : i32 to index
        %get3A_81 = arith.constant 0 : index
        %get3A_82 = tpu.vector_load %arg10[%get3A_80, %get3A_81] {strides = array<i32>} : memref<80x128xf32, #tpu.memory_space<vmem>>, vector<1x16xf32>,
        %get3A_83 = vector.shape_cast %get3A_82 : vector<1x16xf32> to vector<16xf32>
        %add3A_84 = arith.addf %get3A_79, %get3A_83 : vector<16xf32>
        %add3A_85 = arith.constant 0 : i32
        %add3A_86 = arith.addi %mul3A_74, %add3A_85 : i32
        %swap3A = arith.index_cast %add3A_86 : i32 to index
        %swap3A_87 = tpu.vector_load %arg11[%swap3A] {strides = array<i32>} : memref<40960xf32, #tpu.memory_space<vmem>>, vector<16xf32>,
        %swap3A_88 = vector.shape_cast %swap3A_87 : vector<16xf32> to vector<16xf32>
        %swap3A_89 = vector.shape_cast %add3A_84 : vector<16xf32> to vector<16xf32>
        tpu.vector_store %arg11[%swap3A], %swap3A_89 {strides = array<i32>} : memref<40960xf32, #tpu.memory_space<vmem>>, vector<16xf32>,
        %add3A_90 = arith.constant 16 : i32
        %add3A_91 = arith.addi %mul3A_74, %add3A_90 : i32
        %get3A_92 = arith.index_cast %add3A_91 : i32 to index
        %get3A_93 = tpu.vector_load %arg11[%get3A_92] {strides = array<i32>} : memref<40960xf32, #tpu.memory_space<vmem>>, vector<16xf32>,
        %get3A_94 = vector.shape_cast %get3A_93 : vector<16xf32> to vector<16xf32>
        %get3A_95 = arith.index_cast %while3A_67 : i32 to index
        %get3A_96 = arith.constant 16 : index
        %get3A_97 = tpu.vector_load %arg10[%get3A_95, %get3A_96] {strides = array<i32>} : memref<80x128xf32, #tpu.memory_space<vmem>>, vector<1x16xf32>,
        %get3A_98 = vector.shape_cast %get3A_97 : vector<1x16xf32> to vector<16xf32>
        %add3A_99 = arith.addf %get3A_94, %get3A_98 : vector<16xf32>
        %add3A_100 = arith.constant 16 : i32
        %add3A_101 = arith.addi %mul3A_74, %add3A_100 : i32
        %swap3A_102 = arith.index_cast %add3A_101 : i32 to index
        %swap3A_103 = tpu.vector_load %arg11[%swap3A_102] {strides = array<i32>} : memref<40960xf32, #tpu.memory_space<vmem>>, vector<16xf32>,
        %swap3A_104 = vector.shape_cast %swap3A_103 : vector<16xf32> to vector<16xf32>
        %swap3A_105 = vector.shape_cast %add3A_99 : vector<16xf32> to vector<16xf32>
        tpu.vector_store %arg11[%swap3A_102], %swap3A_105 {strides = array<i32>} : memref<40960xf32, #tpu.memory_space<vmem>>, vector<16xf32>,
        %add3A_106 = arith.constant 32 : i32
        %add3A_107 = arith.addi %mul3A_74, %add3A_106 : i32
        %get3A_108 = arith.index_cast %add3A_107 : i32 to index
        %get3A_109 = tpu.vector_load %arg11[%get3A_108] {strides = array<i32>} : memref<40960xf32, #tpu.memory_space<vmem>>, vector<16xf32>,
        %get3A_110 = vector.shape_cast %get3A_109 : vector<16xf32> to vector<16xf32>
        %get3A_111 = arith.index_cast %while3A_67 : i32 to index
        %get3A_112 = arith.constant 32 : index
        %get3A_113 = tpu.vector_load %arg10[%get3A_111, %get3A_112] {strides = array<i32>} : memref<80x128xf32, #tpu.memory_space<vmem>>, vector<1x16xf32>,
        %get3A_114 = vector.shape_cast %get3A_113 : vector<1x16xf32> to vector<16xf32>
        %add3A_115 = arith.addf %get3A_110, %get3A_114 : vector<16xf32>
        %add3A_116 = arith.constant 32 : i32
        %add3A_117 = arith.addi %mul3A_74, %add3A_116 : i32
        %swap3A_118 = arith.index_cast %add3A_117 : i32 to index
        %swap3A_119 = tpu.vector_load %arg11[%swap3A_118] {strides = array<i32>} : memref<40960xf32, #tpu.memory_space<vmem>>, vector<16xf32>,
        %swap3A_120 = vector.shape_cast %swap3A_119 : vector<16xf32> to vector<16xf32>
        %swap3A_121 = vector.shape_cast %add3A_115 : vector<16xf32> to vector<16xf32>
        tpu.vector_store %arg11[%swap3A_118], %swap3A_121 {strides = array<i32>} : memref<40960xf32, #tpu.memory_space<vmem>>, vector<16xf32>,
        %add3A_122 = arith.constant 48 : i32
        %add3A_123 = arith.addi %mul3A_74, %add3A_122 : i32
        %get3A_124 = arith.index_cast %add3A_123 : i32 to index
        %get3A_125 = tpu.vector_load %arg11[%get3A_124] {strides = array<i32>} : memref<40960xf32, #tpu.memory_space<vmem>>, vector<16xf32>,
        %get3A_126 = vector.shape_cast %get3A_125 : vector<16xf32> to vector<16xf32>
        %get3A_127 = arith.index_cast %while3A_67 : i32 to index
        %get3A_128 = arith.constant 48 : index
        %get3A_129 = tpu.vector_load %arg10[%get3A_127, %get3A_128] {strides = array<i32>} : memref<80x128xf32, #tpu.memory_space<vmem>>, vector<1x16xf32>,
        %get3A_130 = vector.shape_cast %get3A_129 : vector<1x16xf32> to vector<16xf32>
        %add3A_131 = arith.addf %get3A_126, %get3A_130 : vector<16xf32>
        %add3A_132 = arith.constant 48 : i32
        %add3A_133 = arith.addi %mul3A_74, %add3A_132 : i32
        %swap3A_134 = arith.index_cast %add3A_133 : i32 to index
        %swap3A_135 = tpu.vector_load %arg11[%swap3A_134] {strides = array<i32>} : memref<40960xf32, #tpu.memory_space<vmem>>, vector<16xf32>,
        %swap3A_136 = vector.shape_cast %swap3A_135 : vector<16xf32> to vector<16xf32>
        %swap3A_137 = vector.shape_cast %add3A_131 : vector<16xf32> to vector<16xf32>
        tpu.vector_store %arg11[%swap3A_134], %swap3A_137 {strides = array<i32>} : memref<40960xf32, #tpu.memory_space<vmem>>, vector<16xf32>,
        %add3A_138 = arith.constant 64 : i32
        %add3A_139 = arith.addi %mul3A_74, %add3A_138 : i32
        %get3A_140 = arith.index_cast %add3A_139 : i32 to index
        %get3A_141 = tpu.vector_load %arg11[%get3A_140] {strides = array<i32>} : memref<40960xf32, #tpu.memory_space<vmem>>, vector<16xf32>,
        %get3A_142 = vector.shape_cast %get3A_141 : vector<16xf32> to vector<16xf32>
        %get3A_143 = arith.index_cast %while3A_67 : i32 to index
        %get3A_144 = arith.constant 64 : index
        %get3A_145 = tpu.vector_load %arg10[%get3A_143, %get3A_144] {strides = array<i32>} : memref<80x128xf32, #tpu.memory_space<vmem>>, vector<1x16xf32>,
        %get3A_146 = vector.shape_cast %get3A_145 : vector<1x16xf32> to vector<16xf32>
        %add3A_147 = arith.addf %get3A_142, %get3A_146 : vector<16xf32>
        %add3A_148 = arith.constant 64 : i32
        %add3A_149 = arith.addi %mul3A_74, %add3A_148 : i32
        %swap3A_150 = arith.index_cast %add3A_149 : i32 to index
        %swap3A_151 = tpu.vector_load %arg11[%swap3A_150] {strides = array<i32>} : memref<40960xf32, #tpu.memory_space<vmem>>, vector<16xf32>,
        %swap3A_152 = vector.shape_cast %swap3A_151 : vector<16xf32> to vector<16xf32>
        %swap3A_153 = vector.shape_cast %add3A_147 : vector<16xf32> to vector<16xf32>
        tpu.vector_store %arg11[%swap3A_150], %swap3A_153 {strides = array<i32>} : memref<40960xf32, #tpu.memory_space<vmem>>, vector<16xf32>,
        %add3A_154 = arith.constant 80 : i32
        %add3A_155 = arith.addi %mul3A_74, %add3A_154 : i32
        %get3A_156 = arith.index_cast %add3A_155 : i32 to index
        %get3A_157 = tpu.vector_load %arg11[%get3A_156] {strides = array<i32>} : memref<40960xf32, #tpu.memory_space<vmem>>, vector<16xf32>,
        %get3A_158 = vector.shape_cast %get3A_157 : vector<16xf32> to vector<16xf32>
        %get3A_159 = arith.index_cast %while3A_67 : i32 to index
        %get3A_160 = arith.constant 80 : index
        %get3A_161 = tpu.vector_load %arg10[%get3A_159, %get3A_160] {strides = array<i32>} : memref<80x128xf32, #tpu.memory_space<vmem>>, vector<1x16xf32>,
        %get3A_162 = vector.shape_cast %get3A_161 : vector<1x16xf32> to vector<16xf32>
        %add3A_163 = arith.addf %get3A_158, %get3A_162 : vector<16xf32>
        %add3A_164 = arith.constant 80 : i32
        %add3A_165 = arith.addi %mul3A_74, %add3A_164 : i32
        %swap3A_166 = arith.index_cast %add3A_165 : i32 to index
        %swap3A_167 = tpu.vector_load %arg11[%swap3A_166] {strides = array<i32>} : memref<40960xf32, #tpu.memory_space<vmem>>, vector<16xf32>,
        %swap3A_168 = vector.shape_cast %swap3A_167 : vector<16xf32> to vector<16xf32>
        %swap3A_169 = vector.shape_cast %add3A_163 : vector<16xf32> to vector<16xf32>
        tpu.vector_store %arg11[%swap3A_166], %swap3A_169 {strides = array<i32>} : memref<40960xf32, #tpu.memory_space<vmem>>, vector<16xf32>,
        %add3A_170 = arith.constant 96 : i32
        %add3A_171 = arith.addi %mul3A_74, %add3A_170 : i32
        %get3A_172 = arith.index_cast %add3A_171 : i32 to index
        %get3A_173 = tpu.vector_load %arg11[%get3A_172] {strides = array<i32>} : memref<40960xf32, #tpu.memory_space<vmem>>, vector<16xf32>,
        %get3A_174 = vector.shape_cast %get3A_173 : vector<16xf32> to vector<16xf32>
        %get3A_175 = arith.index_cast %while3A_67 : i32 to index
        %get3A_176 = arith.constant 96 : index
        %get3A_177 = tpu.vector_load %arg10[%get3A_175, %get3A_176] {strides = array<i32>} : memref<80x128xf32, #tpu.memory_space<vmem>>, vector<1x16xf32>,
        %get3A_178 = vector.shape_cast %get3A_177 : vector<1x16xf32> to vector<16xf32>
        %add3A_179 = arith.addf %get3A_174, %get3A_178 : vector<16xf32>
        %add3A_180 = arith.constant 96 : i32
        %add3A_181 = arith.addi %mul3A_74, %add3A_180 : i32
        %swap3A_182 = arith.index_cast %add3A_181 : i32 to index
        %swap3A_183 = tpu.vector_load %arg11[%swap3A_182] {strides = array<i32>} : memref<40960xf32, #tpu.memory_space<vmem>>, vector<16xf32>,
        %swap3A_184 = vector.shape_cast %swap3A_183 : vector<16xf32> to vector<16xf32>
        %swap3A_185 = vector.shape_cast %add3A_179 : vector<16xf32> to vector<16xf32>
        tpu.vector_store %arg11[%swap3A_182], %swap3A_185 {strides = array<i32>} : memref<40960xf32, #tpu.memory_space<vmem>>, vector<16xf32>,
        %add3A_186 = arith.constant 112 : i32
        %add3A_187 = arith.addi %mul3A_74, %add3A_186 : i32
        %get3A_188 = arith.index_cast %add3A_187 : i32 to index
        %get3A_189 = tpu.vector_load %arg11[%get3A_188] {strides = array<i32>} : memref<40960xf32, #tpu.memory_space<vmem>>, vector<16xf32>,
        %get3A_190 = vector.shape_cast %get3A_189 : vector<16xf32> to vector<16xf32>
        %get3A_191 = arith.index_cast %while3A_67 : i32 to index
        %get3A_192 = arith.constant 112 : index
        %get3A_193 = tpu.vector_load %arg10[%get3A_191, %get3A_192] {strides = array<i32>} : memref<80x128xf32, #tpu.memory_space<vmem>>, vector<1x16xf32>,
        %get3A_194 = vector.shape_cast %get3A_193 : vector<1x16xf32> to vector<16xf32>
        %add3A_195 = arith.addf %get3A_190, %get3A_194 : vector<16xf32>
        %add3A_196 = arith.constant 112 : i32
        %add3A_197 = arith.addi %mul3A_74, %add3A_196 : i32
        %swap3A_198 = arith.index_cast %add3A_197 : i32 to index
        %swap3A_199 = tpu.vector_load %arg11[%swap3A_198] {strides = array<i32>} : memref<40960xf32, #tpu.memory_space<vmem>>, vector<16xf32>,
        %swap3A_200 = vector.shape_cast %swap3A_199 : vector<16xf32> to vector<16xf32>
        %swap3A_201 = vector.shape_cast %add3A_195 : vector<16xf32> to vector<16xf32>
        tpu.vector_store %arg11[%swap3A_198], %swap3A_201 {strides = array<i32>} : memref<40960xf32, #tpu.memory_space<vmem>>, vector<16xf32>,
      }
    }
    %while3A_38 = arith.constant 1 : i32
    scf.for %while3A_43 = %while3A_36 to %while3A_32 step %while3A_38  : i32 {
      %mul3A_44 = arith.constant 320000 : i32
      %mul3A_45 = arith.muli %add3A, %mul3A_44 : i32
      %mul3A_46 = arith.constant 80 : i32
      %mul3A_47 = arith.muli %while3A_43, %mul3A_46 : i32
      %add3A_48 = arith.addi %mul3A_45, %mul3A_47 : i32
      "tpu.region"() ({
        %run_scoped3A = tpu.sem_alloc : memref<!tpu.dma_semaphore, #tpu.memory_space<semaphore_mem>>
        %dma_start3A_67 = tpu.memref_slice %arg3[%add3A_48] : memref<10240000xi32, #tpu.memory_space<hbm>> -> memref<80xi32, #tpu.memory_space<hbm>>
        %dma_start3A_68 = tpu.memref_slice %arg3[%add3A_48] : memref<10240000xi32, #tpu.memory_space<hbm>> -> memref<80xi32, #tpu.memory_space<hbm>>
        tpu.enqueue_dma source(%dma_start3A_68 : memref<80xi32, #tpu.memory_space<hbm>>) target(%arg7 : memref<80xi32, #tpu.memory_space<vmem>>) target_semaphore(%run_scoped3A : memref<!tpu.dma_semaphore, #tpu.memory_space<semaphore_mem>>)
        %dma_wait3A_69 = tpu.memref_slice %arg3[%add3A_48] : memref<10240000xi32, #tpu.memory_space<hbm>> -> memref<80xi32, #tpu.memory_space<hbm>>
        %dma_wait3A_70 = tpu.memref_slice %arg3[%add3A_48] : memref<10240000xi32, #tpu.memory_space<hbm>> -> memref<80xi32, #tpu.memory_space<hbm>>
        tpu.wait_dma2 semaphore(%run_scoped3A : memref<!tpu.dma_semaphore, #tpu.memory_space<semaphore_mem>>) src(%dma_wait3A_70 : memref<80xi32, #tpu.memory_space<hbm>>) dst(%arg7 : memref<80xi32, #tpu.memory_space<vmem>>)
        tpu.yield
      }) : () -> ()
      "tpu.region"() ({
        %run_scoped3A = tpu.sem_alloc : memref<!tpu.dma_semaphore, #tpu.memory_space<semaphore_mem>>
        %dma_start3A_67 = arith.constant 0 : i32
        %dma_start3A_68 = tpu.memref_slice %arg8[%dma_start3A_67] : memref<96xi32, #tpu.memory_space<vmem>> -> memref<80xi32, #tpu.memory_space<vmem>>
        %dma_start3A_69 = tpu.memref_slice %arg4[%add3A_48] : memref<10240000xi32, #tpu.memory_space<hbm>> -> memref<80xi32, #tpu.memory_space<hbm>>
        %dma_start3A_70 = arith.constant 0 : i32
        %dma_start3A_71 = tpu.memref_slice %arg8[%dma_start3A_70] : memref<96xi32, #tpu.memory_space<vmem>> -> memref<80xi32, #tpu.memory_space<vmem>>
        %dma_start3A_72 = tpu.memref_slice %arg4[%add3A_48] : memref<10240000xi32, #tpu.memory_space<hbm>> -> memref<80xi32, #tpu.memory_space<hbm>>
        tpu.enqueue_dma source(%dma_start3A_72 : memref<80xi32, #tpu.memory_space<hbm>>) target(%dma_start3A_71 : memref<80xi32, #tpu.memory_space<vmem>>) target_semaphore(%run_scoped3A : memref<!tpu.dma_semaphore, #tpu.memory_space<semaphore_mem>>)
        %dma_wait3A_73 = arith.constant 0 : i32
        %dma_wait3A_74 = tpu.memref_slice %arg8[%dma_wait3A_73] : memref<96xi32, #tpu.memory_space<vmem>> -> memref<80xi32, #tpu.memory_space<vmem>>
        %dma_wait3A_75 = tpu.memref_slice %arg4[%add3A_48] : memref<10240000xi32, #tpu.memory_space<hbm>> -> memref<80xi32, #tpu.memory_space<hbm>>
        %dma_wait3A_76 = arith.constant 0 : i32
        %dma_wait3A_77 = tpu.memref_slice %arg8[%dma_wait3A_76] : memref<96xi32, #tpu.memory_space<vmem>> -> memref<80xi32, #tpu.memory_space<vmem>>
        %dma_wait3A_78 = tpu.memref_slice %arg4[%add3A_48] : memref<10240000xi32, #tpu.memory_space<hbm>> -> memref<80xi32, #tpu.memory_space<hbm>>
        tpu.wait_dma2 semaphore(%run_scoped3A : memref<!tpu.dma_semaphore, #tpu.memory_space<semaphore_mem>>) src(%dma_wait3A_78 : memref<80xi32, #tpu.memory_space<hbm>>) dst(%dma_wait3A_77 : memref<80xi32, #tpu.memory_space<vmem>>)
        tpu.yield
      }) : () -> ()
      %dma_start3A = arith.constant 0 : i32
      %dma_start3A_49 = arith.constant 0 : i32
      %dma_start3A_50 = tpu.memref_slice %arg2[%dma_start3A, %dma_start3A_49] : memref<10000x128xf32, #tpu.memory_space<hbm>> -> memref<10000x128xf32, #tpu.memory_space<hbm>>
      tpu.enqueue_indirect_dma source(%dma_start3A_50 : memref<10000x128xf32, #tpu.memory_space<hbm>>) target(%arg10 : memref<80x128xf32, #tpu.memory_space<vmem>>) offsets(%arg7 : memref<80xi32, #tpu.memory_space<vmem>>) semaphore(%arg12 : memref<!tpu.dma_semaphore, #tpu.memory_space<semaphore_mem>>)
      %dma_wait3A = arith.constant 0 : i32
      %dma_wait3A_51 = arith.constant 0 : i32
      %dma_wait3A_52 = tpu.memref_slice %arg2[%dma_wait3A, %dma_wait3A_51] : memref<10000x128xf32, #tpu.memory_space<hbm>> -> memref<10000x128xf32, #tpu.memory_space<hbm>>
      tpu.wait_indirect_dma semaphore(%arg12 : memref<!tpu.dma_semaphore, #tpu.memory_space<semaphore_mem>>) src(%dma_wait3A_52 : memref<10000x128xf32, #tpu.memory_space<hbm>>) dst(%arg10 : memref<80x128xf32, #tpu.memory_space<vmem>>)
      %mul3A_53 = arith.constant 80 : i32
      %mul3A_54 = arith.muli %while3A_43, %mul3A_53 : i32
      %sub3A_55 = arith.subi %squeeze3A, %mul3A_54 : i32
      %min3A = arith.constant 80 : i32
      %min3A_56 = arith.minsi %sub3A_55, %min3A : i32
      %while3A_57 = arith.constant 0 : i32
      %while3A_58 = arith.constant 0 : i32
      %while3A_59 = arith.subi %min3A_56, %while3A_58 : i32
      %while3A_60 = arith.addi %while3A_58, %while3A_59 : i32
      %while3A_61 = arith.constant 1 : i32
      %while3A_62 = arith.divsi %while3A_59, %while3A_61 : i32
      %while3A_63 = arith.muli %while3A_62, %while3A_61 : i32
      %while3A_64 = arith.addi %while3A_58, %while3A_63 : i32
      %while3A_65 = arith.constant 1 : i32
      scf.for %while3A_67 = %while3A_58 to %while3A_64 step %while3A_65  : i32 {
        %get3A_68 = arith.index_cast %while3A_67 : i32 to index
        %get3A_69 = tpu.vector_load %arg8[%get3A_68] {strides = array<i32>} : memref<96xi32, #tpu.memory_space<vmem>>, vector<16xi32>,
        %get3A_70 = vector.shape_cast %get3A_69 : vector<16xi32> to vector<16xi32>
        %slice3A_71 = vector.extract_strided_slice %get3A_70 {offsets = [0], sizes = [1], strides = [1]} : vector<16xi32> to vector<1xi32>
        %squeeze3A_72 = vector.extract %slice3A_71[0] : i32 from vector<1xi32>
        %mul3A_73 = arith.constant 128 : i32
        %mul3A_74 = arith.muli %squeeze3A_72, %mul3A_73 : i32
        %add3A_75 = arith.constant 0 : i32
        %add3A_76 = arith.addi %mul3A_74, %add3A_75 : i32
        %get3A_77 = arith.index_cast %add3A_76 : i32 to index
        %get3A_78 = tpu.vector_load %arg11[%get3A_77] {strides = array<i32>} : memref<40960xf32, #tpu.memory_space<vmem>>, vector<16xf32>,
        %get3A_79 = vector.shape_cast %get3A_78 : vector<16xf32> to vector<16xf32>
        %get3A_80 = arith.index_cast %while3A_67 : i32 to index
        %get3A_81 = arith.constant 0 : index
        %get3A_82 = tpu.vector_load %arg10[%get3A_80, %get3A_81] {strides = array<i32>} : memref<80x128xf32, #tpu.memory_space<vmem>>, vector<1x16xf32>,
        %get3A_83 = vector.shape_cast %get3A_82 : vector<1x16xf32> to vector<16xf32>
        %add3A_84 = arith.addf %get3A_79, %get3A_83 : vector<16xf32>
        %add3A_85 = arith.constant 0 : i32
        %add3A_86 = arith.addi %mul3A_74, %add3A_85 : i32
        %swap3A = arith.index_cast %add3A_86 : i32 to index
        %swap3A_87 = tpu.vector_load %arg11[%swap3A] {strides = array<i32>} : memref<40960xf32, #tpu.memory_space<vmem>>, vector<16xf32>,
        %swap3A_88 = vector.shape_cast %swap3A_87 : vector<16xf32> to vector<16xf32>
        %swap3A_89 = vector.shape_cast %add3A_84 : vector<16xf32> to vector<16xf32>
        tpu.vector_store %arg11[%swap3A], %swap3A_89 {strides = array<i32>} : memref<40960xf32, #tpu.memory_space<vmem>>, vector<16xf32>,
        %add3A_90 = arith.constant 16 : i32
        %add3A_91 = arith.addi %mul3A_74, %add3A_90 : i32
        %get3A_92 = arith.index_cast %add3A_91 : i32 to index
        %get3A_93 = tpu.vector_load %arg11[%get3A_92] {strides = array<i32>} : memref<40960xf32, #tpu.memory_space<vmem>>, vector<16xf32>,
        %get3A_94 = vector.shape_cast %get3A_93 : vector<16xf32> to vector<16xf32>
        %get3A_95 = arith.index_cast %while3A_67 : i32 to index
        %get3A_96 = arith.constant 16 : index
        %get3A_97 = tpu.vector_load %arg10[%get3A_95, %get3A_96] {strides = array<i32>} : memref<80x128xf32, #tpu.memory_space<vmem>>, vector<1x16xf32>,
        %get3A_98 = vector.shape_cast %get3A_97 : vector<1x16xf32> to vector<16xf32>
        %add3A_99 = arith.addf %get3A_94, %get3A_98 : vector<16xf32>
        %add3A_100 = arith.constant 16 : i32
        %add3A_101 = arith.addi %mul3A_74, %add3A_100 : i32
        %swap3A_102 = arith.index_cast %add3A_101 : i32 to index
        %swap3A_103 = tpu.vector_load %arg11[%swap3A_102] {strides = array<i32>} : memref<40960xf32, #tpu.memory_space<vmem>>, vector<16xf32>,
        %swap3A_104 = vector.shape_cast %swap3A_103 : vector<16xf32> to vector<16xf32>
        %swap3A_105 = vector.shape_cast %add3A_99 : vector<16xf32> to vector<16xf32>
        tpu.vector_store %arg11[%swap3A_102], %swap3A_105 {strides = array<i32>} : memref<40960xf32, #tpu.memory_space<vmem>>, vector<16xf32>,
        %add3A_106 = arith.constant 32 : i32
        %add3A_107 = arith.addi %mul3A_74, %add3A_106 : i32
        %get3A_108 = arith.index_cast %add3A_107 : i32 to index
        %get3A_109 = tpu.vector_load %arg11[%get3A_108] {strides = array<i32>} : memref<40960xf32, #tpu.memory_space<vmem>>, vector<16xf32>,
        %get3A_110 = vector.shape_cast %get3A_109 : vector<16xf32> to vector<16xf32>
        %get3A_111 = arith.index_cast %while3A_67 : i32 to index
        %get3A_112 = arith.constant 32 : index
        %get3A_113 = tpu.vector_load %arg10[%get3A_111, %get3A_112] {strides = array<i32>} : memref<80x128xf32, #tpu.memory_space<vmem>>, vector<1x16xf32>,
        %get3A_114 = vector.shape_cast %get3A_113 : vector<1x16xf32> to vector<16xf32>
        %add3A_115 = arith.addf %get3A_110, %get3A_114 : vector<16xf32>
        %add3A_116 = arith.constant 32 : i32
        %add3A_117 = arith.addi %mul3A_74, %add3A_116 : i32
        %swap3A_118 = arith.index_cast %add3A_117 : i32 to index
        %swap3A_119 = tpu.vector_load %arg11[%swap3A_118] {strides = array<i32>} : memref<40960xf32, #tpu.memory_space<vmem>>, vector<16xf32>,
        %swap3A_120 = vector.shape_cast %swap3A_119 : vector<16xf32> to vector<16xf32>
        %swap3A_121 = vector.shape_cast %add3A_115 : vector<16xf32> to vector<16xf32>
        tpu.vector_store %arg11[%swap3A_118], %swap3A_121 {strides = array<i32>} : memref<40960xf32, #tpu.memory_space<vmem>>, vector<16xf32>,
        %add3A_122 = arith.constant 48 : i32
        %add3A_123 = arith.addi %mul3A_74, %add3A_122 : i32
        %get3A_124 = arith.index_cast %add3A_123 : i32 to index
        %get3A_125 = tpu.vector_load %arg11[%get3A_124] {strides = array<i32>} : memref<40960xf32, #tpu.memory_space<vmem>>, vector<16xf32>,
        %get3A_126 = vector.shape_cast %get3A_125 : vector<16xf32> to vector<16xf32>
        %get3A_127 = arith.index_cast %while3A_67 : i32 to index
        %get3A_128 = arith.constant 48 : index
        %get3A_129 = tpu.vector_load %arg10[%get3A_127, %get3A_128] {strides = array<i32>} : memref<80x128xf32, #tpu.memory_space<vmem>>, vector<1x16xf32>,
        %get3A_130 = vector.shape_cast %get3A_129 : vector<1x16xf32> to vector<16xf32>
        %add3A_131 = arith.addf %get3A_126, %get3A_130 : vector<16xf32>
        %add3A_132 = arith.constant 48 : i32
        %add3A_133 = arith.addi %mul3A_74, %add3A_132 : i32
        %swap3A_134 = arith.index_cast %add3A_133 : i32 to index
        %swap3A_135 = tpu.vector_load %arg11[%swap3A_134] {strides = array<i32>} : memref<40960xf32, #tpu.memory_space<vmem>>, vector<16xf32>,
        %swap3A_136 = vector.shape_cast %swap3A_135 : vector<16xf32> to vector<16xf32>
        %swap3A_137 = vector.shape_cast %add3A_131 : vector<16xf32> to vector<16xf32>
        tpu.vector_store %arg11[%swap3A_134], %swap3A_137 {strides = array<i32>} : memref<40960xf32, #tpu.memory_space<vmem>>, vector<16xf32>,
        %add3A_138 = arith.constant 64 : i32
        %add3A_139 = arith.addi %mul3A_74, %add3A_138 : i32
        %get3A_140 = arith.index_cast %add3A_139 : i32 to index
        %get3A_141 = tpu.vector_load %arg11[%get3A_140] {strides = array<i32>} : memref<40960xf32, #tpu.memory_space<vmem>>, vector<16xf32>,
        %get3A_142 = vector.shape_cast %get3A_141 : vector<16xf32> to vector<16xf32>
        %get3A_143 = arith.index_cast %while3A_67 : i32 to index
        %get3A_144 = arith.constant 64 : index
        %get3A_145 = tpu.vector_load %arg10[%get3A_143, %get3A_144] {strides = array<i32>} : memref<80x128xf32, #tpu.memory_space<vmem>>, vector<1x16xf32>,
        %get3A_146 = vector.shape_cast %get3A_145 : vector<1x16xf32> to vector<16xf32>
        %add3A_147 = arith.addf %get3A_142, %get3A_146 : vector<16xf32>
        %add3A_148 = arith.constant 64 : i32
        %add3A_149 = arith.addi %mul3A_74, %add3A_148 : i32
        %swap3A_150 = arith.index_cast %add3A_149 : i32 to index
        %swap3A_151 = tpu.vector_load %arg11[%swap3A_150] {strides = array<i32>} : memref<40960xf32, #tpu.memory_space<vmem>>, vector<16xf32>,
        %swap3A_152 = vector.shape_cast %swap3A_151 : vector<16xf32> to vector<16xf32>
        %swap3A_153 = vector.shape_cast %add3A_147 : vector<16xf32> to vector<16xf32>
        tpu.vector_store %arg11[%swap3A_150], %swap3A_153 {strides = array<i32>} : memref<40960xf32, #tpu.memory_space<vmem>>, vector<16xf32>,
        %add3A_154 = arith.constant 80 : i32
        %add3A_155 = arith.addi %mul3A_74, %add3A_154 : i32
        %get3A_156 = arith.index_cast %add3A_155 : i32 to index
        %get3A_157 = tpu.vector_load %arg11[%get3A_156] {strides = array<i32>} : memref<40960xf32, #tpu.memory_space<vmem>>, vector<16xf32>,
        %get3A_158 = vector.shape_cast %get3A_157 : vector<16xf32> to vector<16xf32>
        %get3A_159 = arith.index_cast %while3A_67 : i32 to index
        %get3A_160 = arith.constant 80 : index
        %get3A_161 = tpu.vector_load %arg10[%get3A_159, %get3A_160] {strides = array<i32>} : memref<80x128xf32, #tpu.memory_space<vmem>>, vector<1x16xf32>,
        %get3A_162 = vector.shape_cast %get3A_161 : vector<1x16xf32> to vector<16xf32>
        %add3A_163 = arith.addf %get3A_158, %get3A_162 : vector<16xf32>
        %add3A_164 = arith.constant 80 : i32
        %add3A_165 = arith.addi %mul3A_74, %add3A_164 : i32
        %swap3A_166 = arith.index_cast %add3A_165 : i32 to index
        %swap3A_167 = tpu.vector_load %arg11[%swap3A_166] {strides = array<i32>} : memref<40960xf32, #tpu.memory_space<vmem>>, vector<16xf32>,
        %swap3A_168 = vector.shape_cast %swap3A_167 : vector<16xf32> to vector<16xf32>
        %swap3A_169 = vector.shape_cast %add3A_163 : vector<16xf32> to vector<16xf32>
        tpu.vector_store %arg11[%swap3A_166], %swap3A_169 {strides = array<i32>} : memref<40960xf32, #tpu.memory_space<vmem>>, vector<16xf32>,
        %add3A_170 = arith.constant 96 : i32
        %add3A_171 = arith.addi %mul3A_74, %add3A_170 : i32
        %get3A_172 = arith.index_cast %add3A_171 : i32 to index
        %get3A_173 = tpu.vector_load %arg11[%get3A_172] {strides = array<i32>} : memref<40960xf32, #tpu.memory_space<vmem>>, vector<16xf32>,
        %get3A_174 = vector.shape_cast %get3A_173 : vector<16xf32> to vector<16xf32>
        %get3A_175 = arith.index_cast %while3A_67 : i32 to index
        %get3A_176 = arith.constant 96 : index
        %get3A_177 = tpu.vector_load %arg10[%get3A_175, %get3A_176] {strides = array<i32>} : memref<80x128xf32, #tpu.memory_space<vmem>>, vector<1x16xf32>,
        %get3A_178 = vector.shape_cast %get3A_177 : vector<1x16xf32> to vector<16xf32>
        %add3A_179 = arith.addf %get3A_174, %get3A_178 : vector<16xf32>
        %add3A_180 = arith.constant 96 : i32
        %add3A_181 = arith.addi %mul3A_74, %add3A_180 : i32
        %swap3A_182 = arith.index_cast %add3A_181 : i32 to index
        %swap3A_183 = tpu.vector_load %arg11[%swap3A_182] {strides = array<i32>} : memref<40960xf32, #tpu.memory_space<vmem>>, vector<16xf32>,
        %swap3A_184 = vector.shape_cast %swap3A_183 : vector<16xf32> to vector<16xf32>
        %swap3A_185 = vector.shape_cast %add3A_179 : vector<16xf32> to vector<16xf32>
        tpu.vector_store %arg11[%swap3A_182], %swap3A_185 {strides = array<i32>} : memref<40960xf32, #tpu.memory_space<vmem>>, vector<16xf32>,
        %add3A_186 = arith.constant 112 : i32
        %add3A_187 = arith.addi %mul3A_74, %add3A_186 : i32
        %get3A_188 = arith.index_cast %add3A_187 : i32 to index
        %get3A_189 = tpu.vector_load %arg11[%get3A_188] {strides = array<i32>} : memref<40960xf32, #tpu.memory_space<vmem>>, vector<16xf32>,
        %get3A_190 = vector.shape_cast %get3A_189 : vector<16xf32> to vector<16xf32>
        %get3A_191 = arith.index_cast %while3A_67 : i32 to index
        %get3A_192 = arith.constant 112 : index
        %get3A_193 = tpu.vector_load %arg10[%get3A_191, %get3A_192] {strides = array<i32>} : memref<80x128xf32, #tpu.memory_space<vmem>>, vector<1x16xf32>,
        %get3A_194 = vector.shape_cast %get3A_193 : vector<1x16xf32> to vector<16xf32>
        %add3A_195 = arith.addf %get3A_190, %get3A_194 : vector<16xf32>
        %add3A_196 = arith.constant 112 : i32
        %add3A_197 = arith.addi %mul3A_74, %add3A_196 : i32
        %swap3A_198 = arith.index_cast %add3A_197 : i32 to index
        %swap3A_199 = tpu.vector_load %arg11[%swap3A_198] {strides = array<i32>} : memref<40960xf32, #tpu.memory_space<vmem>>, vector<16xf32>,
        %swap3A_200 = vector.shape_cast %swap3A_199 : vector<16xf32> to vector<16xf32>
        %swap3A_201 = vector.shape_cast %add3A_195 : vector<16xf32> to vector<16xf32>
        tpu.vector_store %arg11[%swap3A_198], %swap3A_201 {strides = array<i32>} : memref<40960xf32, #tpu.memory_space<vmem>>, vector<16xf32>,
      }
      %while3A_66 = arith.constant 1 : i32
      scf.for %while3A_67 = %while3A_64 to %while3A_60 step %while3A_66  : i32 {
        %get3A_68 = arith.index_cast %while3A_67 : i32 to index
        %get3A_69 = tpu.vector_load %arg8[%get3A_68] {strides = array<i32>} : memref<96xi32, #tpu.memory_space<vmem>>, vector<16xi32>,
        %get3A_70 = vector.shape_cast %get3A_69 : vector<16xi32> to vector<16xi32>
        %slice3A_71 = vector.extract_strided_slice %get3A_70 {offsets = [0], sizes = [1], strides = [1]} : vector<16xi32> to vector<1xi32>
        %squeeze3A_72 = vector.extract %slice3A_71[0] : i32 from vector<1xi32>
        %mul3A_73 = arith.constant 128 : i32
        %mul3A_74 = arith.muli %squeeze3A_72, %mul3A_73 : i32
        %add3A_75 = arith.constant 0 : i32
        %add3A_76 = arith.addi %mul3A_74, %add3A_75 : i32
        %get3A_77 = arith.index_cast %add3A_76 : i32 to index
        %get3A_78 = tpu.vector_load %arg11[%get3A_77] {strides = array<i32>} : memref<40960xf32, #tpu.memory_space<vmem>>, vector<16xf32>,
        %get3A_79 = vector.shape_cast %get3A_78 : vector<16xf32> to vector<16xf32>
        %get3A_80 = arith.index_cast %while3A_67 : i32 to index
        %get3A_81 = arith.constant 0 : index
        %get3A_82 = tpu.vector_load %arg10[%get3A_80, %get3A_81] {strides = array<i32>} : memref<80x128xf32, #tpu.memory_space<vmem>>, vector<1x16xf32>,
        %get3A_83 = vector.shape_cast %get3A_82 : vector<1x16xf32> to vector<16xf32>
        %add3A_84 = arith.addf %get3A_79, %get3A_83 : vector<16xf32>
        %add3A_85 = arith.constant 0 : i32
        %add3A_86 = arith.addi %mul3A_74, %add3A_85 : i32
        %swap3A = arith.index_cast %add3A_86 : i32 to index
        %swap3A_87 = tpu.vector_load %arg11[%swap3A] {strides = array<i32>} : memref<40960xf32, #tpu.memory_space<vmem>>, vector<16xf32>,
        %swap3A_88 = vector.shape_cast %swap3A_87 : vector<16xf32> to vector<16xf32>
        %swap3A_89 = vector.shape_cast %add3A_84 : vector<16xf32> to vector<16xf32>
        tpu.vector_store %arg11[%swap3A], %swap3A_89 {strides = array<i32>} : memref<40960xf32, #tpu.memory_space<vmem>>, vector<16xf32>,
        %add3A_90 = arith.constant 16 : i32
        %add3A_91 = arith.addi %mul3A_74, %add3A_90 : i32
        %get3A_92 = arith.index_cast %add3A_91 : i32 to index
        %get3A_93 = tpu.vector_load %arg11[%get3A_92] {strides = array<i32>} : memref<40960xf32, #tpu.memory_space<vmem>>, vector<16xf32>,
        %get3A_94 = vector.shape_cast %get3A_93 : vector<16xf32> to vector<16xf32>
        %get3A_95 = arith.index_cast %while3A_67 : i32 to index
        %get3A_96 = arith.constant 16 : index
        %get3A_97 = tpu.vector_load %arg10[%get3A_95, %get3A_96] {strides = array<i32>} : memref<80x128xf32, #tpu.memory_space<vmem>>, vector<1x16xf32>,
        %get3A_98 = vector.shape_cast %get3A_97 : vector<1x16xf32> to vector<16xf32>
        %add3A_99 = arith.addf %get3A_94, %get3A_98 : vector<16xf32>
        %add3A_100 = arith.constant 16 : i32
        %add3A_101 = arith.addi %mul3A_74, %add3A_100 : i32
        %swap3A_102 = arith.index_cast %add3A_101 : i32 to index
        %swap3A_103 = tpu.vector_load %arg11[%swap3A_102] {strides = array<i32>} : memref<40960xf32, #tpu.memory_space<vmem>>, vector<16xf32>,
        %swap3A_104 = vector.shape_cast %swap3A_103 : vector<16xf32> to vector<16xf32>
        %swap3A_105 = vector.shape_cast %add3A_99 : vector<16xf32> to vector<16xf32>
        tpu.vector_store %arg11[%swap3A_102], %swap3A_105 {strides = array<i32>} : memref<40960xf32, #tpu.memory_space<vmem>>, vector<16xf32>,
        %add3A_106 = arith.constant 32 : i32
        %add3A_107 = arith.addi %mul3A_74, %add3A_106 : i32
        %get3A_108 = arith.index_cast %add3A_107 : i32 to index
        %get3A_109 = tpu.vector_load %arg11[%get3A_108] {strides = array<i32>} : memref<40960xf32, #tpu.memory_space<vmem>>, vector<16xf32>,
        %get3A_110 = vector.shape_cast %get3A_109 : vector<16xf32> to vector<16xf32>
        %get3A_111 = arith.index_cast %while3A_67 : i32 to index
        %get3A_112 = arith.constant 32 : index
        %get3A_113 = tpu.vector_load %arg10[%get3A_111, %get3A_112] {strides = array<i32>} : memref<80x128xf32, #tpu.memory_space<vmem>>, vector<1x16xf32>,
        %get3A_114 = vector.shape_cast %get3A_113 : vector<1x16xf32> to vector<16xf32>
        %add3A_115 = arith.addf %get3A_110, %get3A_114 : vector<16xf32>
        %add3A_116 = arith.constant 32 : i32
        %add3A_117 = arith.addi %mul3A_74, %add3A_116 : i32
        %swap3A_118 = arith.index_cast %add3A_117 : i32 to index
        %swap3A_119 = tpu.vector_load %arg11[%swap3A_118] {strides = array<i32>} : memref<40960xf32, #tpu.memory_space<vmem>>, vector<16xf32>,
        %swap3A_120 = vector.shape_cast %swap3A_119 : vector<16xf32> to vector<16xf32>
        %swap3A_121 = vector.shape_cast %add3A_115 : vector<16xf32> to vector<16xf32>
        tpu.vector_store %arg11[%swap3A_118], %swap3A_121 {strides = array<i32>} : memref<40960xf32, #tpu.memory_space<vmem>>, vector<16xf32>,
        %add3A_122 = arith.constant 48 : i32
        %add3A_123 = arith.addi %mul3A_74, %add3A_122 : i32
        %get3A_124 = arith.index_cast %add3A_123 : i32 to index
        %get3A_125 = tpu.vector_load %arg11[%get3A_124] {strides = array<i32>} : memref<40960xf32, #tpu.memory_space<vmem>>, vector<16xf32>,
        %get3A_126 = vector.shape_cast %get3A_125 : vector<16xf32> to vector<16xf32>
        %get3A_127 = arith.index_cast %while3A_67 : i32 to index
        %get3A_128 = arith.constant 48 : index
        %get3A_129 = tpu.vector_load %arg10[%get3A_127, %get3A_128] {strides = array<i32>} : memref<80x128xf32, #tpu.memory_space<vmem>>, vector<1x16xf32>,
        %get3A_130 = vector.shape_cast %get3A_129 : vector<1x16xf32> to vector<16xf32>
        %add3A_131 = arith.addf %get3A_126, %get3A_130 : vector<16xf32>
        %add3A_132 = arith.constant 48 : i32
        %add3A_133 = arith.addi %mul3A_74, %add3A_132 : i32
        %swap3A_134 = arith.index_cast %add3A_133 : i32 to index
        %swap3A_135 = tpu.vector_load %arg11[%swap3A_134] {strides = array<i32>} : memref<40960xf32, #tpu.memory_space<vmem>>, vector<16xf32>,
        %swap3A_136 = vector.shape_cast %swap3A_135 : vector<16xf32> to vector<16xf32>
        %swap3A_137 = vector.shape_cast %add3A_131 : vector<16xf32> to vector<16xf32>
        tpu.vector_store %arg11[%swap3A_134], %swap3A_137 {strides = array<i32>} : memref<40960xf32, #tpu.memory_space<vmem>>, vector<16xf32>,
        %add3A_138 = arith.constant 64 : i32
        %add3A_139 = arith.addi %mul3A_74, %add3A_138 : i32
        %get3A_140 = arith.index_cast %add3A_139 : i32 to index
        %get3A_141 = tpu.vector_load %arg11[%get3A_140] {strides = array<i32>} : memref<40960xf32, #tpu.memory_space<vmem>>, vector<16xf32>,
        %get3A_142 = vector.shape_cast %get3A_141 : vector<16xf32> to vector<16xf32>
        %get3A_143 = arith.index_cast %while3A_67 : i32 to index
        %get3A_144 = arith.constant 64 : index
        %get3A_145 = tpu.vector_load %arg10[%get3A_143, %get3A_144] {strides = array<i32>} : memref<80x128xf32, #tpu.memory_space<vmem>>, vector<1x16xf32>,
        %get3A_146 = vector.shape_cast %get3A_145 : vector<1x16xf32> to vector<16xf32>
        %add3A_147 = arith.addf %get3A_142, %get3A_146 : vector<16xf32>
        %add3A_148 = arith.constant 64 : i32
        %add3A_149 = arith.addi %mul3A_74, %add3A_148 : i32
        %swap3A_150 = arith.index_cast %add3A_149 : i32 to index
        %swap3A_151 = tpu.vector_load %arg11[%swap3A_150] {strides = array<i32>} : memref<40960xf32, #tpu.memory_space<vmem>>, vector<16xf32>,
        %swap3A_152 = vector.shape_cast %swap3A_151 : vector<16xf32> to vector<16xf32>
        %swap3A_153 = vector.shape_cast %add3A_147 : vector<16xf32> to vector<16xf32>
        tpu.vector_store %arg11[%swap3A_150], %swap3A_153 {strides = array<i32>} : memref<40960xf32, #tpu.memory_space<vmem>>, vector<16xf32>,
        %add3A_154 = arith.constant 80 : i32
        %add3A_155 = arith.addi %mul3A_74, %add3A_154 : i32
        %get3A_156 = arith.index_cast %add3A_155 : i32 to index
        %get3A_157 = tpu.vector_load %arg11[%get3A_156] {strides = array<i32>} : memref<40960xf32, #tpu.memory_space<vmem>>, vector<16xf32>,
        %get3A_158 = vector.shape_cast %get3A_157 : vector<16xf32> to vector<16xf32>
        %get3A_159 = arith.index_cast %while3A_67 : i32 to index
        %get3A_160 = arith.constant 80 : index
        %get3A_161 = tpu.vector_load %arg10[%get3A_159, %get3A_160] {strides = array<i32>} : memref<80x128xf32, #tpu.memory_space<vmem>>, vector<1x16xf32>,
        %get3A_162 = vector.shape_cast %get3A_161 : vector<1x16xf32> to vector<16xf32>
        %add3A_163 = arith.addf %get3A_158, %get3A_162 : vector<16xf32>
        %add3A_164 = arith.constant 80 : i32
        %add3A_165 = arith.addi %mul3A_74, %add3A_164 : i32
        %swap3A_166 = arith.index_cast %add3A_165 : i32 to index
        %swap3A_167 = tpu.vector_load %arg11[%swap3A_166] {strides = array<i32>} : memref<40960xf32, #tpu.memory_space<vmem>>, vector<16xf32>,
        %swap3A_168 = vector.shape_cast %swap3A_167 : vector<16xf32> to vector<16xf32>
        %swap3A_169 = vector.shape_cast %add3A_163 : vector<16xf32> to vector<16xf32>
        tpu.vector_store %arg11[%swap3A_166], %swap3A_169 {strides = array<i32>} : memref<40960xf32, #tpu.memory_space<vmem>>, vector<16xf32>,
        %add3A_170 = arith.constant 96 : i32
        %add3A_171 = arith.addi %mul3A_74, %add3A_170 : i32
        %get3A_172 = arith.index_cast %add3A_171 : i32 to index
        %get3A_173 = tpu.vector_load %arg11[%get3A_172] {strides = array<i32>} : memref<40960xf32, #tpu.memory_space<vmem>>, vector<16xf32>,
        %get3A_174 = vector.shape_cast %get3A_173 : vector<16xf32> to vector<16xf32>
        %get3A_175 = arith.index_cast %while3A_67 : i32 to index
        %get3A_176 = arith.constant 96 : index
        %get3A_177 = tpu.vector_load %arg10[%get3A_175, %get3A_176] {strides = array<i32>} : memref<80x128xf32, #tpu.memory_space<vmem>>, vector<1x16xf32>,
        %get3A_178 = vector.shape_cast %get3A_177 : vector<1x16xf32> to vector<16xf32>
        %add3A_179 = arith.addf %get3A_174, %get3A_178 : vector<16xf32>
        %add3A_180 = arith.constant 96 : i32
        %add3A_181 = arith.addi %mul3A_74, %add3A_180 : i32
        %swap3A_182 = arith.index_cast %add3A_181 : i32 to index
        %swap3A_183 = tpu.vector_load %arg11[%swap3A_182] {strides = array<i32>} : memref<40960xf32, #tpu.memory_space<vmem>>, vector<16xf32>,
        %swap3A_184 = vector.shape_cast %swap3A_183 : vector<16xf32> to vector<16xf32>
        %swap3A_185 = vector.shape_cast %add3A_179 : vector<16xf32> to vector<16xf32>
        tpu.vector_store %arg11[%swap3A_182], %swap3A_185 {strides = array<i32>} : memref<40960xf32, #tpu.memory_space<vmem>>, vector<16xf32>,
        %add3A_186 = arith.constant 112 : i32
        %add3A_187 = arith.addi %mul3A_74, %add3A_186 : i32
        %get3A_188 = arith.index_cast %add3A_187 : i32 to index
        %get3A_189 = tpu.vector_load %arg11[%get3A_188] {strides = array<i32>} : memref<40960xf32, #tpu.memory_space<vmem>>, vector<16xf32>,
        %get3A_190 = vector.shape_cast %get3A_189 : vector<16xf32> to vector<16xf32>
        %get3A_191 = arith.index_cast %while3A_67 : i32 to index
        %get3A_192 = arith.constant 112 : index
        %get3A_193 = tpu.vector_load %arg10[%get3A_191, %get3A_192] {strides = array<i32>} : memref<80x128xf32, #tpu.memory_space<vmem>>, vector<1x16xf32>,
        %get3A_194 = vector.shape_cast %get3A_193 : vector<1x16xf32> to vector<16xf32>
        %add3A_195 = arith.addf %get3A_190, %get3A_194 : vector<16xf32>
        %add3A_196 = arith.constant 112 : i32
        %add3A_197 = arith.addi %mul3A_74, %add3A_196 : i32
        %swap3A_198 = arith.index_cast %add3A_197 : i32 to index
        %swap3A_199 = tpu.vector_load %arg11[%swap3A_198] {strides = array<i32>} : memref<40960xf32, #tpu.memory_space<vmem>>, vector<16xf32>,
        %swap3A_200 = vector.shape_cast %swap3A_199 : vector<16xf32> to vector<16xf32>
        %swap3A_201 = vector.shape_cast %add3A_195 : vector<16xf32> to vector<16xf32>
        tpu.vector_store %arg11[%swap3A_198], %swap3A_201 {strides = array<i32>} : memref<40960xf32, #tpu.memory_space<vmem>>, vector<16xf32>,
      }
    }
    %mul3A_39 = arith.constant 320 : i32
    %mul3A_40 = arith.muli %add3A, %mul3A_39 : i32
    %mul3A_41 = arith.constant 128 : i32
    %mul3A_42 = arith.muli %mul3A_40, %mul3A_41 : i32
    "tpu.region"() ({
      %run_scoped3A = tpu.sem_alloc : memref<!tpu.dma_semaphore, #tpu.memory_space<semaphore_mem>>
      %dma_start3A = tpu.memref_slice %arg6[%mul3A_42] : memref<1310720xf32, #tpu.memory_space<hbm>> -> memref<40960xf32, #tpu.memory_space<hbm>>
      %dma_start3A_43 = tpu.memref_slice %arg6[%mul3A_42] : memref<1310720xf32, #tpu.memory_space<hbm>> -> memref<40960xf32, #tpu.memory_space<hbm>>
      tpu.enqueue_dma source(%arg11 : memref<40960xf32, #tpu.memory_space<vmem>>) target(%dma_start3A_43 : memref<40960xf32, #tpu.memory_space<hbm>>) target_semaphore(%run_scoped3A : memref<!tpu.dma_semaphore, #tpu.memory_space<semaphore_mem>>)
      %dma_wait3A = tpu.memref_slice %arg6[%mul3A_42] : memref<1310720xf32, #tpu.memory_space<hbm>> -> memref<40960xf32, #tpu.memory_space<hbm>>
      %dma_wait3A_44 = tpu.memref_slice %arg6[%mul3A_42] : memref<1310720xf32, #tpu.memory_space<hbm>> -> memref<40960xf32, #tpu.memory_space<hbm>>
      tpu.wait_dma2 semaphore(%run_scoped3A : memref<!tpu.dma_semaphore, #tpu.memory_space<semaphore_mem>>) src(%arg11 : memref<40960xf32, #tpu.memory_space<vmem>>) dst(%dma_wait3A_44 : memref<40960xf32, #tpu.memory_space<hbm>>)
      tpu.yield
    }) : () -> ()
    return
  }
}

#map = affine_map<(d0, d1) -> (0, 0)>
#map1 = affine_map<(d0, d1) -> (0)>
module attributes {stable_mosaic.version = 14 : i64} {
  func.func @agg_kernel(%arg0: i32, %arg1: i32, %arg2: memref<10000x128xf32, #tpu.memory_space<hbm>>, %arg3: memref<10240000xi32, #tpu.memory_space<hbm>>, %arg4: memref<10240000xi32, #tpu.memory_space<hbm>>, %arg5: memref<512xi32, #tpu.memory_space<hbm>>, %arg6: memref<1310720xf32, #tpu.memory_space<hbm>>, %arg7: memref<80xi32, #tpu.memory_space<vmem>>, %arg8: memref<96xi32, #tpu.memory_space<vmem>>, %arg9: memref<16xi32, #tpu.memory_space<vmem>>, %arg10: memref<80x128xf32, #tpu.memory_space<vmem>>, %arg11: memref<40960xf32, #tpu.memory_space<vmem>>, %arg12: memref<!tpu.dma_semaphore, #tpu.memory_space<semaphore_mem>>) attributes {dimension_semantics = [#tpu.dimension_semantics<core_parallel>, #tpu.dimension_semantics<subcore_parallel>], iteration_bounds = array<i64: 2, 16>, scalar_prefetch = 0 : i64, scratch_operands = 6 : i64, tpu.core_type = #tpu.core_type<sc_vector_subcore>, window_params = [{transform_indices = #map}, {transform_indices = #map1}, {transform_indices = #map1}, {transform_indices = #map1}, {transform_indices = #map1}]} {
    %mul3A = arith.constant 2 : i32
    %mul3A_0 = arith.muli %arg1, %mul3A : i32
    %add3A = arith.addi %mul3A_0, %arg0 : i32
    %scan3A = arith.constant 0 : i32
    %scan3A_1 = arith.constant 0 : i32
    %scan3A_2 = arith.constant 2560 : i32
    %scan3A_3 = arith.addi %scan3A_1, %scan3A_2 : i32
    %scan3A_4 = arith.constant 1 : i32
    scf.for %scan3A_43 = %scan3A_1 to %scan3A_3 step %scan3A_4  : i32 {
      %broadcast_in_dim3A = arith.constant 0.000000e+00 : f32
      %broadcast_in_dim3A_44 = vector.broadcast %broadcast_in_dim3A : f32 to vector<16xf32>
      %mul3A_45 = arith.constant 16 : i32
      %mul3A_46 = arith.muli %scan3A_43, %mul3A_45 : i32
      %swap3A = arith.index_cast %mul3A_46 : i32 to index
      %swap3A_47 = tpu.vector_load %arg11[%swap3A] {strides = array<i32>} : memref<40960xf32, #tpu.memory_space<vmem>>, vector<16xf32>,
      %swap3A_48 = vector.shape_cast %swap3A_47 : vector<16xf32> to vector<16xf32>
      %swap3A_49 = vector.shape_cast %broadcast_in_dim3A_44 : vector<16xf32> to vector<16xf32>
      tpu.vector_store %arg11[%swap3A], %swap3A_49 {strides = array<i32>} : memref<40960xf32, #tpu.memory_space<vmem>>, vector<16xf32>,
    }
    %scan3A_5 = arith.constant 2560 : i32
    %mul3A_6 = arith.constant 16 : i32
    %mul3A_7 = arith.muli %add3A, %mul3A_6 : i32
    "tpu.region"() ({
      %run_scoped3A = tpu.sem_alloc : memref<!tpu.dma_semaphore, #tpu.memory_space<semaphore_mem>>
      %dma_start3A = tpu.memref_slice %arg5[%mul3A_7] : memref<512xi32, #tpu.memory_space<hbm>> -> memref<16xi32, #tpu.memory_space<hbm>>
      %dma_start3A_43 = tpu.memref_slice %arg5[%mul3A_7] : memref<512xi32, #tpu.memory_space<hbm>> -> memref<16xi32, #tpu.memory_space<hbm>>
      tpu.enqueue_dma source(%dma_start3A_43 : memref<16xi32, #tpu.memory_space<hbm>>) target(%arg9 : memref<16xi32, #tpu.memory_space<vmem>>) target_semaphore(%run_scoped3A : memref<!tpu.dma_semaphore, #tpu.memory_space<semaphore_mem>>)
      %dma_wait3A = tpu.memref_slice %arg5[%mul3A_7] : memref<512xi32, #tpu.memory_space<hbm>> -> memref<16xi32, #tpu.memory_space<hbm>>
      %dma_wait3A_44 = tpu.memref_slice %arg5[%mul3A_7] : memref<512xi32, #tpu.memory_space<hbm>> -> memref<16xi32, #tpu.memory_space<hbm>>
      tpu.wait_dma2 semaphore(%run_scoped3A : memref<!tpu.dma_semaphore, #tpu.memory_space<semaphore_mem>>) src(%dma_wait3A_44 : memref<16xi32, #tpu.memory_space<hbm>>) dst(%arg9 : memref<16xi32, #tpu.memory_space<vmem>>)
      tpu.yield
    }) : () -> ()
    %get3A = arith.constant 0 : index
    %get3A_8 = tpu.vector_load %arg9[%get3A] {strides = array<i32>} : memref<16xi32, #tpu.memory_space<vmem>>, vector<16xi32>,
    %get3A_9 = vector.shape_cast %get3A_8 : vector<16xi32> to vector<16xi32>
    %slice3A = vector.extract_strided_slice %get3A_9 {offsets = [0], sizes = [1], strides = [1]} : vector<16xi32> to vector<1xi32>
    %squeeze3A = vector.extract %slice3A[0] : i32 from vector<1xi32>
    %add3A_10 = arith.constant 80 : i32
    %add3A_11 = arith.addi %squeeze3A, %add3A_10 : i32
    %sub3A = arith.constant 1 : i32
    %sub3A_12 = arith.subi %add3A_11, %sub3A : i32
    %jit3A = arith.constant 80 : i32
    %div3A = arith.divsi %sub3A_12, %jit3A : i32
    %sign3A = arith.constant 0 : i32
    %sign3A_13 = arith.cmpi sgt, %sub3A_12, %sign3A : i32
    %sign3A_14 = arith.extui %sign3A_13 : i1 to i32
    %sign3A_15 = arith.constant 0 : i32
    %sign3A_16 = arith.cmpi slt, %sub3A_12, %sign3A_15 : i32
    %sign3A_17 = arith.extui %sign3A_16 : i1 to i32
    %sign3A_18 = arith.subi %sign3A_14, %sign3A_17 : i32
    %sign3A_19 = arith.constant 0 : i32
    %sign3A_20 = arith.cmpi sgt, %jit3A, %sign3A_19 : i32
    %sign3A_21 = arith.extui %sign3A_20 : i1 to i32
    %sign3A_22 = arith.constant 0 : i32
    %sign3A_23 = arith.cmpi slt, %jit3A, %sign3A_22 : i32
    %sign3A_24 = arith.extui %sign3A_23 : i1 to i32
    %sign3A_25 = arith.subi %sign3A_21, %sign3A_24 : i32
    %ne3A = arith.cmpi ne, %sign3A_18, %sign3A_25 : i32
    %rem3A = arith.remsi %sub3A_12, %jit3A : i32
    %ne3A_26 = arith.constant 0 : i32
    %ne3A_27 = arith.cmpi ne, %rem3A, %ne3A_26 : i32
    %and3A = arith.andi %ne3A, %ne3A_27 : i1
    %sub3A_28 = arith.constant 1 : i32
    %sub3A_29 = arith.subi %div3A, %sub3A_28 : i32
    %select_n3A = arith.select %and3A, %sub3A_29, %div3A : i32
    %while3A = arith.constant 0 : i32
    %while3A_30 = arith.constant 0 : i32
    %while3A_31 = arith.subi %select_n3A, %while3A_30 : i32
    %while3A_32 = arith.addi %while3A_30, %while3A_31 : i32
    %while3A_33 = arith.constant 1 : i32
    %while3A_34 = arith.divsi %while3A_31, %while3A_33 : i32
    %while3A_35 = arith.muli %while3A_34, %while3A_33 : i32
    %while3A_36 = arith.addi %while3A_30, %while3A_35 : i32
    %while3A_37 = arith.constant 1 : i32
    scf.for %while3A_43 = %while3A_30 to %while3A_36 step %while3A_37  : i32 {
      %mul3A_44 = arith.constant 320000 : i32
      %mul3A_45 = arith.muli %add3A, %mul3A_44 : i32
      %mul3A_46 = arith.constant 80 : i32
      %mul3A_47 = arith.muli %while3A_43, %mul3A_46 : i32
      %add3A_48 = arith.addi %mul3A_45, %mul3A_47 : i32
      "tpu.region"() ({
        %run_scoped3A = tpu.sem_alloc : memref<!tpu.dma_semaphore, #tpu.memory_space<semaphore_mem>>
        %dma_start3A_67 = tpu.memref_slice %arg3[%add3A_48] : memref<10240000xi32, #tpu.memory_space<hbm>> -> memref<80xi32, #tpu.memory_space<hbm>>
        %dma_start3A_68 = tpu.memref_slice %arg3[%add3A_48] : memref<10240000xi32, #tpu.memory_space<hbm>> -> memref<80xi32, #tpu.memory_space<hbm>>
        tpu.enqueue_dma source(%dma_start3A_68 : memref<80xi32, #tpu.memory_space<hbm>>) target(%arg7 : memref<80xi32, #tpu.memory_space<vmem>>) target_semaphore(%run_scoped3A : memref<!tpu.dma_semaphore, #tpu.memory_space<semaphore_mem>>)
        %dma_wait3A_69 = tpu.memref_slice %arg3[%add3A_48] : memref<10240000xi32, #tpu.memory_space<hbm>> -> memref<80xi32, #tpu.memory_space<hbm>>
        %dma_wait3A_70 = tpu.memref_slice %arg3[%add3A_48] : memref<10240000xi32, #tpu.memory_space<hbm>> -> memref<80xi32, #tpu.memory_space<hbm>>
        tpu.wait_dma2 semaphore(%run_scoped3A : memref<!tpu.dma_semaphore, #tpu.memory_space<semaphore_mem>>) src(%dma_wait3A_70 : memref<80xi32, #tpu.memory_space<hbm>>) dst(%arg7 : memref<80xi32, #tpu.memory_space<vmem>>)
        tpu.yield
      }) : () -> ()
      "tpu.region"() ({
        %run_scoped3A = tpu.sem_alloc : memref<!tpu.dma_semaphore, #tpu.memory_space<semaphore_mem>>
        %dma_start3A_67 = arith.constant 0 : i32
        %dma_start3A_68 = tpu.memref_slice %arg8[%dma_start3A_67] : memref<96xi32, #tpu.memory_space<vmem>> -> memref<80xi32, #tpu.memory_space<vmem>>
        %dma_start3A_69 = tpu.memref_slice %arg4[%add3A_48] : memref<10240000xi32, #tpu.memory_space<hbm>> -> memref<80xi32, #tpu.memory_space<hbm>>
        %dma_start3A_70 = arith.constant 0 : i32
        %dma_start3A_71 = tpu.memref_slice %arg8[%dma_start3A_70] : memref<96xi32, #tpu.memory_space<vmem>> -> memref<80xi32, #tpu.memory_space<vmem>>
        %dma_start3A_72 = tpu.memref_slice %arg4[%add3A_48] : memref<10240000xi32, #tpu.memory_space<hbm>> -> memref<80xi32, #tpu.memory_space<hbm>>
        tpu.enqueue_dma source(%dma_start3A_72 : memref<80xi32, #tpu.memory_space<hbm>>) target(%dma_start3A_71 : memref<80xi32, #tpu.memory_space<vmem>>) target_semaphore(%run_scoped3A : memref<!tpu.dma_semaphore, #tpu.memory_space<semaphore_mem>>)
        %dma_wait3A_73 = arith.constant 0 : i32
        %dma_wait3A_74 = tpu.memref_slice %arg8[%dma_wait3A_73] : memref<96xi32, #tpu.memory_space<vmem>> -> memref<80xi32, #tpu.memory_space<vmem>>
        %dma_wait3A_75 = tpu.memref_slice %arg4[%add3A_48] : memref<10240000xi32, #tpu.memory_space<hbm>> -> memref<80xi32, #tpu.memory_space<hbm>>
        %dma_wait3A_76 = arith.constant 0 : i32
        %dma_wait3A_77 = tpu.memref_slice %arg8[%dma_wait3A_76] : memref<96xi32, #tpu.memory_space<vmem>> -> memref<80xi32, #tpu.memory_space<vmem>>
        %dma_wait3A_78 = tpu.memref_slice %arg4[%add3A_48] : memref<10240000xi32, #tpu.memory_space<hbm>> -> memref<80xi32, #tpu.memory_space<hbm>>
        tpu.wait_dma2 semaphore(%run_scoped3A : memref<!tpu.dma_semaphore, #tpu.memory_space<semaphore_mem>>) src(%dma_wait3A_78 : memref<80xi32, #tpu.memory_space<hbm>>) dst(%dma_wait3A_77 : memref<80xi32, #tpu.memory_space<vmem>>)
        tpu.yield
      }) : () -> ()
      %dma_start3A = arith.constant 0 : i32
      %dma_start3A_49 = arith.constant 0 : i32
      %dma_start3A_50 = tpu.memref_slice %arg2[%dma_start3A, %dma_start3A_49] : memref<10000x128xf32, #tpu.memory_space<hbm>> -> memref<10000x128xf32, #tpu.memory_space<hbm>>
      tpu.enqueue_indirect_dma source(%dma_start3A_50 : memref<10000x128xf32, #tpu.memory_space<hbm>>) target(%arg10 : memref<80x128xf32, #tpu.memory_space<vmem>>) offsets(%arg7 : memref<80xi32, #tpu.memory_space<vmem>>) semaphore(%arg12 : memref<!tpu.dma_semaphore, #tpu.memory_space<semaphore_mem>>)
      %dma_wait3A = arith.constant 0 : i32
      %dma_wait3A_51 = arith.constant 0 : i32
      %dma_wait3A_52 = tpu.memref_slice %arg2[%dma_wait3A, %dma_wait3A_51] : memref<10000x128xf32, #tpu.memory_space<hbm>> -> memref<10000x128xf32, #tpu.memory_space<hbm>>
      tpu.wait_indirect_dma semaphore(%arg12 : memref<!tpu.dma_semaphore, #tpu.memory_space<semaphore_mem>>) src(%dma_wait3A_52 : memref<10000x128xf32, #tpu.memory_space<hbm>>) dst(%arg10 : memref<80x128xf32, #tpu.memory_space<vmem>>)
      %mul3A_53 = arith.constant 80 : i32
      %mul3A_54 = arith.muli %while3A_43, %mul3A_53 : i32
      %sub3A_55 = arith.subi %squeeze3A, %mul3A_54 : i32
      %min3A = arith.constant 80 : i32
      %min3A_56 = arith.minsi %sub3A_55, %min3A : i32
      %while3A_57 = arith.constant 0 : i32
      %while3A_58 = arith.constant 0 : i32
      %while3A_59 = arith.subi %min3A_56, %while3A_58 : i32
      %while3A_60 = arith.addi %while3A_58, %while3A_59 : i32
      %while3A_61 = arith.constant 1 : i32
      %while3A_62 = arith.divsi %while3A_59, %while3A_61 : i32
      %while3A_63 = arith.muli %while3A_62, %while3A_61 : i32
      %while3A_64 = arith.addi %while3A_58, %while3A_63 : i32
      %while3A_65 = arith.constant 1 : i32
      scf.for %while3A_67 = %while3A_58 to %while3A_64 step %while3A_65  : i32 {
        %get3A_68 = arith.index_cast %while3A_67 : i32 to index
        %get3A_69 = tpu.vector_load %arg8[%get3A_68] {strides = array<i32>} : memref<96xi32, #tpu.memory_space<vmem>>, vector<16xi32>,
        %get3A_70 = vector.shape_cast %get3A_69 : vector<16xi32> to vector<16xi32>
        %slice3A_71 = vector.extract_strided_slice %get3A_70 {offsets = [0], sizes = [1], strides = [1]} : vector<16xi32> to vector<1xi32>
        %squeeze3A_72 = vector.extract %slice3A_71[0] : i32 from vector<1xi32>
        %mul3A_73 = arith.constant 128 : i32
        %mul3A_74 = arith.muli %squeeze3A_72, %mul3A_73 : i32
        %add3A_75 = arith.constant 0 : i32
        %add3A_76 = arith.addi %mul3A_74, %add3A_75 : i32
        %get3A_77 = arith.index_cast %add3A_76 : i32 to index
        %get3A_78 = tpu.vector_load %arg11[%get3A_77] {strides = array<i32>} : memref<40960xf32, #tpu.memory_space<vmem>>, vector<16xf32>,
        %get3A_79 = vector.shape_cast %get3A_78 : vector<16xf32> to vector<16xf32>
        %get3A_80 = arith.index_cast %while3A_67 : i32 to index
        %get3A_81 = arith.constant 0 : index
        %get3A_82 = tpu.vector_load %arg10[%get3A_80, %get3A_81] {strides = array<i32>} : memref<80x128xf32, #tpu.memory_space<vmem>>, vector<1x16xf32>,
        %get3A_83 = vector.shape_cast %get3A_82 : vector<1x16xf32> to vector<16xf32>
        %add3A_84 = arith.addf %get3A_79, %get3A_83 : vector<16xf32>
        %add3A_85 = arith.constant 0 : i32
        %add3A_86 = arith.addi %mul3A_74, %add3A_85 : i32
        %swap3A = arith.index_cast %add3A_86 : i32 to index
        %swap3A_87 = tpu.vector_load %arg11[%swap3A] {strides = array<i32>} : memref<40960xf32, #tpu.memory_space<vmem>>, vector<16xf32>,
        %swap3A_88 = vector.shape_cast %swap3A_87 : vector<16xf32> to vector<16xf32>
        %swap3A_89 = vector.shape_cast %add3A_84 : vector<16xf32> to vector<16xf32>
        tpu.vector_store %arg11[%swap3A], %swap3A_89 {strides = array<i32>} : memref<40960xf32, #tpu.memory_space<vmem>>, vector<16xf32>,
        %add3A_90 = arith.constant 16 : i32
        %add3A_91 = arith.addi %mul3A_74, %add3A_90 : i32
        %get3A_92 = arith.index_cast %add3A_91 : i32 to index
        %get3A_93 = tpu.vector_load %arg11[%get3A_92] {strides = array<i32>} : memref<40960xf32, #tpu.memory_space<vmem>>, vector<16xf32>,
        %get3A_94 = vector.shape_cast %get3A_93 : vector<16xf32> to vector<16xf32>
        %get3A_95 = arith.index_cast %while3A_67 : i32 to index
        %get3A_96 = arith.constant 16 : index
        %get3A_97 = tpu.vector_load %arg10[%get3A_95, %get3A_96] {strides = array<i32>} : memref<80x128xf32, #tpu.memory_space<vmem>>, vector<1x16xf32>,
        %get3A_98 = vector.shape_cast %get3A_97 : vector<1x16xf32> to vector<16xf32>
        %add3A_99 = arith.addf %get3A_94, %get3A_98 : vector<16xf32>
        %add3A_100 = arith.constant 16 : i32
        %add3A_101 = arith.addi %mul3A_74, %add3A_100 : i32
        %swap3A_102 = arith.index_cast %add3A_101 : i32 to index
        %swap3A_103 = tpu.vector_load %arg11[%swap3A_102] {strides = array<i32>} : memref<40960xf32, #tpu.memory_space<vmem>>, vector<16xf32>,
        %swap3A_104 = vector.shape_cast %swap3A_103 : vector<16xf32> to vector<16xf32>
        %swap3A_105 = vector.shape_cast %add3A_99 : vector<16xf32> to vector<16xf32>
        tpu.vector_store %arg11[%swap3A_102], %swap3A_105 {strides = array<i32>} : memref<40960xf32, #tpu.memory_space<vmem>>, vector<16xf32>,
        %add3A_106 = arith.constant 32 : i32
        %add3A_107 = arith.addi %mul3A_74, %add3A_106 : i32
        %get3A_108 = arith.index_cast %add3A_107 : i32 to index
        %get3A_109 = tpu.vector_load %arg11[%get3A_108] {strides = array<i32>} : memref<40960xf32, #tpu.memory_space<vmem>>, vector<16xf32>,
        %get3A_110 = vector.shape_cast %get3A_109 : vector<16xf32> to vector<16xf32>
        %get3A_111 = arith.index_cast %while3A_67 : i32 to index
        %get3A_112 = arith.constant 32 : index
        %get3A_113 = tpu.vector_load %arg10[%get3A_111, %get3A_112] {strides = array<i32>} : memref<80x128xf32, #tpu.memory_space<vmem>>, vector<1x16xf32>,
        %get3A_114 = vector.shape_cast %get3A_113 : vector<1x16xf32> to vector<16xf32>
        %add3A_115 = arith.addf %get3A_110, %get3A_114 : vector<16xf32>
        %add3A_116 = arith.constant 32 : i32
        %add3A_117 = arith.addi %mul3A_74, %add3A_116 : i32
        %swap3A_118 = arith.index_cast %add3A_117 : i32 to index
        %swap3A_119 = tpu.vector_load %arg11[%swap3A_118] {strides = array<i32>} : memref<40960xf32, #tpu.memory_space<vmem>>, vector<16xf32>,
        %swap3A_120 = vector.shape_cast %swap3A_119 : vector<16xf32> to vector<16xf32>
        %swap3A_121 = vector.shape_cast %add3A_115 : vector<16xf32> to vector<16xf32>
        tpu.vector_store %arg11[%swap3A_118], %swap3A_121 {strides = array<i32>} : memref<40960xf32, #tpu.memory_space<vmem>>, vector<16xf32>,
        %add3A_122 = arith.constant 48 : i32
        %add3A_123 = arith.addi %mul3A_74, %add3A_122 : i32
        %get3A_124 = arith.index_cast %add3A_123 : i32 to index
        %get3A_125 = tpu.vector_load %arg11[%get3A_124] {strides = array<i32>} : memref<40960xf32, #tpu.memory_space<vmem>>, vector<16xf32>,
        %get3A_126 = vector.shape_cast %get3A_125 : vector<16xf32> to vector<16xf32>
        %get3A_127 = arith.index_cast %while3A_67 : i32 to index
        %get3A_128 = arith.constant 48 : index
        %get3A_129 = tpu.vector_load %arg10[%get3A_127, %get3A_128] {strides = array<i32>} : memref<80x128xf32, #tpu.memory_space<vmem>>, vector<1x16xf32>,
        %get3A_130 = vector.shape_cast %get3A_129 : vector<1x16xf32> to vector<16xf32>
        %add3A_131 = arith.addf %get3A_126, %get3A_130 : vector<16xf32>
        %add3A_132 = arith.constant 48 : i32
        %add3A_133 = arith.addi %mul3A_74, %add3A_132 : i32
        %swap3A_134 = arith.index_cast %add3A_133 : i32 to index
        %swap3A_135 = tpu.vector_load %arg11[%swap3A_134] {strides = array<i32>} : memref<40960xf32, #tpu.memory_space<vmem>>, vector<16xf32>,
        %swap3A_136 = vector.shape_cast %swap3A_135 : vector<16xf32> to vector<16xf32>
        %swap3A_137 = vector.shape_cast %add3A_131 : vector<16xf32> to vector<16xf32>
        tpu.vector_store %arg11[%swap3A_134], %swap3A_137 {strides = array<i32>} : memref<40960xf32, #tpu.memory_space<vmem>>, vector<16xf32>,
        %add3A_138 = arith.constant 64 : i32
        %add3A_139 = arith.addi %mul3A_74, %add3A_138 : i32
        %get3A_140 = arith.index_cast %add3A_139 : i32 to index
        %get3A_141 = tpu.vector_load %arg11[%get3A_140] {strides = array<i32>} : memref<40960xf32, #tpu.memory_space<vmem>>, vector<16xf32>,
        %get3A_142 = vector.shape_cast %get3A_141 : vector<16xf32> to vector<16xf32>
        %get3A_143 = arith.index_cast %while3A_67 : i32 to index
        %get3A_144 = arith.constant 64 : index
        %get3A_145 = tpu.vector_load %arg10[%get3A_143, %get3A_144] {strides = array<i32>} : memref<80x128xf32, #tpu.memory_space<vmem>>, vector<1x16xf32>,
        %get3A_146 = vector.shape_cast %get3A_145 : vector<1x16xf32> to vector<16xf32>
        %add3A_147 = arith.addf %get3A_142, %get3A_146 : vector<16xf32>
        %add3A_148 = arith.constant 64 : i32
        %add3A_149 = arith.addi %mul3A_74, %add3A_148 : i32
        %swap3A_150 = arith.index_cast %add3A_149 : i32 to index
        %swap3A_151 = tpu.vector_load %arg11[%swap3A_150] {strides = array<i32>} : memref<40960xf32, #tpu.memory_space<vmem>>, vector<16xf32>,
        %swap3A_152 = vector.shape_cast %swap3A_151 : vector<16xf32> to vector<16xf32>
        %swap3A_153 = vector.shape_cast %add3A_147 : vector<16xf32> to vector<16xf32>
        tpu.vector_store %arg11[%swap3A_150], %swap3A_153 {strides = array<i32>} : memref<40960xf32, #tpu.memory_space<vmem>>, vector<16xf32>,
        %add3A_154 = arith.constant 80 : i32
        %add3A_155 = arith.addi %mul3A_74, %add3A_154 : i32
        %get3A_156 = arith.index_cast %add3A_155 : i32 to index
        %get3A_157 = tpu.vector_load %arg11[%get3A_156] {strides = array<i32>} : memref<40960xf32, #tpu.memory_space<vmem>>, vector<16xf32>,
        %get3A_158 = vector.shape_cast %get3A_157 : vector<16xf32> to vector<16xf32>
        %get3A_159 = arith.index_cast %while3A_67 : i32 to index
        %get3A_160 = arith.constant 80 : index
        %get3A_161 = tpu.vector_load %arg10[%get3A_159, %get3A_160] {strides = array<i32>} : memref<80x128xf32, #tpu.memory_space<vmem>>, vector<1x16xf32>,
        %get3A_162 = vector.shape_cast %get3A_161 : vector<1x16xf32> to vector<16xf32>
        %add3A_163 = arith.addf %get3A_158, %get3A_162 : vector<16xf32>
        %add3A_164 = arith.constant 80 : i32
        %add3A_165 = arith.addi %mul3A_74, %add3A_164 : i32
        %swap3A_166 = arith.index_cast %add3A_165 : i32 to index
        %swap3A_167 = tpu.vector_load %arg11[%swap3A_166] {strides = array<i32>} : memref<40960xf32, #tpu.memory_space<vmem>>, vector<16xf32>,
        %swap3A_168 = vector.shape_cast %swap3A_167 : vector<16xf32> to vector<16xf32>
        %swap3A_169 = vector.shape_cast %add3A_163 : vector<16xf32> to vector<16xf32>
        tpu.vector_store %arg11[%swap3A_166], %swap3A_169 {strides = array<i32>} : memref<40960xf32, #tpu.memory_space<vmem>>, vector<16xf32>,
        %add3A_170 = arith.constant 96 : i32
        %add3A_171 = arith.addi %mul3A_74, %add3A_170 : i32
        %get3A_172 = arith.index_cast %add3A_171 : i32 to index
        %get3A_173 = tpu.vector_load %arg11[%get3A_172] {strides = array<i32>} : memref<40960xf32, #tpu.memory_space<vmem>>, vector<16xf32>,
        %get3A_174 = vector.shape_cast %get3A_173 : vector<16xf32> to vector<16xf32>
        %get3A_175 = arith.index_cast %while3A_67 : i32 to index
        %get3A_176 = arith.constant 96 : index
        %get3A_177 = tpu.vector_load %arg10[%get3A_175, %get3A_176] {strides = array<i32>} : memref<80x128xf32, #tpu.memory_space<vmem>>, vector<1x16xf32>,
        %get3A_178 = vector.shape_cast %get3A_177 : vector<1x16xf32> to vector<16xf32>
        %add3A_179 = arith.addf %get3A_174, %get3A_178 : vector<16xf32>
        %add3A_180 = arith.constant 96 : i32
        %add3A_181 = arith.addi %mul3A_74, %add3A_180 : i32
        %swap3A_182 = arith.index_cast %add3A_181 : i32 to index
        %swap3A_183 = tpu.vector_load %arg11[%swap3A_182] {strides = array<i32>} : memref<40960xf32, #tpu.memory_space<vmem>>, vector<16xf32>,
        %swap3A_184 = vector.shape_cast %swap3A_183 : vector<16xf32> to vector<16xf32>
        %swap3A_185 = vector.shape_cast %add3A_179 : vector<16xf32> to vector<16xf32>
        tpu.vector_store %arg11[%swap3A_182], %swap3A_185 {strides = array<i32>} : memref<40960xf32, #tpu.memory_space<vmem>>, vector<16xf32>,
        %add3A_186 = arith.constant 112 : i32
        %add3A_187 = arith.addi %mul3A_74, %add3A_186 : i32
        %get3A_188 = arith.index_cast %add3A_187 : i32 to index
        %get3A_189 = tpu.vector_load %arg11[%get3A_188] {strides = array<i32>} : memref<40960xf32, #tpu.memory_space<vmem>>, vector<16xf32>,
        %get3A_190 = vector.shape_cast %get3A_189 : vector<16xf32> to vector<16xf32>
        %get3A_191 = arith.index_cast %while3A_67 : i32 to index
        %get3A_192 = arith.constant 112 : index
        %get3A_193 = tpu.vector_load %arg10[%get3A_191, %get3A_192] {strides = array<i32>} : memref<80x128xf32, #tpu.memory_space<vmem>>, vector<1x16xf32>,
        %get3A_194 = vector.shape_cast %get3A_193 : vector<1x16xf32> to vector<16xf32>
        %add3A_195 = arith.addf %get3A_190, %get3A_194 : vector<16xf32>
        %add3A_196 = arith.constant 112 : i32
        %add3A_197 = arith.addi %mul3A_74, %add3A_196 : i32
        %swap3A_198 = arith.index_cast %add3A_197 : i32 to index
        %swap3A_199 = tpu.vector_load %arg11[%swap3A_198] {strides = array<i32>} : memref<40960xf32, #tpu.memory_space<vmem>>, vector<16xf32>,
        %swap3A_200 = vector.shape_cast %swap3A_199 : vector<16xf32> to vector<16xf32>
        %swap3A_201 = vector.shape_cast %add3A_195 : vector<16xf32> to vector<16xf32>
        tpu.vector_store %arg11[%swap3A_198], %swap3A_201 {strides = array<i32>} : memref<40960xf32, #tpu.memory_space<vmem>>, vector<16xf32>,
      }
      %while3A_66 = arith.constant 1 : i32
      scf.for %while3A_67 = %while3A_64 to %while3A_60 step %while3A_66  : i32 {
        %get3A_68 = arith.index_cast %while3A_67 : i32 to index
        %get3A_69 = tpu.vector_load %arg8[%get3A_68] {strides = array<i32>} : memref<96xi32, #tpu.memory_space<vmem>>, vector<16xi32>,
        %get3A_70 = vector.shape_cast %get3A_69 : vector<16xi32> to vector<16xi32>
        %slice3A_71 = vector.extract_strided_slice %get3A_70 {offsets = [0], sizes = [1], strides = [1]} : vector<16xi32> to vector<1xi32>
        %squeeze3A_72 = vector.extract %slice3A_71[0] : i32 from vector<1xi32>
        %mul3A_73 = arith.constant 128 : i32
        %mul3A_74 = arith.muli %squeeze3A_72, %mul3A_73 : i32
        %add3A_75 = arith.constant 0 : i32
        %add3A_76 = arith.addi %mul3A_74, %add3A_75 : i32
        %get3A_77 = arith.index_cast %add3A_76 : i32 to index
        %get3A_78 = tpu.vector_load %arg11[%get3A_77] {strides = array<i32>} : memref<40960xf32, #tpu.memory_space<vmem>>, vector<16xf32>,
        %get3A_79 = vector.shape_cast %get3A_78 : vector<16xf32> to vector<16xf32>
        %get3A_80 = arith.index_cast %while3A_67 : i32 to index
        %get3A_81 = arith.constant 0 : index
        %get3A_82 = tpu.vector_load %arg10[%get3A_80, %get3A_81] {strides = array<i32>} : memref<80x128xf32, #tpu.memory_space<vmem>>, vector<1x16xf32>,
        %get3A_83 = vector.shape_cast %get3A_82 : vector<1x16xf32> to vector<16xf32>
        %add3A_84 = arith.addf %get3A_79, %get3A_83 : vector<16xf32>
        %add3A_85 = arith.constant 0 : i32
        %add3A_86 = arith.addi %mul3A_74, %add3A_85 : i32
        %swap3A = arith.index_cast %add3A_86 : i32 to index
        %swap3A_87 = tpu.vector_load %arg11[%swap3A] {strides = array<i32>} : memref<40960xf32, #tpu.memory_space<vmem>>, vector<16xf32>,
        %swap3A_88 = vector.shape_cast %swap3A_87 : vector<16xf32> to vector<16xf32>
        %swap3A_89 = vector.shape_cast %add3A_84 : vector<16xf32> to vector<16xf32>
        tpu.vector_store %arg11[%swap3A], %swap3A_89 {strides = array<i32>} : memref<40960xf32, #tpu.memory_space<vmem>>, vector<16xf32>,
        %add3A_90 = arith.constant 16 : i32
        %add3A_91 = arith.addi %mul3A_74, %add3A_90 : i32
        %get3A_92 = arith.index_cast %add3A_91 : i32 to index
        %get3A_93 = tpu.vector_load %arg11[%get3A_92] {strides = array<i32>} : memref<40960xf32, #tpu.memory_space<vmem>>, vector<16xf32>,
        %get3A_94 = vector.shape_cast %get3A_93 : vector<16xf32> to vector<16xf32>
        %get3A_95 = arith.index_cast %while3A_67 : i32 to index
        %get3A_96 = arith.constant 16 : index
        %get3A_97 = tpu.vector_load %arg10[%get3A_95, %get3A_96] {strides = array<i32>} : memref<80x128xf32, #tpu.memory_space<vmem>>, vector<1x16xf32>,
        %get3A_98 = vector.shape_cast %get3A_97 : vector<1x16xf32> to vector<16xf32>
        %add3A_99 = arith.addf %get3A_94, %get3A_98 : vector<16xf32>
        %add3A_100 = arith.constant 16 : i32
        %add3A_101 = arith.addi %mul3A_74, %add3A_100 : i32
        %swap3A_102 = arith.index_cast %add3A_101 : i32 to index
        %swap3A_103 = tpu.vector_load %arg11[%swap3A_102] {strides = array<i32>} : memref<40960xf32, #tpu.memory_space<vmem>>, vector<16xf32>,
        %swap3A_104 = vector.shape_cast %swap3A_103 : vector<16xf32> to vector<16xf32>
        %swap3A_105 = vector.shape_cast %add3A_99 : vector<16xf32> to vector<16xf32>
        tpu.vector_store %arg11[%swap3A_102], %swap3A_105 {strides = array<i32>} : memref<40960xf32, #tpu.memory_space<vmem>>, vector<16xf32>,
        %add3A_106 = arith.constant 32 : i32
        %add3A_107 = arith.addi %mul3A_74, %add3A_106 : i32
        %get3A_108 = arith.index_cast %add3A_107 : i32 to index
        %get3A_109 = tpu.vector_load %arg11[%get3A_108] {strides = array<i32>} : memref<40960xf32, #tpu.memory_space<vmem>>, vector<16xf32>,
        %get3A_110 = vector.shape_cast %get3A_109 : vector<16xf32> to vector<16xf32>
        %get3A_111 = arith.index_cast %while3A_67 : i32 to index
        %get3A_112 = arith.constant 32 : index
        %get3A_113 = tpu.vector_load %arg10[%get3A_111, %get3A_112] {strides = array<i32>} : memref<80x128xf32, #tpu.memory_space<vmem>>, vector<1x16xf32>,
        %get3A_114 = vector.shape_cast %get3A_113 : vector<1x16xf32> to vector<16xf32>
        %add3A_115 = arith.addf %get3A_110, %get3A_114 : vector<16xf32>
        %add3A_116 = arith.constant 32 : i32
        %add3A_117 = arith.addi %mul3A_74, %add3A_116 : i32
        %swap3A_118 = arith.index_cast %add3A_117 : i32 to index
        %swap3A_119 = tpu.vector_load %arg11[%swap3A_118] {strides = array<i32>} : memref<40960xf32, #tpu.memory_space<vmem>>, vector<16xf32>,
        %swap3A_120 = vector.shape_cast %swap3A_119 : vector<16xf32> to vector<16xf32>
        %swap3A_121 = vector.shape_cast %add3A_115 : vector<16xf32> to vector<16xf32>
        tpu.vector_store %arg11[%swap3A_118], %swap3A_121 {strides = array<i32>} : memref<40960xf32, #tpu.memory_space<vmem>>, vector<16xf32>,
        %add3A_122 = arith.constant 48 : i32
        %add3A_123 = arith.addi %mul3A_74, %add3A_122 : i32
        %get3A_124 = arith.index_cast %add3A_123 : i32 to index
        %get3A_125 = tpu.vector_load %arg11[%get3A_124] {strides = array<i32>} : memref<40960xf32, #tpu.memory_space<vmem>>, vector<16xf32>,
        %get3A_126 = vector.shape_cast %get3A_125 : vector<16xf32> to vector<16xf32>
        %get3A_127 = arith.index_cast %while3A_67 : i32 to index
        %get3A_128 = arith.constant 48 : index
        %get3A_129 = tpu.vector_load %arg10[%get3A_127, %get3A_128] {strides = array<i32>} : memref<80x128xf32, #tpu.memory_space<vmem>>, vector<1x16xf32>,
        %get3A_130 = vector.shape_cast %get3A_129 : vector<1x16xf32> to vector<16xf32>
        %add3A_131 = arith.addf %get3A_126, %get3A_130 : vector<16xf32>
        %add3A_132 = arith.constant 48 : i32
        %add3A_133 = arith.addi %mul3A_74, %add3A_132 : i32
        %swap3A_134 = arith.index_cast %add3A_133 : i32 to index
        %swap3A_135 = tpu.vector_load %arg11[%swap3A_134] {strides = array<i32>} : memref<40960xf32, #tpu.memory_space<vmem>>, vector<16xf32>,
        %swap3A_136 = vector.shape_cast %swap3A_135 : vector<16xf32> to vector<16xf32>
        %swap3A_137 = vector.shape_cast %add3A_131 : vector<16xf32> to vector<16xf32>
        tpu.vector_store %arg11[%swap3A_134], %swap3A_137 {strides = array<i32>} : memref<40960xf32, #tpu.memory_space<vmem>>, vector<16xf32>,
        %add3A_138 = arith.constant 64 : i32
        %add3A_139 = arith.addi %mul3A_74, %add3A_138 : i32
        %get3A_140 = arith.index_cast %add3A_139 : i32 to index
        %get3A_141 = tpu.vector_load %arg11[%get3A_140] {strides = array<i32>} : memref<40960xf32, #tpu.memory_space<vmem>>, vector<16xf32>,
        %get3A_142 = vector.shape_cast %get3A_141 : vector<16xf32> to vector<16xf32>
        %get3A_143 = arith.index_cast %while3A_67 : i32 to index
        %get3A_144 = arith.constant 64 : index
        %get3A_145 = tpu.vector_load %arg10[%get3A_143, %get3A_144] {strides = array<i32>} : memref<80x128xf32, #tpu.memory_space<vmem>>, vector<1x16xf32>,
        %get3A_146 = vector.shape_cast %get3A_145 : vector<1x16xf32> to vector<16xf32>
        %add3A_147 = arith.addf %get3A_142, %get3A_146 : vector<16xf32>
        %add3A_148 = arith.constant 64 : i32
        %add3A_149 = arith.addi %mul3A_74, %add3A_148 : i32
        %swap3A_150 = arith.index_cast %add3A_149 : i32 to index
        %swap3A_151 = tpu.vector_load %arg11[%swap3A_150] {strides = array<i32>} : memref<40960xf32, #tpu.memory_space<vmem>>, vector<16xf32>,
        %swap3A_152 = vector.shape_cast %swap3A_151 : vector<16xf32> to vector<16xf32>
        %swap3A_153 = vector.shape_cast %add3A_147 : vector<16xf32> to vector<16xf32>
        tpu.vector_store %arg11[%swap3A_150], %swap3A_153 {strides = array<i32>} : memref<40960xf32, #tpu.memory_space<vmem>>, vector<16xf32>,
        %add3A_154 = arith.constant 80 : i32
        %add3A_155 = arith.addi %mul3A_74, %add3A_154 : i32
        %get3A_156 = arith.index_cast %add3A_155 : i32 to index
        %get3A_157 = tpu.vector_load %arg11[%get3A_156] {strides = array<i32>} : memref<40960xf32, #tpu.memory_space<vmem>>, vector<16xf32>,
        %get3A_158 = vector.shape_cast %get3A_157 : vector<16xf32> to vector<16xf32>
        %get3A_159 = arith.index_cast %while3A_67 : i32 to index
        %get3A_160 = arith.constant 80 : index
        %get3A_161 = tpu.vector_load %arg10[%get3A_159, %get3A_160] {strides = array<i32>} : memref<80x128xf32, #tpu.memory_space<vmem>>, vector<1x16xf32>,
        %get3A_162 = vector.shape_cast %get3A_161 : vector<1x16xf32> to vector<16xf32>
        %add3A_163 = arith.addf %get3A_158, %get3A_162 : vector<16xf32>
        %add3A_164 = arith.constant 80 : i32
        %add3A_165 = arith.addi %mul3A_74, %add3A_164 : i32
        %swap3A_166 = arith.index_cast %add3A_165 : i32 to index
        %swap3A_167 = tpu.vector_load %arg11[%swap3A_166] {strides = array<i32>} : memref<40960xf32, #tpu.memory_space<vmem>>, vector<16xf32>,
        %swap3A_168 = vector.shape_cast %swap3A_167 : vector<16xf32> to vector<16xf32>
        %swap3A_169 = vector.shape_cast %add3A_163 : vector<16xf32> to vector<16xf32>
        tpu.vector_store %arg11[%swap3A_166], %swap3A_169 {strides = array<i32>} : memref<40960xf32, #tpu.memory_space<vmem>>, vector<16xf32>,
        %add3A_170 = arith.constant 96 : i32
        %add3A_171 = arith.addi %mul3A_74, %add3A_170 : i32
        %get3A_172 = arith.index_cast %add3A_171 : i32 to index
        %get3A_173 = tpu.vector_load %arg11[%get3A_172] {strides = array<i32>} : memref<40960xf32, #tpu.memory_space<vmem>>, vector<16xf32>,
        %get3A_174 = vector.shape_cast %get3A_173 : vector<16xf32> to vector<16xf32>
        %get3A_175 = arith.index_cast %while3A_67 : i32 to index
        %get3A_176 = arith.constant 96 : index
        %get3A_177 = tpu.vector_load %arg10[%get3A_175, %get3A_176] {strides = array<i32>} : memref<80x128xf32, #tpu.memory_space<vmem>>, vector<1x16xf32>,
        %get3A_178 = vector.shape_cast %get3A_177 : vector<1x16xf32> to vector<16xf32>
        %add3A_179 = arith.addf %get3A_174, %get3A_178 : vector<16xf32>
        %add3A_180 = arith.constant 96 : i32
        %add3A_181 = arith.addi %mul3A_74, %add3A_180 : i32
        %swap3A_182 = arith.index_cast %add3A_181 : i32 to index
        %swap3A_183 = tpu.vector_load %arg11[%swap3A_182] {strides = array<i32>} : memref<40960xf32, #tpu.memory_space<vmem>>, vector<16xf32>,
        %swap3A_184 = vector.shape_cast %swap3A_183 : vector<16xf32> to vector<16xf32>
        %swap3A_185 = vector.shape_cast %add3A_179 : vector<16xf32> to vector<16xf32>
        tpu.vector_store %arg11[%swap3A_182], %swap3A_185 {strides = array<i32>} : memref<40960xf32, #tpu.memory_space<vmem>>, vector<16xf32>,
        %add3A_186 = arith.constant 112 : i32
        %add3A_187 = arith.addi %mul3A_74, %add3A_186 : i32
        %get3A_188 = arith.index_cast %add3A_187 : i32 to index
        %get3A_189 = tpu.vector_load %arg11[%get3A_188] {strides = array<i32>} : memref<40960xf32, #tpu.memory_space<vmem>>, vector<16xf32>,
        %get3A_190 = vector.shape_cast %get3A_189 : vector<16xf32> to vector<16xf32>
        %get3A_191 = arith.index_cast %while3A_67 : i32 to index
        %get3A_192 = arith.constant 112 : index
        %get3A_193 = tpu.vector_load %arg10[%get3A_191, %get3A_192] {strides = array<i32>} : memref<80x128xf32, #tpu.memory_space<vmem>>, vector<1x16xf32>,
        %get3A_194 = vector.shape_cast %get3A_193 : vector<1x16xf32> to vector<16xf32>
        %add3A_195 = arith.addf %get3A_190, %get3A_194 : vector<16xf32>
        %add3A_196 = arith.constant 112 : i32
        %add3A_197 = arith.addi %mul3A_74, %add3A_196 : i32
        %swap3A_198 = arith.index_cast %add3A_197 : i32 to index
        %swap3A_199 = tpu.vector_load %arg11[%swap3A_198] {strides = array<i32>} : memref<40960xf32, #tpu.memory_space<vmem>>, vector<16xf32>,
        %swap3A_200 = vector.shape_cast %swap3A_199 : vector<16xf32> to vector<16xf32>
        %swap3A_201 = vector.shape_cast %add3A_195 : vector<16xf32> to vector<16xf32>
        tpu.vector_store %arg11[%swap3A_198], %swap3A_201 {strides = array<i32>} : memref<40960xf32, #tpu.memory_space<vmem>>, vector<16xf32>,
      }
    }
    %while3A_38 = arith.constant 1 : i32
    scf.for %while3A_43 = %while3A_36 to %while3A_32 step %while3A_38  : i32 {
      %mul3A_44 = arith.constant 320000 : i32
      %mul3A_45 = arith.muli %add3A, %mul3A_44 : i32
      %mul3A_46 = arith.constant 80 : i32
      %mul3A_47 = arith.muli %while3A_43, %mul3A_46 : i32
      %add3A_48 = arith.addi %mul3A_45, %mul3A_47 : i32
      "tpu.region"() ({
        %run_scoped3A = tpu.sem_alloc : memref<!tpu.dma_semaphore, #tpu.memory_space<semaphore_mem>>
        %dma_start3A_67 = tpu.memref_slice %arg3[%add3A_48] : memref<10240000xi32, #tpu.memory_space<hbm>> -> memref<80xi32, #tpu.memory_space<hbm>>
        %dma_start3A_68 = tpu.memref_slice %arg3[%add3A_48] : memref<10240000xi32, #tpu.memory_space<hbm>> -> memref<80xi32, #tpu.memory_space<hbm>>
        tpu.enqueue_dma source(%dma_start3A_68 : memref<80xi32, #tpu.memory_space<hbm>>) target(%arg7 : memref<80xi32, #tpu.memory_space<vmem>>) target_semaphore(%run_scoped3A : memref<!tpu.dma_semaphore, #tpu.memory_space<semaphore_mem>>)
        %dma_wait3A_69 = tpu.memref_slice %arg3[%add3A_48] : memref<10240000xi32, #tpu.memory_space<hbm>> -> memref<80xi32, #tpu.memory_space<hbm>>
        %dma_wait3A_70 = tpu.memref_slice %arg3[%add3A_48] : memref<10240000xi32, #tpu.memory_space<hbm>> -> memref<80xi32, #tpu.memory_space<hbm>>
        tpu.wait_dma2 semaphore(%run_scoped3A : memref<!tpu.dma_semaphore, #tpu.memory_space<semaphore_mem>>) src(%dma_wait3A_70 : memref<80xi32, #tpu.memory_space<hbm>>) dst(%arg7 : memref<80xi32, #tpu.memory_space<vmem>>)
        tpu.yield
      }) : () -> ()
      "tpu.region"() ({
        %run_scoped3A = tpu.sem_alloc : memref<!tpu.dma_semaphore, #tpu.memory_space<semaphore_mem>>
        %dma_start3A_67 = arith.constant 0 : i32
        %dma_start3A_68 = tpu.memref_slice %arg8[%dma_start3A_67] : memref<96xi32, #tpu.memory_space<vmem>> -> memref<80xi32, #tpu.memory_space<vmem>>
        %dma_start3A_69 = tpu.memref_slice %arg4[%add3A_48] : memref<10240000xi32, #tpu.memory_space<hbm>> -> memref<80xi32, #tpu.memory_space<hbm>>
        %dma_start3A_70 = arith.constant 0 : i32
        %dma_start3A_71 = tpu.memref_slice %arg8[%dma_start3A_70] : memref<96xi32, #tpu.memory_space<vmem>> -> memref<80xi32, #tpu.memory_space<vmem>>
        %dma_start3A_72 = tpu.memref_slice %arg4[%add3A_48] : memref<10240000xi32, #tpu.memory_space<hbm>> -> memref<80xi32, #tpu.memory_space<hbm>>
        tpu.enqueue_dma source(%dma_start3A_72 : memref<80xi32, #tpu.memory_space<hbm>>) target(%dma_start3A_71 : memref<80xi32, #tpu.memory_space<vmem>>) target_semaphore(%run_scoped3A : memref<!tpu.dma_semaphore, #tpu.memory_space<semaphore_mem>>)
        %dma_wait3A_73 = arith.constant 0 : i32
        %dma_wait3A_74 = tpu.memref_slice %arg8[%dma_wait3A_73] : memref<96xi32, #tpu.memory_space<vmem>> -> memref<80xi32, #tpu.memory_space<vmem>>
        %dma_wait3A_75 = tpu.memref_slice %arg4[%add3A_48] : memref<10240000xi32, #tpu.memory_space<hbm>> -> memref<80xi32, #tpu.memory_space<hbm>>
        %dma_wait3A_76 = arith.constant 0 : i32
        %dma_wait3A_77 = tpu.memref_slice %arg8[%dma_wait3A_76] : memref<96xi32, #tpu.memory_space<vmem>> -> memref<80xi32, #tpu.memory_space<vmem>>
        %dma_wait3A_78 = tpu.memref_slice %arg4[%add3A_48] : memref<10240000xi32, #tpu.memory_space<hbm>> -> memref<80xi32, #tpu.memory_space<hbm>>
        tpu.wait_dma2 semaphore(%run_scoped3A : memref<!tpu.dma_semaphore, #tpu.memory_space<semaphore_mem>>) src(%dma_wait3A_78 : memref<80xi32, #tpu.memory_space<hbm>>) dst(%dma_wait3A_77 : memref<80xi32, #tpu.memory_space<vmem>>)
        tpu.yield
      }) : () -> ()
      %dma_start3A = arith.constant 0 : i32
      %dma_start3A_49 = arith.constant 0 : i32
      %dma_start3A_50 = tpu.memref_slice %arg2[%dma_start3A, %dma_start3A_49] : memref<10000x128xf32, #tpu.memory_space<hbm>> -> memref<10000x128xf32, #tpu.memory_space<hbm>>
      tpu.enqueue_indirect_dma source(%dma_start3A_50 : memref<10000x128xf32, #tpu.memory_space<hbm>>) target(%arg10 : memref<80x128xf32, #tpu.memory_space<vmem>>) offsets(%arg7 : memref<80xi32, #tpu.memory_space<vmem>>) semaphore(%arg12 : memref<!tpu.dma_semaphore, #tpu.memory_space<semaphore_mem>>)
      %dma_wait3A = arith.constant 0 : i32
      %dma_wait3A_51 = arith.constant 0 : i32
      %dma_wait3A_52 = tpu.memref_slice %arg2[%dma_wait3A, %dma_wait3A_51] : memref<10000x128xf32, #tpu.memory_space<hbm>> -> memref<10000x128xf32, #tpu.memory_space<hbm>>
      tpu.wait_indirect_dma semaphore(%arg12 : memref<!tpu.dma_semaphore, #tpu.memory_space<semaphore_mem>>) src(%dma_wait3A_52 : memref<10000x128xf32, #tpu.memory_space<hbm>>) dst(%arg10 : memref<80x128xf32, #tpu.memory_space<vmem>>)
      %mul3A_53 = arith.constant 80 : i32
      %mul3A_54 = arith.muli %while3A_43, %mul3A_53 : i32
      %sub3A_55 = arith.subi %squeeze3A, %mul3A_54 : i32
      %min3A = arith.constant 80 : i32
      %min3A_56 = arith.minsi %sub3A_55, %min3A : i32
      %while3A_57 = arith.constant 0 : i32
      %while3A_58 = arith.constant 0 : i32
      %while3A_59 = arith.subi %min3A_56, %while3A_58 : i32
      %while3A_60 = arith.addi %while3A_58, %while3A_59 : i32
      %while3A_61 = arith.constant 1 : i32
      %while3A_62 = arith.divsi %while3A_59, %while3A_61 : i32
      %while3A_63 = arith.muli %while3A_62, %while3A_61 : i32
      %while3A_64 = arith.addi %while3A_58, %while3A_63 : i32
      %while3A_65 = arith.constant 1 : i32
      scf.for %while3A_67 = %while3A_58 to %while3A_64 step %while3A_65  : i32 {
        %get3A_68 = arith.index_cast %while3A_67 : i32 to index
        %get3A_69 = tpu.vector_load %arg8[%get3A_68] {strides = array<i32>} : memref<96xi32, #tpu.memory_space<vmem>>, vector<16xi32>,
        %get3A_70 = vector.shape_cast %get3A_69 : vector<16xi32> to vector<16xi32>
        %slice3A_71 = vector.extract_strided_slice %get3A_70 {offsets = [0], sizes = [1], strides = [1]} : vector<16xi32> to vector<1xi32>
        %squeeze3A_72 = vector.extract %slice3A_71[0] : i32 from vector<1xi32>
        %mul3A_73 = arith.constant 128 : i32
        %mul3A_74 = arith.muli %squeeze3A_72, %mul3A_73 : i32
        %add3A_75 = arith.constant 0 : i32
        %add3A_76 = arith.addi %mul3A_74, %add3A_75 : i32
        %get3A_77 = arith.index_cast %add3A_76 : i32 to index
        %get3A_78 = tpu.vector_load %arg11[%get3A_77] {strides = array<i32>} : memref<40960xf32, #tpu.memory_space<vmem>>, vector<16xf32>,
        %get3A_79 = vector.shape_cast %get3A_78 : vector<16xf32> to vector<16xf32>
        %get3A_80 = arith.index_cast %while3A_67 : i32 to index
        %get3A_81 = arith.constant 0 : index
        %get3A_82 = tpu.vector_load %arg10[%get3A_80, %get3A_81] {strides = array<i32>} : memref<80x128xf32, #tpu.memory_space<vmem>>, vector<1x16xf32>,
        %get3A_83 = vector.shape_cast %get3A_82 : vector<1x16xf32> to vector<16xf32>
        %add3A_84 = arith.addf %get3A_79, %get3A_83 : vector<16xf32>
        %add3A_85 = arith.constant 0 : i32
        %add3A_86 = arith.addi %mul3A_74, %add3A_85 : i32
        %swap3A = arith.index_cast %add3A_86 : i32 to index
        %swap3A_87 = tpu.vector_load %arg11[%swap3A] {strides = array<i32>} : memref<40960xf32, #tpu.memory_space<vmem>>, vector<16xf32>,
        %swap3A_88 = vector.shape_cast %swap3A_87 : vector<16xf32> to vector<16xf32>
        %swap3A_89 = vector.shape_cast %add3A_84 : vector<16xf32> to vector<16xf32>
        tpu.vector_store %arg11[%swap3A], %swap3A_89 {strides = array<i32>} : memref<40960xf32, #tpu.memory_space<vmem>>, vector<16xf32>,
        %add3A_90 = arith.constant 16 : i32
        %add3A_91 = arith.addi %mul3A_74, %add3A_90 : i32
        %get3A_92 = arith.index_cast %add3A_91 : i32 to index
        %get3A_93 = tpu.vector_load %arg11[%get3A_92] {strides = array<i32>} : memref<40960xf32, #tpu.memory_space<vmem>>, vector<16xf32>,
        %get3A_94 = vector.shape_cast %get3A_93 : vector<16xf32> to vector<16xf32>
        %get3A_95 = arith.index_cast %while3A_67 : i32 to index
        %get3A_96 = arith.constant 16 : index
        %get3A_97 = tpu.vector_load %arg10[%get3A_95, %get3A_96] {strides = array<i32>} : memref<80x128xf32, #tpu.memory_space<vmem>>, vector<1x16xf32>,
        %get3A_98 = vector.shape_cast %get3A_97 : vector<1x16xf32> to vector<16xf32>
        %add3A_99 = arith.addf %get3A_94, %get3A_98 : vector<16xf32>
        %add3A_100 = arith.constant 16 : i32
        %add3A_101 = arith.addi %mul3A_74, %add3A_100 : i32
        %swap3A_102 = arith.index_cast %add3A_101 : i32 to index
        %swap3A_103 = tpu.vector_load %arg11[%swap3A_102] {strides = array<i32>} : memref<40960xf32, #tpu.memory_space<vmem>>, vector<16xf32>,
        %swap3A_104 = vector.shape_cast %swap3A_103 : vector<16xf32> to vector<16xf32>
        %swap3A_105 = vector.shape_cast %add3A_99 : vector<16xf32> to vector<16xf32>
        tpu.vector_store %arg11[%swap3A_102], %swap3A_105 {strides = array<i32>} : memref<40960xf32, #tpu.memory_space<vmem>>, vector<16xf32>,
        %add3A_106 = arith.constant 32 : i32
        %add3A_107 = arith.addi %mul3A_74, %add3A_106 : i32
        %get3A_108 = arith.index_cast %add3A_107 : i32 to index
        %get3A_109 = tpu.vector_load %arg11[%get3A_108] {strides = array<i32>} : memref<40960xf32, #tpu.memory_space<vmem>>, vector<16xf32>,
        %get3A_110 = vector.shape_cast %get3A_109 : vector<16xf32> to vector<16xf32>
        %get3A_111 = arith.index_cast %while3A_67 : i32 to index
        %get3A_112 = arith.constant 32 : index
        %get3A_113 = tpu.vector_load %arg10[%get3A_111, %get3A_112] {strides = array<i32>} : memref<80x128xf32, #tpu.memory_space<vmem>>, vector<1x16xf32>,
        %get3A_114 = vector.shape_cast %get3A_113 : vector<1x16xf32> to vector<16xf32>
        %add3A_115 = arith.addf %get3A_110, %get3A_114 : vector<16xf32>
        %add3A_116 = arith.constant 32 : i32
        %add3A_117 = arith.addi %mul3A_74, %add3A_116 : i32
        %swap3A_118 = arith.index_cast %add3A_117 : i32 to index
        %swap3A_119 = tpu.vector_load %arg11[%swap3A_118] {strides = array<i32>} : memref<40960xf32, #tpu.memory_space<vmem>>, vector<16xf32>,
        %swap3A_120 = vector.shape_cast %swap3A_119 : vector<16xf32> to vector<16xf32>
        %swap3A_121 = vector.shape_cast %add3A_115 : vector<16xf32> to vector<16xf32>
        tpu.vector_store %arg11[%swap3A_118], %swap3A_121 {strides = array<i32>} : memref<40960xf32, #tpu.memory_space<vmem>>, vector<16xf32>,
        %add3A_122 = arith.constant 48 : i32
        %add3A_123 = arith.addi %mul3A_74, %add3A_122 : i32
        %get3A_124 = arith.index_cast %add3A_123 : i32 to index
        %get3A_125 = tpu.vector_load %arg11[%get3A_124] {strides = array<i32>} : memref<40960xf32, #tpu.memory_space<vmem>>, vector<16xf32>,
        %get3A_126 = vector.shape_cast %get3A_125 : vector<16xf32> to vector<16xf32>
        %get3A_127 = arith.index_cast %while3A_67 : i32 to index
        %get3A_128 = arith.constant 48 : index
        %get3A_129 = tpu.vector_load %arg10[%get3A_127, %get3A_128] {strides = array<i32>} : memref<80x128xf32, #tpu.memory_space<vmem>>, vector<1x16xf32>,
        %get3A_130 = vector.shape_cast %get3A_129 : vector<1x16xf32> to vector<16xf32>
        %add3A_131 = arith.addf %get3A_126, %get3A_130 : vector<16xf32>
        %add3A_132 = arith.constant 48 : i32
        %add3A_133 = arith.addi %mul3A_74, %add3A_132 : i32
        %swap3A_134 = arith.index_cast %add3A_133 : i32 to index
        %swap3A_135 = tpu.vector_load %arg11[%swap3A_134] {strides = array<i32>} : memref<40960xf32, #tpu.memory_space<vmem>>, vector<16xf32>,
        %swap3A_136 = vector.shape_cast %swap3A_135 : vector<16xf32> to vector<16xf32>
        %swap3A_137 = vector.shape_cast %add3A_131 : vector<16xf32> to vector<16xf32>
        tpu.vector_store %arg11[%swap3A_134], %swap3A_137 {strides = array<i32>} : memref<40960xf32, #tpu.memory_space<vmem>>, vector<16xf32>,
        %add3A_138 = arith.constant 64 : i32
        %add3A_139 = arith.addi %mul3A_74, %add3A_138 : i32
        %get3A_140 = arith.index_cast %add3A_139 : i32 to index
        %get3A_141 = tpu.vector_load %arg11[%get3A_140] {strides = array<i32>} : memref<40960xf32, #tpu.memory_space<vmem>>, vector<16xf32>,
        %get3A_142 = vector.shape_cast %get3A_141 : vector<16xf32> to vector<16xf32>
        %get3A_143 = arith.index_cast %while3A_67 : i32 to index
        %get3A_144 = arith.constant 64 : index
        %get3A_145 = tpu.vector_load %arg10[%get3A_143, %get3A_144] {strides = array<i32>} : memref<80x128xf32, #tpu.memory_space<vmem>>, vector<1x16xf32>,
        %get3A_146 = vector.shape_cast %get3A_145 : vector<1x16xf32> to vector<16xf32>
        %add3A_147 = arith.addf %get3A_142, %get3A_146 : vector<16xf32>
        %add3A_148 = arith.constant 64 : i32
        %add3A_149 = arith.addi %mul3A_74, %add3A_148 : i32
        %swap3A_150 = arith.index_cast %add3A_149 : i32 to index
        %swap3A_151 = tpu.vector_load %arg11[%swap3A_150] {strides = array<i32>} : memref<40960xf32, #tpu.memory_space<vmem>>, vector<16xf32>,
        %swap3A_152 = vector.shape_cast %swap3A_151 : vector<16xf32> to vector<16xf32>
        %swap3A_153 = vector.shape_cast %add3A_147 : vector<16xf32> to vector<16xf32>
        tpu.vector_store %arg11[%swap3A_150], %swap3A_153 {strides = array<i32>} : memref<40960xf32, #tpu.memory_space<vmem>>, vector<16xf32>,
        %add3A_154 = arith.constant 80 : i32
        %add3A_155 = arith.addi %mul3A_74, %add3A_154 : i32
        %get3A_156 = arith.index_cast %add3A_155 : i32 to index
        %get3A_157 = tpu.vector_load %arg11[%get3A_156] {strides = array<i32>} : memref<40960xf32, #tpu.memory_space<vmem>>, vector<16xf32>,
        %get3A_158 = vector.shape_cast %get3A_157 : vector<16xf32> to vector<16xf32>
        %get3A_159 = arith.index_cast %while3A_67 : i32 to index
        %get3A_160 = arith.constant 80 : index
        %get3A_161 = tpu.vector_load %arg10[%get3A_159, %get3A_160] {strides = array<i32>} : memref<80x128xf32, #tpu.memory_space<vmem>>, vector<1x16xf32>,
        %get3A_162 = vector.shape_cast %get3A_161 : vector<1x16xf32> to vector<16xf32>
        %add3A_163 = arith.addf %get3A_158, %get3A_162 : vector<16xf32>
        %add3A_164 = arith.constant 80 : i32
        %add3A_165 = arith.addi %mul3A_74, %add3A_164 : i32
        %swap3A_166 = arith.index_cast %add3A_165 : i32 to index
        %swap3A_167 = tpu.vector_load %arg11[%swap3A_166] {strides = array<i32>} : memref<40960xf32, #tpu.memory_space<vmem>>, vector<16xf32>,
        %swap3A_168 = vector.shape_cast %swap3A_167 : vector<16xf32> to vector<16xf32>
        %swap3A_169 = vector.shape_cast %add3A_163 : vector<16xf32> to vector<16xf32>
        tpu.vector_store %arg11[%swap3A_166], %swap3A_169 {strides = array<i32>} : memref<40960xf32, #tpu.memory_space<vmem>>, vector<16xf32>,
        %add3A_170 = arith.constant 96 : i32
        %add3A_171 = arith.addi %mul3A_74, %add3A_170 : i32
        %get3A_172 = arith.index_cast %add3A_171 : i32 to index
        %get3A_173 = tpu.vector_load %arg11[%get3A_172] {strides = array<i32>} : memref<40960xf32, #tpu.memory_space<vmem>>, vector<16xf32>,
        %get3A_174 = vector.shape_cast %get3A_173 : vector<16xf32> to vector<16xf32>
        %get3A_175 = arith.index_cast %while3A_67 : i32 to index
        %get3A_176 = arith.constant 96 : index
        %get3A_177 = tpu.vector_load %arg10[%get3A_175, %get3A_176] {strides = array<i32>} : memref<80x128xf32, #tpu.memory_space<vmem>>, vector<1x16xf32>,
        %get3A_178 = vector.shape_cast %get3A_177 : vector<1x16xf32> to vector<16xf32>
        %add3A_179 = arith.addf %get3A_174, %get3A_178 : vector<16xf32>
        %add3A_180 = arith.constant 96 : i32
        %add3A_181 = arith.addi %mul3A_74, %add3A_180 : i32
        %swap3A_182 = arith.index_cast %add3A_181 : i32 to index
        %swap3A_183 = tpu.vector_load %arg11[%swap3A_182] {strides = array<i32>} : memref<40960xf32, #tpu.memory_space<vmem>>, vector<16xf32>,
        %swap3A_184 = vector.shape_cast %swap3A_183 : vector<16xf32> to vector<16xf32>
        %swap3A_185 = vector.shape_cast %add3A_179 : vector<16xf32> to vector<16xf32>
        tpu.vector_store %arg11[%swap3A_182], %swap3A_185 {strides = array<i32>} : memref<40960xf32, #tpu.memory_space<vmem>>, vector<16xf32>,
        %add3A_186 = arith.constant 112 : i32
        %add3A_187 = arith.addi %mul3A_74, %add3A_186 : i32
        %get3A_188 = arith.index_cast %add3A_187 : i32 to index
        %get3A_189 = tpu.vector_load %arg11[%get3A_188] {strides = array<i32>} : memref<40960xf32, #tpu.memory_space<vmem>>, vector<16xf32>,
        %get3A_190 = vector.shape_cast %get3A_189 : vector<16xf32> to vector<16xf32>
        %get3A_191 = arith.index_cast %while3A_67 : i32 to index
        %get3A_192 = arith.constant 112 : index
        %get3A_193 = tpu.vector_load %arg10[%get3A_191, %get3A_192] {strides = array<i32>} : memref<80x128xf32, #tpu.memory_space<vmem>>, vector<1x16xf32>,
        %get3A_194 = vector.shape_cast %get3A_193 : vector<1x16xf32> to vector<16xf32>
        %add3A_195 = arith.addf %get3A_190, %get3A_194 : vector<16xf32>
        %add3A_196 = arith.constant 112 : i32
        %add3A_197 = arith.addi %mul3A_74, %add3A_196 : i32
        %swap3A_198 = arith.index_cast %add3A_197 : i32 to index
        %swap3A_199 = tpu.vector_load %arg11[%swap3A_198] {strides = array<i32>} : memref<40960xf32, #tpu.memory_space<vmem>>, vector<16xf32>,
        %swap3A_200 = vector.shape_cast %swap3A_199 : vector<16xf32> to vector<16xf32>
        %swap3A_201 = vector.shape_cast %add3A_195 : vector<16xf32> to vector<16xf32>
        tpu.vector_store %arg11[%swap3A_198], %swap3A_201 {strides = array<i32>} : memref<40960xf32, #tpu.memory_space<vmem>>, vector<16xf32>,
      }
      %while3A_66 = arith.constant 1 : i32
      scf.for %while3A_67 = %while3A_64 to %while3A_60 step %while3A_66  : i32 {
        %get3A_68 = arith.index_cast %while3A_67 : i32 to index
        %get3A_69 = tpu.vector_load %arg8[%get3A_68] {strides = array<i32>} : memref<96xi32, #tpu.memory_space<vmem>>, vector<16xi32>,
        %get3A_70 = vector.shape_cast %get3A_69 : vector<16xi32> to vector<16xi32>
        %slice3A_71 = vector.extract_strided_slice %get3A_70 {offsets = [0], sizes = [1], strides = [1]} : vector<16xi32> to vector<1xi32>
        %squeeze3A_72 = vector.extract %slice3A_71[0] : i32 from vector<1xi32>
        %mul3A_73 = arith.constant 128 : i32
        %mul3A_74 = arith.muli %squeeze3A_72, %mul3A_73 : i32
        %add3A_75 = arith.constant 0 : i32
        %add3A_76 = arith.addi %mul3A_74, %add3A_75 : i32
        %get3A_77 = arith.index_cast %add3A_76 : i32 to index
        %get3A_78 = tpu.vector_load %arg11[%get3A_77] {strides = array<i32>} : memref<40960xf32, #tpu.memory_space<vmem>>, vector<16xf32>,
        %get3A_79 = vector.shape_cast %get3A_78 : vector<16xf32> to vector<16xf32>
        %get3A_80 = arith.index_cast %while3A_67 : i32 to index
        %get3A_81 = arith.constant 0 : index
        %get3A_82 = tpu.vector_load %arg10[%get3A_80, %get3A_81] {strides = array<i32>} : memref<80x128xf32, #tpu.memory_space<vmem>>, vector<1x16xf32>,
        %get3A_83 = vector.shape_cast %get3A_82 : vector<1x16xf32> to vector<16xf32>
        %add3A_84 = arith.addf %get3A_79, %get3A_83 : vector<16xf32>
        %add3A_85 = arith.constant 0 : i32
        %add3A_86 = arith.addi %mul3A_74, %add3A_85 : i32
        %swap3A = arith.index_cast %add3A_86 : i32 to index
        %swap3A_87 = tpu.vector_load %arg11[%swap3A] {strides = array<i32>} : memref<40960xf32, #tpu.memory_space<vmem>>, vector<16xf32>,
        %swap3A_88 = vector.shape_cast %swap3A_87 : vector<16xf32> to vector<16xf32>
        %swap3A_89 = vector.shape_cast %add3A_84 : vector<16xf32> to vector<16xf32>
        tpu.vector_store %arg11[%swap3A], %swap3A_89 {strides = array<i32>} : memref<40960xf32, #tpu.memory_space<vmem>>, vector<16xf32>,
        %add3A_90 = arith.constant 16 : i32
        %add3A_91 = arith.addi %mul3A_74, %add3A_90 : i32
        %get3A_92 = arith.index_cast %add3A_91 : i32 to index
        %get3A_93 = tpu.vector_load %arg11[%get3A_92] {strides = array<i32>} : memref<40960xf32, #tpu.memory_space<vmem>>, vector<16xf32>,
        %get3A_94 = vector.shape_cast %get3A_93 : vector<16xf32> to vector<16xf32>
        %get3A_95 = arith.index_cast %while3A_67 : i32 to index
        %get3A_96 = arith.constant 16 : index
        %get3A_97 = tpu.vector_load %arg10[%get3A_95, %get3A_96] {strides = array<i32>} : memref<80x128xf32, #tpu.memory_space<vmem>>, vector<1x16xf32>,
        %get3A_98 = vector.shape_cast %get3A_97 : vector<1x16xf32> to vector<16xf32>
        %add3A_99 = arith.addf %get3A_94, %get3A_98 : vector<16xf32>
        %add3A_100 = arith.constant 16 : i32
        %add3A_101 = arith.addi %mul3A_74, %add3A_100 : i32
        %swap3A_102 = arith.index_cast %add3A_101 : i32 to index
        %swap3A_103 = tpu.vector_load %arg11[%swap3A_102] {strides = array<i32>} : memref<40960xf32, #tpu.memory_space<vmem>>, vector<16xf32>,
        %swap3A_104 = vector.shape_cast %swap3A_103 : vector<16xf32> to vector<16xf32>
        %swap3A_105 = vector.shape_cast %add3A_99 : vector<16xf32> to vector<16xf32>
        tpu.vector_store %arg11[%swap3A_102], %swap3A_105 {strides = array<i32>} : memref<40960xf32, #tpu.memory_space<vmem>>, vector<16xf32>,
        %add3A_106 = arith.constant 32 : i32
        %add3A_107 = arith.addi %mul3A_74, %add3A_106 : i32
        %get3A_108 = arith.index_cast %add3A_107 : i32 to index
        %get3A_109 = tpu.vector_load %arg11[%get3A_108] {strides = array<i32>} : memref<40960xf32, #tpu.memory_space<vmem>>, vector<16xf32>,
        %get3A_110 = vector.shape_cast %get3A_109 : vector<16xf32> to vector<16xf32>
        %get3A_111 = arith.index_cast %while3A_67 : i32 to index
        %get3A_112 = arith.constant 32 : index
        %get3A_113 = tpu.vector_load %arg10[%get3A_111, %get3A_112] {strides = array<i32>} : memref<80x128xf32, #tpu.memory_space<vmem>>, vector<1x16xf32>,
        %get3A_114 = vector.shape_cast %get3A_113 : vector<1x16xf32> to vector<16xf32>
        %add3A_115 = arith.addf %get3A_110, %get3A_114 : vector<16xf32>
        %add3A_116 = arith.constant 32 : i32
        %add3A_117 = arith.addi %mul3A_74, %add3A_116 : i32
        %swap3A_118 = arith.index_cast %add3A_117 : i32 to index
        %swap3A_119 = tpu.vector_load %arg11[%swap3A_118] {strides = array<i32>} : memref<40960xf32, #tpu.memory_space<vmem>>, vector<16xf32>,
        %swap3A_120 = vector.shape_cast %swap3A_119 : vector<16xf32> to vector<16xf32>
        %swap3A_121 = vector.shape_cast %add3A_115 : vector<16xf32> to vector<16xf32>
        tpu.vector_store %arg11[%swap3A_118], %swap3A_121 {strides = array<i32>} : memref<40960xf32, #tpu.memory_space<vmem>>, vector<16xf32>,
        %add3A_122 = arith.constant 48 : i32
        %add3A_123 = arith.addi %mul3A_74, %add3A_122 : i32
        %get3A_124 = arith.index_cast %add3A_123 : i32 to index
        %get3A_125 = tpu.vector_load %arg11[%get3A_124] {strides = array<i32>} : memref<40960xf32, #tpu.memory_space<vmem>>, vector<16xf32>,
        %get3A_126 = vector.shape_cast %get3A_125 : vector<16xf32> to vector<16xf32>
        %get3A_127 = arith.index_cast %while3A_67 : i32 to index
        %get3A_128 = arith.constant 48 : index
        %get3A_129 = tpu.vector_load %arg10[%get3A_127, %get3A_128] {strides = array<i32>} : memref<80x128xf32, #tpu.memory_space<vmem>>, vector<1x16xf32>,
        %get3A_130 = vector.shape_cast %get3A_129 : vector<1x16xf32> to vector<16xf32>
        %add3A_131 = arith.addf %get3A_126, %get3A_130 : vector<16xf32>
        %add3A_132 = arith.constant 48 : i32
        %add3A_133 = arith.addi %mul3A_74, %add3A_132 : i32
        %swap3A_134 = arith.index_cast %add3A_133 : i32 to index
        %swap3A_135 = tpu.vector_load %arg11[%swap3A_134] {strides = array<i32>} : memref<40960xf32, #tpu.memory_space<vmem>>, vector<16xf32>,
        %swap3A_136 = vector.shape_cast %swap3A_135 : vector<16xf32> to vector<16xf32>
        %swap3A_137 = vector.shape_cast %add3A_131 : vector<16xf32> to vector<16xf32>
        tpu.vector_store %arg11[%swap3A_134], %swap3A_137 {strides = array<i32>} : memref<40960xf32, #tpu.memory_space<vmem>>, vector<16xf32>,
        %add3A_138 = arith.constant 64 : i32
        %add3A_139 = arith.addi %mul3A_74, %add3A_138 : i32
        %get3A_140 = arith.index_cast %add3A_139 : i32 to index
        %get3A_141 = tpu.vector_load %arg11[%get3A_140] {strides = array<i32>} : memref<40960xf32, #tpu.memory_space<vmem>>, vector<16xf32>,
        %get3A_142 = vector.shape_cast %get3A_141 : vector<16xf32> to vector<16xf32>
        %get3A_143 = arith.index_cast %while3A_67 : i32 to index
        %get3A_144 = arith.constant 64 : index
        %get3A_145 = tpu.vector_load %arg10[%get3A_143, %get3A_144] {strides = array<i32>} : memref<80x128xf32, #tpu.memory_space<vmem>>, vector<1x16xf32>,
        %get3A_146 = vector.shape_cast %get3A_145 : vector<1x16xf32> to vector<16xf32>
        %add3A_147 = arith.addf %get3A_142, %get3A_146 : vector<16xf32>
        %add3A_148 = arith.constant 64 : i32
        %add3A_149 = arith.addi %mul3A_74, %add3A_148 : i32
        %swap3A_150 = arith.index_cast %add3A_149 : i32 to index
        %swap3A_151 = tpu.vector_load %arg11[%swap3A_150] {strides = array<i32>} : memref<40960xf32, #tpu.memory_space<vmem>>, vector<16xf32>,
        %swap3A_152 = vector.shape_cast %swap3A_151 : vector<16xf32> to vector<16xf32>
        %swap3A_153 = vector.shape_cast %add3A_147 : vector<16xf32> to vector<16xf32>
        tpu.vector_store %arg11[%swap3A_150], %swap3A_153 {strides = array<i32>} : memref<40960xf32, #tpu.memory_space<vmem>>, vector<16xf32>,
        %add3A_154 = arith.constant 80 : i32
        %add3A_155 = arith.addi %mul3A_74, %add3A_154 : i32
        %get3A_156 = arith.index_cast %add3A_155 : i32 to index
        %get3A_157 = tpu.vector_load %arg11[%get3A_156] {strides = array<i32>} : memref<40960xf32, #tpu.memory_space<vmem>>, vector<16xf32>,
        %get3A_158 = vector.shape_cast %get3A_157 : vector<16xf32> to vector<16xf32>
        %get3A_159 = arith.index_cast %while3A_67 : i32 to index
        %get3A_160 = arith.constant 80 : index
        %get3A_161 = tpu.vector_load %arg10[%get3A_159, %get3A_160] {strides = array<i32>} : memref<80x128xf32, #tpu.memory_space<vmem>>, vector<1x16xf32>,
        %get3A_162 = vector.shape_cast %get3A_161 : vector<1x16xf32> to vector<16xf32>
        %add3A_163 = arith.addf %get3A_158, %get3A_162 : vector<16xf32>
        %add3A_164 = arith.constant 80 : i32
        %add3A_165 = arith.addi %mul3A_74, %add3A_164 : i32
        %swap3A_166 = arith.index_cast %add3A_165 : i32 to index
        %swap3A_167 = tpu.vector_load %arg11[%swap3A_166] {strides = array<i32>} : memref<40960xf32, #tpu.memory_space<vmem>>, vector<16xf32>,
        %swap3A_168 = vector.shape_cast %swap3A_167 : vector<16xf32> to vector<16xf32>
        %swap3A_169 = vector.shape_cast %add3A_163 : vector<16xf32> to vector<16xf32>
        tpu.vector_store %arg11[%swap3A_166], %swap3A_169 {strides = array<i32>} : memref<40960xf32, #tpu.memory_space<vmem>>, vector<16xf32>,
        %add3A_170 = arith.constant 96 : i32
        %add3A_171 = arith.addi %mul3A_74, %add3A_170 : i32
        %get3A_172 = arith.index_cast %add3A_171 : i32 to index
        %get3A_173 = tpu.vector_load %arg11[%get3A_172] {strides = array<i32>} : memref<40960xf32, #tpu.memory_space<vmem>>, vector<16xf32>,
        %get3A_174 = vector.shape_cast %get3A_173 : vector<16xf32> to vector<16xf32>
        %get3A_175 = arith.index_cast %while3A_67 : i32 to index
        %get3A_176 = arith.constant 96 : index
        %get3A_177 = tpu.vector_load %arg10[%get3A_175, %get3A_176] {strides = array<i32>} : memref<80x128xf32, #tpu.memory_space<vmem>>, vector<1x16xf32>,
        %get3A_178 = vector.shape_cast %get3A_177 : vector<1x16xf32> to vector<16xf32>
        %add3A_179 = arith.addf %get3A_174, %get3A_178 : vector<16xf32>
        %add3A_180 = arith.constant 96 : i32
        %add3A_181 = arith.addi %mul3A_74, %add3A_180 : i32
        %swap3A_182 = arith.index_cast %add3A_181 : i32 to index
        %swap3A_183 = tpu.vector_load %arg11[%swap3A_182] {strides = array<i32>} : memref<40960xf32, #tpu.memory_space<vmem>>, vector<16xf32>,
        %swap3A_184 = vector.shape_cast %swap3A_183 : vector<16xf32> to vector<16xf32>
        %swap3A_185 = vector.shape_cast %add3A_179 : vector<16xf32> to vector<16xf32>
        tpu.vector_store %arg11[%swap3A_182], %swap3A_185 {strides = array<i32>} : memref<40960xf32, #tpu.memory_space<vmem>>, vector<16xf32>,
        %add3A_186 = arith.constant 112 : i32
        %add3A_187 = arith.addi %mul3A_74, %add3A_186 : i32
        %get3A_188 = arith.index_cast %add3A_187 : i32 to index
        %get3A_189 = tpu.vector_load %arg11[%get3A_188] {strides = array<i32>} : memref<40960xf32, #tpu.memory_space<vmem>>, vector<16xf32>,
        %get3A_190 = vector.shape_cast %get3A_189 : vector<16xf32> to vector<16xf32>
        %get3A_191 = arith.index_cast %while3A_67 : i32 to index
        %get3A_192 = arith.constant 112 : index
        %get3A_193 = tpu.vector_load %arg10[%get3A_191, %get3A_192] {strides = array<i32>} : memref<80x128xf32, #tpu.memory_space<vmem>>, vector<1x16xf32>,
        %get3A_194 = vector.shape_cast %get3A_193 : vector<1x16xf32> to vector<16xf32>
        %add3A_195 = arith.addf %get3A_190, %get3A_194 : vector<16xf32>
        %add3A_196 = arith.constant 112 : i32
        %add3A_197 = arith.addi %mul3A_74, %add3A_196 : i32
        %swap3A_198 = arith.index_cast %add3A_197 : i32 to index
        %swap3A_199 = tpu.vector_load %arg11[%swap3A_198] {strides = array<i32>} : memref<40960xf32, #tpu.memory_space<vmem>>, vector<16xf32>,
        %swap3A_200 = vector.shape_cast %swap3A_199 : vector<16xf32> to vector<16xf32>
        %swap3A_201 = vector.shape_cast %add3A_195 : vector<16xf32> to vector<16xf32>
        tpu.vector_store %arg11[%swap3A_198], %swap3A_201 {strides = array<i32>} : memref<40960xf32, #tpu.memory_space<vmem>>, vector<16xf32>,
      }
    }
    %mul3A_39 = arith.constant 320 : i32
    %mul3A_40 = arith.muli %add3A, %mul3A_39 : i32
    %mul3A_41 = arith.constant 128 : i32
    %mul3A_42 = arith.muli %mul3A_40, %mul3A_41 : i32
    "tpu.region"() ({
      %run_scoped3A = tpu.sem_alloc : memref<!tpu.dma_semaphore, #tpu.memory_space<semaphore_mem>>
      %dma_start3A = tpu.memref_slice %arg6[%mul3A_42] : memref<1310720xf32, #tpu.memory_space<hbm>> -> memref<40960xf32, #tpu.memory_space<hbm>>
      %dma_start3A_43 = tpu.memref_slice %arg6[%mul3A_42] : memref<1310720xf32, #tpu.memory_space<hbm>> -> memref<40960xf32, #tpu.memory_space<hbm>>
      tpu.enqueue_dma source(%arg11 : memref<40960xf32, #tpu.memory_space<vmem>>) target(%dma_start3A_43 : memref<40960xf32, #tpu.memory_space<hbm>>) target_semaphore(%run_scoped3A : memref<!tpu.dma_semaphore, #tpu.memory_space<semaphore_mem>>)
      %dma_wait3A = tpu.memref_slice %arg6[%mul3A_42] : memref<1310720xf32, #tpu.memory_space<hbm>> -> memref<40960xf32, #tpu.memory_space<hbm>>
      %dma_wait3A_44 = tpu.memref_slice %arg6[%mul3A_42] : memref<1310720xf32, #tpu.memory_space<hbm>> -> memref<40960xf32, #tpu.memory_space<hbm>>
      tpu.wait_dma2 semaphore(%run_scoped3A : memref<!tpu.dma_semaphore, #tpu.memory_space<semaphore_mem>>) src(%arg11 : memref<40960xf32, #tpu.memory_space<vmem>>) dst(%dma_wait3A_44 : memref<40960xf32, #tpu.memory_space<hbm>>)
      tpu.yield
    }) : () -> ()
    return
  }
}

#map = affine_map<(d0, d1) -> (0, 0)>
#map1 = affine_map<(d0, d1) -> (0)>
module attributes {stable_mosaic.version = 14 : i64} {
  func.func @agg_kernel(%arg0: i32, %arg1: i32, %arg2: memref<10000x128xf32, #tpu.memory_space<hbm>>, %arg3: memref<10240000xi32, #tpu.memory_space<hbm>>, %arg4: memref<10240000xi32, #tpu.memory_space<hbm>>, %arg5: memref<512xi32, #tpu.memory_space<hbm>>, %arg6: memref<1310720xf32, #tpu.memory_space<hbm>>, %arg7: memref<80xi32, #tpu.memory_space<vmem>>, %arg8: memref<96xi32, #tpu.memory_space<vmem>>, %arg9: memref<16xi32, #tpu.memory_space<vmem>>, %arg10: memref<80x128xf32, #tpu.memory_space<vmem>>, %arg11: memref<40960xf32, #tpu.memory_space<vmem>>, %arg12: memref<!tpu.dma_semaphore, #tpu.memory_space<semaphore_mem>>) attributes {dimension_semantics = [#tpu.dimension_semantics<core_parallel>, #tpu.dimension_semantics<subcore_parallel>], iteration_bounds = array<i64: 2, 16>, scalar_prefetch = 0 : i64, scratch_operands = 6 : i64, tpu.core_type = #tpu.core_type<sc_vector_subcore>, window_params = [{transform_indices = #map}, {transform_indices = #map1}, {transform_indices = #map1}, {transform_indices = #map1}, {transform_indices = #map1}]} {
    %mul3A = arith.constant 2 : i32
    %mul3A_0 = arith.muli %arg1, %mul3A : i32
    %add3A = arith.addi %mul3A_0, %arg0 : i32
    %scan3A = arith.constant 0 : i32
    %scan3A_1 = arith.constant 0 : i32
    %scan3A_2 = arith.constant 2560 : i32
    %scan3A_3 = arith.addi %scan3A_1, %scan3A_2 : i32
    %scan3A_4 = arith.constant 1 : i32
    scf.for %scan3A_43 = %scan3A_1 to %scan3A_3 step %scan3A_4  : i32 {
      %broadcast_in_dim3A = arith.constant 0.000000e+00 : f32
      %broadcast_in_dim3A_44 = vector.broadcast %broadcast_in_dim3A : f32 to vector<16xf32>
      %mul3A_45 = arith.constant 16 : i32
      %mul3A_46 = arith.muli %scan3A_43, %mul3A_45 : i32
      %swap3A = arith.index_cast %mul3A_46 : i32 to index
      %swap3A_47 = tpu.vector_load %arg11[%swap3A] {strides = array<i32>} : memref<40960xf32, #tpu.memory_space<vmem>>, vector<16xf32>,
      %swap3A_48 = vector.shape_cast %swap3A_47 : vector<16xf32> to vector<16xf32>
      %swap3A_49 = vector.shape_cast %broadcast_in_dim3A_44 : vector<16xf32> to vector<16xf32>
      tpu.vector_store %arg11[%swap3A], %swap3A_49 {strides = array<i32>} : memref<40960xf32, #tpu.memory_space<vmem>>, vector<16xf32>,
    }
    %scan3A_5 = arith.constant 2560 : i32
    %mul3A_6 = arith.constant 16 : i32
    %mul3A_7 = arith.muli %add3A, %mul3A_6 : i32
    "tpu.region"() ({
      %run_scoped3A = tpu.sem_alloc : memref<!tpu.dma_semaphore, #tpu.memory_space<semaphore_mem>>
      %dma_start3A = tpu.memref_slice %arg5[%mul3A_7] : memref<512xi32, #tpu.memory_space<hbm>> -> memref<16xi32, #tpu.memory_space<hbm>>
      %dma_start3A_43 = tpu.memref_slice %arg5[%mul3A_7] : memref<512xi32, #tpu.memory_space<hbm>> -> memref<16xi32, #tpu.memory_space<hbm>>
      tpu.enqueue_dma source(%dma_start3A_43 : memref<16xi32, #tpu.memory_space<hbm>>) target(%arg9 : memref<16xi32, #tpu.memory_space<vmem>>) target_semaphore(%run_scoped3A : memref<!tpu.dma_semaphore, #tpu.memory_space<semaphore_mem>>)
      %dma_wait3A = tpu.memref_slice %arg5[%mul3A_7] : memref<512xi32, #tpu.memory_space<hbm>> -> memref<16xi32, #tpu.memory_space<hbm>>
      %dma_wait3A_44 = tpu.memref_slice %arg5[%mul3A_7] : memref<512xi32, #tpu.memory_space<hbm>> -> memref<16xi32, #tpu.memory_space<hbm>>
      tpu.wait_dma2 semaphore(%run_scoped3A : memref<!tpu.dma_semaphore, #tpu.memory_space<semaphore_mem>>) src(%dma_wait3A_44 : memref<16xi32, #tpu.memory_space<hbm>>) dst(%arg9 : memref<16xi32, #tpu.memory_space<vmem>>)
      tpu.yield
    }) : () -> ()
    %get3A = arith.constant 0 : index
    %get3A_8 = tpu.vector_load %arg9[%get3A] {strides = array<i32>} : memref<16xi32, #tpu.memory_space<vmem>>, vector<16xi32>,
    %get3A_9 = vector.shape_cast %get3A_8 : vector<16xi32> to vector<16xi32>
    %slice3A = vector.extract_strided_slice %get3A_9 {offsets = [0], sizes = [1], strides = [1]} : vector<16xi32> to vector<1xi32>
    %squeeze3A = vector.extract %slice3A[0] : i32 from vector<1xi32>
    %add3A_10 = arith.constant 80 : i32
    %add3A_11 = arith.addi %squeeze3A, %add3A_10 : i32
    %sub3A = arith.constant 1 : i32
    %sub3A_12 = arith.subi %add3A_11, %sub3A : i32
    %jit3A = arith.constant 80 : i32
    %div3A = arith.divsi %sub3A_12, %jit3A : i32
    %sign3A = arith.constant 0 : i32
    %sign3A_13 = arith.cmpi sgt, %sub3A_12, %sign3A : i32
    %sign3A_14 = arith.extui %sign3A_13 : i1 to i32
    %sign3A_15 = arith.constant 0 : i32
    %sign3A_16 = arith.cmpi slt, %sub3A_12, %sign3A_15 : i32
    %sign3A_17 = arith.extui %sign3A_16 : i1 to i32
    %sign3A_18 = arith.subi %sign3A_14, %sign3A_17 : i32
    %sign3A_19 = arith.constant 0 : i32
    %sign3A_20 = arith.cmpi sgt, %jit3A, %sign3A_19 : i32
    %sign3A_21 = arith.extui %sign3A_20 : i1 to i32
    %sign3A_22 = arith.constant 0 : i32
    %sign3A_23 = arith.cmpi slt, %jit3A, %sign3A_22 : i32
    %sign3A_24 = arith.extui %sign3A_23 : i1 to i32
    %sign3A_25 = arith.subi %sign3A_21, %sign3A_24 : i32
    %ne3A = arith.cmpi ne, %sign3A_18, %sign3A_25 : i32
    %rem3A = arith.remsi %sub3A_12, %jit3A : i32
    %ne3A_26 = arith.constant 0 : i32
    %ne3A_27 = arith.cmpi ne, %rem3A, %ne3A_26 : i32
    %and3A = arith.andi %ne3A, %ne3A_27 : i1
    %sub3A_28 = arith.constant 1 : i32
    %sub3A_29 = arith.subi %div3A, %sub3A_28 : i32
    %select_n3A = arith.select %and3A, %sub3A_29, %div3A : i32
    %while3A = arith.constant 0 : i32
    %while3A_30 = arith.constant 0 : i32
    %while3A_31 = arith.subi %select_n3A, %while3A_30 : i32
    %while3A_32 = arith.addi %while3A_30, %while3A_31 : i32
    %while3A_33 = arith.constant 1 : i32
    %while3A_34 = arith.divsi %while3A_31, %while3A_33 : i32
    %while3A_35 = arith.muli %while3A_34, %while3A_33 : i32
    %while3A_36 = arith.addi %while3A_30, %while3A_35 : i32
    %while3A_37 = arith.constant 1 : i32
    scf.for %while3A_43 = %while3A_30 to %while3A_36 step %while3A_37  : i32 {
      %mul3A_44 = arith.constant 320000 : i32
      %mul3A_45 = arith.muli %add3A, %mul3A_44 : i32
      %mul3A_46 = arith.constant 80 : i32
      %mul3A_47 = arith.muli %while3A_43, %mul3A_46 : i32
      %add3A_48 = arith.addi %mul3A_45, %mul3A_47 : i32
      "tpu.region"() ({
        %run_scoped3A = tpu.sem_alloc : memref<!tpu.dma_semaphore, #tpu.memory_space<semaphore_mem>>
        %dma_start3A_67 = tpu.memref_slice %arg3[%add3A_48] : memref<10240000xi32, #tpu.memory_space<hbm>> -> memref<80xi32, #tpu.memory_space<hbm>>
        %dma_start3A_68 = tpu.memref_slice %arg3[%add3A_48] : memref<10240000xi32, #tpu.memory_space<hbm>> -> memref<80xi32, #tpu.memory_space<hbm>>
        tpu.enqueue_dma source(%dma_start3A_68 : memref<80xi32, #tpu.memory_space<hbm>>) target(%arg7 : memref<80xi32, #tpu.memory_space<vmem>>) target_semaphore(%run_scoped3A : memref<!tpu.dma_semaphore, #tpu.memory_space<semaphore_mem>>)
        %dma_wait3A_69 = tpu.memref_slice %arg3[%add3A_48] : memref<10240000xi32, #tpu.memory_space<hbm>> -> memref<80xi32, #tpu.memory_space<hbm>>
        %dma_wait3A_70 = tpu.memref_slice %arg3[%add3A_48] : memref<10240000xi32, #tpu.memory_space<hbm>> -> memref<80xi32, #tpu.memory_space<hbm>>
        tpu.wait_dma2 semaphore(%run_scoped3A : memref<!tpu.dma_semaphore, #tpu.memory_space<semaphore_mem>>) src(%dma_wait3A_70 : memref<80xi32, #tpu.memory_space<hbm>>) dst(%arg7 : memref<80xi32, #tpu.memory_space<vmem>>)
        tpu.yield
      }) : () -> ()
      "tpu.region"() ({
        %run_scoped3A = tpu.sem_alloc : memref<!tpu.dma_semaphore, #tpu.memory_space<semaphore_mem>>
        %dma_start3A_67 = arith.constant 0 : i32
        %dma_start3A_68 = tpu.memref_slice %arg8[%dma_start3A_67] : memref<96xi32, #tpu.memory_space<vmem>> -> memref<80xi32, #tpu.memory_space<vmem>>
        %dma_start3A_69 = tpu.memref_slice %arg4[%add3A_48] : memref<10240000xi32, #tpu.memory_space<hbm>> -> memref<80xi32, #tpu.memory_space<hbm>>
        %dma_start3A_70 = arith.constant 0 : i32
        %dma_start3A_71 = tpu.memref_slice %arg8[%dma_start3A_70] : memref<96xi32, #tpu.memory_space<vmem>> -> memref<80xi32, #tpu.memory_space<vmem>>
        %dma_start3A_72 = tpu.memref_slice %arg4[%add3A_48] : memref<10240000xi32, #tpu.memory_space<hbm>> -> memref<80xi32, #tpu.memory_space<hbm>>
        tpu.enqueue_dma source(%dma_start3A_72 : memref<80xi32, #tpu.memory_space<hbm>>) target(%dma_start3A_71 : memref<80xi32, #tpu.memory_space<vmem>>) target_semaphore(%run_scoped3A : memref<!tpu.dma_semaphore, #tpu.memory_space<semaphore_mem>>)
        %dma_wait3A_73 = arith.constant 0 : i32
        %dma_wait3A_74 = tpu.memref_slice %arg8[%dma_wait3A_73] : memref<96xi32, #tpu.memory_space<vmem>> -> memref<80xi32, #tpu.memory_space<vmem>>
        %dma_wait3A_75 = tpu.memref_slice %arg4[%add3A_48] : memref<10240000xi32, #tpu.memory_space<hbm>> -> memref<80xi32, #tpu.memory_space<hbm>>
        %dma_wait3A_76 = arith.constant 0 : i32
        %dma_wait3A_77 = tpu.memref_slice %arg8[%dma_wait3A_76] : memref<96xi32, #tpu.memory_space<vmem>> -> memref<80xi32, #tpu.memory_space<vmem>>
        %dma_wait3A_78 = tpu.memref_slice %arg4[%add3A_48] : memref<10240000xi32, #tpu.memory_space<hbm>> -> memref<80xi32, #tpu.memory_space<hbm>>
        tpu.wait_dma2 semaphore(%run_scoped3A : memref<!tpu.dma_semaphore, #tpu.memory_space<semaphore_mem>>) src(%dma_wait3A_78 : memref<80xi32, #tpu.memory_space<hbm>>) dst(%dma_wait3A_77 : memref<80xi32, #tpu.memory_space<vmem>>)
        tpu.yield
      }) : () -> ()
      %dma_start3A = arith.constant 0 : i32
      %dma_start3A_49 = arith.constant 0 : i32
      %dma_start3A_50 = tpu.memref_slice %arg2[%dma_start3A, %dma_start3A_49] : memref<10000x128xf32, #tpu.memory_space<hbm>> -> memref<10000x128xf32, #tpu.memory_space<hbm>>
      tpu.enqueue_indirect_dma source(%dma_start3A_50 : memref<10000x128xf32, #tpu.memory_space<hbm>>) target(%arg10 : memref<80x128xf32, #tpu.memory_space<vmem>>) offsets(%arg7 : memref<80xi32, #tpu.memory_space<vmem>>) semaphore(%arg12 : memref<!tpu.dma_semaphore, #tpu.memory_space<semaphore_mem>>)
      %dma_wait3A = arith.constant 0 : i32
      %dma_wait3A_51 = arith.constant 0 : i32
      %dma_wait3A_52 = tpu.memref_slice %arg2[%dma_wait3A, %dma_wait3A_51] : memref<10000x128xf32, #tpu.memory_space<hbm>> -> memref<10000x128xf32, #tpu.memory_space<hbm>>
      tpu.wait_indirect_dma semaphore(%arg12 : memref<!tpu.dma_semaphore, #tpu.memory_space<semaphore_mem>>) src(%dma_wait3A_52 : memref<10000x128xf32, #tpu.memory_space<hbm>>) dst(%arg10 : memref<80x128xf32, #tpu.memory_space<vmem>>)
      %mul3A_53 = arith.constant 80 : i32
      %mul3A_54 = arith.muli %while3A_43, %mul3A_53 : i32
      %sub3A_55 = arith.subi %squeeze3A, %mul3A_54 : i32
      %min3A = arith.constant 80 : i32
      %min3A_56 = arith.minsi %sub3A_55, %min3A : i32
      %while3A_57 = arith.constant 0 : i32
      %while3A_58 = arith.constant 0 : i32
      %while3A_59 = arith.subi %min3A_56, %while3A_58 : i32
      %while3A_60 = arith.addi %while3A_58, %while3A_59 : i32
      %while3A_61 = arith.constant 1 : i32
      %while3A_62 = arith.divsi %while3A_59, %while3A_61 : i32
      %while3A_63 = arith.muli %while3A_62, %while3A_61 : i32
      %while3A_64 = arith.addi %while3A_58, %while3A_63 : i32
      %while3A_65 = arith.constant 1 : i32
      scf.for %while3A_67 = %while3A_58 to %while3A_64 step %while3A_65  : i32 {
        %get3A_68 = arith.index_cast %while3A_67 : i32 to index
        %get3A_69 = tpu.vector_load %arg8[%get3A_68] {strides = array<i32>} : memref<96xi32, #tpu.memory_space<vmem>>, vector<16xi32>,
        %get3A_70 = vector.shape_cast %get3A_69 : vector<16xi32> to vector<16xi32>
        %slice3A_71 = vector.extract_strided_slice %get3A_70 {offsets = [0], sizes = [1], strides = [1]} : vector<16xi32> to vector<1xi32>
        %squeeze3A_72 = vector.extract %slice3A_71[0] : i32 from vector<1xi32>
        %mul3A_73 = arith.constant 128 : i32
        %mul3A_74 = arith.muli %squeeze3A_72, %mul3A_73 : i32
        %add3A_75 = arith.constant 0 : i32
        %add3A_76 = arith.addi %mul3A_74, %add3A_75 : i32
        %get3A_77 = arith.index_cast %add3A_76 : i32 to index
        %get3A_78 = tpu.vector_load %arg11[%get3A_77] {strides = array<i32>} : memref<40960xf32, #tpu.memory_space<vmem>>, vector<16xf32>,
        %get3A_79 = vector.shape_cast %get3A_78 : vector<16xf32> to vector<16xf32>
        %get3A_80 = arith.index_cast %while3A_67 : i32 to index
        %get3A_81 = arith.constant 0 : index
        %get3A_82 = tpu.vector_load %arg10[%get3A_80, %get3A_81] {strides = array<i32>} : memref<80x128xf32, #tpu.memory_space<vmem>>, vector<1x16xf32>,
        %get3A_83 = vector.shape_cast %get3A_82 : vector<1x16xf32> to vector<16xf32>
        %add3A_84 = arith.addf %get3A_79, %get3A_83 : vector<16xf32>
        %add3A_85 = arith.constant 0 : i32
        %add3A_86 = arith.addi %mul3A_74, %add3A_85 : i32
        %swap3A = arith.index_cast %add3A_86 : i32 to index
        %swap3A_87 = tpu.vector_load %arg11[%swap3A] {strides = array<i32>} : memref<40960xf32, #tpu.memory_space<vmem>>, vector<16xf32>,
        %swap3A_88 = vector.shape_cast %swap3A_87 : vector<16xf32> to vector<16xf32>
        %swap3A_89 = vector.shape_cast %add3A_84 : vector<16xf32> to vector<16xf32>
        tpu.vector_store %arg11[%swap3A], %swap3A_89 {strides = array<i32>} : memref<40960xf32, #tpu.memory_space<vmem>>, vector<16xf32>,
        %add3A_90 = arith.constant 16 : i32
        %add3A_91 = arith.addi %mul3A_74, %add3A_90 : i32
        %get3A_92 = arith.index_cast %add3A_91 : i32 to index
        %get3A_93 = tpu.vector_load %arg11[%get3A_92] {strides = array<i32>} : memref<40960xf32, #tpu.memory_space<vmem>>, vector<16xf32>,
        %get3A_94 = vector.shape_cast %get3A_93 : vector<16xf32> to vector<16xf32>
        %get3A_95 = arith.index_cast %while3A_67 : i32 to index
        %get3A_96 = arith.constant 16 : index
        %get3A_97 = tpu.vector_load %arg10[%get3A_95, %get3A_96] {strides = array<i32>} : memref<80x128xf32, #tpu.memory_space<vmem>>, vector<1x16xf32>,
        %get3A_98 = vector.shape_cast %get3A_97 : vector<1x16xf32> to vector<16xf32>
        %add3A_99 = arith.addf %get3A_94, %get3A_98 : vector<16xf32>
        %add3A_100 = arith.constant 16 : i32
        %add3A_101 = arith.addi %mul3A_74, %add3A_100 : i32
        %swap3A_102 = arith.index_cast %add3A_101 : i32 to index
        %swap3A_103 = tpu.vector_load %arg11[%swap3A_102] {strides = array<i32>} : memref<40960xf32, #tpu.memory_space<vmem>>, vector<16xf32>,
        %swap3A_104 = vector.shape_cast %swap3A_103 : vector<16xf32> to vector<16xf32>
        %swap3A_105 = vector.shape_cast %add3A_99 : vector<16xf32> to vector<16xf32>
        tpu.vector_store %arg11[%swap3A_102], %swap3A_105 {strides = array<i32>} : memref<40960xf32, #tpu.memory_space<vmem>>, vector<16xf32>,
        %add3A_106 = arith.constant 32 : i32
        %add3A_107 = arith.addi %mul3A_74, %add3A_106 : i32
        %get3A_108 = arith.index_cast %add3A_107 : i32 to index
        %get3A_109 = tpu.vector_load %arg11[%get3A_108] {strides = array<i32>} : memref<40960xf32, #tpu.memory_space<vmem>>, vector<16xf32>,
        %get3A_110 = vector.shape_cast %get3A_109 : vector<16xf32> to vector<16xf32>
        %get3A_111 = arith.index_cast %while3A_67 : i32 to index
        %get3A_112 = arith.constant 32 : index
        %get3A_113 = tpu.vector_load %arg10[%get3A_111, %get3A_112] {strides = array<i32>} : memref<80x128xf32, #tpu.memory_space<vmem>>, vector<1x16xf32>,
        %get3A_114 = vector.shape_cast %get3A_113 : vector<1x16xf32> to vector<16xf32>
        %add3A_115 = arith.addf %get3A_110, %get3A_114 : vector<16xf32>
        %add3A_116 = arith.constant 32 : i32
        %add3A_117 = arith.addi %mul3A_74, %add3A_116 : i32
        %swap3A_118 = arith.index_cast %add3A_117 : i32 to index
        %swap3A_119 = tpu.vector_load %arg11[%swap3A_118] {strides = array<i32>} : memref<40960xf32, #tpu.memory_space<vmem>>, vector<16xf32>,
        %swap3A_120 = vector.shape_cast %swap3A_119 : vector<16xf32> to vector<16xf32>
        %swap3A_121 = vector.shape_cast %add3A_115 : vector<16xf32> to vector<16xf32>
        tpu.vector_store %arg11[%swap3A_118], %swap3A_121 {strides = array<i32>} : memref<40960xf32, #tpu.memory_space<vmem>>, vector<16xf32>,
        %add3A_122 = arith.constant 48 : i32
        %add3A_123 = arith.addi %mul3A_74, %add3A_122 : i32
        %get3A_124 = arith.index_cast %add3A_123 : i32 to index
        %get3A_125 = tpu.vector_load %arg11[%get3A_124] {strides = array<i32>} : memref<40960xf32, #tpu.memory_space<vmem>>, vector<16xf32>,
        %get3A_126 = vector.shape_cast %get3A_125 : vector<16xf32> to vector<16xf32>
        %get3A_127 = arith.index_cast %while3A_67 : i32 to index
        %get3A_128 = arith.constant 48 : index
        %get3A_129 = tpu.vector_load %arg10[%get3A_127, %get3A_128] {strides = array<i32>} : memref<80x128xf32, #tpu.memory_space<vmem>>, vector<1x16xf32>,
        %get3A_130 = vector.shape_cast %get3A_129 : vector<1x16xf32> to vector<16xf32>
        %add3A_131 = arith.addf %get3A_126, %get3A_130 : vector<16xf32>
        %add3A_132 = arith.constant 48 : i32
        %add3A_133 = arith.addi %mul3A_74, %add3A_132 : i32
        %swap3A_134 = arith.index_cast %add3A_133 : i32 to index
        %swap3A_135 = tpu.vector_load %arg11[%swap3A_134] {strides = array<i32>} : memref<40960xf32, #tpu.memory_space<vmem>>, vector<16xf32>,
        %swap3A_136 = vector.shape_cast %swap3A_135 : vector<16xf32> to vector<16xf32>
        %swap3A_137 = vector.shape_cast %add3A_131 : vector<16xf32> to vector<16xf32>
        tpu.vector_store %arg11[%swap3A_134], %swap3A_137 {strides = array<i32>} : memref<40960xf32, #tpu.memory_space<vmem>>, vector<16xf32>,
        %add3A_138 = arith.constant 64 : i32
        %add3A_139 = arith.addi %mul3A_74, %add3A_138 : i32
        %get3A_140 = arith.index_cast %add3A_139 : i32 to index
        %get3A_141 = tpu.vector_load %arg11[%get3A_140] {strides = array<i32>} : memref<40960xf32, #tpu.memory_space<vmem>>, vector<16xf32>,
        %get3A_142 = vector.shape_cast %get3A_141 : vector<16xf32> to vector<16xf32>
        %get3A_143 = arith.index_cast %while3A_67 : i32 to index
        %get3A_144 = arith.constant 64 : index
        %get3A_145 = tpu.vector_load %arg10[%get3A_143, %get3A_144] {strides = array<i32>} : memref<80x128xf32, #tpu.memory_space<vmem>>, vector<1x16xf32>,
        %get3A_146 = vector.shape_cast %get3A_145 : vector<1x16xf32> to vector<16xf32>
        %add3A_147 = arith.addf %get3A_142, %get3A_146 : vector<16xf32>
        %add3A_148 = arith.constant 64 : i32
        %add3A_149 = arith.addi %mul3A_74, %add3A_148 : i32
        %swap3A_150 = arith.index_cast %add3A_149 : i32 to index
        %swap3A_151 = tpu.vector_load %arg11[%swap3A_150] {strides = array<i32>} : memref<40960xf32, #tpu.memory_space<vmem>>, vector<16xf32>,
        %swap3A_152 = vector.shape_cast %swap3A_151 : vector<16xf32> to vector<16xf32>
        %swap3A_153 = vector.shape_cast %add3A_147 : vector<16xf32> to vector<16xf32>
        tpu.vector_store %arg11[%swap3A_150], %swap3A_153 {strides = array<i32>} : memref<40960xf32, #tpu.memory_space<vmem>>, vector<16xf32>,
        %add3A_154 = arith.constant 80 : i32
        %add3A_155 = arith.addi %mul3A_74, %add3A_154 : i32
        %get3A_156 = arith.index_cast %add3A_155 : i32 to index
        %get3A_157 = tpu.vector_load %arg11[%get3A_156] {strides = array<i32>} : memref<40960xf32, #tpu.memory_space<vmem>>, vector<16xf32>,
        %get3A_158 = vector.shape_cast %get3A_157 : vector<16xf32> to vector<16xf32>
        %get3A_159 = arith.index_cast %while3A_67 : i32 to index
        %get3A_160 = arith.constant 80 : index
        %get3A_161 = tpu.vector_load %arg10[%get3A_159, %get3A_160] {strides = array<i32>} : memref<80x128xf32, #tpu.memory_space<vmem>>, vector<1x16xf32>,
        %get3A_162 = vector.shape_cast %get3A_161 : vector<1x16xf32> to vector<16xf32>
        %add3A_163 = arith.addf %get3A_158, %get3A_162 : vector<16xf32>
        %add3A_164 = arith.constant 80 : i32
        %add3A_165 = arith.addi %mul3A_74, %add3A_164 : i32
        %swap3A_166 = arith.index_cast %add3A_165 : i32 to index
        %swap3A_167 = tpu.vector_load %arg11[%swap3A_166] {strides = array<i32>} : memref<40960xf32, #tpu.memory_space<vmem>>, vector<16xf32>,
        %swap3A_168 = vector.shape_cast %swap3A_167 : vector<16xf32> to vector<16xf32>
        %swap3A_169 = vector.shape_cast %add3A_163 : vector<16xf32> to vector<16xf32>
        tpu.vector_store %arg11[%swap3A_166], %swap3A_169 {strides = array<i32>} : memref<40960xf32, #tpu.memory_space<vmem>>, vector<16xf32>,
        %add3A_170 = arith.constant 96 : i32
        %add3A_171 = arith.addi %mul3A_74, %add3A_170 : i32
        %get3A_172 = arith.index_cast %add3A_171 : i32 to index
        %get3A_173 = tpu.vector_load %arg11[%get3A_172] {strides = array<i32>} : memref<40960xf32, #tpu.memory_space<vmem>>, vector<16xf32>,
        %get3A_174 = vector.shape_cast %get3A_173 : vector<16xf32> to vector<16xf32>
        %get3A_175 = arith.index_cast %while3A_67 : i32 to index
        %get3A_176 = arith.constant 96 : index
        %get3A_177 = tpu.vector_load %arg10[%get3A_175, %get3A_176] {strides = array<i32>} : memref<80x128xf32, #tpu.memory_space<vmem>>, vector<1x16xf32>,
        %get3A_178 = vector.shape_cast %get3A_177 : vector<1x16xf32> to vector<16xf32>
        %add3A_179 = arith.addf %get3A_174, %get3A_178 : vector<16xf32>
        %add3A_180 = arith.constant 96 : i32
        %add3A_181 = arith.addi %mul3A_74, %add3A_180 : i32
        %swap3A_182 = arith.index_cast %add3A_181 : i32 to index
        %swap3A_183 = tpu.vector_load %arg11[%swap3A_182] {strides = array<i32>} : memref<40960xf32, #tpu.memory_space<vmem>>, vector<16xf32>,
        %swap3A_184 = vector.shape_cast %swap3A_183 : vector<16xf32> to vector<16xf32>
        %swap3A_185 = vector.shape_cast %add3A_179 : vector<16xf32> to vector<16xf32>
        tpu.vector_store %arg11[%swap3A_182], %swap3A_185 {strides = array<i32>} : memref<40960xf32, #tpu.memory_space<vmem>>, vector<16xf32>,
        %add3A_186 = arith.constant 112 : i32
        %add3A_187 = arith.addi %mul3A_74, %add3A_186 : i32
        %get3A_188 = arith.index_cast %add3A_187 : i32 to index
        %get3A_189 = tpu.vector_load %arg11[%get3A_188] {strides = array<i32>} : memref<40960xf32, #tpu.memory_space<vmem>>, vector<16xf32>,
        %get3A_190 = vector.shape_cast %get3A_189 : vector<16xf32> to vector<16xf32>
        %get3A_191 = arith.index_cast %while3A_67 : i32 to index
        %get3A_192 = arith.constant 112 : index
        %get3A_193 = tpu.vector_load %arg10[%get3A_191, %get3A_192] {strides = array<i32>} : memref<80x128xf32, #tpu.memory_space<vmem>>, vector<1x16xf32>,
        %get3A_194 = vector.shape_cast %get3A_193 : vector<1x16xf32> to vector<16xf32>
        %add3A_195 = arith.addf %get3A_190, %get3A_194 : vector<16xf32>
        %add3A_196 = arith.constant 112 : i32
        %add3A_197 = arith.addi %mul3A_74, %add3A_196 : i32
        %swap3A_198 = arith.index_cast %add3A_197 : i32 to index
        %swap3A_199 = tpu.vector_load %arg11[%swap3A_198] {strides = array<i32>} : memref<40960xf32, #tpu.memory_space<vmem>>, vector<16xf32>,
        %swap3A_200 = vector.shape_cast %swap3A_199 : vector<16xf32> to vector<16xf32>
        %swap3A_201 = vector.shape_cast %add3A_195 : vector<16xf32> to vector<16xf32>
        tpu.vector_store %arg11[%swap3A_198], %swap3A_201 {strides = array<i32>} : memref<40960xf32, #tpu.memory_space<vmem>>, vector<16xf32>,
      }
      %while3A_66 = arith.constant 1 : i32
      scf.for %while3A_67 = %while3A_64 to %while3A_60 step %while3A_66  : i32 {
        %get3A_68 = arith.index_cast %while3A_67 : i32 to index
        %get3A_69 = tpu.vector_load %arg8[%get3A_68] {strides = array<i32>} : memref<96xi32, #tpu.memory_space<vmem>>, vector<16xi32>,
        %get3A_70 = vector.shape_cast %get3A_69 : vector<16xi32> to vector<16xi32>
        %slice3A_71 = vector.extract_strided_slice %get3A_70 {offsets = [0], sizes = [1], strides = [1]} : vector<16xi32> to vector<1xi32>
        %squeeze3A_72 = vector.extract %slice3A_71[0] : i32 from vector<1xi32>
        %mul3A_73 = arith.constant 128 : i32
        %mul3A_74 = arith.muli %squeeze3A_72, %mul3A_73 : i32
        %add3A_75 = arith.constant 0 : i32
        %add3A_76 = arith.addi %mul3A_74, %add3A_75 : i32
        %get3A_77 = arith.index_cast %add3A_76 : i32 to index
        %get3A_78 = tpu.vector_load %arg11[%get3A_77] {strides = array<i32>} : memref<40960xf32, #tpu.memory_space<vmem>>, vector<16xf32>,
        %get3A_79 = vector.shape_cast %get3A_78 : vector<16xf32> to vector<16xf32>
        %get3A_80 = arith.index_cast %while3A_67 : i32 to index
        %get3A_81 = arith.constant 0 : index
        %get3A_82 = tpu.vector_load %arg10[%get3A_80, %get3A_81] {strides = array<i32>} : memref<80x128xf32, #tpu.memory_space<vmem>>, vector<1x16xf32>,
        %get3A_83 = vector.shape_cast %get3A_82 : vector<1x16xf32> to vector<16xf32>
        %add3A_84 = arith.addf %get3A_79, %get3A_83 : vector<16xf32>
        %add3A_85 = arith.constant 0 : i32
        %add3A_86 = arith.addi %mul3A_74, %add3A_85 : i32
        %swap3A = arith.index_cast %add3A_86 : i32 to index
        %swap3A_87 = tpu.vector_load %arg11[%swap3A] {strides = array<i32>} : memref<40960xf32, #tpu.memory_space<vmem>>, vector<16xf32>,
        %swap3A_88 = vector.shape_cast %swap3A_87 : vector<16xf32> to vector<16xf32>
        %swap3A_89 = vector.shape_cast %add3A_84 : vector<16xf32> to vector<16xf32>
        tpu.vector_store %arg11[%swap3A], %swap3A_89 {strides = array<i32>} : memref<40960xf32, #tpu.memory_space<vmem>>, vector<16xf32>,
        %add3A_90 = arith.constant 16 : i32
        %add3A_91 = arith.addi %mul3A_74, %add3A_90 : i32
        %get3A_92 = arith.index_cast %add3A_91 : i32 to index
        %get3A_93 = tpu.vector_load %arg11[%get3A_92] {strides = array<i32>} : memref<40960xf32, #tpu.memory_space<vmem>>, vector<16xf32>,
        %get3A_94 = vector.shape_cast %get3A_93 : vector<16xf32> to vector<16xf32>
        %get3A_95 = arith.index_cast %while3A_67 : i32 to index
        %get3A_96 = arith.constant 16 : index
        %get3A_97 = tpu.vector_load %arg10[%get3A_95, %get3A_96] {strides = array<i32>} : memref<80x128xf32, #tpu.memory_space<vmem>>, vector<1x16xf32>,
        %get3A_98 = vector.shape_cast %get3A_97 : vector<1x16xf32> to vector<16xf32>
        %add3A_99 = arith.addf %get3A_94, %get3A_98 : vector<16xf32>
        %add3A_100 = arith.constant 16 : i32
        %add3A_101 = arith.addi %mul3A_74, %add3A_100 : i32
        %swap3A_102 = arith.index_cast %add3A_101 : i32 to index
        %swap3A_103 = tpu.vector_load %arg11[%swap3A_102] {strides = array<i32>} : memref<40960xf32, #tpu.memory_space<vmem>>, vector<16xf32>,
        %swap3A_104 = vector.shape_cast %swap3A_103 : vector<16xf32> to vector<16xf32>
        %swap3A_105 = vector.shape_cast %add3A_99 : vector<16xf32> to vector<16xf32>
        tpu.vector_store %arg11[%swap3A_102], %swap3A_105 {strides = array<i32>} : memref<40960xf32, #tpu.memory_space<vmem>>, vector<16xf32>,
        %add3A_106 = arith.constant 32 : i32
        %add3A_107 = arith.addi %mul3A_74, %add3A_106 : i32
        %get3A_108 = arith.index_cast %add3A_107 : i32 to index
        %get3A_109 = tpu.vector_load %arg11[%get3A_108] {strides = array<i32>} : memref<40960xf32, #tpu.memory_space<vmem>>, vector<16xf32>,
        %get3A_110 = vector.shape_cast %get3A_109 : vector<16xf32> to vector<16xf32>
        %get3A_111 = arith.index_cast %while3A_67 : i32 to index
        %get3A_112 = arith.constant 32 : index
        %get3A_113 = tpu.vector_load %arg10[%get3A_111, %get3A_112] {strides = array<i32>} : memref<80x128xf32, #tpu.memory_space<vmem>>, vector<1x16xf32>,
        %get3A_114 = vector.shape_cast %get3A_113 : vector<1x16xf32> to vector<16xf32>
        %add3A_115 = arith.addf %get3A_110, %get3A_114 : vector<16xf32>
        %add3A_116 = arith.constant 32 : i32
        %add3A_117 = arith.addi %mul3A_74, %add3A_116 : i32
        %swap3A_118 = arith.index_cast %add3A_117 : i32 to index
        %swap3A_119 = tpu.vector_load %arg11[%swap3A_118] {strides = array<i32>} : memref<40960xf32, #tpu.memory_space<vmem>>, vector<16xf32>,
        %swap3A_120 = vector.shape_cast %swap3A_119 : vector<16xf32> to vector<16xf32>
        %swap3A_121 = vector.shape_cast %add3A_115 : vector<16xf32> to vector<16xf32>
        tpu.vector_store %arg11[%swap3A_118], %swap3A_121 {strides = array<i32>} : memref<40960xf32, #tpu.memory_space<vmem>>, vector<16xf32>,
        %add3A_122 = arith.constant 48 : i32
        %add3A_123 = arith.addi %mul3A_74, %add3A_122 : i32
        %get3A_124 = arith.index_cast %add3A_123 : i32 to index
        %get3A_125 = tpu.vector_load %arg11[%get3A_124] {strides = array<i32>} : memref<40960xf32, #tpu.memory_space<vmem>>, vector<16xf32>,
        %get3A_126 = vector.shape_cast %get3A_125 : vector<16xf32> to vector<16xf32>
        %get3A_127 = arith.index_cast %while3A_67 : i32 to index
        %get3A_128 = arith.constant 48 : index
        %get3A_129 = tpu.vector_load %arg10[%get3A_127, %get3A_128] {strides = array<i32>} : memref<80x128xf32, #tpu.memory_space<vmem>>, vector<1x16xf32>,
        %get3A_130 = vector.shape_cast %get3A_129 : vector<1x16xf32> to vector<16xf32>
        %add3A_131 = arith.addf %get3A_126, %get3A_130 : vector<16xf32>
        %add3A_132 = arith.constant 48 : i32
        %add3A_133 = arith.addi %mul3A_74, %add3A_132 : i32
        %swap3A_134 = arith.index_cast %add3A_133 : i32 to index
        %swap3A_135 = tpu.vector_load %arg11[%swap3A_134] {strides = array<i32>} : memref<40960xf32, #tpu.memory_space<vmem>>, vector<16xf32>,
        %swap3A_136 = vector.shape_cast %swap3A_135 : vector<16xf32> to vector<16xf32>
        %swap3A_137 = vector.shape_cast %add3A_131 : vector<16xf32> to vector<16xf32>
        tpu.vector_store %arg11[%swap3A_134], %swap3A_137 {strides = array<i32>} : memref<40960xf32, #tpu.memory_space<vmem>>, vector<16xf32>,
        %add3A_138 = arith.constant 64 : i32
        %add3A_139 = arith.addi %mul3A_74, %add3A_138 : i32
        %get3A_140 = arith.index_cast %add3A_139 : i32 to index
        %get3A_141 = tpu.vector_load %arg11[%get3A_140] {strides = array<i32>} : memref<40960xf32, #tpu.memory_space<vmem>>, vector<16xf32>,
        %get3A_142 = vector.shape_cast %get3A_141 : vector<16xf32> to vector<16xf32>
        %get3A_143 = arith.index_cast %while3A_67 : i32 to index
        %get3A_144 = arith.constant 64 : index
        %get3A_145 = tpu.vector_load %arg10[%get3A_143, %get3A_144] {strides = array<i32>} : memref<80x128xf32, #tpu.memory_space<vmem>>, vector<1x16xf32>,
        %get3A_146 = vector.shape_cast %get3A_145 : vector<1x16xf32> to vector<16xf32>
        %add3A_147 = arith.addf %get3A_142, %get3A_146 : vector<16xf32>
        %add3A_148 = arith.constant 64 : i32
        %add3A_149 = arith.addi %mul3A_74, %add3A_148 : i32
        %swap3A_150 = arith.index_cast %add3A_149 : i32 to index
        %swap3A_151 = tpu.vector_load %arg11[%swap3A_150] {strides = array<i32>} : memref<40960xf32, #tpu.memory_space<vmem>>, vector<16xf32>,
        %swap3A_152 = vector.shape_cast %swap3A_151 : vector<16xf32> to vector<16xf32>
        %swap3A_153 = vector.shape_cast %add3A_147 : vector<16xf32> to vector<16xf32>
        tpu.vector_store %arg11[%swap3A_150], %swap3A_153 {strides = array<i32>} : memref<40960xf32, #tpu.memory_space<vmem>>, vector<16xf32>,
        %add3A_154 = arith.constant 80 : i32
        %add3A_155 = arith.addi %mul3A_74, %add3A_154 : i32
        %get3A_156 = arith.index_cast %add3A_155 : i32 to index
        %get3A_157 = tpu.vector_load %arg11[%get3A_156] {strides = array<i32>} : memref<40960xf32, #tpu.memory_space<vmem>>, vector<16xf32>,
        %get3A_158 = vector.shape_cast %get3A_157 : vector<16xf32> to vector<16xf32>
        %get3A_159 = arith.index_cast %while3A_67 : i32 to index
        %get3A_160 = arith.constant 80 : index
        %get3A_161 = tpu.vector_load %arg10[%get3A_159, %get3A_160] {strides = array<i32>} : memref<80x128xf32, #tpu.memory_space<vmem>>, vector<1x16xf32>,
        %get3A_162 = vector.shape_cast %get3A_161 : vector<1x16xf32> to vector<16xf32>
        %add3A_163 = arith.addf %get3A_158, %get3A_162 : vector<16xf32>
        %add3A_164 = arith.constant 80 : i32
        %add3A_165 = arith.addi %mul3A_74, %add3A_164 : i32
        %swap3A_166 = arith.index_cast %add3A_165 : i32 to index
        %swap3A_167 = tpu.vector_load %arg11[%swap3A_166] {strides = array<i32>} : memref<40960xf32, #tpu.memory_space<vmem>>, vector<16xf32>,
        %swap3A_168 = vector.shape_cast %swap3A_167 : vector<16xf32> to vector<16xf32>
        %swap3A_169 = vector.shape_cast %add3A_163 : vector<16xf32> to vector<16xf32>
        tpu.vector_store %arg11[%swap3A_166], %swap3A_169 {strides = array<i32>} : memref<40960xf32, #tpu.memory_space<vmem>>, vector<16xf32>,
        %add3A_170 = arith.constant 96 : i32
        %add3A_171 = arith.addi %mul3A_74, %add3A_170 : i32
        %get3A_172 = arith.index_cast %add3A_171 : i32 to index
        %get3A_173 = tpu.vector_load %arg11[%get3A_172] {strides = array<i32>} : memref<40960xf32, #tpu.memory_space<vmem>>, vector<16xf32>,
        %get3A_174 = vector.shape_cast %get3A_173 : vector<16xf32> to vector<16xf32>
        %get3A_175 = arith.index_cast %while3A_67 : i32 to index
        %get3A_176 = arith.constant 96 : index
        %get3A_177 = tpu.vector_load %arg10[%get3A_175, %get3A_176] {strides = array<i32>} : memref<80x128xf32, #tpu.memory_space<vmem>>, vector<1x16xf32>,
        %get3A_178 = vector.shape_cast %get3A_177 : vector<1x16xf32> to vector<16xf32>
        %add3A_179 = arith.addf %get3A_174, %get3A_178 : vector<16xf32>
        %add3A_180 = arith.constant 96 : i32
        %add3A_181 = arith.addi %mul3A_74, %add3A_180 : i32
        %swap3A_182 = arith.index_cast %add3A_181 : i32 to index
        %swap3A_183 = tpu.vector_load %arg11[%swap3A_182] {strides = array<i32>} : memref<40960xf32, #tpu.memory_space<vmem>>, vector<16xf32>,
        %swap3A_184 = vector.shape_cast %swap3A_183 : vector<16xf32> to vector<16xf32>
        %swap3A_185 = vector.shape_cast %add3A_179 : vector<16xf32> to vector<16xf32>
        tpu.vector_store %arg11[%swap3A_182], %swap3A_185 {strides = array<i32>} : memref<40960xf32, #tpu.memory_space<vmem>>, vector<16xf32>,
        %add3A_186 = arith.constant 112 : i32
        %add3A_187 = arith.addi %mul3A_74, %add3A_186 : i32
        %get3A_188 = arith.index_cast %add3A_187 : i32 to index
        %get3A_189 = tpu.vector_load %arg11[%get3A_188] {strides = array<i32>} : memref<40960xf32, #tpu.memory_space<vmem>>, vector<16xf32>,
        %get3A_190 = vector.shape_cast %get3A_189 : vector<16xf32> to vector<16xf32>
        %get3A_191 = arith.index_cast %while3A_67 : i32 to index
        %get3A_192 = arith.constant 112 : index
        %get3A_193 = tpu.vector_load %arg10[%get3A_191, %get3A_192] {strides = array<i32>} : memref<80x128xf32, #tpu.memory_space<vmem>>, vector<1x16xf32>,
        %get3A_194 = vector.shape_cast %get3A_193 : vector<1x16xf32> to vector<16xf32>
        %add3A_195 = arith.addf %get3A_190, %get3A_194 : vector<16xf32>
        %add3A_196 = arith.constant 112 : i32
        %add3A_197 = arith.addi %mul3A_74, %add3A_196 : i32
        %swap3A_198 = arith.index_cast %add3A_197 : i32 to index
        %swap3A_199 = tpu.vector_load %arg11[%swap3A_198] {strides = array<i32>} : memref<40960xf32, #tpu.memory_space<vmem>>, vector<16xf32>,
        %swap3A_200 = vector.shape_cast %swap3A_199 : vector<16xf32> to vector<16xf32>
        %swap3A_201 = vector.shape_cast %add3A_195 : vector<16xf32> to vector<16xf32>
        tpu.vector_store %arg11[%swap3A_198], %swap3A_201 {strides = array<i32>} : memref<40960xf32, #tpu.memory_space<vmem>>, vector<16xf32>,
      }
    }
    %while3A_38 = arith.constant 1 : i32
    scf.for %while3A_43 = %while3A_36 to %while3A_32 step %while3A_38  : i32 {
      %mul3A_44 = arith.constant 320000 : i32
      %mul3A_45 = arith.muli %add3A, %mul3A_44 : i32
      %mul3A_46 = arith.constant 80 : i32
      %mul3A_47 = arith.muli %while3A_43, %mul3A_46 : i32
      %add3A_48 = arith.addi %mul3A_45, %mul3A_47 : i32
      "tpu.region"() ({
        %run_scoped3A = tpu.sem_alloc : memref<!tpu.dma_semaphore, #tpu.memory_space<semaphore_mem>>
        %dma_start3A_67 = tpu.memref_slice %arg3[%add3A_48] : memref<10240000xi32, #tpu.memory_space<hbm>> -> memref<80xi32, #tpu.memory_space<hbm>>
        %dma_start3A_68 = tpu.memref_slice %arg3[%add3A_48] : memref<10240000xi32, #tpu.memory_space<hbm>> -> memref<80xi32, #tpu.memory_space<hbm>>
        tpu.enqueue_dma source(%dma_start3A_68 : memref<80xi32, #tpu.memory_space<hbm>>) target(%arg7 : memref<80xi32, #tpu.memory_space<vmem>>) target_semaphore(%run_scoped3A : memref<!tpu.dma_semaphore, #tpu.memory_space<semaphore_mem>>)
        %dma_wait3A_69 = tpu.memref_slice %arg3[%add3A_48] : memref<10240000xi32, #tpu.memory_space<hbm>> -> memref<80xi32, #tpu.memory_space<hbm>>
        %dma_wait3A_70 = tpu.memref_slice %arg3[%add3A_48] : memref<10240000xi32, #tpu.memory_space<hbm>> -> memref<80xi32, #tpu.memory_space<hbm>>
        tpu.wait_dma2 semaphore(%run_scoped3A : memref<!tpu.dma_semaphore, #tpu.memory_space<semaphore_mem>>) src(%dma_wait3A_70 : memref<80xi32, #tpu.memory_space<hbm>>) dst(%arg7 : memref<80xi32, #tpu.memory_space<vmem>>)
        tpu.yield
      }) : () -> ()
      "tpu.region"() ({
        %run_scoped3A = tpu.sem_alloc : memref<!tpu.dma_semaphore, #tpu.memory_space<semaphore_mem>>
        %dma_start3A_67 = arith.constant 0 : i32
        %dma_start3A_68 = tpu.memref_slice %arg8[%dma_start3A_67] : memref<96xi32, #tpu.memory_space<vmem>> -> memref<80xi32, #tpu.memory_space<vmem>>
        %dma_start3A_69 = tpu.memref_slice %arg4[%add3A_48] : memref<10240000xi32, #tpu.memory_space<hbm>> -> memref<80xi32, #tpu.memory_space<hbm>>
        %dma_start3A_70 = arith.constant 0 : i32
        %dma_start3A_71 = tpu.memref_slice %arg8[%dma_start3A_70] : memref<96xi32, #tpu.memory_space<vmem>> -> memref<80xi32, #tpu.memory_space<vmem>>
        %dma_start3A_72 = tpu.memref_slice %arg4[%add3A_48] : memref<10240000xi32, #tpu.memory_space<hbm>> -> memref<80xi32, #tpu.memory_space<hbm>>
        tpu.enqueue_dma source(%dma_start3A_72 : memref<80xi32, #tpu.memory_space<hbm>>) target(%dma_start3A_71 : memref<80xi32, #tpu.memory_space<vmem>>) target_semaphore(%run_scoped3A : memref<!tpu.dma_semaphore, #tpu.memory_space<semaphore_mem>>)
        %dma_wait3A_73 = arith.constant 0 : i32
        %dma_wait3A_74 = tpu.memref_slice %arg8[%dma_wait3A_73] : memref<96xi32, #tpu.memory_space<vmem>> -> memref<80xi32, #tpu.memory_space<vmem>>
        %dma_wait3A_75 = tpu.memref_slice %arg4[%add3A_48] : memref<10240000xi32, #tpu.memory_space<hbm>> -> memref<80xi32, #tpu.memory_space<hbm>>
        %dma_wait3A_76 = arith.constant 0 : i32
        %dma_wait3A_77 = tpu.memref_slice %arg8[%dma_wait3A_76] : memref<96xi32, #tpu.memory_space<vmem>> -> memref<80xi32, #tpu.memory_space<vmem>>
        %dma_wait3A_78 = tpu.memref_slice %arg4[%add3A_48] : memref<10240000xi32, #tpu.memory_space<hbm>> -> memref<80xi32, #tpu.memory_space<hbm>>
        tpu.wait_dma2 semaphore(%run_scoped3A : memref<!tpu.dma_semaphore, #tpu.memory_space<semaphore_mem>>) src(%dma_wait3A_78 : memref<80xi32, #tpu.memory_space<hbm>>) dst(%dma_wait3A_77 : memref<80xi32, #tpu.memory_space<vmem>>)
        tpu.yield
      }) : () -> ()
      %dma_start3A = arith.constant 0 : i32
      %dma_start3A_49 = arith.constant 0 : i32
      %dma_start3A_50 = tpu.memref_slice %arg2[%dma_start3A, %dma_start3A_49] : memref<10000x128xf32, #tpu.memory_space<hbm>> -> memref<10000x128xf32, #tpu.memory_space<hbm>>
      tpu.enqueue_indirect_dma source(%dma_start3A_50 : memref<10000x128xf32, #tpu.memory_space<hbm>>) target(%arg10 : memref<80x128xf32, #tpu.memory_space<vmem>>) offsets(%arg7 : memref<80xi32, #tpu.memory_space<vmem>>) semaphore(%arg12 : memref<!tpu.dma_semaphore, #tpu.memory_space<semaphore_mem>>)
      %dma_wait3A = arith.constant 0 : i32
      %dma_wait3A_51 = arith.constant 0 : i32
      %dma_wait3A_52 = tpu.memref_slice %arg2[%dma_wait3A, %dma_wait3A_51] : memref<10000x128xf32, #tpu.memory_space<hbm>> -> memref<10000x128xf32, #tpu.memory_space<hbm>>
      tpu.wait_indirect_dma semaphore(%arg12 : memref<!tpu.dma_semaphore, #tpu.memory_space<semaphore_mem>>) src(%dma_wait3A_52 : memref<10000x128xf32, #tpu.memory_space<hbm>>) dst(%arg10 : memref<80x128xf32, #tpu.memory_space<vmem>>)
      %mul3A_53 = arith.constant 80 : i32
      %mul3A_54 = arith.muli %while3A_43, %mul3A_53 : i32
      %sub3A_55 = arith.subi %squeeze3A, %mul3A_54 : i32
      %min3A = arith.constant 80 : i32
      %min3A_56 = arith.minsi %sub3A_55, %min3A : i32
      %while3A_57 = arith.constant 0 : i32
      %while3A_58 = arith.constant 0 : i32
      %while3A_59 = arith.subi %min3A_56, %while3A_58 : i32
      %while3A_60 = arith.addi %while3A_58, %while3A_59 : i32
      %while3A_61 = arith.constant 1 : i32
      %while3A_62 = arith.divsi %while3A_59, %while3A_61 : i32
      %while3A_63 = arith.muli %while3A_62, %while3A_61 : i32
      %while3A_64 = arith.addi %while3A_58, %while3A_63 : i32
      %while3A_65 = arith.constant 1 : i32
      scf.for %while3A_67 = %while3A_58 to %while3A_64 step %while3A_65  : i32 {
        %get3A_68 = arith.index_cast %while3A_67 : i32 to index
        %get3A_69 = tpu.vector_load %arg8[%get3A_68] {strides = array<i32>} : memref<96xi32, #tpu.memory_space<vmem>>, vector<16xi32>,
        %get3A_70 = vector.shape_cast %get3A_69 : vector<16xi32> to vector<16xi32>
        %slice3A_71 = vector.extract_strided_slice %get3A_70 {offsets = [0], sizes = [1], strides = [1]} : vector<16xi32> to vector<1xi32>
        %squeeze3A_72 = vector.extract %slice3A_71[0] : i32 from vector<1xi32>
        %mul3A_73 = arith.constant 128 : i32
        %mul3A_74 = arith.muli %squeeze3A_72, %mul3A_73 : i32
        %add3A_75 = arith.constant 0 : i32
        %add3A_76 = arith.addi %mul3A_74, %add3A_75 : i32
        %get3A_77 = arith.index_cast %add3A_76 : i32 to index
        %get3A_78 = tpu.vector_load %arg11[%get3A_77] {strides = array<i32>} : memref<40960xf32, #tpu.memory_space<vmem>>, vector<16xf32>,
        %get3A_79 = vector.shape_cast %get3A_78 : vector<16xf32> to vector<16xf32>
        %get3A_80 = arith.index_cast %while3A_67 : i32 to index
        %get3A_81 = arith.constant 0 : index
        %get3A_82 = tpu.vector_load %arg10[%get3A_80, %get3A_81] {strides = array<i32>} : memref<80x128xf32, #tpu.memory_space<vmem>>, vector<1x16xf32>,
        %get3A_83 = vector.shape_cast %get3A_82 : vector<1x16xf32> to vector<16xf32>
        %add3A_84 = arith.addf %get3A_79, %get3A_83 : vector<16xf32>
        %add3A_85 = arith.constant 0 : i32
        %add3A_86 = arith.addi %mul3A_74, %add3A_85 : i32
        %swap3A = arith.index_cast %add3A_86 : i32 to index
        %swap3A_87 = tpu.vector_load %arg11[%swap3A] {strides = array<i32>} : memref<40960xf32, #tpu.memory_space<vmem>>, vector<16xf32>,
        %swap3A_88 = vector.shape_cast %swap3A_87 : vector<16xf32> to vector<16xf32>
        %swap3A_89 = vector.shape_cast %add3A_84 : vector<16xf32> to vector<16xf32>
        tpu.vector_store %arg11[%swap3A], %swap3A_89 {strides = array<i32>} : memref<40960xf32, #tpu.memory_space<vmem>>, vector<16xf32>,
        %add3A_90 = arith.constant 16 : i32
        %add3A_91 = arith.addi %mul3A_74, %add3A_90 : i32
        %get3A_92 = arith.index_cast %add3A_91 : i32 to index
        %get3A_93 = tpu.vector_load %arg11[%get3A_92] {strides = array<i32>} : memref<40960xf32, #tpu.memory_space<vmem>>, vector<16xf32>,
        %get3A_94 = vector.shape_cast %get3A_93 : vector<16xf32> to vector<16xf32>
        %get3A_95 = arith.index_cast %while3A_67 : i32 to index
        %get3A_96 = arith.constant 16 : index
        %get3A_97 = tpu.vector_load %arg10[%get3A_95, %get3A_96] {strides = array<i32>} : memref<80x128xf32, #tpu.memory_space<vmem>>, vector<1x16xf32>,
        %get3A_98 = vector.shape_cast %get3A_97 : vector<1x16xf32> to vector<16xf32>
        %add3A_99 = arith.addf %get3A_94, %get3A_98 : vector<16xf32>
        %add3A_100 = arith.constant 16 : i32
        %add3A_101 = arith.addi %mul3A_74, %add3A_100 : i32
        %swap3A_102 = arith.index_cast %add3A_101 : i32 to index
        %swap3A_103 = tpu.vector_load %arg11[%swap3A_102] {strides = array<i32>} : memref<40960xf32, #tpu.memory_space<vmem>>, vector<16xf32>,
        %swap3A_104 = vector.shape_cast %swap3A_103 : vector<16xf32> to vector<16xf32>
        %swap3A_105 = vector.shape_cast %add3A_99 : vector<16xf32> to vector<16xf32>
        tpu.vector_store %arg11[%swap3A_102], %swap3A_105 {strides = array<i32>} : memref<40960xf32, #tpu.memory_space<vmem>>, vector<16xf32>,
        %add3A_106 = arith.constant 32 : i32
        %add3A_107 = arith.addi %mul3A_74, %add3A_106 : i32
        %get3A_108 = arith.index_cast %add3A_107 : i32 to index
        %get3A_109 = tpu.vector_load %arg11[%get3A_108] {strides = array<i32>} : memref<40960xf32, #tpu.memory_space<vmem>>, vector<16xf32>,
        %get3A_110 = vector.shape_cast %get3A_109 : vector<16xf32> to vector<16xf32>
        %get3A_111 = arith.index_cast %while3A_67 : i32 to index
        %get3A_112 = arith.constant 32 : index
        %get3A_113 = tpu.vector_load %arg10[%get3A_111, %get3A_112] {strides = array<i32>} : memref<80x128xf32, #tpu.memory_space<vmem>>, vector<1x16xf32>,
        %get3A_114 = vector.shape_cast %get3A_113 : vector<1x16xf32> to vector<16xf32>
        %add3A_115 = arith.addf %get3A_110, %get3A_114 : vector<16xf32>
        %add3A_116 = arith.constant 32 : i32
        %add3A_117 = arith.addi %mul3A_74, %add3A_116 : i32
        %swap3A_118 = arith.index_cast %add3A_117 : i32 to index
        %swap3A_119 = tpu.vector_load %arg11[%swap3A_118] {strides = array<i32>} : memref<40960xf32, #tpu.memory_space<vmem>>, vector<16xf32>,
        %swap3A_120 = vector.shape_cast %swap3A_119 : vector<16xf32> to vector<16xf32>
        %swap3A_121 = vector.shape_cast %add3A_115 : vector<16xf32> to vector<16xf32>
        tpu.vector_store %arg11[%swap3A_118], %swap3A_121 {strides = array<i32>} : memref<40960xf32, #tpu.memory_space<vmem>>, vector<16xf32>,
        %add3A_122 = arith.constant 48 : i32
        %add3A_123 = arith.addi %mul3A_74, %add3A_122 : i32
        %get3A_124 = arith.index_cast %add3A_123 : i32 to index
        %get3A_125 = tpu.vector_load %arg11[%get3A_124] {strides = array<i32>} : memref<40960xf32, #tpu.memory_space<vmem>>, vector<16xf32>,
        %get3A_126 = vector.shape_cast %get3A_125 : vector<16xf32> to vector<16xf32>
        %get3A_127 = arith.index_cast %while3A_67 : i32 to index
        %get3A_128 = arith.constant 48 : index
        %get3A_129 = tpu.vector_load %arg10[%get3A_127, %get3A_128] {strides = array<i32>} : memref<80x128xf32, #tpu.memory_space<vmem>>, vector<1x16xf32>,
        %get3A_130 = vector.shape_cast %get3A_129 : vector<1x16xf32> to vector<16xf32>
        %add3A_131 = arith.addf %get3A_126, %get3A_130 : vector<16xf32>
        %add3A_132 = arith.constant 48 : i32
        %add3A_133 = arith.addi %mul3A_74, %add3A_132 : i32
        %swap3A_134 = arith.index_cast %add3A_133 : i32 to index
        %swap3A_135 = tpu.vector_load %arg11[%swap3A_134] {strides = array<i32>} : memref<40960xf32, #tpu.memory_space<vmem>>, vector<16xf32>,
        %swap3A_136 = vector.shape_cast %swap3A_135 : vector<16xf32> to vector<16xf32>
        %swap3A_137 = vector.shape_cast %add3A_131 : vector<16xf32> to vector<16xf32>
        tpu.vector_store %arg11[%swap3A_134], %swap3A_137 {strides = array<i32>} : memref<40960xf32, #tpu.memory_space<vmem>>, vector<16xf32>,
        %add3A_138 = arith.constant 64 : i32
        %add3A_139 = arith.addi %mul3A_74, %add3A_138 : i32
        %get3A_140 = arith.index_cast %add3A_139 : i32 to index
        %get3A_141 = tpu.vector_load %arg11[%get3A_140] {strides = array<i32>} : memref<40960xf32, #tpu.memory_space<vmem>>, vector<16xf32>,
        %get3A_142 = vector.shape_cast %get3A_141 : vector<16xf32> to vector<16xf32>
        %get3A_143 = arith.index_cast %while3A_67 : i32 to index
        %get3A_144 = arith.constant 64 : index
        %get3A_145 = tpu.vector_load %arg10[%get3A_143, %get3A_144] {strides = array<i32>} : memref<80x128xf32, #tpu.memory_space<vmem>>, vector<1x16xf32>,
        %get3A_146 = vector.shape_cast %get3A_145 : vector<1x16xf32> to vector<16xf32>
        %add3A_147 = arith.addf %get3A_142, %get3A_146 : vector<16xf32>
        %add3A_148 = arith.constant 64 : i32
        %add3A_149 = arith.addi %mul3A_74, %add3A_148 : i32
        %swap3A_150 = arith.index_cast %add3A_149 : i32 to index
        %swap3A_151 = tpu.vector_load %arg11[%swap3A_150] {strides = array<i32>} : memref<40960xf32, #tpu.memory_space<vmem>>, vector<16xf32>,
        %swap3A_152 = vector.shape_cast %swap3A_151 : vector<16xf32> to vector<16xf32>
        %swap3A_153 = vector.shape_cast %add3A_147 : vector<16xf32> to vector<16xf32>
        tpu.vector_store %arg11[%swap3A_150], %swap3A_153 {strides = array<i32>} : memref<40960xf32, #tpu.memory_space<vmem>>, vector<16xf32>,
        %add3A_154 = arith.constant 80 : i32
        %add3A_155 = arith.addi %mul3A_74, %add3A_154 : i32
        %get3A_156 = arith.index_cast %add3A_155 : i32 to index
        %get3A_157 = tpu.vector_load %arg11[%get3A_156] {strides = array<i32>} : memref<40960xf32, #tpu.memory_space<vmem>>, vector<16xf32>,
        %get3A_158 = vector.shape_cast %get3A_157 : vector<16xf32> to vector<16xf32>
        %get3A_159 = arith.index_cast %while3A_67 : i32 to index
        %get3A_160 = arith.constant 80 : index
        %get3A_161 = tpu.vector_load %arg10[%get3A_159, %get3A_160] {strides = array<i32>} : memref<80x128xf32, #tpu.memory_space<vmem>>, vector<1x16xf32>,
        %get3A_162 = vector.shape_cast %get3A_161 : vector<1x16xf32> to vector<16xf32>
        %add3A_163 = arith.addf %get3A_158, %get3A_162 : vector<16xf32>
        %add3A_164 = arith.constant 80 : i32
        %add3A_165 = arith.addi %mul3A_74, %add3A_164 : i32
        %swap3A_166 = arith.index_cast %add3A_165 : i32 to index
        %swap3A_167 = tpu.vector_load %arg11[%swap3A_166] {strides = array<i32>} : memref<40960xf32, #tpu.memory_space<vmem>>, vector<16xf32>,
        %swap3A_168 = vector.shape_cast %swap3A_167 : vector<16xf32> to vector<16xf32>
        %swap3A_169 = vector.shape_cast %add3A_163 : vector<16xf32> to vector<16xf32>
        tpu.vector_store %arg11[%swap3A_166], %swap3A_169 {strides = array<i32>} : memref<40960xf32, #tpu.memory_space<vmem>>, vector<16xf32>,
        %add3A_170 = arith.constant 96 : i32
        %add3A_171 = arith.addi %mul3A_74, %add3A_170 : i32
        %get3A_172 = arith.index_cast %add3A_171 : i32 to index
        %get3A_173 = tpu.vector_load %arg11[%get3A_172] {strides = array<i32>} : memref<40960xf32, #tpu.memory_space<vmem>>, vector<16xf32>,
        %get3A_174 = vector.shape_cast %get3A_173 : vector<16xf32> to vector<16xf32>
        %get3A_175 = arith.index_cast %while3A_67 : i32 to index
        %get3A_176 = arith.constant 96 : index
        %get3A_177 = tpu.vector_load %arg10[%get3A_175, %get3A_176] {strides = array<i32>} : memref<80x128xf32, #tpu.memory_space<vmem>>, vector<1x16xf32>,
        %get3A_178 = vector.shape_cast %get3A_177 : vector<1x16xf32> to vector<16xf32>
        %add3A_179 = arith.addf %get3A_174, %get3A_178 : vector<16xf32>
        %add3A_180 = arith.constant 96 : i32
        %add3A_181 = arith.addi %mul3A_74, %add3A_180 : i32
        %swap3A_182 = arith.index_cast %add3A_181 : i32 to index
        %swap3A_183 = tpu.vector_load %arg11[%swap3A_182] {strides = array<i32>} : memref<40960xf32, #tpu.memory_space<vmem>>, vector<16xf32>,
        %swap3A_184 = vector.shape_cast %swap3A_183 : vector<16xf32> to vector<16xf32>
        %swap3A_185 = vector.shape_cast %add3A_179 : vector<16xf32> to vector<16xf32>
        tpu.vector_store %arg11[%swap3A_182], %swap3A_185 {strides = array<i32>} : memref<40960xf32, #tpu.memory_space<vmem>>, vector<16xf32>,
        %add3A_186 = arith.constant 112 : i32
        %add3A_187 = arith.addi %mul3A_74, %add3A_186 : i32
        %get3A_188 = arith.index_cast %add3A_187 : i32 to index
        %get3A_189 = tpu.vector_load %arg11[%get3A_188] {strides = array<i32>} : memref<40960xf32, #tpu.memory_space<vmem>>, vector<16xf32>,
        %get3A_190 = vector.shape_cast %get3A_189 : vector<16xf32> to vector<16xf32>
        %get3A_191 = arith.index_cast %while3A_67 : i32 to index
        %get3A_192 = arith.constant 112 : index
        %get3A_193 = tpu.vector_load %arg10[%get3A_191, %get3A_192] {strides = array<i32>} : memref<80x128xf32, #tpu.memory_space<vmem>>, vector<1x16xf32>,
        %get3A_194 = vector.shape_cast %get3A_193 : vector<1x16xf32> to vector<16xf32>
        %add3A_195 = arith.addf %get3A_190, %get3A_194 : vector<16xf32>
        %add3A_196 = arith.constant 112 : i32
        %add3A_197 = arith.addi %mul3A_74, %add3A_196 : i32
        %swap3A_198 = arith.index_cast %add3A_197 : i32 to index
        %swap3A_199 = tpu.vector_load %arg11[%swap3A_198] {strides = array<i32>} : memref<40960xf32, #tpu.memory_space<vmem>>, vector<16xf32>,
        %swap3A_200 = vector.shape_cast %swap3A_199 : vector<16xf32> to vector<16xf32>
        %swap3A_201 = vector.shape_cast %add3A_195 : vector<16xf32> to vector<16xf32>
        tpu.vector_store %arg11[%swap3A_198], %swap3A_201 {strides = array<i32>} : memref<40960xf32, #tpu.memory_space<vmem>>, vector<16xf32>,
      }
      %while3A_66 = arith.constant 1 : i32
      scf.for %while3A_67 = %while3A_64 to %while3A_60 step %while3A_66  : i32 {
        %get3A_68 = arith.index_cast %while3A_67 : i32 to index
        %get3A_69 = tpu.vector_load %arg8[%get3A_68] {strides = array<i32>} : memref<96xi32, #tpu.memory_space<vmem>>, vector<16xi32>,
        %get3A_70 = vector.shape_cast %get3A_69 : vector<16xi32> to vector<16xi32>
        %slice3A_71 = vector.extract_strided_slice %get3A_70 {offsets = [0], sizes = [1], strides = [1]} : vector<16xi32> to vector<1xi32>
        %squeeze3A_72 = vector.extract %slice3A_71[0] : i32 from vector<1xi32>
        %mul3A_73 = arith.constant 128 : i32
        %mul3A_74 = arith.muli %squeeze3A_72, %mul3A_73 : i32
        %add3A_75 = arith.constant 0 : i32
        %add3A_76 = arith.addi %mul3A_74, %add3A_75 : i32
        %get3A_77 = arith.index_cast %add3A_76 : i32 to index
        %get3A_78 = tpu.vector_load %arg11[%get3A_77] {strides = array<i32>} : memref<40960xf32, #tpu.memory_space<vmem>>, vector<16xf32>,
        %get3A_79 = vector.shape_cast %get3A_78 : vector<16xf32> to vector<16xf32>
        %get3A_80 = arith.index_cast %while3A_67 : i32 to index
        %get3A_81 = arith.constant 0 : index
        %get3A_82 = tpu.vector_load %arg10[%get3A_80, %get3A_81] {strides = array<i32>} : memref<80x128xf32, #tpu.memory_space<vmem>>, vector<1x16xf32>,
        %get3A_83 = vector.shape_cast %get3A_82 : vector<1x16xf32> to vector<16xf32>
        %add3A_84 = arith.addf %get3A_79, %get3A_83 : vector<16xf32>
        %add3A_85 = arith.constant 0 : i32
        %add3A_86 = arith.addi %mul3A_74, %add3A_85 : i32
        %swap3A = arith.index_cast %add3A_86 : i32 to index
        %swap3A_87 = tpu.vector_load %arg11[%swap3A] {strides = array<i32>} : memref<40960xf32, #tpu.memory_space<vmem>>, vector<16xf32>,
        %swap3A_88 = vector.shape_cast %swap3A_87 : vector<16xf32> to vector<16xf32>
        %swap3A_89 = vector.shape_cast %add3A_84 : vector<16xf32> to vector<16xf32>
        tpu.vector_store %arg11[%swap3A], %swap3A_89 {strides = array<i32>} : memref<40960xf32, #tpu.memory_space<vmem>>, vector<16xf32>,
        %add3A_90 = arith.constant 16 : i32
        %add3A_91 = arith.addi %mul3A_74, %add3A_90 : i32
        %get3A_92 = arith.index_cast %add3A_91 : i32 to index
        %get3A_93 = tpu.vector_load %arg11[%get3A_92] {strides = array<i32>} : memref<40960xf32, #tpu.memory_space<vmem>>, vector<16xf32>,
        %get3A_94 = vector.shape_cast %get3A_93 : vector<16xf32> to vector<16xf32>
        %get3A_95 = arith.index_cast %while3A_67 : i32 to index
        %get3A_96 = arith.constant 16 : index
        %get3A_97 = tpu.vector_load %arg10[%get3A_95, %get3A_96] {strides = array<i32>} : memref<80x128xf32, #tpu.memory_space<vmem>>, vector<1x16xf32>,
        %get3A_98 = vector.shape_cast %get3A_97 : vector<1x16xf32> to vector<16xf32>
        %add3A_99 = arith.addf %get3A_94, %get3A_98 : vector<16xf32>
        %add3A_100 = arith.constant 16 : i32
        %add3A_101 = arith.addi %mul3A_74, %add3A_100 : i32
        %swap3A_102 = arith.index_cast %add3A_101 : i32 to index
        %swap3A_103 = tpu.vector_load %arg11[%swap3A_102] {strides = array<i32>} : memref<40960xf32, #tpu.memory_space<vmem>>, vector<16xf32>,
        %swap3A_104 = vector.shape_cast %swap3A_103 : vector<16xf32> to vector<16xf32>
        %swap3A_105 = vector.shape_cast %add3A_99 : vector<16xf32> to vector<16xf32>
        tpu.vector_store %arg11[%swap3A_102], %swap3A_105 {strides = array<i32>} : memref<40960xf32, #tpu.memory_space<vmem>>, vector<16xf32>,
        %add3A_106 = arith.constant 32 : i32
        %add3A_107 = arith.addi %mul3A_74, %add3A_106 : i32
        %get3A_108 = arith.index_cast %add3A_107 : i32 to index
        %get3A_109 = tpu.vector_load %arg11[%get3A_108] {strides = array<i32>} : memref<40960xf32, #tpu.memory_space<vmem>>, vector<16xf32>,
        %get3A_110 = vector.shape_cast %get3A_109 : vector<16xf32> to vector<16xf32>
        %get3A_111 = arith.index_cast %while3A_67 : i32 to index
        %get3A_112 = arith.constant 32 : index
        %get3A_113 = tpu.vector_load %arg10[%get3A_111, %get3A_112] {strides = array<i32>} : memref<80x128xf32, #tpu.memory_space<vmem>>, vector<1x16xf32>,
        %get3A_114 = vector.shape_cast %get3A_113 : vector<1x16xf32> to vector<16xf32>
        %add3A_115 = arith.addf %get3A_110, %get3A_114 : vector<16xf32>
        %add3A_116 = arith.constant 32 : i32
        %add3A_117 = arith.addi %mul3A_74, %add3A_116 : i32
        %swap3A_118 = arith.index_cast %add3A_117 : i32 to index
        %swap3A_119 = tpu.vector_load %arg11[%swap3A_118] {strides = array<i32>} : memref<40960xf32, #tpu.memory_space<vmem>>, vector<16xf32>,
        %swap3A_120 = vector.shape_cast %swap3A_119 : vector<16xf32> to vector<16xf32>
        %swap3A_121 = vector.shape_cast %add3A_115 : vector<16xf32> to vector<16xf32>
        tpu.vector_store %arg11[%swap3A_118], %swap3A_121 {strides = array<i32>} : memref<40960xf32, #tpu.memory_space<vmem>>, vector<16xf32>,
        %add3A_122 = arith.constant 48 : i32
        %add3A_123 = arith.addi %mul3A_74, %add3A_122 : i32
        %get3A_124 = arith.index_cast %add3A_123 : i32 to index
        %get3A_125 = tpu.vector_load %arg11[%get3A_124] {strides = array<i32>} : memref<40960xf32, #tpu.memory_space<vmem>>, vector<16xf32>,
        %get3A_126 = vector.shape_cast %get3A_125 : vector<16xf32> to vector<16xf32>
        %get3A_127 = arith.index_cast %while3A_67 : i32 to index
        %get3A_128 = arith.constant 48 : index
        %get3A_129 = tpu.vector_load %arg10[%get3A_127, %get3A_128] {strides = array<i32>} : memref<80x128xf32, #tpu.memory_space<vmem>>, vector<1x16xf32>,
        %get3A_130 = vector.shape_cast %get3A_129 : vector<1x16xf32> to vector<16xf32>
        %add3A_131 = arith.addf %get3A_126, %get3A_130 : vector<16xf32>
        %add3A_132 = arith.constant 48 : i32
        %add3A_133 = arith.addi %mul3A_74, %add3A_132 : i32
        %swap3A_134 = arith.index_cast %add3A_133 : i32 to index
        %swap3A_135 = tpu.vector_load %arg11[%swap3A_134] {strides = array<i32>} : memref<40960xf32, #tpu.memory_space<vmem>>, vector<16xf32>,
        %swap3A_136 = vector.shape_cast %swap3A_135 : vector<16xf32> to vector<16xf32>
        %swap3A_137 = vector.shape_cast %add3A_131 : vector<16xf32> to vector<16xf32>
        tpu.vector_store %arg11[%swap3A_134], %swap3A_137 {strides = array<i32>} : memref<40960xf32, #tpu.memory_space<vmem>>, vector<16xf32>,
        %add3A_138 = arith.constant 64 : i32
        %add3A_139 = arith.addi %mul3A_74, %add3A_138 : i32
        %get3A_140 = arith.index_cast %add3A_139 : i32 to index
        %get3A_141 = tpu.vector_load %arg11[%get3A_140] {strides = array<i32>} : memref<40960xf32, #tpu.memory_space<vmem>>, vector<16xf32>,
        %get3A_142 = vector.shape_cast %get3A_141 : vector<16xf32> to vector<16xf32>
        %get3A_143 = arith.index_cast %while3A_67 : i32 to index
        %get3A_144 = arith.constant 64 : index
        %get3A_145 = tpu.vector_load %arg10[%get3A_143, %get3A_144] {strides = array<i32>} : memref<80x128xf32, #tpu.memory_space<vmem>>, vector<1x16xf32>,
        %get3A_146 = vector.shape_cast %get3A_145 : vector<1x16xf32> to vector<16xf32>
        %add3A_147 = arith.addf %get3A_142, %get3A_146 : vector<16xf32>
        %add3A_148 = arith.constant 64 : i32
        %add3A_149 = arith.addi %mul3A_74, %add3A_148 : i32
        %swap3A_150 = arith.index_cast %add3A_149 : i32 to index
        %swap3A_151 = tpu.vector_load %arg11[%swap3A_150] {strides = array<i32>} : memref<40960xf32, #tpu.memory_space<vmem>>, vector<16xf32>,
        %swap3A_152 = vector.shape_cast %swap3A_151 : vector<16xf32> to vector<16xf32>
        %swap3A_153 = vector.shape_cast %add3A_147 : vector<16xf32> to vector<16xf32>
        tpu.vector_store %arg11[%swap3A_150], %swap3A_153 {strides = array<i32>} : memref<40960xf32, #tpu.memory_space<vmem>>, vector<16xf32>,
        %add3A_154 = arith.constant 80 : i32
        %add3A_155 = arith.addi %mul3A_74, %add3A_154 : i32
        %get3A_156 = arith.index_cast %add3A_155 : i32 to index
        %get3A_157 = tpu.vector_load %arg11[%get3A_156] {strides = array<i32>} : memref<40960xf32, #tpu.memory_space<vmem>>, vector<16xf32>,
        %get3A_158 = vector.shape_cast %get3A_157 : vector<16xf32> to vector<16xf32>
        %get3A_159 = arith.index_cast %while3A_67 : i32 to index
        %get3A_160 = arith.constant 80 : index
        %get3A_161 = tpu.vector_load %arg10[%get3A_159, %get3A_160] {strides = array<i32>} : memref<80x128xf32, #tpu.memory_space<vmem>>, vector<1x16xf32>,
        %get3A_162 = vector.shape_cast %get3A_161 : vector<1x16xf32> to vector<16xf32>
        %add3A_163 = arith.addf %get3A_158, %get3A_162 : vector<16xf32>
        %add3A_164 = arith.constant 80 : i32
        %add3A_165 = arith.addi %mul3A_74, %add3A_164 : i32
        %swap3A_166 = arith.index_cast %add3A_165 : i32 to index
        %swap3A_167 = tpu.vector_load %arg11[%swap3A_166] {strides = array<i32>} : memref<40960xf32, #tpu.memory_space<vmem>>, vector<16xf32>,
        %swap3A_168 = vector.shape_cast %swap3A_167 : vector<16xf32> to vector<16xf32>
        %swap3A_169 = vector.shape_cast %add3A_163 : vector<16xf32> to vector<16xf32>
        tpu.vector_store %arg11[%swap3A_166], %swap3A_169 {strides = array<i32>} : memref<40960xf32, #tpu.memory_space<vmem>>, vector<16xf32>,
        %add3A_170 = arith.constant 96 : i32
        %add3A_171 = arith.addi %mul3A_74, %add3A_170 : i32
        %get3A_172 = arith.index_cast %add3A_171 : i32 to index
        %get3A_173 = tpu.vector_load %arg11[%get3A_172] {strides = array<i32>} : memref<40960xf32, #tpu.memory_space<vmem>>, vector<16xf32>,
        %get3A_174 = vector.shape_cast %get3A_173 : vector<16xf32> to vector<16xf32>
        %get3A_175 = arith.index_cast %while3A_67 : i32 to index
        %get3A_176 = arith.constant 96 : index
        %get3A_177 = tpu.vector_load %arg10[%get3A_175, %get3A_176] {strides = array<i32>} : memref<80x128xf32, #tpu.memory_space<vmem>>, vector<1x16xf32>,
        %get3A_178 = vector.shape_cast %get3A_177 : vector<1x16xf32> to vector<16xf32>
        %add3A_179 = arith.addf %get3A_174, %get3A_178 : vector<16xf32>
        %add3A_180 = arith.constant 96 : i32
        %add3A_181 = arith.addi %mul3A_74, %add3A_180 : i32
        %swap3A_182 = arith.index_cast %add3A_181 : i32 to index
        %swap3A_183 = tpu.vector_load %arg11[%swap3A_182] {strides = array<i32>} : memref<40960xf32, #tpu.memory_space<vmem>>, vector<16xf32>,
        %swap3A_184 = vector.shape_cast %swap3A_183 : vector<16xf32> to vector<16xf32>
        %swap3A_185 = vector.shape_cast %add3A_179 : vector<16xf32> to vector<16xf32>
        tpu.vector_store %arg11[%swap3A_182], %swap3A_185 {strides = array<i32>} : memref<40960xf32, #tpu.memory_space<vmem>>, vector<16xf32>,
        %add3A_186 = arith.constant 112 : i32
        %add3A_187 = arith.addi %mul3A_74, %add3A_186 : i32
        %get3A_188 = arith.index_cast %add3A_187 : i32 to index
        %get3A_189 = tpu.vector_load %arg11[%get3A_188] {strides = array<i32>} : memref<40960xf32, #tpu.memory_space<vmem>>, vector<16xf32>,
        %get3A_190 = vector.shape_cast %get3A_189 : vector<16xf32> to vector<16xf32>
        %get3A_191 = arith.index_cast %while3A_67 : i32 to index
        %get3A_192 = arith.constant 112 : index
        %get3A_193 = tpu.vector_load %arg10[%get3A_191, %get3A_192] {strides = array<i32>} : memref<80x128xf32, #tpu.memory_space<vmem>>, vector<1x16xf32>,
        %get3A_194 = vector.shape_cast %get3A_193 : vector<1x16xf32> to vector<16xf32>
        %add3A_195 = arith.addf %get3A_190, %get3A_194 : vector<16xf32>
        %add3A_196 = arith.constant 112 : i32
        %add3A_197 = arith.addi %mul3A_74, %add3A_196 : i32
        %swap3A_198 = arith.index_cast %add3A_197 : i32 to index
        %swap3A_199 = tpu.vector_load %arg11[%swap3A_198] {strides = array<i32>} : memref<40960xf32, #tpu.memory_space<vmem>>, vector<16xf32>,
        %swap3A_200 = vector.shape_cast %swap3A_199 : vector<16xf32> to vector<16xf32>
        %swap3A_201 = vector.shape_cast %add3A_195 : vector<16xf32> to vector<16xf32>
        tpu.vector_store %arg11[%swap3A_198], %swap3A_201 {strides = array<i32>} : memref<40960xf32, #tpu.memory_space<vmem>>, vector<16xf32>,
      }
    }
    %mul3A_39 = arith.constant 320 : i32
    %mul3A_40 = arith.muli %add3A, %mul3A_39 : i32
    %mul3A_41 = arith.constant 128 : i32
    %mul3A_42 = arith.muli %mul3A_40, %mul3A_41 : i32
    "tpu.region"() ({
      %run_scoped3A = tpu.sem_alloc : memref<!tpu.dma_semaphore, #tpu.memory_space<semaphore_mem>>
      %dma_start3A = tpu.memref_slice %arg6[%mul3A_42] : memref<1310720xf32, #tpu.memory_space<hbm>> -> memref<40960xf32, #tpu.memory_space<hbm>>
      %dma_start3A_43 = tpu.memref_slice %arg6[%mul3A_42] : memref<1310720xf32, #tpu.memory_space<hbm>> -> memref<40960xf32, #tpu.memory_space<hbm>>
      tpu.enqueue_dma source(%arg11 : memref<40960xf32, #tpu.memory_space<vmem>>) target(%dma_start3A_43 : memref<40960xf32, #tpu.memory_space<hbm>>) target_semaphore(%run_scoped3A : memref<!tpu.dma_semaphore, #tpu.memory_space<semaphore_mem>>)
      %dma_wait3A = tpu.memref_slice %arg6[%mul3A_42] : memref<1310720xf32, #tpu.memory_space<hbm>> -> memref<40960xf32, #tpu.memory_space<hbm>>
      %dma_wait3A_44 = tpu.memref_slice %arg6[%mul3A_42] : memref<1310720xf32, #tpu.memory_space<hbm>> -> memref<40960xf32, #tpu.memory_space<hbm>>
      tpu.wait_dma2 semaphore(%run_scoped3A : memref<!tpu.dma_semaphore, #tpu.memory_space<semaphore_mem>>) src(%arg11 : memref<40960xf32, #tpu.memory_space<vmem>>) dst(%dma_wait3A_44 : memref<40960xf32, #tpu.memory_space<hbm>>)
      tpu.yield
    }) : () -> ()
    return
  }
}

#map = affine_map<(d0, d1) -> (0, 0)>
#map1 = affine_map<(d0, d1) -> (0)>
module attributes {stable_mosaic.version = 14 : i64} {
  func.func @edge_kernel(%arg0: i32, %arg1: i32, %arg2: memref<10000x128xf32, #tpu.memory_space<hbm>>, %arg3: memref<320000xi32, #tpu.memory_space<hbm>>, %arg4: memref<320000xi32, #tpu.memory_space<hbm>>, %arg5: memref<320000x128xf32, #tpu.memory_space<hbm>>, %arg6: memref<80xi32, #tpu.memory_space<vmem>>, %arg7: memref<80xi32, #tpu.memory_space<vmem>>, %arg8: memref<80x128xf32, #tpu.memory_space<vmem>>, %arg9: memref<80x128xf32, #tpu.memory_space<vmem>>, %arg10: memref<!tpu.dma_semaphore, #tpu.memory_space<semaphore_mem>>, %arg11: memref<!tpu.dma_semaphore, #tpu.memory_space<semaphore_mem>>) attributes {dimension_semantics = [#tpu.dimension_semantics<core_parallel>, #tpu.dimension_semantics<subcore_parallel>], iteration_bounds = array<i64: 2, 16>, scalar_prefetch = 0 : i64, scratch_operands = 6 : i64, tpu.core_type = #tpu.core_type<sc_vector_subcore>, window_params = [{transform_indices = #map}, {transform_indices = #map1}, {transform_indices = #map1}, {transform_indices = #map}]} {
    %mul3A = arith.constant 2 : i32
    %mul3A_0 = arith.muli %arg1, %mul3A : i32
    %add3A = arith.addi %mul3A_0, %arg0 : i32
    %scan3A = arith.constant 0 : i32
    %scan3A_1 = arith.constant 0 : i32
    %scan3A_2 = arith.constant 125 : i32
    %scan3A_3 = arith.addi %scan3A_1, %scan3A_2 : i32
    %scan3A_4 = arith.constant 1 : i32
    scf.for %scan3A_6 = %scan3A_1 to %scan3A_3 step %scan3A_4  : i32 {
      %mul3A_7 = arith.constant 10000 : i32
      %mul3A_8 = arith.muli %add3A, %mul3A_7 : i32
      %mul3A_9 = arith.constant 80 : i32
      %mul3A_10 = arith.muli %scan3A_6, %mul3A_9 : i32
      %add3A_11 = arith.addi %mul3A_8, %mul3A_10 : i32
      "tpu.region"() ({
        %run_scoped3A = tpu.sem_alloc : memref<!tpu.dma_semaphore, #tpu.memory_space<semaphore_mem>>
        %dma_start3A_28 = tpu.memref_slice %arg3[%add3A_11] : memref<320000xi32, #tpu.memory_space<hbm>> -> memref<80xi32, #tpu.memory_space<hbm>>
        %dma_start3A_29 = tpu.memref_slice %arg3[%add3A_11] : memref<320000xi32, #tpu.memory_space<hbm>> -> memref<80xi32, #tpu.memory_space<hbm>>
        tpu.enqueue_dma source(%dma_start3A_29 : memref<80xi32, #tpu.memory_space<hbm>>) target(%arg6 : memref<80xi32, #tpu.memory_space<vmem>>) target_semaphore(%run_scoped3A : memref<!tpu.dma_semaphore, #tpu.memory_space<semaphore_mem>>)
        %dma_wait3A_30 = tpu.memref_slice %arg3[%add3A_11] : memref<320000xi32, #tpu.memory_space<hbm>> -> memref<80xi32, #tpu.memory_space<hbm>>
        %dma_wait3A_31 = tpu.memref_slice %arg3[%add3A_11] : memref<320000xi32, #tpu.memory_space<hbm>> -> memref<80xi32, #tpu.memory_space<hbm>>
        tpu.wait_dma2 semaphore(%run_scoped3A : memref<!tpu.dma_semaphore, #tpu.memory_space<semaphore_mem>>) src(%dma_wait3A_31 : memref<80xi32, #tpu.memory_space<hbm>>) dst(%arg6 : memref<80xi32, #tpu.memory_space<vmem>>)
        tpu.yield
      }) : () -> ()
      "tpu.region"() ({
        %run_scoped3A = tpu.sem_alloc : memref<!tpu.dma_semaphore, #tpu.memory_space<semaphore_mem>>
        %dma_start3A_28 = tpu.memref_slice %arg4[%add3A_11] : memref<320000xi32, #tpu.memory_space<hbm>> -> memref<80xi32, #tpu.memory_space<hbm>>
        %dma_start3A_29 = tpu.memref_slice %arg4[%add3A_11] : memref<320000xi32, #tpu.memory_space<hbm>> -> memref<80xi32, #tpu.memory_space<hbm>>
        tpu.enqueue_dma source(%dma_start3A_29 : memref<80xi32, #tpu.memory_space<hbm>>) target(%arg7 : memref<80xi32, #tpu.memory_space<vmem>>) target_semaphore(%run_scoped3A : memref<!tpu.dma_semaphore, #tpu.memory_space<semaphore_mem>>)
        %dma_wait3A_30 = tpu.memref_slice %arg4[%add3A_11] : memref<320000xi32, #tpu.memory_space<hbm>> -> memref<80xi32, #tpu.memory_space<hbm>>
        %dma_wait3A_31 = tpu.memref_slice %arg4[%add3A_11] : memref<320000xi32, #tpu.memory_space<hbm>> -> memref<80xi32, #tpu.memory_space<hbm>>
        tpu.wait_dma2 semaphore(%run_scoped3A : memref<!tpu.dma_semaphore, #tpu.memory_space<semaphore_mem>>) src(%dma_wait3A_31 : memref<80xi32, #tpu.memory_space<hbm>>) dst(%arg7 : memref<80xi32, #tpu.memory_space<vmem>>)
        tpu.yield
      }) : () -> ()
      %dma_start3A = arith.constant 0 : i32
      %dma_start3A_12 = arith.constant 0 : i32
      %dma_start3A_13 = tpu.memref_slice %arg2[%dma_start3A, %dma_start3A_12] : memref<10000x128xf32, #tpu.memory_space<hbm>> -> memref<10000x128xf32, #tpu.memory_space<hbm>>
      tpu.enqueue_indirect_dma source(%dma_start3A_13 : memref<10000x128xf32, #tpu.memory_space<hbm>>) target(%arg8 : memref<80x128xf32, #tpu.memory_space<vmem>>) offsets(%arg6 : memref<80xi32, #tpu.memory_space<vmem>>) semaphore(%arg10 : memref<!tpu.dma_semaphore, #tpu.memory_space<semaphore_mem>>)
      %dma_start3A_14 = arith.constant 0 : i32
      %dma_start3A_15 = arith.constant 0 : i32
      %dma_start3A_16 = tpu.memref_slice %arg2[%dma_start3A_14, %dma_start3A_15] : memref<10000x128xf32, #tpu.memory_space<hbm>> -> memref<10000x128xf32, #tpu.memory_space<hbm>>
      tpu.enqueue_indirect_dma source(%dma_start3A_16 : memref<10000x128xf32, #tpu.memory_space<hbm>>) target(%arg9 : memref<80x128xf32, #tpu.memory_space<vmem>>) offsets(%arg7 : memref<80xi32, #tpu.memory_space<vmem>>) semaphore(%arg11 : memref<!tpu.dma_semaphore, #tpu.memory_space<semaphore_mem>>)
      %dma_wait3A = arith.constant 0 : i32
      %dma_wait3A_17 = arith.constant 0 : i32
      %dma_wait3A_18 = tpu.memref_slice %arg2[%dma_wait3A, %dma_wait3A_17] : memref<10000x128xf32, #tpu.memory_space<hbm>> -> memref<10000x128xf32, #tpu.memory_space<hbm>>
      tpu.wait_indirect_dma semaphore(%arg10 : memref<!tpu.dma_semaphore, #tpu.memory_space<semaphore_mem>>) src(%dma_wait3A_18 : memref<10000x128xf32, #tpu.memory_space<hbm>>) dst(%arg8 : memref<80x128xf32, #tpu.memory_space<vmem>>)
      %dma_wait3A_19 = arith.constant 0 : i32
      %dma_wait3A_20 = arith.constant 0 : i32
      %dma_wait3A_21 = tpu.memref_slice %arg2[%dma_wait3A_19, %dma_wait3A_20] : memref<10000x128xf32, #tpu.memory_space<hbm>> -> memref<10000x128xf32, #tpu.memory_space<hbm>>
      tpu.wait_indirect_dma semaphore(%arg11 : memref<!tpu.dma_semaphore, #tpu.memory_space<semaphore_mem>>) src(%dma_wait3A_21 : memref<10000x128xf32, #tpu.memory_space<hbm>>) dst(%arg9 : memref<80x128xf32, #tpu.memory_space<vmem>>)
      %scan3A_22 = arith.constant 0 : i32
      %scan3A_23 = arith.constant 0 : i32
      %scan3A_24 = arith.constant 80 : i32
      %scan3A_25 = arith.addi %scan3A_23, %scan3A_24 : i32
      %scan3A_26 = arith.constant 1 : i32
      scf.for %scan3A_28 = %scan3A_23 to %scan3A_25 step %scan3A_26  : i32 {
        %get3A = arith.index_cast %scan3A_28 : i32 to index
        %get3A_29 = arith.constant 0 : index
        %get3A_30 = tpu.vector_load %arg8[%get3A, %get3A_29] {strides = array<i32>} : memref<80x128xf32, #tpu.memory_space<vmem>>, vector<1x16xf32>,
        %get3A_31 = vector.shape_cast %get3A_30 : vector<1x16xf32> to vector<16xf32>
        %get3A_32 = arith.index_cast %scan3A_28 : i32 to index
        %get3A_33 = arith.constant 0 : index
        %get3A_34 = tpu.vector_load %arg9[%get3A_32, %get3A_33] {strides = array<i32>} : memref<80x128xf32, #tpu.memory_space<vmem>>, vector<1x16xf32>,
        %get3A_35 = vector.shape_cast %get3A_34 : vector<1x16xf32> to vector<16xf32>
        %mul3A_36 = arith.mulf %get3A_31, %get3A_35 : vector<16xf32>
        %swap3A = arith.index_cast %scan3A_28 : i32 to index
        %swap3A_37 = arith.constant 0 : index
        %swap3A_38 = tpu.vector_load %arg8[%swap3A, %swap3A_37] {strides = array<i32>} : memref<80x128xf32, #tpu.memory_space<vmem>>, vector<1x16xf32>,
        %swap3A_39 = vector.shape_cast %swap3A_38 : vector<1x16xf32> to vector<16xf32>
        %swap3A_40 = vector.shape_cast %mul3A_36 : vector<16xf32> to vector<1x16xf32>
        tpu.vector_store %arg8[%swap3A, %swap3A_37], %swap3A_40 {strides = array<i32>} : memref<80x128xf32, #tpu.memory_space<vmem>>, vector<1x16xf32>,
        %get3A_41 = arith.index_cast %scan3A_28 : i32 to index
        %get3A_42 = arith.constant 16 : index
        %get3A_43 = tpu.vector_load %arg8[%get3A_41, %get3A_42] {strides = array<i32>} : memref<80x128xf32, #tpu.memory_space<vmem>>, vector<1x16xf32>,
        %get3A_44 = vector.shape_cast %get3A_43 : vector<1x16xf32> to vector<16xf32>
        %get3A_45 = arith.index_cast %scan3A_28 : i32 to index
        %get3A_46 = arith.constant 16 : index
        %get3A_47 = tpu.vector_load %arg9[%get3A_45, %get3A_46] {strides = array<i32>} : memref<80x128xf32, #tpu.memory_space<vmem>>, vector<1x16xf32>,
        %get3A_48 = vector.shape_cast %get3A_47 : vector<1x16xf32> to vector<16xf32>
        %mul3A_49 = arith.mulf %get3A_44, %get3A_48 : vector<16xf32>
        %swap3A_50 = arith.index_cast %scan3A_28 : i32 to index
        %swap3A_51 = arith.constant 16 : index
        %swap3A_52 = tpu.vector_load %arg8[%swap3A_50, %swap3A_51] {strides = array<i32>} : memref<80x128xf32, #tpu.memory_space<vmem>>, vector<1x16xf32>,
        %swap3A_53 = vector.shape_cast %swap3A_52 : vector<1x16xf32> to vector<16xf32>
        %swap3A_54 = vector.shape_cast %mul3A_49 : vector<16xf32> to vector<1x16xf32>
        tpu.vector_store %arg8[%swap3A_50, %swap3A_51], %swap3A_54 {strides = array<i32>} : memref<80x128xf32, #tpu.memory_space<vmem>>, vector<1x16xf32>,
        %get3A_55 = arith.index_cast %scan3A_28 : i32 to index
        %get3A_56 = arith.constant 32 : index
        %get3A_57 = tpu.vector_load %arg8[%get3A_55, %get3A_56] {strides = array<i32>} : memref<80x128xf32, #tpu.memory_space<vmem>>, vector<1x16xf32>,
        %get3A_58 = vector.shape_cast %get3A_57 : vector<1x16xf32> to vector<16xf32>
        %get3A_59 = arith.index_cast %scan3A_28 : i32 to index
        %get3A_60 = arith.constant 32 : index
        %get3A_61 = tpu.vector_load %arg9[%get3A_59, %get3A_60] {strides = array<i32>} : memref<80x128xf32, #tpu.memory_space<vmem>>, vector<1x16xf32>,
        %get3A_62 = vector.shape_cast %get3A_61 : vector<1x16xf32> to vector<16xf32>
        %mul3A_63 = arith.mulf %get3A_58, %get3A_62 : vector<16xf32>
        %swap3A_64 = arith.index_cast %scan3A_28 : i32 to index
        %swap3A_65 = arith.constant 32 : index
        %swap3A_66 = tpu.vector_load %arg8[%swap3A_64, %swap3A_65] {strides = array<i32>} : memref<80x128xf32, #tpu.memory_space<vmem>>, vector<1x16xf32>,
        %swap3A_67 = vector.shape_cast %swap3A_66 : vector<1x16xf32> to vector<16xf32>
        %swap3A_68 = vector.shape_cast %mul3A_63 : vector<16xf32> to vector<1x16xf32>
        tpu.vector_store %arg8[%swap3A_64, %swap3A_65], %swap3A_68 {strides = array<i32>} : memref<80x128xf32, #tpu.memory_space<vmem>>, vector<1x16xf32>,
        %get3A_69 = arith.index_cast %scan3A_28 : i32 to index
        %get3A_70 = arith.constant 48 : index
        %get3A_71 = tpu.vector_load %arg8[%get3A_69, %get3A_70] {strides = array<i32>} : memref<80x128xf32, #tpu.memory_space<vmem>>, vector<1x16xf32>,
        %get3A_72 = vector.shape_cast %get3A_71 : vector<1x16xf32> to vector<16xf32>
        %get3A_73 = arith.index_cast %scan3A_28 : i32 to index
        %get3A_74 = arith.constant 48 : index
        %get3A_75 = tpu.vector_load %arg9[%get3A_73, %get3A_74] {strides = array<i32>} : memref<80x128xf32, #tpu.memory_space<vmem>>, vector<1x16xf32>,
        %get3A_76 = vector.shape_cast %get3A_75 : vector<1x16xf32> to vector<16xf32>
        %mul3A_77 = arith.mulf %get3A_72, %get3A_76 : vector<16xf32>
        %swap3A_78 = arith.index_cast %scan3A_28 : i32 to index
        %swap3A_79 = arith.constant 48 : index
        %swap3A_80 = tpu.vector_load %arg8[%swap3A_78, %swap3A_79] {strides = array<i32>} : memref<80x128xf32, #tpu.memory_space<vmem>>, vector<1x16xf32>,
        %swap3A_81 = vector.shape_cast %swap3A_80 : vector<1x16xf32> to vector<16xf32>
        %swap3A_82 = vector.shape_cast %mul3A_77 : vector<16xf32> to vector<1x16xf32>
        tpu.vector_store %arg8[%swap3A_78, %swap3A_79], %swap3A_82 {strides = array<i32>} : memref<80x128xf32, #tpu.memory_space<vmem>>, vector<1x16xf32>,
        %get3A_83 = arith.index_cast %scan3A_28 : i32 to index
        %get3A_84 = arith.constant 64 : index
        %get3A_85 = tpu.vector_load %arg8[%get3A_83, %get3A_84] {strides = array<i32>} : memref<80x128xf32, #tpu.memory_space<vmem>>, vector<1x16xf32>,
        %get3A_86 = vector.shape_cast %get3A_85 : vector<1x16xf32> to vector<16xf32>
        %get3A_87 = arith.index_cast %scan3A_28 : i32 to index
        %get3A_88 = arith.constant 64 : index
        %get3A_89 = tpu.vector_load %arg9[%get3A_87, %get3A_88] {strides = array<i32>} : memref<80x128xf32, #tpu.memory_space<vmem>>, vector<1x16xf32>,
        %get3A_90 = vector.shape_cast %get3A_89 : vector<1x16xf32> to vector<16xf32>
        %mul3A_91 = arith.mulf %get3A_86, %get3A_90 : vector<16xf32>
        %swap3A_92 = arith.index_cast %scan3A_28 : i32 to index
        %swap3A_93 = arith.constant 64 : index
        %swap3A_94 = tpu.vector_load %arg8[%swap3A_92, %swap3A_93] {strides = array<i32>} : memref<80x128xf32, #tpu.memory_space<vmem>>, vector<1x16xf32>,
        %swap3A_95 = vector.shape_cast %swap3A_94 : vector<1x16xf32> to vector<16xf32>
        %swap3A_96 = vector.shape_cast %mul3A_91 : vector<16xf32> to vector<1x16xf32>
        tpu.vector_store %arg8[%swap3A_92, %swap3A_93], %swap3A_96 {strides = array<i32>} : memref<80x128xf32, #tpu.memory_space<vmem>>, vector<1x16xf32>,
        %get3A_97 = arith.index_cast %scan3A_28 : i32 to index
        %get3A_98 = arith.constant 80 : index
        %get3A_99 = tpu.vector_load %arg8[%get3A_97, %get3A_98] {strides = array<i32>} : memref<80x128xf32, #tpu.memory_space<vmem>>, vector<1x16xf32>,
        %get3A_100 = vector.shape_cast %get3A_99 : vector<1x16xf32> to vector<16xf32>
        %get3A_101 = arith.index_cast %scan3A_28 : i32 to index
        %get3A_102 = arith.constant 80 : index
        %get3A_103 = tpu.vector_load %arg9[%get3A_101, %get3A_102] {strides = array<i32>} : memref<80x128xf32, #tpu.memory_space<vmem>>, vector<1x16xf32>,
        %get3A_104 = vector.shape_cast %get3A_103 : vector<1x16xf32> to vector<16xf32>
        %mul3A_105 = arith.mulf %get3A_100, %get3A_104 : vector<16xf32>
        %swap3A_106 = arith.index_cast %scan3A_28 : i32 to index
        %swap3A_107 = arith.constant 80 : index
        %swap3A_108 = tpu.vector_load %arg8[%swap3A_106, %swap3A_107] {strides = array<i32>} : memref<80x128xf32, #tpu.memory_space<vmem>>, vector<1x16xf32>,
        %swap3A_109 = vector.shape_cast %swap3A_108 : vector<1x16xf32> to vector<16xf32>
        %swap3A_110 = vector.shape_cast %mul3A_105 : vector<16xf32> to vector<1x16xf32>
        tpu.vector_store %arg8[%swap3A_106, %swap3A_107], %swap3A_110 {strides = array<i32>} : memref<80x128xf32, #tpu.memory_space<vmem>>, vector<1x16xf32>,
        %get3A_111 = arith.index_cast %scan3A_28 : i32 to index
        %get3A_112 = arith.constant 96 : index
        %get3A_113 = tpu.vector_load %arg8[%get3A_111, %get3A_112] {strides = array<i32>} : memref<80x128xf32, #tpu.memory_space<vmem>>, vector<1x16xf32>,
        %get3A_114 = vector.shape_cast %get3A_113 : vector<1x16xf32> to vector<16xf32>
        %get3A_115 = arith.index_cast %scan3A_28 : i32 to index
        %get3A_116 = arith.constant 96 : index
        %get3A_117 = tpu.vector_load %arg9[%get3A_115, %get3A_116] {strides = array<i32>} : memref<80x128xf32, #tpu.memory_space<vmem>>, vector<1x16xf32>,
        %get3A_118 = vector.shape_cast %get3A_117 : vector<1x16xf32> to vector<16xf32>
        %mul3A_119 = arith.mulf %get3A_114, %get3A_118 : vector<16xf32>
        %swap3A_120 = arith.index_cast %scan3A_28 : i32 to index
        %swap3A_121 = arith.constant 96 : index
        %swap3A_122 = tpu.vector_load %arg8[%swap3A_120, %swap3A_121] {strides = array<i32>} : memref<80x128xf32, #tpu.memory_space<vmem>>, vector<1x16xf32>,
        %swap3A_123 = vector.shape_cast %swap3A_122 : vector<1x16xf32> to vector<16xf32>
        %swap3A_124 = vector.shape_cast %mul3A_119 : vector<16xf32> to vector<1x16xf32>
        tpu.vector_store %arg8[%swap3A_120, %swap3A_121], %swap3A_124 {strides = array<i32>} : memref<80x128xf32, #tpu.memory_space<vmem>>, vector<1x16xf32>,
        %get3A_125 = arith.index_cast %scan3A_28 : i32 to index
        %get3A_126 = arith.constant 112 : index
        %get3A_127 = tpu.vector_load %arg8[%get3A_125, %get3A_126] {strides = array<i32>} : memref<80x128xf32, #tpu.memory_space<vmem>>, vector<1x16xf32>,
        %get3A_128 = vector.shape_cast %get3A_127 : vector<1x16xf32> to vector<16xf32>
        %get3A_129 = arith.index_cast %scan3A_28 : i32 to index
        %get3A_130 = arith.constant 112 : index
        %get3A_131 = tpu.vector_load %arg9[%get3A_129, %get3A_130] {strides = array<i32>} : memref<80x128xf32, #tpu.memory_space<vmem>>, vector<1x16xf32>,
        %get3A_132 = vector.shape_cast %get3A_131 : vector<1x16xf32> to vector<16xf32>
        %mul3A_133 = arith.mulf %get3A_128, %get3A_132 : vector<16xf32>
        %swap3A_134 = arith.index_cast %scan3A_28 : i32 to index
        %swap3A_135 = arith.constant 112 : index
        %swap3A_136 = tpu.vector_load %arg8[%swap3A_134, %swap3A_135] {strides = array<i32>} : memref<80x128xf32, #tpu.memory_space<vmem>>, vector<1x16xf32>,
        %swap3A_137 = vector.shape_cast %swap3A_136 : vector<1x16xf32> to vector<16xf32>
        %swap3A_138 = vector.shape_cast %mul3A_133 : vector<16xf32> to vector<1x16xf32>
        tpu.vector_store %arg8[%swap3A_134, %swap3A_135], %swap3A_138 {strides = array<i32>} : memref<80x128xf32, #tpu.memory_space<vmem>>, vector<1x16xf32>,
      }
      %scan3A_27 = arith.constant 80 : i32
      "tpu.region"() ({
        %run_scoped3A = tpu.sem_alloc : memref<!tpu.dma_semaphore, #tpu.memory_space<semaphore_mem>>
        %dma_start3A_28 = arith.constant 0 : i32
        %dma_start3A_29 = tpu.memref_slice %arg5[%add3A_11, %dma_start3A_28] : memref<320000x128xf32, #tpu.memory_space<hbm>> -> memref<80x128xf32, #tpu.memory_space<hbm>>
        %dma_start3A_30 = arith.constant 0 : i32
        %dma_start3A_31 = tpu.memref_slice %arg5[%add3A_11, %dma_start3A_30] : memref<320000x128xf32, #tpu.memory_space<hbm>> -> memref<80x128xf32, #tpu.memory_space<hbm>>
        tpu.enqueue_dma source(%arg8 : memref<80x128xf32, #tpu.memory_space<vmem>>) target(%dma_start3A_31 : memref<80x128xf32, #tpu.memory_space<hbm>>) target_semaphore(%run_scoped3A : memref<!tpu.dma_semaphore, #tpu.memory_space<semaphore_mem>>)
        %dma_wait3A_32 = arith.constant 0 : i32
        %dma_wait3A_33 = tpu.memref_slice %arg5[%add3A_11, %dma_wait3A_32] : memref<320000x128xf32, #tpu.memory_space<hbm>> -> memref<80x128xf32, #tpu.memory_space<hbm>>
        %dma_wait3A_34 = arith.constant 0 : i32
        %dma_wait3A_35 = tpu.memref_slice %arg5[%add3A_11, %dma_wait3A_34] : memref<320000x128xf32, #tpu.memory_space<hbm>> -> memref<80x128xf32, #tpu.memory_space<hbm>>
        tpu.wait_dma2 semaphore(%run_scoped3A : memref<!tpu.dma_semaphore, #tpu.memory_space<semaphore_mem>>) src(%arg8 : memref<80x128xf32, #tpu.memory_space<vmem>>) dst(%dma_wait3A_35 : memref<80x128xf32, #tpu.memory_space<hbm>>)
        tpu.yield
      }) : () -> ()
    }
    %scan3A_5 = arith.constant 125 : i32
    return
  }
}

module attributes {stable_mosaic.version = 14 : i64} {
  func.func @_prep_body(%arg0: i32, %arg1: memref<1000x16xf32, #tpu.memory_space<vmem>>, %arg2: memref<1000x128xf32, #tpu.memory_space<vmem>>, %arg3: memref<1000x8xf32, #tpu.memory_space<vmem>>, %arg4: memref<1000x128xf32, #tpu.memory_space<vmem>>) attributes {dimension_semantics = [#tpu.dimension_semantics<arbitrary>], iteration_bounds = array<i64: 10>, scalar_prefetch = 0 : i64, scratch_operands = 0 : i64, tpu.core_type = #tpu.core_type<tc>, window_params = [{transform_indices = @transform_0, window_bounds = array<i64: 1000, 16>}, {transform_indices = @transform_1, window_bounds = array<i64: 1000, 128>}, {transform_indices = @transform_2, window_bounds = array<i64: 1000, 8>}, {transform_indices = @transform_3, window_bounds = array<i64: 1000, 128>}]} {
    %get3A = arith.constant 0 : index
    %get3A_0 = arith.constant 0 : index
    %get3A_1 = vector.load %arg1[%get3A, %get3A_0] : memref<1000x16xf32, #tpu.memory_space<vmem>>, vector<1000x1xf32>
    %add3A = arith.constant 1.000000e+00 : f32
    %add3A_2 = vector.broadcast %add3A : f32 to vector<1000x1xf32>
    %add3A_3 = arith.addf %get3A_1, %add3A_2 : vector<1000x1xf32>
    %rsqrt3A = math.rsqrt %add3A_3 : vector<1000x1xf32>
    %broadcast_in_dim3A = vector.shape_cast %rsqrt3A : vector<1000x1xf32> to vector<1000x1xf32>
    %broadcast_in_dim3A_4 = vector.broadcast %broadcast_in_dim3A : vector<1000x1xf32> to vector<1000x8xf32>
    %swap3A = arith.constant 0 : index
    %swap3A_5 = arith.constant 0 : index
    %swap3A_6 = vector.load %arg3[%swap3A, %swap3A_5] : memref<1000x8xf32, #tpu.memory_space<vmem>>, vector<1000x8xf32>
    tpu.vector_store %arg3[%swap3A, %swap3A_5], %broadcast_in_dim3A_4 {strides = array<i32>} : memref<1000x8xf32, #tpu.memory_space<vmem>>, vector<1000x8xf32>,
    %get3A_7 = arith.constant 0 : index
    %get3A_8 = arith.constant 0 : index
    %get3A_9 = vector.load %arg2[%get3A_7, %get3A_8] : memref<1000x128xf32, #tpu.memory_space<vmem>>, vector<1000x128xf32>
    %mul3A = vector.broadcast %rsqrt3A : vector<1000x1xf32> to vector<1000x128xf32>
    %mul3A_10 = arith.mulf %get3A_9, %mul3A : vector<1000x128xf32>
    %swap3A_11 = arith.constant 0 : index
    %swap3A_12 = arith.constant 0 : index
    %swap3A_13 = vector.load %arg4[%swap3A_11, %swap3A_12] : memref<1000x128xf32, #tpu.memory_space<vmem>>, vector<1000x128xf32>
    tpu.vector_store %arg4[%swap3A_11, %swap3A_12], %mul3A_10 {strides = array<i32>} : memref<1000x128xf32, #tpu.memory_space<vmem>>, vector<1000x128xf32>,
    return
  }
  func.func @transform_0(%arg0: i32) -> (i32, i32) {
    %c0_i32 = arith.constant 0 : i32
    %c0_i32_0 = arith.constant 0 : i32
    return %arg0, %c0_i32 : i32, i32
  }
  func.func @transform_1(%arg0: i32) -> (i32, i32) {
    %c0_i32 = arith.constant 0 : i32
    %c0_i32_0 = arith.constant 0 : i32
    return %arg0, %c0_i32 : i32, i32
  }
  func.func @transform_2(%arg0: i32) -> (i32, i32) {
    %c0_i32 = arith.constant 0 : i32
    %c0_i32_0 = arith.constant 0 : i32
    return %arg0, %c0_i32 : i32, i32
  }
  func.func @transform_3(%arg0: i32) -> (i32, i32) {
    %c0_i32 = arith.constant 0 : i32
    %c0_i32_0 = arith.constant 0 : i32
    return %arg0, %c0_i32 : i32, i32
  }
}

module attributes {stable_mosaic.version = 14 : i64} {
  func.func @_layer_body(%arg0: i32, %arg1: memref<1000x128xf32, #tpu.memory_space<vmem>>, %arg2: memref<1000x128xf32, #tpu.memory_space<vmem>>, %arg3: memref<1000x8xf32, #tpu.memory_space<vmem>>, %arg4: memref<128x128xf32, #tpu.memory_space<vmem>>, %arg5: memref<128x4xf32, #tpu.memory_space<vmem>>, %arg6: memref<128x4xf32, #tpu.memory_space<vmem>>, %arg7: memref<128xf32, #tpu.memory_space<vmem>>, %arg8: memref<128xf32, #tpu.memory_space<vmem>>, %arg9: memref<1000x128xf32, #tpu.memory_space<vmem>>, %arg10: memref<1000x128xf32, #tpu.memory_space<vmem>>) attributes {dimension_semantics = [#tpu.dimension_semantics<arbitrary>], iteration_bounds = array<i64: 10>, scalar_prefetch = 0 : i64, scratch_operands = 0 : i64, tpu.core_type = #tpu.core_type<tc>, window_params = [{transform_indices = @transform_0, window_bounds = array<i64: 1000, 128>}, {transform_indices = @transform_1, window_bounds = array<i64: 1000, 128>}, {transform_indices = @transform_2, window_bounds = array<i64: 1000, 8>}, {pipeline_mode = #tpu.pipeline_mode<synchronous>, transform_indices = @transform_3, window_bounds = array<i64: 128, 128>}, {pipeline_mode = #tpu.pipeline_mode<synchronous>, transform_indices = @transform_4, window_bounds = array<i64: 128, 4>}, {pipeline_mode = #tpu.pipeline_mode<synchronous>, transform_indices = @transform_5, window_bounds = array<i64: 128, 4>}, {pipeline_mode = #tpu.pipeline_mode<synchronous>, transform_indices = @transform_6, window_bounds = array<i64: 128>}, {pipeline_mode = #tpu.pipeline_mode<synchronous>, transform_indices = @transform_7, window_bounds = array<i64: 128>}, {transform_indices = @transform_8, window_bounds = array<i64: 1000, 128>}, {transform_indices = @transform_9, window_bounds = array<i64: 1000, 128>}]} {
    %get3A = arith.constant 0 : index
    %get3A_0 = arith.constant 0 : index
    %get3A_1 = vector.load %arg3[%get3A, %get3A_0] : memref<1000x8xf32, #tpu.memory_space<vmem>>, vector<1000x1xf32>
    %get3A_2 = arith.constant 0 : index
    %get3A_3 = arith.constant 0 : index
    %get3A_4 = vector.load %arg1[%get3A_2, %get3A_3] : memref<1000x128xf32, #tpu.memory_space<vmem>>, vector<1000x128xf32>
    %mul3A = vector.broadcast %get3A_1 : vector<1000x1xf32> to vector<1000x128xf32>
    %mul3A_5 = arith.mulf %mul3A, %get3A_4 : vector<1000x128xf32>
    %mul3A_6 = arith.mulf %get3A_1, %get3A_1 : vector<1000x1xf32>
    %get3A_7 = arith.constant 0 : index
    %get3A_8 = arith.constant 0 : index
    %get3A_9 = vector.load %arg2[%get3A_7, %get3A_8] : memref<1000x128xf32, #tpu.memory_space<vmem>>, vector<1000x128xf32>
    %mul3A_10 = vector.broadcast %mul3A_6 : vector<1000x1xf32> to vector<1000x128xf32>
    %mul3A_11 = arith.mulf %mul3A_10, %get3A_9 : vector<1000x128xf32>
    %add3A = arith.addf %mul3A_5, %mul3A_11 : vector<1000x128xf32>
    %get3A_12 = arith.constant 0 : index
    %get3A_13 = arith.constant 0 : index
    %get3A_14 = vector.load %arg4[%get3A_12, %get3A_13] : memref<128x128xf32, #tpu.memory_space<vmem>>, vector<128x128xf32>
    %get3A_15 = arith.constant 0 : index
    %get3A_16 = arith.constant 0 : index
    %get3A_17 = vector.load %arg5[%get3A_15, %get3A_16] : memref<128x4xf32, #tpu.memory_space<vmem>>, vector<128x4xf32>
    %get3A_18 = arith.constant 0 : index
    %get3A_19 = arith.constant 0 : index
    %get3A_20 = vector.load %arg6[%get3A_18, %get3A_19] : memref<128x4xf32, #tpu.memory_space<vmem>>, vector<128x4xf32>
    %dot_general3A = arith.constant dense<0.000000e+00> : vector<128x128xf32>
    %dot_general3A_21 = tpu.matmul %get3A_17, %get3A_20, %dot_general3A {dimension_numbers = #tpu.dot_dimension_numbers<[1], [1], [0], [0], [0, 0, 1, 0], [], []>, transpose_lhs_hint = false} : vector<128x4xf32>, vector<128x4xf32>, vector<128x128xf32> -> vector<128x128xf32>
    %mul3A_22 = arith.constant 2.500000e-01 : f32
    %mul3A_23 = vector.broadcast %mul3A_22 : f32 to vector<128x128xf32>
    %mul3A_24 = arith.mulf %mul3A_23, %dot_general3A_21 : vector<128x128xf32>
    %add3A_25 = arith.addf %get3A_14, %mul3A_24 : vector<128x128xf32>
    %dot_general3A_26 = arith.constant dense<0.000000e+00> : vector<1000x128xf32>
    %dot_general3A_27 = tpu.matmul %add3A, %add3A_25, %dot_general3A_26 {dimension_numbers = #tpu.dot_dimension_numbers<[1], [1], [0], [0], [0, 0, 1, 0], [], []>, transpose_lhs_hint = false} : vector<1000x128xf32>, vector<128x128xf32>, vector<1000x128xf32> -> vector<1000x128xf32>
    %reduce_sum3A = arith.constant dense<0.000000e+00> : vector<1000xf32>
    %reduce_sum3A_28 = vector.multi_reduction <add>, %dot_general3A_27, %reduce_sum3A [1] : vector<1000x128xf32> to vector<1000xf32>
    %broadcast_in_dim3A = vector.shape_cast %reduce_sum3A_28 : vector<1000xf32> to vector<1000x1xf32>
    %div3A = arith.constant 1.280000e+02 : f32
    %div3A_29 = vector.broadcast %div3A : f32 to vector<1000x1xf32>
    %div3A_30 = arith.divf %broadcast_in_dim3A, %div3A_29 : vector<1000x1xf32>
    %sub3A = vector.broadcast %div3A_30 : vector<1000x1xf32> to vector<1000x128xf32>
    %sub3A_31 = arith.subf %dot_general3A_27, %sub3A : vector<1000x128xf32>
    %square3A = arith.mulf %sub3A_31, %sub3A_31 : vector<1000x128xf32>
    %reduce_sum3A_32 = arith.constant dense<0.000000e+00> : vector<1000xf32>
    %reduce_sum3A_33 = vector.multi_reduction <add>, %square3A, %reduce_sum3A_32 [1] : vector<1000x128xf32> to vector<1000xf32>
    %broadcast_in_dim3A_34 = vector.shape_cast %reduce_sum3A_33 : vector<1000xf32> to vector<1000x1xf32>
    %div3A_35 = arith.constant 1.280000e+02 : f32
    %div3A_36 = vector.broadcast %div3A_35 : f32 to vector<1000x1xf32>
    %div3A_37 = arith.divf %broadcast_in_dim3A_34, %div3A_36 : vector<1000x1xf32>
    %sub3A_38 = vector.broadcast %div3A_30 : vector<1000x1xf32> to vector<1000x128xf32>
    %sub3A_39 = arith.subf %dot_general3A_27, %sub3A_38 : vector<1000x128xf32>
    %add3A_40 = arith.constant 9.99999974E-6 : f32
    %add3A_41 = vector.broadcast %add3A_40 : f32 to vector<1000x1xf32>
    %add3A_42 = arith.addf %div3A_37, %add3A_41 : vector<1000x1xf32>
    %rsqrt3A = math.rsqrt %add3A_42 : vector<1000x1xf32>
    %mul3A_43 = vector.broadcast %rsqrt3A : vector<1000x1xf32> to vector<1000x128xf32>
    %mul3A_44 = arith.mulf %sub3A_39, %mul3A_43 : vector<1000x128xf32>
    %get3A_45 = arith.constant 0 : index
    %get3A_46 = vector.load %arg7[%get3A_45] : memref<128xf32, #tpu.memory_space<vmem>>, vector<128xf32>
    %broadcast_in_dim3A_47 = vector.shape_cast %get3A_46 : vector<128xf32> to vector<1x128xf32>
    %mul3A_48 = vector.broadcast %broadcast_in_dim3A_47 : vector<1x128xf32> to vector<1000x128xf32>
    %mul3A_49 = arith.mulf %mul3A_44, %mul3A_48 : vector<1000x128xf32>
    %get3A_50 = arith.constant 0 : index
    %get3A_51 = vector.load %arg8[%get3A_50] : memref<128xf32, #tpu.memory_space<vmem>>, vector<128xf32>
    %broadcast_in_dim3A_52 = vector.shape_cast %get3A_51 : vector<128xf32> to vector<1x128xf32>
    %add3A_53 = vector.broadcast %broadcast_in_dim3A_52 : vector<1x128xf32> to vector<1000x128xf32>
    %add3A_54 = arith.addf %mul3A_49, %add3A_53 : vector<1000x128xf32>
    %max3A = arith.constant 0.000000e+00 : f32
    %max3A_55 = vector.broadcast %max3A : f32 to vector<1000x128xf32>
    %max3A_56 = arith.maximumf %add3A_54, %max3A_55 : vector<1000x128xf32>
    %swap3A = arith.constant 0 : index
    %swap3A_57 = arith.constant 0 : index
    %swap3A_58 = vector.load %arg9[%swap3A, %swap3A_57] : memref<1000x128xf32, #tpu.memory_space<vmem>>, vector<1000x128xf32>
    tpu.vector_store %arg9[%swap3A, %swap3A_57], %max3A_56 {strides = array<i32>} : memref<1000x128xf32, #tpu.memory_space<vmem>>, vector<1000x128xf32>,
    %mul3A_59 = vector.broadcast %get3A_1 : vector<1000x1xf32> to vector<1000x128xf32>
    %mul3A_60 = arith.mulf %max3A_56, %mul3A_59 : vector<1000x128xf32>
    %swap3A_61 = arith.constant 0 : index
    %swap3A_62 = arith.constant 0 : index
    %swap3A_63 = vector.load %arg10[%swap3A_61, %swap3A_62] : memref<1000x128xf32, #tpu.memory_space<vmem>>, vector<1000x128xf32>
    tpu.vector_store %arg10[%swap3A_61, %swap3A_62], %mul3A_60 {strides = array<i32>} : memref<1000x128xf32, #tpu.memory_space<vmem>>, vector<1000x128xf32>,
    return
  }
  func.func @transform_0(%arg0: i32) -> (i32, i32) {
    %c0_i32 = arith.constant 0 : i32
    %c0_i32_0 = arith.constant 0 : i32
    return %arg0, %c0_i32 : i32, i32
  }
  func.func @transform_1(%arg0: i32) -> (i32, i32) {
    %c0_i32 = arith.constant 0 : i32
    %c0_i32_0 = arith.constant 0 : i32
    return %arg0, %c0_i32 : i32, i32
  }
  func.func @transform_2(%arg0: i32) -> (i32, i32) {
    %c0_i32 = arith.constant 0 : i32
    %c0_i32_0 = arith.constant 0 : i32
    return %arg0, %c0_i32 : i32, i32
  }
  func.func @transform_3(%arg0: i32) -> (i32, i32) {
    %c0_i32 = arith.constant 0 : i32
    %c0_i32_0 = arith.constant 0 : i32
    %c0_i32_1 = arith.constant 0 : i32
    return %c0_i32, %c0_i32_0 : i32, i32
  }
  func.func @transform_4(%arg0: i32) -> (i32, i32) {
    %c0_i32 = arith.constant 0 : i32
    %c0_i32_0 = arith.constant 0 : i32
    %c0_i32_1 = arith.constant 0 : i32
    return %c0_i32, %c0_i32_0 : i32, i32
  }
  func.func @transform_5(%arg0: i32) -> (i32, i32) {
    %c0_i32 = arith.constant 0 : i32
    %c0_i32_0 = arith.constant 0 : i32
    %c0_i32_1 = arith.constant 0 : i32
    return %c0_i32, %c0_i32_0 : i32, i32
  }
  func.func @transform_6(%arg0: i32) -> i32 {
    %c0_i32 = arith.constant 0 : i32
    %c0_i32_0 = arith.constant 0 : i32
    return %c0_i32 : i32
  }
  func.func @transform_7(%arg0: i32) -> i32 {
    %c0_i32 = arith.constant 0 : i32
    %c0_i32_0 = arith.constant 0 : i32
    return %c0_i32 : i32
  }
  func.func @transform_8(%arg0: i32) -> (i32, i32) {
    %c0_i32 = arith.constant 0 : i32
    %c0_i32_0 = arith.constant 0 : i32
    return %arg0, %c0_i32 : i32, i32
  }
  func.func @transform_9(%arg0: i32) -> (i32, i32) {
    %c0_i32 = arith.constant 0 : i32
    %c0_i32_0 = arith.constant 0 : i32
    return %arg0, %c0_i32 : i32, i32
  }
}

module attributes {stable_mosaic.version = 14 : i64} {
  func.func @_layer_body(%arg0: i32, %arg1: memref<1000x128xf32, #tpu.memory_space<vmem>>, %arg2: memref<1000x128xf32, #tpu.memory_space<vmem>>, %arg3: memref<1000x8xf32, #tpu.memory_space<vmem>>, %arg4: memref<128x128xf32, #tpu.memory_space<vmem>>, %arg5: memref<128x4xf32, #tpu.memory_space<vmem>>, %arg6: memref<128x4xf32, #tpu.memory_space<vmem>>, %arg7: memref<128xf32, #tpu.memory_space<vmem>>, %arg8: memref<128xf32, #tpu.memory_space<vmem>>, %arg9: memref<1000x128xf32, #tpu.memory_space<vmem>>) attributes {dimension_semantics = [#tpu.dimension_semantics<arbitrary>], iteration_bounds = array<i64: 10>, scalar_prefetch = 0 : i64, scratch_operands = 0 : i64, tpu.core_type = #tpu.core_type<tc>, window_params = [{transform_indices = @transform_0, window_bounds = array<i64: 1000, 128>}, {transform_indices = @transform_1, window_bounds = array<i64: 1000, 128>}, {transform_indices = @transform_2, window_bounds = array<i64: 1000, 8>}, {pipeline_mode = #tpu.pipeline_mode<synchronous>, transform_indices = @transform_3, window_bounds = array<i64: 128, 128>}, {pipeline_mode = #tpu.pipeline_mode<synchronous>, transform_indices = @transform_4, window_bounds = array<i64: 128, 4>}, {pipeline_mode = #tpu.pipeline_mode<synchronous>, transform_indices = @transform_5, window_bounds = array<i64: 128, 4>}, {pipeline_mode = #tpu.pipeline_mode<synchronous>, transform_indices = @transform_6, window_bounds = array<i64: 128>}, {pipeline_mode = #tpu.pipeline_mode<synchronous>, transform_indices = @transform_7, window_bounds = array<i64: 128>}, {transform_indices = @transform_8, window_bounds = array<i64: 1000, 128>}]} {
    %get3A = arith.constant 0 : index
    %get3A_0 = arith.constant 0 : index
    %get3A_1 = vector.load %arg3[%get3A, %get3A_0] : memref<1000x8xf32, #tpu.memory_space<vmem>>, vector<1000x1xf32>
    %get3A_2 = arith.constant 0 : index
    %get3A_3 = arith.constant 0 : index
    %get3A_4 = vector.load %arg1[%get3A_2, %get3A_3] : memref<1000x128xf32, #tpu.memory_space<vmem>>, vector<1000x128xf32>
    %mul3A = vector.broadcast %get3A_1 : vector<1000x1xf32> to vector<1000x128xf32>
    %mul3A_5 = arith.mulf %mul3A, %get3A_4 : vector<1000x128xf32>
    %mul3A_6 = arith.mulf %get3A_1, %get3A_1 : vector<1000x1xf32>
    %get3A_7 = arith.constant 0 : index
    %get3A_8 = arith.constant 0 : index
    %get3A_9 = vector.load %arg2[%get3A_7, %get3A_8] : memref<1000x128xf32, #tpu.memory_space<vmem>>, vector<1000x128xf32>
    %mul3A_10 = vector.broadcast %mul3A_6 : vector<1000x1xf32> to vector<1000x128xf32>
    %mul3A_11 = arith.mulf %mul3A_10, %get3A_9 : vector<1000x128xf32>
    %add3A = arith.addf %mul3A_5, %mul3A_11 : vector<1000x128xf32>
    %get3A_12 = arith.constant 0 : index
    %get3A_13 = arith.constant 0 : index
    %get3A_14 = vector.load %arg4[%get3A_12, %get3A_13] : memref<128x128xf32, #tpu.memory_space<vmem>>, vector<128x128xf32>
    %get3A_15 = arith.constant 0 : index
    %get3A_16 = arith.constant 0 : index
    %get3A_17 = vector.load %arg5[%get3A_15, %get3A_16] : memref<128x4xf32, #tpu.memory_space<vmem>>, vector<128x4xf32>
    %get3A_18 = arith.constant 0 : index
    %get3A_19 = arith.constant 0 : index
    %get3A_20 = vector.load %arg6[%get3A_18, %get3A_19] : memref<128x4xf32, #tpu.memory_space<vmem>>, vector<128x4xf32>
    %dot_general3A = arith.constant dense<0.000000e+00> : vector<128x128xf32>
    %dot_general3A_21 = tpu.matmul %get3A_17, %get3A_20, %dot_general3A {dimension_numbers = #tpu.dot_dimension_numbers<[1], [1], [0], [0], [0, 0, 1, 0], [], []>, transpose_lhs_hint = false} : vector<128x4xf32>, vector<128x4xf32>, vector<128x128xf32> -> vector<128x128xf32>
    %mul3A_22 = arith.constant 2.500000e-01 : f32
    %mul3A_23 = vector.broadcast %mul3A_22 : f32 to vector<128x128xf32>
    %mul3A_24 = arith.mulf %mul3A_23, %dot_general3A_21 : vector<128x128xf32>
    %add3A_25 = arith.addf %get3A_14, %mul3A_24 : vector<128x128xf32>
    %dot_general3A_26 = arith.constant dense<0.000000e+00> : vector<1000x128xf32>
    %dot_general3A_27 = tpu.matmul %add3A, %add3A_25, %dot_general3A_26 {dimension_numbers = #tpu.dot_dimension_numbers<[1], [1], [0], [0], [0, 0, 1, 0], [], []>, transpose_lhs_hint = false} : vector<1000x128xf32>, vector<128x128xf32>, vector<1000x128xf32> -> vector<1000x128xf32>
    %reduce_sum3A = arith.constant dense<0.000000e+00> : vector<1000xf32>
    %reduce_sum3A_28 = vector.multi_reduction <add>, %dot_general3A_27, %reduce_sum3A [1] : vector<1000x128xf32> to vector<1000xf32>
    %broadcast_in_dim3A = vector.shape_cast %reduce_sum3A_28 : vector<1000xf32> to vector<1000x1xf32>
    %div3A = arith.constant 1.280000e+02 : f32
    %div3A_29 = vector.broadcast %div3A : f32 to vector<1000x1xf32>
    %div3A_30 = arith.divf %broadcast_in_dim3A, %div3A_29 : vector<1000x1xf32>
    %sub3A = vector.broadcast %div3A_30 : vector<1000x1xf32> to vector<1000x128xf32>
    %sub3A_31 = arith.subf %dot_general3A_27, %sub3A : vector<1000x128xf32>
    %square3A = arith.mulf %sub3A_31, %sub3A_31 : vector<1000x128xf32>
    %reduce_sum3A_32 = arith.constant dense<0.000000e+00> : vector<1000xf32>
    %reduce_sum3A_33 = vector.multi_reduction <add>, %square3A, %reduce_sum3A_32 [1] : vector<1000x128xf32> to vector<1000xf32>
    %broadcast_in_dim3A_34 = vector.shape_cast %reduce_sum3A_33 : vector<1000xf32> to vector<1000x1xf32>
    %div3A_35 = arith.constant 1.280000e+02 : f32
    %div3A_36 = vector.broadcast %div3A_35 : f32 to vector<1000x1xf32>
    %div3A_37 = arith.divf %broadcast_in_dim3A_34, %div3A_36 : vector<1000x1xf32>
    %sub3A_38 = vector.broadcast %div3A_30 : vector<1000x1xf32> to vector<1000x128xf32>
    %sub3A_39 = arith.subf %dot_general3A_27, %sub3A_38 : vector<1000x128xf32>
    %add3A_40 = arith.constant 9.99999974E-6 : f32
    %add3A_41 = vector.broadcast %add3A_40 : f32 to vector<1000x1xf32>
    %add3A_42 = arith.addf %div3A_37, %add3A_41 : vector<1000x1xf32>
    %rsqrt3A = math.rsqrt %add3A_42 : vector<1000x1xf32>
    %mul3A_43 = vector.broadcast %rsqrt3A : vector<1000x1xf32> to vector<1000x128xf32>
    %mul3A_44 = arith.mulf %sub3A_39, %mul3A_43 : vector<1000x128xf32>
    %get3A_45 = arith.constant 0 : index
    %get3A_46 = vector.load %arg7[%get3A_45] : memref<128xf32, #tpu.memory_space<vmem>>, vector<128xf32>
    %broadcast_in_dim3A_47 = vector.shape_cast %get3A_46 : vector<128xf32> to vector<1x128xf32>
    %mul3A_48 = vector.broadcast %broadcast_in_dim3A_47 : vector<1x128xf32> to vector<1000x128xf32>
    %mul3A_49 = arith.mulf %mul3A_44, %mul3A_48 : vector<1000x128xf32>
    %get3A_50 = arith.constant 0 : index
    %get3A_51 = vector.load %arg8[%get3A_50] : memref<128xf32, #tpu.memory_space<vmem>>, vector<128xf32>
    %broadcast_in_dim3A_52 = vector.shape_cast %get3A_51 : vector<128xf32> to vector<1x128xf32>
    %add3A_53 = vector.broadcast %broadcast_in_dim3A_52 : vector<1x128xf32> to vector<1000x128xf32>
    %add3A_54 = arith.addf %mul3A_49, %add3A_53 : vector<1000x128xf32>
    %max3A = arith.constant 0.000000e+00 : f32
    %max3A_55 = vector.broadcast %max3A : f32 to vector<1000x128xf32>
    %max3A_56 = arith.maximumf %add3A_54, %max3A_55 : vector<1000x128xf32>
    %swap3A = arith.constant 0 : index
    %swap3A_57 = arith.constant 0 : index
    %swap3A_58 = vector.load %arg9[%swap3A, %swap3A_57] : memref<1000x128xf32, #tpu.memory_space<vmem>>, vector<1000x128xf32>
    tpu.vector_store %arg9[%swap3A, %swap3A_57], %max3A_56 {strides = array<i32>} : memref<1000x128xf32, #tpu.memory_space<vmem>>, vector<1000x128xf32>,
    return
  }
  func.func @transform_0(%arg0: i32) -> (i32, i32) {
    %c0_i32 = arith.constant 0 : i32
    %c0_i32_0 = arith.constant 0 : i32
    return %arg0, %c0_i32 : i32, i32
  }
  func.func @transform_1(%arg0: i32) -> (i32, i32) {
    %c0_i32 = arith.constant 0 : i32
    %c0_i32_0 = arith.constant 0 : i32
    return %arg0, %c0_i32 : i32, i32
  }
  func.func @transform_2(%arg0: i32) -> (i32, i32) {
    %c0_i32 = arith.constant 0 : i32
    %c0_i32_0 = arith.constant 0 : i32
    return %arg0, %c0_i32 : i32, i32
  }
  func.func @transform_3(%arg0: i32) -> (i32, i32) {
    %c0_i32 = arith.constant 0 : i32
    %c0_i32_0 = arith.constant 0 : i32
    %c0_i32_1 = arith.constant 0 : i32
    return %c0_i32, %c0_i32_0 : i32, i32
  }
  func.func @transform_4(%arg0: i32) -> (i32, i32) {
    %c0_i32 = arith.constant 0 : i32
    %c0_i32_0 = arith.constant 0 : i32
    %c0_i32_1 = arith.constant 0 : i32
    return %c0_i32, %c0_i32_0 : i32, i32
  }
  func.func @transform_5(%arg0: i32) -> (i32, i32) {
    %c0_i32 = arith.constant 0 : i32
    %c0_i32_0 = arith.constant 0 : i32
    %c0_i32_1 = arith.constant 0 : i32
    return %c0_i32, %c0_i32_0 : i32, i32
  }
  func.func @transform_6(%arg0: i32) -> i32 {
    %c0_i32 = arith.constant 0 : i32
    %c0_i32_0 = arith.constant 0 : i32
    return %c0_i32 : i32
  }
  func.func @transform_7(%arg0: i32) -> i32 {
    %c0_i32 = arith.constant 0 : i32
    %c0_i32_0 = arith.constant 0 : i32
    return %c0_i32 : i32
  }
  func.func @transform_8(%arg0: i32) -> (i32, i32) {
    %c0_i32 = arith.constant 0 : i32
    %c0_i32_0 = arith.constant 0 : i32
    return %arg0, %c0_i32 : i32, i32
  }
}

module attributes {stable_mosaic.version = 14 : i64} {
  func.func @_logits_body(%arg0: i32, %arg1: memref<8000x128xf32, #tpu.memory_space<vmem>>, %arg2: memref<2x128xf32, #tpu.memory_space<vmem>>, %arg3: memref<2x4xf32, #tpu.memory_space<vmem>>, %arg4: memref<128x4xf32, #tpu.memory_space<vmem>>, %arg5: memref<8000x2xf32, #tpu.memory_space<vmem>>) attributes {dimension_semantics = [#tpu.dimension_semantics<arbitrary>], iteration_bounds = array<i64: 40>, scalar_prefetch = 0 : i64, scratch_operands = 0 : i64, tpu.core_type = #tpu.core_type<tc>, window_params = [{transform_indices = @transform_0, window_bounds = array<i64: 8000, 128>}, {pipeline_mode = #tpu.pipeline_mode<synchronous>, transform_indices = @transform_1, window_bounds = array<i64: 2, 128>}, {pipeline_mode = #tpu.pipeline_mode<synchronous>, transform_indices = @transform_2, window_bounds = array<i64: 2, 4>}, {pipeline_mode = #tpu.pipeline_mode<synchronous>, transform_indices = @transform_3, window_bounds = array<i64: 128, 4>}, {transform_indices = @transform_4, window_bounds = array<i64: 8000, 2>}]} {
    %get3A = arith.constant 0 : index
    %get3A_0 = arith.constant 0 : index
    %get3A_1 = vector.load %arg2[%get3A, %get3A_0] : memref<2x128xf32, #tpu.memory_space<vmem>>, vector<2x128xf32>
    %get3A_2 = arith.constant 0 : index
    %get3A_3 = arith.constant 0 : index
    %get3A_4 = vector.load %arg3[%get3A_2, %get3A_3] : memref<2x4xf32, #tpu.memory_space<vmem>>, vector<2x4xf32>
    %get3A_5 = arith.constant 0 : index
    %get3A_6 = arith.constant 0 : index
    %get3A_7 = vector.load %arg4[%get3A_5, %get3A_6] : memref<128x4xf32, #tpu.memory_space<vmem>>, vector<128x4xf32>
    %dot_general3A = arith.constant dense<0.000000e+00> : vector<2x128xf32>
    %dot_general3A_8 = tpu.matmul %get3A_4, %get3A_7, %dot_general3A {dimension_numbers = #tpu.dot_dimension_numbers<[1], [1], [0], [0], [0, 0, 1, 0], [], []>, transpose_lhs_hint = false} : vector<2x4xf32>, vector<128x4xf32>, vector<2x128xf32> -> vector<2x128xf32>
    %mul3A = arith.constant 2.500000e-01 : f32
    %mul3A_9 = vector.broadcast %mul3A : f32 to vector<2x128xf32>
    %mul3A_10 = arith.mulf %mul3A_9, %dot_general3A_8 : vector<2x128xf32>
    %add3A = arith.addf %get3A_1, %mul3A_10 : vector<2x128xf32>
    %get3A_11 = arith.constant 0 : index
    %get3A_12 = arith.constant 0 : index
    %get3A_13 = vector.load %arg1[%get3A_11, %get3A_12] : memref<8000x128xf32, #tpu.memory_space<vmem>>, vector<8000x128xf32>
    %dot_general3A_14 = arith.constant dense<0.000000e+00> : vector<8000x2xf32>
    %dot_general3A_15 = tpu.matmul %get3A_13, %add3A, %dot_general3A_14 {dimension_numbers = #tpu.dot_dimension_numbers<[1], [1], [0], [0], [0, 0, 1, 0], [], []>, transpose_lhs_hint = false} : vector<8000x128xf32>, vector<2x128xf32>, vector<8000x2xf32> -> vector<8000x2xf32>
    %swap3A = arith.constant 0 : index
    %swap3A_16 = arith.constant 0 : index
    %swap3A_17 = vector.load %arg5[%swap3A, %swap3A_16] : memref<8000x2xf32, #tpu.memory_space<vmem>>, vector<8000x2xf32>
    tpu.vector_store %arg5[%swap3A, %swap3A_16], %dot_general3A_15 {strides = array<i32>} : memref<8000x2xf32, #tpu.memory_space<vmem>>, vector<8000x2xf32>,
    return
  }
  func.func @transform_0(%arg0: i32) -> (i32, i32) {
    %c0_i32 = arith.constant 0 : i32
    %c0_i32_0 = arith.constant 0 : i32
    return %arg0, %c0_i32 : i32, i32
  }
  func.func @transform_1(%arg0: i32) -> (i32, i32) {
    %c0_i32 = arith.constant 0 : i32
    %c0_i32_0 = arith.constant 0 : i32
    %c0_i32_1 = arith.constant 0 : i32
    return %c0_i32, %c0_i32_0 : i32, i32
  }
  func.func @transform_2(%arg0: i32) -> (i32, i32) {
    %c0_i32 = arith.constant 0 : i32
    %c0_i32_0 = arith.constant 0 : i32
    %c0_i32_1 = arith.constant 0 : i32
    return %c0_i32, %c0_i32_0 : i32, i32
  }
  func.func @transform_3(%arg0: i32) -> (i32, i32) {
    %c0_i32 = arith.constant 0 : i32
    %c0_i32_0 = arith.constant 0 : i32
    %c0_i32_1 = arith.constant 0 : i32
    return %c0_i32, %c0_i32_0 : i32, i32
  }
  func.func @transform_4(%arg0: i32) -> (i32, i32) {
    %c0_i32 = arith.constant 0 : i32
    %c0_i32_0 = arith.constant 0 : i32
    return %arg0, %c0_i32 : i32, i32
  }
}

</mosaic_0001>

<sc_bundles>
// kernel: kernel.12.cloned.1.call-start
scs
__scs_entry_jumppad:
0x0: {  	(pc) =	sbr.rel $0x88, $3  }
0x1: {  	(tag) =	ssettag $0x0;
	lr =	simm.s32 $0x1  }
0x2: {  	[smem:$0x3F8D] =	sst lr;
	_ =	strace $0xD0000000  }
0x3: {  	_ = 	snop  }
0x4: {  	_ = 	snop  }
0x5: {  	_ = 	snop  }
0x6: {  	_ = 	snop  }
0x7: {  	_ = 	snop  }
__scs_overlays_trampoline_lowered:
0x8: {  	[smem:$0x3F9C] =	sst s0  }
0x9: {  	[smem:$0x3F9D] =	sst s1  }
0xa: {  	[smem:$0x3F9E] =	sst s2  }
0xb: {  	[smem:$0x3F9F] =	sst s3  }
0xc: {  	[smem:$0x3FA0] =	sst s4  }
0xd: {  	[smem:$0x3FA1] =	sst s5  }
0xe: {  	[smem:$0x3FA2] =	sst s6  }
0xf: {  	[smem:$0x3FA3] =	sst s7  }
0x10: {  	[smem:$0x3FA4] =	sst s8  }
0x11: {  	[smem:$0x3FA5] =	sst s9;
	s0 =	simm.s32 @!p0 $0x0  }
0x12: {  	s1 =	sld [smem:$0x3F8B];
	s0 =	simm.s32 @p0 $0x1  }
0x13: {  	[smem:$0x3FA6] =	sst s0;
	s0 =	simm.s32 @!p1 $0x0  }
0x14: {  	s2 =	sld [smem:$0x3F8A];
	s0 =	simm.s32 @p1 $0x1  }
0x15: {  	[smem:$0x3FA7] =	sst s0;
	s0 =	simm.s32 @!p2 $0x0  }
0x16: {  	s3 =	sld [smem:$0x3FDB];
	s0 =	simm.s32 @p2 $0x1  }
0x17: {  	s4 =	simm.s32 $0x1BF5;
	[smem:$0x3FA9] =	sst s0  }
0x18: {  	s0 =	sld [smem:$0x3F8C];
	_ =	swait.ge [sflag:s4], $0x0  }
0x19: {  	s7 =	sld [smem:$0x3F8D]  }
0x1a: {  	s8 =	sadd.s32 $0xFFFFE003, lr  }
0x1b: {  	s9 =	sadd.s32 $0xFFFFFEF7, lr;
	s5 =	simm.s32 $0xFFFFFFFF;
	p2 =	slt.u32 s8, $0xFFFFF086  }
0x1c: {  	p1 =	slt.u32 s9, $0xF7A;
	s5 =	simm.s32 @!p2 $0x0  }
0x1d: {  	s5 =	simm.s32 @p1 $0x1;
	p0 =	seq.s32 s7, s2  }
0x1e: {  	s7 =	smul.u32 @!p0 $0xF7A, s2;
	p2 =	seq.s32 @!p0 s5, $0x0  }
0x1f: {  	s9 =	smul.u32 $0xF7A, s1;
	s8 =	simm.s32 @!p0 $0x1BF5;
	p2 =	por !p2, p0  }
0x20: {  	[sflag:s8] =	ssyncset.s32 @!p0 $0xFFFFF086;
	s6 =	sadd.s32 @!p0 s3, s7;
	s7 =	simm.s32 @!p0 $0x108  }
0x21: {  	s3 =	sadd.s32 s3, s9;
	s6 =	sadd.s32 @!p0 $0x88, s6;
	s7 =	simm.s32 @p2 $0x1082  }
0x22: {  	[simem:s7], [sflag:s8] =	dma.local @!p0 [hbm:s6], $0xF7A  }
0x23: {  	s9 =	sor.u32 $0xD0000000, s2;
	s6 =	simm.s32 $0x108;
	_ =	swait.ge @!p0 [sflag:s8], $0x0  }
0x24: {  	s3 =	sadd.s32 $0x88, s3;
	s6 =	simm.s32 @!p1 $0x1082;
	[sflag:s4] =	ssyncset.s32 $0xFFFFF086  }
0x25: {  	[simem:s6], [sflag:s4] =	dma.local [hbm:s3], $0xF7A  }
0x26: {  	[smem:$0x3F8D] =	sst s1;
	(tag) =	ssettag s2;
	_ =	strace s9  }
0x27: {  	s1 =	sld [smem:$0x3F9D]  }
0x28: {  	s2 =	sld [smem:$0x3F9E]  }
0x29: {  	s4 =	sld [smem:$0x3FA0]  }
0x2a: {  	p0 =	seq.s32 s5, $0x0;
	s5 =	sld [smem:$0x3FA1]  }
0x2b: {  	s6 =	sld [smem:$0x3FA2]  }
0x2c: {  	s7 =	sld [smem:$0x3FA3]  }
0x2d: {  	s3 =	simm.s32 $0x108;
	s8 =	sld [smem:$0x3FA4]  }
0x2e: {  	s3 =	simm.s32 @!p0 $0x1082;
	s9 =	sld [smem:$0x3FA5]  }
0x2f: {  	lr =	sadd.s32 s0, s3;
	s0 =	sld [smem:$0x3F9C]  }
0x30: {  	s3 =	sld [smem:$0x3F9F]  }
0x31: {  	[smem:$0x3FA8] =	sst s10  }
0x32: {  	s10 =	sld [smem:$0x3FA6];
	_ =	sdelay $0x3  }
0x33: {  	p0 =	seq.s32 s10, $0x1;
	s10 =	sld [smem:$0x3FA8];
	_ =	sdelay $0x3  }
0x34: {  	[smem:$0x3FA8] =	sst s10  }
0x35: {  	s10 =	sld [smem:$0x3FA7];
	_ =	sdelay $0x3  }
0x36: {  	p1 =	seq.s32 s10, $0x1;
	s10 =	sld [smem:$0x3FA8];
	_ =	sdelay $0x3  }
0x37: {  	[smem:$0x3FA8] =	sst s10  }
0x38: {  	s10 =	sld [smem:$0x3FA9]  }
0x39: {  	_ = 	snop;
	(pc) =	sbr.ind lr, $3  }
0x3a: {  	_ = 	snop  }
0x3b: {  	_ = 	snop  }
0x3c: {  	p2 =	seq.s32 s10, $0x1;
	s10 =	sld [smem:$0x3FA8]  }
0x3d: {  	_ =	shalt  }
0x3e: {  	_ =	shalt  }
0x3f: {  	_ =	shalt  }
0x40: {  	_ =	shalt  }
0x41: {  	_ =	shalt  }
0x42: {  	_ =	shalt  }
0x43: {  	_ =	shalt  }
0x44: {  	_ =	shalt  }
0x45: {  	_ =	shalt  }
0x46: {  	_ =	shalt  }
0x47: {  	_ =	shalt  }
0x48: {  	_ =	shalt  }
0x49: {  	_ =	shalt  }
0x4a: {  	_ =	shalt  }
0x4b: {  	_ =	shalt  }
0x4c: {  	_ =	shalt  }
0x4d: {  	_ =	shalt  }
0x4e: {  	_ =	shalt  }
0x4f: {  	_ =	shalt  }
0x50: {  	_ =	shalt  }
0x51: {  	_ =	shalt  }
0x52: {  	_ =	shalt  }
0x53: {  	_ =	shalt  }
0x54: {  	_ =	shalt  }
0x55: {  	_ =	shalt  }
0x56: {  	_ =	shalt  }
0x57: {  	_ =	shalt  }
0x58: {  	_ =	shalt  }
0x59: {  	_ =	shalt  }
0x5a: {  	_ =	shalt  }
0x5b: {  	_ =	shalt  }
0x5c: {  	_ =	shalt  }
0x5d: {  	_ =	shalt  }
0x5e: {  	_ =	shalt  }
0x5f: {  	_ =	shalt  }
0x60: {  	_ =	shalt  }
0x61: {  	_ =	shalt  }
0x62: {  	_ =	shalt  }
0x63: {  	_ =	shalt  }
0x64: {  	_ =	shalt  }
0x65: {  	_ =	shalt  }
0x66: {  	_ =	shalt  }
0x67: {  	_ =	shalt  }
0x68: {  	_ =	shalt  }
0x69: {  	_ =	shalt  }
0x6a: {  	_ =	shalt  }
0x6b: {  	_ =	shalt  }
0x6c: {  	_ =	shalt  }
0x6d: {  	_ =	shalt  }
0x6e: {  	_ =	shalt  }
0x6f: {  	_ =	shalt  }
0x70: {  	_ =	shalt  }
0x71: {  	_ =	shalt  }
0x72: {  	_ =	shalt  }
0x73: {  	_ =	shalt  }
0x74: {  	_ =	shalt  }
0x75: {  	_ =	shalt  }
0x76: {  	_ =	shalt  }
0x77: {  	_ =	shalt  }
0x78: {  	_ =	shalt  }
0x79: {  	_ =	shalt  }
0x7a: {  	_ =	shalt  }
0x7b: {  	_ =	shalt  }
0x7c: {  	_ =	shalt  }
0x7d: {  	_ =	shalt  }
0x7e: {  	_ =	shalt  }
0x7f: {  	_ =	shalt  }
0x80: {  	_ =	shalt  }
0x81: {  	_ =	shalt  }
0x82: {  	_ =	shalt  }
0x83: {  	_ =	shalt  }
0x84: {  	_ =	shalt  }
0x85: {  	_ =	shalt  }
0x86: {  	_ =	shalt  }
0x87: {  	_ =	shalt  }
.Lfunc_end0:
.L_simem_size_0:
called_computation_lowered:
.L_overlay_start_0:
0x88: {  	s2 =	sld [smem:$0x3FD9]  }
0x89: {  	s3 =	sld [smem:$0x3FFE];
	_ =	sdelay $0x1  }
0x8a: {  	s1 =	srdreg.scid  }
0x8b: {  	s0 =	sand.u32 $0x1, s1  }
0x8c: {  	s14 =	sshll.u32 s0, $0xA;
	s2 =	sadd.s32 s3, s2  }
0x8d: {  	s2 =	sadd.s32 s2, s14  }
0x8e: {  	[smem:$0x3FB4] =	sst s2  }
0x8f: {  	_ = 	snop  }
0x90: {  	s2 =	sld [smem:$0x3FD0];
	_ =	sdelay $0x2  }
0x91: {  	s15 =	simm.s32 $0xA;
	s4 =	simm.s32 $0x10  }
0x92: {  	[smem:s4], [sflag:s15] =	dma.local [hbm:s2], $0x1  }
0x93: {  	_ =	swait.eq [sflag:s15], $0x1  }
0x94: {  	[sflag:s15] =	ssyncset.done $0x0  }
0x95: {  	s16 =	sld [smem:$0x10];
	[sflag:s15] =	ssyncadd.s32 $0xFFFFFFFF  }
0x96: {  	s17 =	sld [smem:$0x11];
	(tm) =	ssettm $0x1  }
0x97: {  	s18 =	sld [smem:$0x3FFB];
	_ =	sdelay $0x3  }
0x98: {  	_ =	strace s18  }
0x99: {  	s4 =	sld [smem:$0x3FFC];
	_ =	sdelay $0x3  }
0x9a: {  	_ =	strace s4  }
0x9b: {  	s4 =	sld [smem:$0x3FFD];
	_ =	sdelay $0x3  }
0x9c: {  	_ =	strace s4  }
0x9d: {  	_ =	strace $0x8FFFFFFF  }
0x9e: {  	s19 =	sld [smem:$0x3FDB];
	_ =	sdelay $0x1  }
0x9f: {  	s5 =	simm.s32 $_scs_section_size  }
0xa0: {  	s6 =	simm.s32 $_size__tile_overlayer_lowered;
	s7 =	simm.s32 $_tile_overlayer_lowered  }
0xa1: {  	s22 =	simm.s32 $0x1BFF;
	s21 =	sshll.u32 s7, $0x1;
	s4 =	sadd.s32 s5, s19  }
0xa2: {  	s8 =	simm.s32 $0x0;
	s20 =	sshll.u32 s6, $0x1;
	s6 =	sadd.s32 s21, s4  }
0xa3: {  	[timem:s8], [sflag:s22] =	dma.local [hbm:s6], s20  }
0xa4: {  	_ =	swait.ge [sflag:s22], s20  }
0xa5: {  	s5 =	ssub.s32 $0x0, s20;
	[sflag:s22] =	ssyncset.done $0x0  }
0xa6: {  	[sflag:s22] =	ssyncadd.s32 s5;
	_ =	sdelay $0x1  }
0xa7: {  	s23 =	simm.s32 $0x1B8B  }
0xa8: {  	_ =	swait.ge [sflag:s23], $0x1  }
0xa9: {  	[sflag:s23] =	ssyncset.done $0x0  }
0xaa: {  	s25 =	simm.s32 $0x1B8E;
	s24 =	sld [smem:$0x3FFE];
	[sflag:s23] =	ssyncadd.s32 $0xFFFFFFFF  }
0xab: {  	s26 =	simm.s32 $execute0_lowered;
	[smem:$0x3FD2] =	sst s25  }
0xac: {  	s6 =	sshll.u32 s26, $0x1;
	_ =	strace $0x80000046;
	[dreg:$0x1] =	wrdreg $0xFFFFFFFF  }
0xad: {  	s28 =	simm.s32 $_size_execute0_lowered;
	s4 =	sadd.s32 s4, s6;
	[dreg:$0x0] =	wrdreg $0x0  }
0xae: {  	s6 =	sshll.u32 s28, $0x1;
	[dreg:$0x2] =	wrdreg s4  }
0xaf: {  	[dreg:$0x3] =	wrdreg s6  }
0xb0: {  	[dreg:$0x4] =	wrdreg $0xC0  }
0xb1: {  	_ =	task [dreg:s8], $0x5FFFF  }
0xb2: {  	[dreg:$0x1] =	wrdreg $0xFFFFFFFF  }
0xb3: {  	[dreg:$0x0] =	wrdreg $0x60  }
0xb4: {  	[dreg:$0x2] =	wrdreg s24  }
0xb5: {  	[dreg:$0x3] =	wrdreg s16  }
0xb6: {  	[dreg:$0x4] =	wrdreg s17  }
0xb7: {  	[dreg:$0x5] =	wrdreg $0x9  }
0xb8: {  	_ =	task.clear_ibuf [dreg:s8], $0x6FFFF;
	_ =	strace $0x90000046  }
0xb9: {  	s29 =	simm.s32 $0x9;
	_ =	strace $0x80000048  }
0xba: {  	_ =	swait.ge [sflag:s29], $0x1  }
0xbb: {  	[sflag:s29] =	ssyncadd.s32 $0xFFFFFFFF  }
0xbc: {  	_ =	strace $0x90000048  }
0xbd: {  	_ =	sfence  }
0xbe: {  	s30 =	sld [smem:$0x0];
	_ =	sdelay $0x2  }
0xbf: {  	s31 =	sshll.u32 s1, $0xD;
	s1 =	sshrl.u32 s1, $0x2  }
0xc0: {  	s3 =	sand.u32 $0x4000, s31;
	s1 =	sadd.s32 s1, s30  }
0xc1: {  	s0 =	sor.u32 s3, s0;
	s1 =	sshll.u32 s1, $0x11  }
0xc2: {  	s0 =	sor.u32 s1, s0  }
0xc3: {  	s0 =	sadd.s32 $0x8F2B, s0  }
0xc4: {  	[sflag:s0] =	ssyncadd.remote.s32 $0x1  }
0xc5: {  	_ =	sfence.sel $0xFFFF  }
0xc6: {  	[dreg:$0x0] =	wrdreg $0xFFFFFFFF;
	(pc) =	sbr.abs _section_cstart, $3  }
0xc7: {  	[dreg:$0x1] =	wrdreg $0xFFFFFFFF  }
0xc8: {  	_ =	task.clear_ibuf [dreg:s8], $0x2FFFF;
	_ =	strace $0x9FFFFFFF  }
0xc9: {  	(tm) =	ssettm $0x7FFFFFFF  }
tec
execute0_lowered:
.L_overlay_start_1:
0x0: {  	(tag) =	ssettag $0x1  }
0x1: {  	v0 =	vimm.s32 $0xEDCBA987  }
0x2: {  	v1 =	vimm.s32 $0x65432100;
	v4 =	vimm.s32 $0xDCBA9876;
	v0 =	vunpack.c.l.s4.s8 v0  }
0x3: {  	vm0 =	vcmask $0x300;
	v9 =	vimm.s32 $0xFFFFFFFF;
	v1 =	vunpack.c.l.s4.s8 v1  }
0x4: {  	v6 =	vimm.s32 $0xE40000;
	v7 =	vimm.s32 $0x32100000;
	v2 =	vunpack.c.0.s8.s32 v0  }
0x5: {  	s0 =	srdreg.scid;
	s7 =	rddreg [dreg:$0x0];
	vm13 =	vcmask $0x700;
	v10 =	vimm.s32 $0x7060504;
	v3 =	vunpack.c.0.s8.s32 v1  }
0x6: {  	s1 =	stileid.u32;
	s8 =	rddreg [dreg:$0x2];
	vm14 =	vcmask $0x3F30;
	v4 =	vunpack.c.l.s4.s8 v4;
	v2 =	vand.u32 $0xF, v2  }
0x7: {  	s3 =	simm.s32 $0x0;
	s0 =	sand.u32 $0x1, s0;
	s1 =	sshll.u32 s1, $0x1;
	v6 =	vunpack.c.l.s2.s4 v6;
	v2 =	vcombine.low v3, v2;
	v3 =	vimm.s32 $0x54321000  }
0x8: {  	s11 =	simm.s32 $0x1;
	s12 =	simm.s32 $0x800;
	v7 =	vunpack.c.l.s4.s8 v7;
	s2 =	sor.u32 s0, s1;
	v5 =	vunpack.c.l.s4.s8 v3;
	v3 =	vimm.s32 $0xBA987654  }
0x9: {  	vm15 =	vcmask $0xF00;
	s13 =	simm.s32 $0x1000;
	s14 =	simm.s32 $0x1080;
	s1 =	smul.u32 $0x140, s2;
	v1 =	vimm.s32 $0x0;
	v8 =	vunpack.c.l.s4.s8 v3  }
0xa: {  	s20 =	simm.s32 $0x0;
	[smem:$0x7FF] =	sst s3;
	s4 =	sadd.s32 $0x5200, s7;
	v4 =	vunpack.c.0.s8.s32 v4;
	v6 =	vunpack.c.l.s4.s8 v6;
	v7 =	vunpack.c.0.s8.s32 v7  }
0xb: {  	s5 =	sadd.s32 $0xF000, s7;
	s9 =	sshll.u32 s2, $0x1;
	s10 =	smul.u32 $0x280, s2;
	v0 =	vmov s1;
	v5 =	vunpack.c.0.s8.s32 v5;
	v8 =	vunpack.c.0.s8.s32 v8  }
.Ltmp0:
0xc: {  	s0 =	ssub.s32 $0x2, s0;
	s9 =	sadd.s32 s9, s7;
	v4 =	vand.u32 $0xF, v4;
	v11 =	vunpack.c.0.s8.s32 v6;
	v3 =	vsel vm0, $0x0, v9;
	(pc) =	sbr.rel .LBB2_1-.Ltmp0, $4  }
0xd: {  	_ =	strace $0x80000047;
	s29 =	sshrl.u32 s0, $0x1;
	s30 =	sadd.s32 $0x280000, s9;
	v4 =	vcombine.low v5, v4;
	v5 =	vsel vm13, $0x0, v9;
	v8 =	vand.u32 $0xF, v8  }
0xe: {  	s0 =	ssub.s32 s0, s29;
	s31 =	sadd.s32 s8, s10;
	[dreg:$0x4] =	wrdreg s30;
	v6 =	vcombine.low v7, v8;
	v7 =	vunpack.c.0.s8.s32 v10;
	v10 =	vlaneseq.u32  }
0xf: {  	s6 =	sadd.s32 $0x147800, s7;
	s0 =	smax.u32 s0, $0x1;
	[dreg:$0x5] =	wrdreg s31;
	v9 =	vsel vm15, $0x0, v9;
	v8 =	vand.u32 $0x3, v11;
	v10 =	vshrl.u32 v10, $0x3  }
0x10: {  	s7 =	smul.u32 $0x4E200, s2;
	s8 =	simm.s32 $0x0;
	[dreg:$0x6] =	wrdreg s0;
	v7 =	vsel vm14, v7, v8;
	v8 =	vimm.f32 $0.0e+00;
	v10 =	vmul.u32 $0xFFFFFFFF, v10  }
.LBB2_16:
0x11: {  	(v2sf) =	vpush v11, $0x0;
	_ =	sdelay $0xe  }
0x12: {  	s0 =	spop (v2sf)  }
0x13: {  	s0 =	sshll.u32 s0, $0x6  }
0x14: {  	s0 =	sshra.s32 s0, $0x2  }
0x15: {  	v11 =	vld [tilespmem:s0+$0x1200];
	_ =	sdelay $0x4  }
0x16: {  	v11 =	vadd.f32 $1.000000000e+00, v11;
	_ =	sdelay $0x1  }
0x17: {  	s8 =	rddreg [dreg:$0x7];
	[tilespmem:s0+$0x1200] =	vst v11  }
.LBB2_17:
0x18: {  	s0 =	smul.u32 $0x50, s19;
	_ =	sdelay $0x1  }
0x19: {  	s1 =	sadd.s32 s7, s0  }
0x1a: {  	s1 =	sshrl.u32 s1, $0x3  }
0x1b: {  	s2 =	sadd.s32 s5, s1  }
0x1c: {  	[hbm4b:s2+s3] =	stream.linear.scatter [tilespmem:s13], [sflag:$0x1], $0x50, $0x38;
	[tilespmem:$0x2600] =	vst v63  }
0x1d: {  	_ =	swait.ge [sflag:s11], $0x50  }
0x1e: {  	[sflag:s11] =	ssyncset.done $0x0  }
0x1f: {  	s1 =	sadd.s32 s6, s1;
	[sflag:s11] =	ssyncadd.s32 $0xFFFFFFB0  }
0x20: {  	[hbm4b:s1+s3] =	stream.linear.scatter [tilespmem:s14], [sflag:$0x1], $0x50, $0x38;
	[tilespmem:$0x2600] =	vst v63  }
0x21: {  	_ =	swait.ge [sflag:s11], $0x50  }
0x22: {  	s0 =	sadd.s32 s18, s0;
	[sflag:s11] =	ssyncset.done $0x0  }
0x23: {  	v11 =	vmov s0;
	[sflag:s11] =	ssyncadd.s32 $0xFFFFFFB0  }
0x24: {  	s28 =	simm.s32 $0x1180;
	s26 =	rddreg [dreg:$0x4];
	[tilespmem:$0x1180] =	vst v11  }
0x25: {  	[hbm4b:s26+s3] =	stream.linear.scatter [tilespmem:s28], [sflag:$0x1], $0x10, $0x38;
	[tilespmem:$0x2600] =	vst v63  }
0x26: {  	_ =	swait.ge [sflag:s11], $0x10  }
0x27: {  	[sflag:s11] =	ssyncset.done $0x0  }
0x28: {  	s30 =	simm.s32 $0x1200;
	s29 =	rddreg [dreg:$0x5];
	[sflag:s11] =	ssyncadd.s32 $0xFFFFFFF0  }
0x29: {  	[hbm4b:s29+s3] =	stream.linear.scatter [tilespmem:s30], [sflag:$0x1], $0x1400, $0x38;
	[tilespmem:$0x2600] =	vst v63  }
0x2a: {  	_ =	swait.ge [sflag:s11], $0x1400  }
0x2b: {  	s8 =	sadd.s32 $0x1, s8;
	s31 =	rddreg [dreg:$0x6]  }
0x2c: {  	p0 =	sne.s32 s8, s31  }
.Ltmp1:
0x2d: {  	_ = 	snop;
	(pc) =	sbr.rel @!p0 .LBB2_18-.Ltmp1, $3  }
0x2e: {  	_ =	sdelay $0x1  }
0x2f: {  	[sflag:s11] =	ssyncset.done $0x0  }
0x30: {  	[sflag:s11] =	ssyncadd.s32 $0xFFFFEC00  }
.LBB2_1:
0x31: {  	[tilespmem:$0x1100] =	vst v0  }
0x32: {  	[tilespmem:$0x1000] =	vst v1  }
0x33: {  	[tilespmem:$0x1080] =	vst v1  }
0x34: {  	[tilespmem:$0x1010] =	vst v1  }
0x35: {  	[tilespmem:$0x1090] =	vst v1  }
0x36: {  	[tilespmem:$0x1020] =	vst v1  }
0x37: {  	[tilespmem:$0x10A0] =	vst v1  }
0x38: {  	[tilespmem:$0x1030] =	vst v1  }
0x39: {  	[tilespmem:$0x10B0] =	vst v1  }
0x3a: {  	[tilespmem:$0x1040] =	vst v1  }
0x3b: {  	[tilespmem:$0x10C0] =	vst v1  }
0x3c: {  	[tilespmem:$0x1050] =	vst v1  }
0x3d: {  	[tilespmem:$0x10D0] =	vst v1  }
0x3e: {  	[tilespmem:$0x1060] =	vst v1  }
0x3f: {  	[tilespmem:$0x10E0] =	vst v1  }
0x40: {  	[tilespmem:$0x1070] =	vst v1  }
0x41: {  	[dreg:$0x7] =	wrdreg s8;
	[tilespmem:$0x10F0] =	vst v1;
	s0 =	simm.s32 $0x40;
	s2 =	simm.s32 $0x0  }
.LBB2_2:
0x42: {  	p0 =	seq.s32 s0, $0x4FC0;
	[tilespmem:s2+$0x1200] =	vst v8;
	s2 =	smov.u32 s0;
	s0 =	sadd.s32 $0x40, s0  }
.Ltmp2:
0x43: {  	(pc) =	sbr.rel @!p0 .LBB2_2-.Ltmp2, $2  }
0x44: {  	_ =	sdelay $0x2  }
0x45: {  	s2 =	sshra.s32 s2, $0x2  }
.Ltmp3:
0x46: {  	(pc) =	sbr.rel .LBB2_4-.Ltmp3, $2  }
0x47: {  	_ =	sdelay $0x2  }
0x48: {  	[tilespmem:s2+$0x1200] =	vst v8;
	s19 =	simm.s32 $0x0;
	s18 =	simm.s32 $0x0;
	s21 =	simm.s32 $0x0  }
.LBB2_12:
0x49: {  	s21 =	sadd.s32 $0x1, s21  }
0x4a: {  	p0 =	seq.s32 s21, $0xA0  }
.Ltmp4:
0x4b: {  	_ = 	snop;
	(pc) =	sbr.rel @p0 .LBB2_13-.Ltmp4, $1  }
0x4c: {  	_ =	sdelay $0x3  }
.LBB2_4:
0x4d: {  	s0 =	smul.u32 $0xFA, s21;
	_ =	sdelay $0x1  }
0x4e: {  	s2 =	sadd.s32 s4, s0  }
0x4f: {  	[tilespmem:s20], [sflag:$0x1] =	stream.linear.gather [hbm4b:s2+s20], $0x7D0, $0x38;
	[tilespmem:$0x2600] =	vst v63  }
0x50: {  	_ =	swait.ge [sflag:s11], $0x7D0  }
0x51: {  	[sflag:s11] =	ssyncset.done $0x0  }
0x52: {  	[sflag:s11] =	ssyncadd.s32 $0xFFFFF830  }
0x53: {  	s1 =	rddreg [dreg:$0x1]  }
.Ltmp5:
0x54: {  	s0 =	sadd.s32 s1, s0;
	(pc) =	sbr.rel .LBB2_5-.Ltmp5, $4  }
0x55: {  	[tilespmem:s12], [sflag:$0x1] =	stream.linear.gather [hbm4b:s0+s20], $0x7D0, $0x38;
	[tilespmem:$0x2600] =	vst v63  }
0x56: {  	_ =	swait.ge [sflag:s11], $0x7D0  }
0x57: {  	[sflag:s11] =	ssyncset.done $0x0  }
0x58: {  	s22 =	simm.s32 $0x0;
	[sflag:s11] =	ssyncadd.s32 $0xFFFFF830  }
.LBB2_10:
0x59: {  	v11 =	vld [tilespmem:s2+$0x1080];
	_ =	sdelay $0x4  }
0x5a: {  	(v2sf) =	vpush v11, $0x0;
	_ =	sdelay $0xe  }
0x5b: {  	s0 =	spop (v2sf)  }
0x5c: {  	s0 =	sshll.u32 s0, $0x6  }
0x5d: {  	s0 =	sshra.s32 s0, $0x2  }
0x5e: {  	v11 =	vld [tilespmem:s0+$0x1200];
	_ =	sdelay $0x2  }
0x5f: {  	s1 =	smul.u32 $0x50, s19;
	_ =	sdelay $0x1  }
0x60: {  	s1 =	sadd.s32 s7, s1;
	v11 =	vadd.f32 $1.000000000e+00, v11  }
0x61: {  	s1 =	sshrl.u32 s1, $0x3  }
0x62: {  	s30 =	sadd.s32 s5, s1;
	[tilespmem:s0+$0x1200] =	vst v11  }
0x63: {  	[hbm4b:s30+s3] =	stream.linear.scatter [tilespmem:s13], [sflag:$0x1], $0x50, $0x38;
	[tilespmem:$0x2600] =	vst v63  }
0x64: {  	_ =	swait.ge [sflag:s11], $0x50  }
0x65: {  	[sflag:s11] =	ssyncset.done $0x0  }
0x66: {  	s31 =	sadd.s32 s6, s1;
	[sflag:s11] =	ssyncadd.s32 $0xFFFFFFB0  }
0x67: {  	[hbm4b:s31+s3] =	stream.linear.scatter [tilespmem:s14], [sflag:$0x1], $0x50, $0x38;
	[tilespmem:$0x2600] =	vst v63  }
0x68: {  	_ =	swait.ge [sflag:s11], $0x50  }
0x69: {  	[sflag:s11] =	ssyncset.done $0x0  }
0x6a: {  	[sflag:s11] =	ssyncadd.s32 $0xFFFFFFB0  }
0x6b: {  	v11 =	vld [tilespmem:$0x1050]  }
0x6c: {  	v12 =	vld [tilespmem:$0x10D0];
	_ =	sdelay $0x3  }
0x6d: {  	[tilespmem:$0x1000] =	vst v11  }
0x6e: {  	s18 =	sadd.s32 $0xFFFFFFB0, s18;
	s19 =	sadd.s32 $0x1, s19;
	[tilespmem:$0x1080] =	vst v12  }
.LBB2_11:
0x6f: {  	s22 =	sadd.s32 $0x1, s22  }
0x70: {  	p0 =	sne.s32 s22, $0x7D  }
.Ltmp6:
0x71: {  	_ = 	snop;
	(pc) =	sbr.rel @!p0 .LBB2_12-.Ltmp6, $1  }
0x72: {  	_ =	sdelay $0x3  }
.LBB2_5:
0x73: {  	s0 =	sshll.u32 s22, $0x4;
	v12 =	vld [tilespmem:$0x1100]  }
0x74: {  	v11 =	vld [tilespmem:s0+$0x800];
	_ =	sdelay $0x4  }
0x75: {  	v11 =	vsub.s32 v11, v12  }
0x76: {  	v12 =	vsub.s32 $0x13F, v11  }
0x77: {  	v12 =	vor.u32 v11, v12  }
0x78: {  	vm0 =	vgt.s32 v12, $0xFFFFFFFF  }
0x79: {  	v13 =	vsel vm0, $0x1, v1  }
0x7a: {  	v12 =	vperm.xlane v13, v2;
	_ =	sdelay $0x1  }
0x7b: {  	v12 =	vand.u32 v3, v12  }
0x7c: {  	v12 =	vadd.s32 v13, v12  }
0x7d: {  	v14 =	vperm.xlane v12, v4;
	_ =	sdelay $0x1  }
0x7e: {  	v14 =	vand.u32 v5, v14  }
0x7f: {  	v12 =	vadd.s32 v14, v12  }
0x80: {  	v14 =	vperm.xlane v12, v6;
	_ =	sdelay $0x1  }
0x81: {  	v14 =	vand.u32 v9, v14  }
0x82: {  	v12 =	vadd.s32 v14, v12  }
0x83: {  	v14 =	vperm.xlane v12, v7;
	_ =	sdelay $0x1  }
0x84: {  	v14 =	vand.u32 v10, v14  }
0x85: {  	v14 =	vadd.s32 v14, v12  }
0x86: {  	(v2sf) =	vpush v14, $0xF;
	_ =	sdelay $0xe  }
0x87: {  	s23 =	spop (v2sf)  }
0x88: {  	p0 =	slt.s32 s23, $0x1  }
.Ltmp7:
0x89: {  	_ = 	snop;
	(pc) =	sbr.rel @p0 .LBB2_7-.Ltmp7, $2  }
0x8a: {  	_ =	sdelay $0x2  }
0x8b: {  	v12 =	vld [tilespmem:s0+$0x0]  }
0x8c: {  	(v2sf) =	vpush v13, $0x0;
	_ =	sdelay $0xe  }
0x8d: {  	s24 =	spop (v2sf)  }
0x8e: {  	p0 =	seq.s32 s24, $0x0  }
0x8f: {  	(v2sf) =	vpush @!p0 v14, $0x0  }
0x90: {  	(v2sf) =	vpush v13, $0x1;
	_ =	sdelay $0xd  }
0x91: {  	s31 =	spop @!p0 (v2sf)  }
0x92: {  	s17 =	spop (v2sf)  }
0x93: {  	p2 =	seq.s32 s17, $0x0  }
0x94: {  	(v2sf) =	vpush @!p2 v14, $0x1  }
0x95: {  	(v2sf) =	vpush v13, $0x2;
	_ =	sdelay $0xd  }
0x96: {  	s1 =	spop @!p2 (v2sf)  }
0x97: {  	s28 =	spop (v2sf)  }
0x98: {  	p1 =	seq.s32 s28, $0x0  }
0x99: {  	(v2sf) =	vpush @!p1 v14, $0x2  }
0x9a: {  	(v2sf) =	vpush v13, $0x3;
	_ =	sdelay $0xd  }
0x9b: {  	s10 =	spop @!p1 (v2sf)  }
0x9c: {  	s16 =	spop (v2sf)  }
0x9d: {  	p4 =	seq.s32 s16, $0x0  }
0x9e: {  	(v2sf) =	vpush @!p4 v14, $0x3  }
0x9f: {  	(v2sf) =	vpush v13, $0x4;
	_ =	sdelay $0xd  }
0xa0: {  	s9 =	spop @!p4 (v2sf)  }
0xa1: {  	s2 =	spop (v2sf)  }
0xa2: {  	p6 =	seq.s32 s2, $0x0  }
0xa3: {  	(v2sf) =	vpush @!p6 v14, $0x4  }
0xa4: {  	(v2sf) =	vpush v13, $0x5;
	_ =	sdelay $0xd  }
0xa5: {  	s8 =	spop @!p6 (v2sf)  }
0xa6: {  	s0 =	spop (v2sf)  }
0xa7: {  	p5 =	seq.s32 s0, $0x0  }
0xa8: {  	(v2sf) =	vpush @!p5 v14, $0x5  }
0xa9: {  	(v2sf) =	vpush v13, $0x6;
	_ =	sdelay $0xd  }
0xaa: {  	s15 =	spop @!p5 (v2sf)  }
0xab: {  	s29 =	spop (v2sf)  }
0xac: {  	p3 =	seq.s32 s29, $0x0  }
0xad: {  	(v2sf) =	vpush @!p3 v14, $0x6  }
0xae: {  	(v2sf) =	vpush v13, $0x7;
	_ =	sdelay $0xc  }
0xaf: {  	s25 =	simm.s32 @!p3 $0x0  }
0xb0: {  	s25 =	simm.s32 @p3 $0x1;
	s30 =	spop @!p3 (v2sf)  }
0xb1: {  	[smem:$0x7FB] =	sst s25;
	s25 =	spop (v2sf)  }
0xb2: {  	p3 =	seq.s32 s25, $0x0  }
0xb3: {  	(v2sf) =	vpush @!p3 v14, $0x7  }
0xb4: {  	(v2sf) =	vpush v13, $0x8;
	_ =	sdelay $0xb  }
0xb5: {  	s26 =	simm.s32 @!p3 $0x0  }
0xb6: {  	s26 =	simm.s32 @p3 $0x1  }
0xb7: {  	s24 =	ssub.s32 @!p0 s18, s24;
	[smem:$0x7FC] =	sst s26;
	s26 =	spop @!p3 (v2sf)  }
0xb8: {  	s31 =	sadd.s32 @!p0 s31, s24;
	s24 =	spop (v2sf)  }
0xb9: {  	p3 =	seq.s32 s24, $0x0  }
0xba: {  	v15 =	vld @!p0 [tilespmem:s31+$0x1000];
	[smem:$0x7FA] =	sst s1;
	s1 =	simm.s32 @!p3 $0x0  }
0xbb: {  	s1 =	simm.s32 @p3 $0x1  }
0xbc: {  	[smem:$0x7FD] =	sst s1  }
0xbd: {  	s1 =	sld [smem:$0x7FA];
	_ =	sdelay $0x2  }
0xbe: {  	v16 =	vld @!p0 [tilespmem:s31+$0x1080];
	[smem:$0x7FA] =	sst s1  }
0xbf: {  	s1 =	sld [smem:$0x7FD];
	_ =	sdelay $0x2  }
0xc0: {  	p3 =	seq.s32 s1, $0x1  }
0xc1: {  	v17 =	vimm.s32 @!p0 $0x0;
	vm0 =	vcmask @!p0 $0x300;
	s1 =	sld [smem:$0x7FA];
	(v2sf) =	vpush @!p3 v14, $0x8  }
0xc2: {  	v19 =	vimm.s32 @!p0 $0xFFFFFFFF;
	v18 =	vperm.xlane @!p0 v12, v17;
	(v2sf) =	vpush v13, $0x9  }
0xc3: {  	v20 =	vperm.xlane @!p0 v11, v17;
	v19 =	vsel @!p0 vm0, $0x0, v19;
	v17 =	vsel @!p0 vm0, $0xFFFFFFFF, v17  }
0xc4: {  	v18 =	vand.u32 @!p0 v17, v18;
	v15 =	vand.u32 @!p0 v19, v15  }
0xc5: {  	v17 =	vand.u32 @!p0 v17, v20;
	v15 =	vadd.s32 @!p0 v18, v15;
	v16 =	vand.u32 @!p0 v19, v16  }
0xc6: {  	s17 =	ssub.s32 @!p2 s18, s17;
	[tilespmem:s31+$0x1000] =	vst @!p0 v15;
	v15 =	vadd.s32 @!p0 v17, v16  }
0xc7: {  	[tilespmem:s31+$0x1080] =	vst @!p0 v15;
	s1 =	sadd.s32 @!p2 s1, s17  }
0xc8: {  	v15 =	vld @!p2 [tilespmem:s1+$0x1000]  }
0xc9: {  	v17 =	vld @!p2 [tilespmem:s1+$0x1080]  }
0xca: {  	vm0 =	vcmask @!p2 $0x300;
	v16 =	vimm.s32 @!p2 $0x1  }
0xcb: {  	v20 =	vimm.s32 @!p2 $0x0;
	v19 =	vimm.s32 @!p2 $0xFFFFFFFF;
	v18 =	vperm.xlane @!p2 v12, v16  }
0xcc: {  	v20 =	vsel @!p2 vm0, $0xFFFFFFFF, v20;
	v19 =	vsel @!p2 vm0, $0x0, v19;
	v16 =	vperm.xlane @!p2 v11, v16;
	s31 =	sld [smem:$0x7FD]  }
0xcd: {  	v18 =	vand.u32 @!p2 v20, v18;
	v15 =	vand.u32 @!p2 v19, v15  }
0xce: {  	v16 =	vand.u32 @!p2 v20, v16;
	v17 =	vand.u32 @!p2 v19, v17;
	v15 =	vadd.s32 @!p2 v18, v15  }
0xcf: {  	s17 =	ssub.s32 @!p1 s18, s28;
	p0 =	seq.s32 s31, $0x1;
	[tilespmem:s1+$0x1000] =	vst @!p2 v15;
	v15 =	vadd.s32 @!p2 v16, v17  }
0xd0: {  	[tilespmem:s1+$0x1080] =	vst @!p2 v15;
	s1 =	sadd.s32 @!p1 s10, s17;
	s31 =	spop @!p0 (v2sf)  }
0xd1: {  	v15 =	vld @!p1 [tilespmem:s1+$0x1000];
	s28 =	spop (v2sf)  }
0xd2: {  	vm0 =	vcmask @!p1 $0x300;
	v17 =	vld @!p1 [tilespmem:s1+$0x1080];
	p2 =	seq.s32 s28, $0x0  }
0xd3: {  	v20 =	vimm.s32 @!p1 $0x0;
	v16 =	vimm.s32 @!p1 $0x2;
	(v2sf) =	vpush @!p2 v14, $0x9  }
0xd4: {  	v19 =	vimm.s32 @!p1 $0xFFFFFFFF;
	v18 =	vperm.xlane @!p1 v12, v16;
	(v2sf) =	vpush v13, $0xA  }
0xd5: {  	v20 =	vsel @!p1 vm0, $0xFFFFFFFF, v20;
	v19 =	vsel @!p1 vm0, $0x0, v19;
	v16 =	vperm.xlane @!p1 v11, v16  }
0xd6: {  	v18 =	vand.u32 @!p1 v20, v18;
	v15 =	vand.u32 @!p1 v19, v15  }
0xd7: {  	v16 =	vand.u32 @!p1 v20, v16;
	v17 =	vand.u32 @!p1 v19, v17;
	v15 =	vadd.s32 @!p1 v18, v15  }
0xd8: {  	s10 =	ssub.s32 @!p4 s18, s16;
	[tilespmem:s1+$0x1000] =	vst @!p1 v15;
	v15 =	vadd.s32 @!p1 v16, v17  }
0xd9: {  	[tilespmem:s1+$0x1080] =	vst @!p1 v15;
	s1 =	sadd.s32 @!p4 s9, s10  }
0xda: {  	v15 =	vld @!p4 [tilespmem:s1+$0x1000]  }
0xdb: {  	v17 =	vld @!p4 [tilespmem:s1+$0x1080]  }
0xdc: {  	vm0 =	vcmask @!p4 $0x300;
	v16 =	vimm.s32 @!p4 $0x3  }
0xdd: {  	v20 =	vimm.s32 @!p4 $0x0;
	v19 =	vimm.s32 @!p4 $0xFFFFFFFF;
	v18 =	vperm.xlane @!p4 v12, v16  }
0xde: {  	v20 =	vsel @!p4 vm0, $0xFFFFFFFF, v20;
	v19 =	vsel @!p4 vm0, $0x0, v19;
	v16 =	vperm.xlane @!p4 v11, v16  }
0xdf: {  	v18 =	vand.u32 @!p4 v20, v18;
	v15 =	vand.u32 @!p4 v19, v15  }
0xe0: {  	v16 =	vand.u32 @!p4 v20, v16;
	v17 =	vand.u32 @!p4 v19, v17;
	v15 =	vadd.s32 @!p4 v18, v15  }
0xe1: {  	s2 =	ssub.s32 @!p6 s18, s2;
	[tilespmem:s1+$0x1000] =	vst @!p4 v15;
	v15 =	vadd.s32 @!p4 v16, v17  }
0xe2: {  	[tilespmem:s1+$0x1080] =	vst @!p4 v15;
	s1 =	sadd.s32 @!p6 s8, s2;
	s16 =	spop @!p2 (v2sf)  }
0xe3: {  	v15 =	vld @!p6 [tilespmem:s1+$0x1000];
	s2 =	spop (v2sf)  }
0xe4: {  	vm0 =	vcmask @!p6 $0x300;
	v17 =	vld @!p6 [tilespmem:s1+$0x1080];
	p4 =	seq.s32 s2, $0x0  }
0xe5: {  	v20 =	vimm.s32 @!p6 $0x0;
	v16 =	vimm.s32 @!p6 $0x4;
	(v2sf) =	vpush @!p4 v14, $0xA  }
0xe6: {  	v19 =	vimm.s32 @!p6 $0xFFFFFFFF;
	v18 =	vperm.xlane @!p6 v12, v16;
	(v2sf) =	vpush v13, $0xB  }
0xe7: {  	v20 =	vsel @!p6 vm0, $0xFFFFFFFF, v20;
	v19 =	vsel @!p6 vm0, $0x0, v19;
	v16 =	vperm.xlane @!p6 v11, v16  }
0xe8: {  	v18 =	vand.u32 @!p6 v20, v18;
	v15 =	vand.u32 @!p6 v19, v15  }
0xe9: {  	v16 =	vand.u32 @!p6 v20, v16;
	v17 =	vand.u32 @!p6 v19, v17;
	v15 =	vadd.s32 @!p6 v18, v15  }
0xea: {  	s0 =	ssub.s32 @!p5 s18, s0;
	[tilespmem:s1+$0x1000] =	vst @!p6 v15;
	v15 =	vadd.s32 @!p6 v16, v17  }
0xeb: {  	s0 =	sadd.s32 @!p5 s15, s0;
	[tilespmem:s1+$0x1080] =	vst @!p6 v15  }
0xec: {  	v15 =	vld @!p5 [tilespmem:s0+$0x1000]  }
0xed: {  	v17 =	vld @!p5 [tilespmem:s0+$0x1080]  }
0xee: {  	vm0 =	vcmask @!p5 $0x300;
	v16 =	vimm.s32 @!p5 $0x5  }
0xef: {  	s17 =	sld [smem:$0x7FB];
	v20 =	vimm.s32 @!p5 $0x0;
	v19 =	vimm.s32 @!p5 $0xFFFFFFFF;
	v18 =	vperm.xlane @!p5 v12, v16  }
0xf0: {  	v20 =	vsel @!p5 vm0, $0xFFFFFFFF, v20;
	v19 =	vsel @!p5 vm0, $0x0, v19;
	v16 =	vperm.xlane @!p5 v11, v16  }
0xf1: {  	v18 =	vand.u32 @!p5 v20, v18;
	v15 =	vand.u32 @!p5 v19, v15  }
0xf2: {  	p1 =	seq.s32 s17, $0x1;
	v16 =	vand.u32 @!p5 v20, v16;
	v17 =	vand.u32 @!p5 v19, v17;
	v15 =	vadd.s32 @!p5 v18, v15  }
0xf3: {  	s1 =	ssub.s32 @!p1 s18, s29;
	[tilespmem:s0+$0x1000] =	vst @!p5 v15;
	v15 =	vadd.s32 @!p5 v16, v17  }
0xf4: {  	s1 =	sadd.s32 @!p1 s30, s1;
	[tilespmem:s0+$0x1080] =	vst @!p5 v15;
	s8 =	spop @!p4 (v2sf)  }
0xf5: {  	v15 =	vld @!p1 [tilespmem:s1+$0x1000];
	s0 =	spop (v2sf)  }
0xf6: {  	vm0 =	vcmask @!p1 $0x300;
	v17 =	vld @!p1 [tilespmem:s1+$0x1080];
	p5 =	seq.s32 s0, $0x0  }
0xf7: {  	v20 =	vimm.s32 @!p1 $0x0;
	v16 =	vimm.s32 @!p1 $0x6;
	(v2sf) =	vpush @!p5 v14, $0xB  }
0xf8: {  	s29 =	sld [smem:$0x7FC];
	v19 =	vimm.s32 @!p1 $0xFFFFFFFF;
	v18 =	vperm.xlane @!p1 v12, v16;
	(v2sf) =	vpush v13, $0xC  }
0xf9: {  	v20 =	vsel @!p1 vm0, $0xFFFFFFFF, v20;
	v19 =	vsel @!p1 vm0, $0x0, v19;
	v16 =	vperm.xlane @!p1 v11, v16  }
0xfa: {  	v18 =	vand.u32 @!p1 v20, v18;
	v15 =	vand.u32 @!p1 v19, v15  }
0xfb: {  	p0 =	seq.s32 s29, $0x1;
	v16 =	vand.u32 @!p1 v20, v16;
	v17 =	vand.u32 @!p1 v19, v17;
	v15 =	vadd.s32 @!p1 v18, v15  }
0xfc: {  	s9 =	ssub.s32 @!p0 s18, s25;
	[tilespmem:s1+$0x1000] =	vst @!p1 v15;
	v15 =	vadd.s32 @!p1 v16, v17  }
0xfd: {  	[tilespmem:s1+$0x1080] =	vst @!p1 v15;
	s1 =	sadd.s32 @!p0 s26, s9  }
0xfe: {  	v15 =	vld @!p0 [tilespmem:s1+$0x1000]  }
0xff: {  	v17 =	vld @!p0 [tilespmem:s1+$0x1080]  }
0x100: {  	vm0 =	vcmask @!p0 $0x300;
	v16 =	vimm.s32 @!p0 $0x7  }
0x101: {  	v20 =	vimm.s32 @!p0 $0x0;
	v19 =	vimm.s32 @!p0 $0xFFFFFFFF;
	v18 =	vperm.xlane @!p0 v12, v16  }
0x102: {  	s30 =	sld [smem:$0x7FD];
	v20 =	vsel @!p0 vm0, $0xFFFFFFFF, v20;
	v19 =	vsel @!p0 vm0, $0x0, v19;
	v16 =	vperm.xlane @!p0 v11, v16  }
0x103: {  	v18 =	vand.u32 @!p0 v20, v18;
	v15 =	vand.u32 @!p0 v19, v15  }
0x104: {  	v16 =	vand.u32 @!p0 v20, v16;
	v17 =	vand.u32 @!p0 v19, v17;
	v15 =	vadd.s32 @!p0 v18, v15  }
0x105: {  	p1 =	por p0, p0;
	[tilespmem:s1+$0x1000] =	vst @!p0 v15;
	v15 =	vadd.s32 @!p0 v16, v17;
	p0 =	seq.s32 s30, $0x1  }
0x106: {  	s9 =	ssub.s32 @!p0 s18, s24;
	s10 =	spop @!p5 (v2sf)  }
0x107: {  	[tilespmem:s1+$0x1080] =	vst @!p1 v15;
	s1 =	sadd.s32 @!p0 s31, s9;
	s9 =	spop (v2sf)  }
0x108: {  	v15 =	vld @!p0 [tilespmem:s1+$0x1000];
	p1 =	seq.s32 s9, $0x0  }
0x109: {  	v17 =	vld @!p0 [tilespmem:s1+$0x1080];
	(v2sf) =	vpush @!p1 v14, $0xC  }
0x10a: {  	v16 =	vimm.s32 @!p0 $0x8;
	vm0 =	vcmask @!p0 $0x300;
	(v2sf) =	vpush v13, $0xD  }
0x10b: {  	v19 =	vimm.s32 @!p0 $0xFFFFFFFF;
	v20 =	vimm.s32 @!p0 $0x0;
	v18 =	vperm.xlane @!p0 v12, v16  }
0x10c: {  	v16 =	vperm.xlane @!p0 v11, v16;
	v19 =	vsel @!p0 vm0, $0x0, v19;
	v20 =	vsel @!p0 vm0, $0xFFFFFFFF, v20  }
0x10d: {  	v18 =	vand.u32 @!p0 v20, v18;
	v15 =	vand.u32 @!p0 v19, v15  }
0x10e: {  	v16 =	vand.u32 @!p0 v20, v16;
	v17 =	vand.u32 @!p0 v19, v17;
	v15 =	vadd.s32 @!p0 v18, v15  }
0x10f: {  	s15 =	ssub.s32 @!p2 s18, s28;
	[tilespmem:s1+$0x1000] =	vst @!p0 v15;
	v15 =	vadd.s32 @!p0 v16, v17  }
0x110: {  	[tilespmem:s1+$0x1080] =	vst @!p0 v15;
	s1 =	sadd.s32 @!p2 s16, s15  }
0x111: {  	v15 =	vld @!p2 [tilespmem:s1+$0x1000]  }
0x112: {  	v17 =	vld @!p2 [tilespmem:s1+$0x1080]  }
0x113: {  	vm0 =	vcmask @!p2 $0x300;
	v16 =	vimm.s32 @!p2 $0x9  }
0x114: {  	v20 =	vimm.s32 @!p2 $0x0;
	v19 =	vimm.s32 @!p2 $0xFFFFFFFF;
	v18 =	vperm.xlane @!p2 v12, v16  }
0x115: {  	v20 =	vsel @!p2 vm0, $0xFFFFFFFF, v20;
	v19 =	vsel @!p2 vm0, $0x0, v19;
	v16 =	vperm.xlane @!p2 v11, v16  }
0x116: {  	v18 =	vand.u32 @!p2 v20, v18;
	v15 =	vand.u32 @!p2 v19, v15  }
0x117: {  	v16 =	vand.u32 @!p2 v20, v16;
	v17 =	vand.u32 @!p2 v19, v17;
	v15 =	vadd.s32 @!p2 v18, v15  }
0x118: {  	s2 =	ssub.s32 @!p4 s18, s2;
	[tilespmem:s1+$0x1000] =	vst @!p2 v15;
	v15 =	vadd.s32 @!p2 v16, v17;
	s15 =	spop @!p1 (v2sf)  }
0x119: {  	[tilespmem:s1+$0x1080] =	vst @!p2 v15;
	s1 =	sadd.s32 @!p4 s8, s2;
	s2 =	spop (v2sf)  }
0x11a: {  	v15 =	vld @!p4 [tilespmem:s1+$0x1000];
	p0 =	seq.s32 s2, $0x0  }
0x11b: {  	v17 =	vld @!p4 [tilespmem:s1+$0x1080];
	(v2sf) =	vpush @!p0 v14, $0xD  }
0x11c: {  	vm0 =	vcmask @!p4 $0x300;
	v16 =	vimm.s32 @!p4 $0xA;
	(v2sf) =	vpush v13, $0xE  }
0x11d: {  	v20 =	vimm.s32 @!p4 $0x0;
	v19 =	vimm.s32 @!p4 $0xFFFFFFFF;
	v18 =	vperm.xlane @!p4 v12, v16  }
0x11e: {  	v20 =	vsel @!p4 vm0, $0xFFFFFFFF, v20;
	v19 =	vsel @!p4 vm0, $0x0, v19;
	v16 =	vperm.xlane @!p4 v11, v16  }
0x11f: {  	v18 =	vand.u32 @!p4 v20, v18;
	v15 =	vand.u32 @!p4 v19, v15  }
0x120: {  	v16 =	vand.u32 @!p4 v20, v16;
	v17 =	vand.u32 @!p4 v19, v17;
	v15 =	vadd.s32 @!p4 v18, v15  }
0x121: {  	s0 =	ssub.s32 @!p5 s18, s0;
	[tilespmem:s1+$0x1000] =	vst @!p4 v15;
	v15 =	vadd.s32 @!p4 v16, v17  }
0x122: {  	s0 =	sadd.s32 @!p5 s10, s0;
	[tilespmem:s1+$0x1080] =	vst @!p4 v15  }
0x123: {  	v15 =	vld @!p5 [tilespmem:s0+$0x1000]  }
0x124: {  	v17 =	vld @!p5 [tilespmem:s0+$0x1080]  }
0x125: {  	vm0 =	vcmask @!p5 $0x300;
	v16 =	vimm.s32 @!p5 $0xB  }
0x126: {  	v20 =	vimm.s32 @!p5 $0x0;
	v19 =	vimm.s32 @!p5 $0xFFFFFFFF;
	v18 =	vperm.xlane @!p5 v12, v16  }
0x127: {  	v20 =	vsel @!p5 vm0, $0xFFFFFFFF, v20;
	v19 =	vsel @!p5 vm0, $0x0, v19;
	v16 =	vperm.xlane @!p5 v11, v16  }
0x128: {  	v18 =	vand.u32 @!p5 v20, v18;
	v15 =	vand.u32 @!p5 v19, v15  }
0x129: {  	v16 =	vand.u32 @!p5 v20, v16;
	v17 =	vand.u32 @!p5 v19, v17;
	v15 =	vadd.s32 @!p5 v18, v15  }
0x12a: {  	s1 =	ssub.s32 @!p1 s18, s9;
	[tilespmem:s0+$0x1000] =	vst @!p5 v15;
	v15 =	vadd.s32 @!p5 v16, v17;
	s8 =	spop @!p0 (v2sf)  }
0x12b: {  	[tilespmem:s0+$0x1080] =	vst @!p5 v15;
	s0 =	sadd.s32 @!p1 s15, s1;
	s1 =	spop (v2sf)  }
0x12c: {  	v15 =	vld @!p1 [tilespmem:s0+$0x1000];
	p2 =	seq.s32 s1, $0x0  }
0x12d: {  	v17 =	vld @!p1 [tilespmem:s0+$0x1080];
	(v2sf) =	vpush @!p2 v14, $0xE  }
0x12e: {  	vm0 =	vcmask @!p1 $0x300;
	v16 =	vimm.s32 @!p1 $0xC  }
0x12f: {  	v19 =	vimm.s32 @!p1 $0x0;
	v18 =	vimm.s32 @!p1 $0xFFFFFFFF;
	v14 =	vperm.xlane @!p1 v12, v16  }
0x130: {  	v19 =	vsel @!p1 vm0, $0xFFFFFFFF, v19;
	v18 =	vsel @!p1 vm0, $0x0, v18;
	v16 =	vperm.xlane @!p1 v11, v16  }
0x131: {  	v15 =	vand.u32 @!p1 v18, v15;
	v14 =	vand.u32 @!p1 v19, v14  }
0x132: {  	v16 =	vand.u32 @!p1 v19, v16;
	v14 =	vadd.s32 @!p1 v14, v15;
	v15 =	vand.u32 @!p1 v18, v17  }
0x133: {  	s2 =	ssub.s32 @!p0 s18, s2;
	[tilespmem:s0+$0x1000] =	vst @!p1 v14;
	v14 =	vadd.s32 @!p1 v16, v15  }
0x134: {  	(v2sf) =	vpush v13, $0xF;
	[tilespmem:s0+$0x1080] =	vst @!p1 v14;
	s0 =	sadd.s32 @!p0 s8, s2  }
0x135: {  	v13 =	vld @!p0 [tilespmem:s0+$0x1000]  }
0x136: {  	v15 =	vld @!p0 [tilespmem:s0+$0x1080]  }
0x137: {  	vm0 =	vcmask @!p0 $0x300;
	v14 =	vimm.s32 @!p0 $0xD  }
0x138: {  	v17 =	vimm.s32 @!p0 $0xFFFFFFFF;
	v18 =	vimm.s32 @!p0 $0x0;
	v16 =	vperm.xlane @!p0 v12, v14  }
0x139: {  	v17 =	vsel @!p0 vm0, $0x0, v17;
	v18 =	vsel @!p0 vm0, $0xFFFFFFFF, v18;
	v14 =	vperm.xlane @!p0 v11, v14  }
0x13a: {  	v16 =	vand.u32 @!p0 v18, v16;
	v13 =	vand.u32 @!p0 v17, v13  }
0x13b: {  	v14 =	vand.u32 @!p0 v18, v14;
	v15 =	vand.u32 @!p0 v17, v15;
	v13 =	vadd.s32 @!p0 v16, v13  }
0x13c: {  	s1 =	ssub.s32 @!p2 s18, s1;
	[tilespmem:s0+$0x1000] =	vst @!p0 v13;
	v13 =	vadd.s32 @!p0 v14, v15;
	s2 =	spop @!p2 (v2sf)  }
0x13d: {  	[tilespmem:s0+$0x1080] =	vst @!p0 v13;
	s0 =	sadd.s32 @!p2 s2, s1  }
0x13e: {  	v13 =	vld @!p2 [tilespmem:s0+$0x1000]  }
0x13f: {  	v15 =	vld @!p2 [tilespmem:s0+$0x1080]  }
0x140: {  	vm0 =	vcmask @!p2 $0x300;
	v14 =	vimm.s32 @!p2 $0xE  }
0x141: {  	v18 =	vimm.s32 @!p2 $0x0;
	v17 =	vimm.s32 @!p2 $0xFFFFFFFF;
	v16 =	vperm.xlane @!p2 v12, v14  }
0x142: {  	v18 =	vsel @!p2 vm0, $0xFFFFFFFF, v18;
	v17 =	vsel @!p2 vm0, $0x0, v17;
	v14 =	vperm.xlane @!p2 v11, v14  }
0x143: {  	v16 =	vand.u32 @!p2 v18, v16;
	s1 =	spop (v2sf);
	v13 =	vand.u32 @!p2 v17, v13  }
0x144: {  	v14 =	vand.u32 @!p2 v18, v14;
	p0 =	seq.s32 s1, $0x0;
	v15 =	vand.u32 @!p2 v17, v15;
	v13 =	vadd.s32 @!p2 v16, v13  }
0x145: {  	s1 =	ssub.s32 @!p0 s18, s1;
	[tilespmem:s0+$0x1000] =	vst @!p2 v13;
	v13 =	vadd.s32 @!p2 v14, v15  }
0x146: {  	[tilespmem:s0+$0x1080] =	vst @!p2 v13;
	s0 =	sadd.s32 @!p0 s23, s1  }
0x147: {  	v13 =	vld @!p0 [tilespmem:s0+$0x1000]  }
0x148: {  	v15 =	vld @!p0 [tilespmem:s0+$0x1080]  }
0x149: {  	vm0 =	vcmask @!p0 $0x300;
	v14 =	vimm.s32 @!p0 $0xF  }
0x14a: {  	v17 =	vimm.s32 @!p0 $0x0;
	v16 =	vimm.s32 @!p0 $0xFFFFFFFF;
	v12 =	vperm.xlane @!p0 v12, v14  }
0x14b: {  	v11 =	vperm.xlane @!p0 v11, v14;
	v14 =	vsel @!p0 vm0, $0x0, v16;
	v16 =	vsel @!p0 vm0, $0xFFFFFFFF, v17  }
0x14c: {  	v12 =	vand.u32 @!p0 v16, v12;
	v13 =	vand.u32 @!p0 v14, v13  }
0x14d: {  	v11 =	vand.u32 @!p0 v16, v11;
	v12 =	vadd.s32 @!p0 v12, v13;
	v13 =	vand.u32 @!p0 v14, v15  }
0x14e: {  	[tilespmem:s0+$0x1000] =	vst @!p0 v12;
	v11 =	vadd.s32 @!p0 v11, v13  }
0x14f: {  	[tilespmem:s0+$0x1080] =	vst @!p0 v11  }
.LBB2_7:
0x150: {  	s18 =	sadd.s32 s18, s23  }
0x151: {  	p0 =	slt.s32 s18, $0x50  }
.Ltmp8:
0x152: {  	_ = 	snop;
	(pc) =	sbr.rel @p0 .LBB2_11-.Ltmp8, $2  }
0x153: {  	_ =	sdelay $0x2  }
0x154: {  	s0 =	simm.s32 $0x0  }
0x155: {  	s2 =	sshra.s32 s0, $0x2;
	s0 =	sadd.s32 $0x4, s0  }
.LBB2_9:
0x156: {  	p0 =	sne.s32 s0, $0x13C;
	v11 =	vld [tilespmem:s2+$0x1080];
	_ =	sdelay $0x4  }
0x157: {  	(v2sf) =	vpush v11, $0x0;
	_ =	sdelay $0xe  }
0x158: {  	s1 =	spop (v2sf)  }
0x159: {  	s1 =	sshll.u32 s1, $0x6  }
0x15a: {  	s1 =	sshra.s32 s1, $0x2  }
0x15b: {  	v11 =	vld [tilespmem:s1+$0x1200];
	_ =	sdelay $0x2  }
.Ltmp9:
0x15c: {  	(pc) =	sbr.rel @p0 .LBB2_9-.Ltmp9, $3  }
0x15d: {  	_ = 	snop  }
0x15e: {  	v11 =	vadd.f32 $1.000000000e+00, v11;
	_ =	sdelay $0x1  }
0x15f: {  	s2 =	sshra.s32 s0, $0x2;
	s0 =	sadd.s32 $0x4, s0;
	[tilespmem:s1+$0x1200] =	vst v11  }
.Ltmp10:
0x160: {  	_ = 	snop;
	(pc) =	sbr.rel .LBB2_10-.Ltmp10, $1  }
0x161: {  	_ =	sdelay $0x3  }
.LBB2_13:
0x162: {  	p0 =	sgt.s32 s18, $0x0  }
.Ltmp11:
0x163: {  	_ = 	snop;
	(pc) =	sbr.rel @!p0 .LBB2_17-.Ltmp11, $2  }
0x164: {  	_ =	sdelay $0x2  }
0x165: {  	s0 =	simm.s32 $0x1080;
	s8 =	rddreg [dreg:$0x7]  }
0x166: {  	p0 =	sne.s32 s18, $0x1  }
.Ltmp12:
0x167: {  	v11 =	vld [tilespmem:s0+$0x0];
	(pc) =	sbr.rel @!p0 .LBB2_16-.Ltmp12, $2  }
0x168: {  	_ =	sdelay $0x2  }
0x169: {  	s2 =	sadd.s32 $0xFFFFFFFF, s18  }
.LBB2_15:
0x16a: {  	p0 =	sne.s32 s2, $0x1;
	_ =	sdelay $0x3  }
0x16b: {  	(v2sf) =	vpush v11, $0x0;
	_ =	sdelay $0xe  }
0x16c: {  	s1 =	spop (v2sf)  }
0x16d: {  	s1 =	sshll.u32 s1, $0x6  }
0x16e: {  	s1 =	sshra.s32 s1, $0x2  }
0x16f: {  	v11 =	vld [tilespmem:s1+$0x1200];
	_ =	sdelay $0x3  }
.Ltmp13:
0x170: {  	(pc) =	sbr.rel @p0 .LBB2_15-.Ltmp13, $3  }
0x171: {  	v11 =	vadd.f32 $1.000000000e+00, v11;
	_ =	sdelay $0x1  }
0x172: {  	s0 =	sadd.s32 $0x1, s0;
	[tilespmem:s1+$0x1200] =	vst v11  }
0x173: {  	s2 =	sadd.s32 $0xFFFFFFFF, s2;
	v11 =	vld [tilespmem:s0+$0x0]  }
.Ltmp14:
0x174: {  	_ = 	snop;
	(pc) =	sbr.rel .LBB2_16-.Ltmp14, $1  }
0x175: {  	_ =	sdelay $0x3  }
.LBB2_18:
0x176: {  	_ =	sfence.sel $0x180000  }
0x177: {  	[bflag:$0x0] =	sbarrier.arrive $0xFFFF  }
0x178: {  	_ =	strace $0x90000047  }
0x179: {  	s0 =	stileid.u32;
	[bflag:$0x2] =	sbarrier.arrive $0xFFFF  }
0x17a: {  	p0 =	sne.s32 s0, $0x0;
	s0 =	rddreg [dreg:$0x3]  }
0x17b: {  	s0 =	sadd.s32 @!p0 $0x100000, s0  }
0x17c: {  	[sflag:s0] =	ssyncadd.tile.s32 @!p0 $0x1;
	_ =	shalt  }
.Lfunc_end2:
_tile_overlayer_lowered:
.L_overlay_start_2:
0x17d: {  	(tag) =	ssettag $0x2  }
0x17e: {  	s0 =	rddreg [dreg:$0x0];
	s2 =	stileid.u32  }
0x17f: {  	s1 =	rddreg [dreg:$0x1];
	p0 =	sne.s32 s2, $0x0  }
0x180: {  	s3 =	rddreg [dreg:$0x2];
	[bflag:$0x3] =	sbarrier.arrive $0xFFFF;
	s2 =	simm.s32 @!p0 $0x1C01  }
0x181: {  	[timem:s3], [sflag:s2] =	dma.local @!p0 [hbm:s0], s1  }
0x182: {  	s0 =	simm.s32 @!p0 $0x1  }
0x183: {  	_ =	swait.ge @!p0 [sflag:s0], s1  }
0x184: {  	s1 =	ssub.s32 @!p0 $0x0, s1;
	[sflag:s0] =	ssyncset.done @!p0 $0x0  }
0x185: {  	[sflag:s0] =	ssyncadd.s32 @!p0 s1  }
0x186: {  	[bflag:$0x3] =	sbarrier.arrive $0xFFFF  }
0x187: {  	_ =	shalt  }

// kernel: kernel.15.cloned.1.call-start
scs
__scs_entry_jumppad:
0x0: {  	(pc) =	sbr.rel $0x88, $3  }
0x1: {  	(tag) =	ssettag $0x0;
	lr =	simm.s32 $0x1  }
0x2: {  	[smem:$0x3F8D] =	sst lr;
	_ =	strace $0xD0000000  }
0x3: {  	_ = 	snop  }
0x4: {  	_ = 	snop  }
0x5: {  	_ = 	snop  }
0x6: {  	_ = 	snop  }
0x7: {  	_ = 	snop  }
__scs_overlays_trampoline_lowered:
0x8: {  	[smem:$0x3F9C] =	sst s0  }
0x9: {  	[smem:$0x3F9D] =	sst s1  }
0xa: {  	[smem:$0x3F9E] =	sst s2  }
0xb: {  	[smem:$0x3F9F] =	sst s3  }
0xc: {  	[smem:$0x3FA0] =	sst s4  }
0xd: {  	[smem:$0x3FA1] =	sst s5  }
0xe: {  	[smem:$0x3FA2] =	sst s6  }
0xf: {  	[smem:$0x3FA3] =	sst s7  }
0x10: {  	[smem:$0x3FA4] =	sst s8  }
0x11: {  	[smem:$0x3FA5] =	sst s9;
	s0 =	simm.s32 @!p0 $0x0  }
0x12: {  	s1 =	sld [smem:$0x3F8B];
	s0 =	simm.s32 @p0 $0x1  }
0x13: {  	[smem:$0x3FA6] =	sst s0;
	s0 =	simm.s32 @!p1 $0x0  }
0x14: {  	s2 =	sld [smem:$0x3F8A];
	s0 =	simm.s32 @p1 $0x1  }
0x15: {  	[smem:$0x3FA7] =	sst s0;
	s0 =	simm.s32 @!p2 $0x0  }
0x16: {  	s3 =	sld [smem:$0x3FDB];
	s0 =	simm.s32 @p2 $0x1  }
0x17: {  	s4 =	simm.s32 $0x1BF5;
	[smem:$0x3FA9] =	sst s0  }
0x18: {  	s0 =	sld [smem:$0x3F8C];
	_ =	swait.ge [sflag:s4], $0x0  }
0x19: {  	s7 =	sld [smem:$0x3F8D]  }
0x1a: {  	s8 =	sadd.s32 $0xFFFFE003, lr  }
0x1b: {  	s9 =	sadd.s32 $0xFFFFFEF7, lr;
	s5 =	simm.s32 $0xFFFFFFFF;
	p2 =	slt.u32 s8, $0xFFFFF086  }
0x1c: {  	p1 =	slt.u32 s9, $0xF7A;
	s5 =	simm.s32 @!p2 $0x0  }
0x1d: {  	s5 =	simm.s32 @p1 $0x1;
	p0 =	seq.s32 s7, s2  }
0x1e: {  	s7 =	smul.u32 @!p0 $0xF7A, s2;
	p2 =	seq.s32 @!p0 s5, $0x0  }
0x1f: {  	s9 =	smul.u32 $0xF7A, s1;
	s8 =	simm.s32 @!p0 $0x1BF5;
	p2 =	por !p2, p0  }
0x20: {  	[sflag:s8] =	ssyncset.s32 @!p0 $0xFFFFF086;
	s6 =	sadd.s32 @!p0 s3, s7;
	s7 =	simm.s32 @!p0 $0x108  }
0x21: {  	s3 =	sadd.s32 s3, s9;
	s6 =	sadd.s32 @!p0 $0x88, s6;
	s7 =	simm.s32 @p2 $0x1082  }
0x22: {  	[simem:s7], [sflag:s8] =	dma.local @!p0 [hbm:s6], $0xF7A  }
0x23: {  	s9 =	sor.u32 $0xD0000000, s2;
	s6 =	simm.s32 $0x108;
	_ =	swait.ge @!p0 [sflag:s8], $0x0  }
0x24: {  	s3 =	sadd.s32 $0x88, s3;
	s6 =	simm.s32 @!p1 $0x1082;
	[sflag:s4] =	ssyncset.s32 $0xFFFFF086  }
0x25: {  	[simem:s6], [sflag:s4] =	dma.local [hbm:s3], $0xF7A  }
0x26: {  	[smem:$0x3F8D] =	sst s1;
	(tag) =	ssettag s2;
	_ =	strace s9  }
0x27: {  	s1 =	sld [smem:$0x3F9D]  }
0x28: {  	s2 =	sld [smem:$0x3F9E]  }
0x29: {  	s4 =	sld [smem:$0x3FA0]  }
0x2a: {  	p0 =	seq.s32 s5, $0x0;
	s5 =	sld [smem:$0x3FA1]  }
0x2b: {  	s6 =	sld [smem:$0x3FA2]  }
0x2c: {  	s7 =	sld [smem:$0x3FA3]  }
0x2d: {  	s3 =	simm.s32 $0x108;
	s8 =	sld [smem:$0x3FA4]  }
0x2e: {  	s3 =	simm.s32 @!p0 $0x1082;
	s9 =	sld [smem:$0x3FA5]  }
0x2f: {  	lr =	sadd.s32 s0, s3;
	s0 =	sld [smem:$0x3F9C]  }
0x30: {  	s3 =	sld [smem:$0x3F9F]  }
0x31: {  	[smem:$0x3FA8] =	sst s10  }
0x32: {  	s10 =	sld [smem:$0x3FA6];
	_ =	sdelay $0x3  }
0x33: {  	p0 =	seq.s32 s10, $0x1;
	s10 =	sld [smem:$0x3FA8];
	_ =	sdelay $0x3  }
0x34: {  	[smem:$0x3FA8] =	sst s10  }
0x35: {  	s10 =	sld [smem:$0x3FA7];
	_ =	sdelay $0x3  }
0x36: {  	p1 =	seq.s32 s10, $0x1;
	s10 =	sld [smem:$0x3FA8];
	_ =	sdelay $0x3  }
0x37: {  	[smem:$0x3FA8] =	sst s10  }
0x38: {  	s10 =	sld [smem:$0x3FA9]  }
0x39: {  	_ = 	snop;
	(pc) =	sbr.ind lr, $3  }
0x3a: {  	_ = 	snop  }
0x3b: {  	_ = 	snop  }
0x3c: {  	p2 =	seq.s32 s10, $0x1;
	s10 =	sld [smem:$0x3FA8]  }
0x3d: {  	_ =	shalt  }
0x3e: {  	_ =	shalt  }
0x3f: {  	_ =	shalt  }
0x40: {  	_ =	shalt  }
0x41: {  	_ =	shalt  }
0x42: {  	_ =	shalt  }
0x43: {  	_ =	shalt  }
0x44: {  	_ =	shalt  }
0x45: {  	_ =	shalt  }
0x46: {  	_ =	shalt  }
0x47: {  	_ =	shalt  }
0x48: {  	_ =	shalt  }
0x49: {  	_ =	shalt  }
0x4a: {  	_ =	shalt  }
0x4b: {  	_ =	shalt  }
0x4c: {  	_ =	shalt  }
0x4d: {  	_ =	shalt  }
0x4e: {  	_ =	shalt  }
0x4f: {  	_ =	shalt  }
0x50: {  	_ =	shalt  }
0x51: {  	_ =	shalt  }
0x52: {  	_ =	shalt  }
0x53: {  	_ =	shalt  }
0x54: {  	_ =	shalt  }
0x55: {  	_ =	shalt  }
0x56: {  	_ =	shalt  }
0x57: {  	_ =	shalt  }
0x58: {  	_ =	shalt  }
0x59: {  	_ =	shalt  }
0x5a: {  	_ =	shalt  }
0x5b: {  	_ =	shalt  }
0x5c: {  	_ =	shalt  }
0x5d: {  	_ =	shalt  }
0x5e: {  	_ =	shalt  }
0x5f: {  	_ =	shalt  }
0x60: {  	_ =	shalt  }
0x61: {  	_ =	shalt  }
0x62: {  	_ =	shalt  }
0x63: {  	_ =	shalt  }
0x64: {  	_ =	shalt  }
0x65: {  	_ =	shalt  }
0x66: {  	_ =	shalt  }
0x67: {  	_ =	shalt  }
0x68: {  	_ =	shalt  }
0x69: {  	_ =	shalt  }
0x6a: {  	_ =	shalt  }
0x6b: {  	_ =	shalt  }
0x6c: {  	_ =	shalt  }
0x6d: {  	_ =	shalt  }
0x6e: {  	_ =	shalt  }
0x6f: {  	_ =	shalt  }
0x70: {  	_ =	shalt  }
0x71: {  	_ =	shalt  }
0x72: {  	_ =	shalt  }
0x73: {  	_ =	shalt  }
0x74: {  	_ =	shalt  }
0x75: {  	_ =	shalt  }
0x76: {  	_ =	shalt  }
0x77: {  	_ =	shalt  }
0x78: {  	_ =	shalt  }
0x79: {  	_ =	shalt  }
0x7a: {  	_ =	shalt  }
0x7b: {  	_ =	shalt  }
0x7c: {  	_ =	shalt  }
0x7d: {  	_ =	shalt  }
0x7e: {  	_ =	shalt  }
0x7f: {  	_ =	shalt  }
0x80: {  	_ =	shalt  }
0x81: {  	_ =	shalt  }
0x82: {  	_ =	shalt  }
0x83: {  	_ =	shalt  }
0x84: {  	_ =	shalt  }
0x85: {  	_ =	shalt  }
0x86: {  	_ =	shalt  }
0x87: {  	_ =	shalt  }
.Lfunc_end0:
.L_simem_size_0:
called_computation.1_lowered:
.L_overlay_start_0:
0x88: {  	s2 =	sld [smem:$0x3FD9]  }
0x89: {  	s3 =	sld [smem:$0x3FFE];
	_ =	sdelay $0x1  }
0x8a: {  	s1 =	srdreg.scid  }
0x8b: {  	s0 =	sand.u32 $0x1, s1  }
0x8c: {  	s14 =	sshll.u32 s0, $0xA;
	s2 =	sadd.s32 s3, s2  }
0x8d: {  	s2 =	sadd.s32 s2, s14  }
0x8e: {  	[smem:$0x3FB4] =	sst s2  }
0x8f: {  	_ = 	snop  }
0x90: {  	s2 =	sld [smem:$0x3FD0];
	_ =	sdelay $0x2  }
0x91: {  	s15 =	simm.s32 $0xA;
	s4 =	simm.s32 $0x10  }
0x92: {  	[smem:s4], [sflag:s15] =	dma.local [hbm:s2], $0x1  }
0x93: {  	_ =	swait.eq [sflag:s15], $0x1  }
0x94: {  	[sflag:s15] =	ssyncset.done $0x0  }
0x95: {  	[sflag:s15] =	ssyncadd.s32 $0xFFFFFFFF  }
0x96: {  	s16 =	sld [smem:$0x11];
	(tm) =	ssettm $0x1  }
0x97: {  	s17 =	sld [smem:$0x3FFB];
	_ =	sdelay $0x3  }
0x98: {  	_ =	strace s17  }
0x99: {  	s3 =	sld [smem:$0x3FFC];
	_ =	sdelay $0x3  }
0x9a: {  	_ =	strace s3  }
0x9b: {  	s3 =	sld [smem:$0x3FFD];
	_ =	sdelay $0x3  }
0x9c: {  	_ =	strace s3  }
0x9d: {  	_ =	strace $0x8FFFFFFF  }
0x9e: {  	s18 =	sld [smem:$0x3FDB];
	_ =	sdelay $0x1  }
0x9f: {  	s19 =	simm.s32 $_scs_section_size  }
0xa0: {  	s5 =	simm.s32 $_size__tile_overlayer_lowered;
	s6 =	simm.s32 $_tile_overlayer_lowered  }
0xa1: {  	s22 =	simm.s32 $0x1BFF;
	s21 =	sshll.u32 s6, $0x1;
	s3 =	sadd.s32 s19, s18  }
0xa2: {  	s7 =	simm.s32 $0x0;
	s20 =	sshll.u32 s5, $0x1;
	s5 =	sadd.s32 s21, s3  }
0xa3: {  	[timem:s7], [sflag:s22] =	dma.local [hbm:s5], s20  }
0xa4: {  	_ =	swait.ge [sflag:s22], s20  }
0xa5: {  	s4 =	ssub.s32 $0x0, s20;
	[sflag:s22] =	ssyncset.done $0x0  }
0xa6: {  	[sflag:s22] =	ssyncadd.s32 s4;
	_ =	sdelay $0x1  }
0xa7: {  	s23 =	simm.s32 $0x1B8B  }
0xa8: {  	_ =	swait.ge [sflag:s23], $0x1  }
0xa9: {  	[sflag:s23] =	ssyncset.done $0x0  }
0xaa: {  	s25 =	simm.s32 $0x1B8E;
	s24 =	sld [smem:$0x3FFE];
	[sflag:s23] =	ssyncadd.s32 $0xFFFFFFFF  }
0xab: {  	s26 =	simm.s32 $execute0_lowered;
	[smem:$0x3FD2] =	sst s25  }
0xac: {  	s5 =	sshll.u32 s26, $0x1;
	_ =	strace $0x80000049;
	[dreg:$0x1] =	wrdreg $0xFFFFFFFF  }
0xad: {  	s28 =	simm.s32 $_size_execute0_lowered;
	s3 =	sadd.s32 s3, s5;
	[dreg:$0x0] =	wrdreg $0x0  }
0xae: {  	s5 =	sshll.u32 s28, $0x1;
	[dreg:$0x2] =	wrdreg s3  }
0xaf: {  	[dreg:$0x3] =	wrdreg s5  }
0xb0: {  	[dreg:$0x4] =	wrdreg $0xC0  }
0xb1: {  	_ =	task [dreg:s7], $0x5FFFF  }
0xb2: {  	[dreg:$0x1] =	wrdreg $0xFFFFFFFF  }
0xb3: {  	[dreg:$0x0] =	wrdreg $0x60  }
0xb4: {  	[dreg:$0x2] =	wrdreg s16  }
0xb5: {  	[dreg:$0x3] =	wrdreg s24  }
0xb6: {  	[dreg:$0x4] =	wrdreg $0x9  }
0xb7: {  	_ =	task.clear_ibuf [dreg:s7], $0x5FFFF;
	_ =	strace $0x90000049  }
0xb8: {  	s29 =	simm.s32 $0x9;
	_ =	strace $0x8000004B  }
0xb9: {  	_ =	swait.ge [sflag:s29], $0x1  }
0xba: {  	[sflag:s29] =	ssyncadd.s32 $0xFFFFFFFF  }
0xbb: {  	_ =	strace $0x9000004B  }
0xbc: {  	_ =	sfence  }
0xbd: {  	s30 =	sld [smem:$0x0];
	_ =	sdelay $0x2  }
0xbe: {  	s31 =	sshll.u32 s1, $0xD;
	s1 =	sshrl.u32 s1, $0x2  }
0xbf: {  	s3 =	sand.u32 $0x4000, s31;
	s1 =	sadd.s32 s1, s30  }
0xc0: {  	s0 =	sor.u32 s3, s0;
	s1 =	sshll.u32 s1, $0x11  }
0xc1: {  	s0 =	sor.u32 s1, s0  }
0xc2: {  	s0 =	sadd.s32 $0x8F2B, s0  }
0xc3: {  	[sflag:s0] =	ssyncadd.remote.s32 $0x1  }
0xc4: {  	_ =	sfence.sel $0xFFFF  }
0xc5: {  	[dreg:$0x0] =	wrdreg $0xFFFFFFFF;
	(pc) =	sbr.abs _section_cstart, $3  }
0xc6: {  	[dreg:$0x1] =	wrdreg $0xFFFFFFFF  }
0xc7: {  	_ =	task.clear_ibuf [dreg:s7], $0x2FFFF;
	_ =	strace $0x9FFFFFFF  }
0xc8: {  	(tm) =	ssettm $0x7FFFFFFF  }
0xc9: {  	_ =	shalt  }
tec
execute0_lowered:
.L_overlay_start_1:
0x0: {  	(tag) =	ssettag $0x1  }
0x1: {  	s2 =	rddreg [dreg:$0x0]  }
0x2: {  	s6 =	rddreg [dreg:$0x1]  }
0x3: {  	s0 =	rddreg [dreg:$0x2]  }
0x4: {  	s4 =	srdreg.scid;
	s1 =	stileid.u32  }
0x5: {  	s3 =	simm.s32 $0x0;
	s12 =	simm.s32 $0x1;
	s13 =	simm.s32 $0x50  }
0x6: {  	s14 =	simm.s32 $0x180;
	s15 =	simm.s32 $0x2980;
	s16 =	simm.s32 $0x0  }
0x7: {  	s7 =	sand.u32 $0x1, s4;
	s30 =	sshll.u32 s1, $0x1;
	[smem:$0x7FF] =	sst s3  }
0x8: {  	s4 =	sadd.s32 $0xF000, s6;
	s5 =	sadd.s32 $0x147800, s6;
	s8 =	sor.u32 s7, s30  }
.Ltmp0:
0x9: {  	_ =	strace $0x8000004A;
	s7 =	ssub.s32 $0x2, s7;
	(pc) =	sbr.rel .LBB2_1-.Ltmp0, $4  }
0xa: {  	s9 =	smul.u32 $0x1400, s8;
	s10 =	sshll.u32 s8, $0x1;
	s31 =	sshrl.u32 s7, $0x1  }
0xb: {  	s10 =	sadd.s32 s10, s6;
	s11 =	ssub.s32 s7, s31;
	s7 =	smul.u32 $0x4E200, s8  }
0xc: {  	s9 =	sadd.s32 s9, s6;
	s6 =	sadd.s32 $0x280000, s10;
	s10 =	simm.s32 $0x100  }
0xd: {  	v0 =	vimm.f32 $0.0e+00;
	s8 =	sadd.s32 $0x2A7400, s9;
	s9 =	smax.u32 s11, $0x1;
	s11 =	simm.s32 $0x2  }
.LBB2_9:
0xe: {  	s16 =	sadd.s32 $0x1, s16  }
0xf: {  	p0 =	sne.s32 s16, s9  }
.Ltmp1:
0x10: {  	_ = 	snop;
	(pc) =	sbr.rel @!p0 .LBB2_10-.Ltmp1, $4  }
0x11: {  	[hbm4b:s8+s3] =	stream.linear.scatter [tilespmem:s15], [sflag:$0x2], $0xA000, $0x38;
	[tilespmem:$0xC980] =	vst v63  }
0x12: {  	_ =	swait.ge [sflag:s11], $0xA000  }
0x13: {  	[sflag:s11] =	ssyncset.done $0x0  }
0x14: {  	[sflag:s11] =	ssyncadd.s32 $0xFFFF6000  }
.LBB2_1:
0x15: {  	s17 =	simm.s32 $0x40;
	s18 =	simm.s32 $0x0  }
.LBB2_2:
0x16: {  	p0 =	sne.s32 s17, $0x27FC0;
	[tilespmem:s18+$0x2980] =	vst v0;
	s18 =	smov.u32 s17;
	s17 =	sadd.s32 $0x40, s17  }
.Ltmp2:
0x17: {  	(pc) =	sbr.rel @p0 .LBB2_2-.Ltmp2, $2  }
0x18: {  	_ =	sdelay $0x2  }
0x19: {  	s18 =	sshra.s32 s18, $0x2  }
0x1a: {  	[tilespmem:s18+$0x2980] =	vst v0;
	s17 =	simm.s32 $0x0  }
0x1b: {  	[tilespmem:s10], [sflag:$0x2] =	stream.linear.gather [hbm4b:s6+s17], $0x10, $0x38;
	[tilespmem:$0xC980] =	vst v63  }
0x1c: {  	_ =	swait.ge [sflag:s11], $0x10  }
0x1d: {  	[sflag:s11] =	ssyncset.done $0x0  }
0x1e: {  	[sflag:s11] =	ssyncadd.s32 $0xFFFFFFF0  }
0x1f: {  	v1 =	vld [tilespmem:$0x100];
	_ =	sdelay $0x4  }
0x20: {  	(v2sf) =	vpush v1, $0x0;
	_ =	sdelay $0xe  }
0x21: {  	s18 =	spop (v2sf)  }
0x22: {  	s19 =	sadd.s32 $0x4F, s18  }
0x23: {  	s20 =	smulhi.u32 $0x66666667, s19;
	s21 =	sshra.s32 s19, $0x1F  }
0x24: {  	s21 =	smul.u32 $0x66666667, s21;
	_ =	sdelay $0x1  }
0x25: {  	s20 =	sadd.s32 s21, s20  }
0x26: {  	s21 =	sshrl.u32 s20, $0x1F;
	s20 =	sshra.s32 s20, $0x5  }
0x27: {  	s20 =	sadd.s32 s21, s20  }
0x28: {  	s21 =	smul.u32 $0xFFFFFFB0, s20  }
0x29: {  	s22 =	ssub.s32 $0xFFFFFFB1, s18  }
0x2a: {  	p0 =	slt.s32 s19, $0x1;
	p1 =	sne.s32 s21, s22  }
0x2b: {  	p0 =	por !p0, !p1  }
0x2c: {  	s19 =	simm.s32 $0x1;
	p0 =	por !p0, !p0  }
0x2d: {  	s19 =	simm.s32 @!p0 $0x0  }
0x2e: {  	s19 =	ssub.s32 s20, s19  }
0x2f: {  	p0 =	slt.s32 s19, $0x1  }
.Ltmp3:
0x30: {  	_ = 	snop;
	(pc) =	sbr.rel @!p0 .LBB2_4-.Ltmp3, $4  }
.Ltmp4:
0x31: {  	_ = 	snop;
	(pc) =	sbr.rel @p0 .LBB2_9-.Ltmp4, $4  }
0x32: {  	_ = 	snop  }
0x33: {  	_ = 	snop  }
0x34: {  	s20 =	smov.u32 s18  }
0x35: {  	_ = 	snop  }
.LBB2_7:
0x36: {  	[tilespmem:s23+$0x29F0] =	vst v1  }
.LBB2_8:
0x37: {  	s17 =	sadd.s32 $0x1, s17  }
0x38: {  	p0 =	sne.s32 s17, s19  }
.Ltmp5:
0x39: {  	_ = 	snop;
	(pc) =	sbr.rel @!p0 .LBB2_9-.Ltmp5, $2  }
0x3a: {  	_ =	sdelay $0x2  }
0x3b: {  	s20 =	sadd.s32 $0xFFFFFFB0, s20  }
.LBB2_4:
0x3c: {  	s22 =	smul.u32 $0x50, s17;
	_ =	sdelay $0x1  }
0x3d: {  	s21 =	sadd.s32 s7, s22  }
0x3e: {  	s21 =	sshrl.u32 s21, $0x3  }
0x3f: {  	s23 =	sadd.s32 s4, s21  }
0x40: {  	[tilespmem:s3], [sflag:$0x2] =	stream.linear.gather [hbm4b:s23+s3], $0x50, $0x38;
	[tilespmem:$0xC980] =	vst v63  }
0x41: {  	_ =	swait.ge [sflag:s11], $0x50  }
0x42: {  	[sflag:s11] =	ssyncset.done $0x0  }
0x43: {  	s31 =	sadd.s32 s5, s21;
	s21 =	simm.s32 $0x80;
	[sflag:s11] =	ssyncadd.s32 $0xFFFFFFB0  }
0x44: {  	[tilespmem:s21], [sflag:$0x2] =	stream.linear.gather [hbm4b:s31+s3], $0x50, $0x38;
	[tilespmem:$0xC980] =	vst v63  }
0x45: {  	s22 =	ssub.s32 s18, s22;
	_ =	swait.ge [sflag:s11], $0x50  }
0x46: {  	p0 =	slt.s32 s22, $0x1;
	[sflag:s11] =	ssyncset.done $0x0  }
.Ltmp6:
0x47: {  	[sflag:s11] =	ssyncadd.s32 $0xFFFFFFB0;
	(pc) =	sbr.rel @p0 .LBB2_8-.Ltmp6, $4  }
0x48: {  	[tilespmem:s14], [sflag:$0x1] =	stream.indirect.gather [hbm4b:s2+s13], $0x80, s3, s13, $0xb8;
	[tilespmem:$0xC980] =	vst v63  }
0x49: {  	_ =	swait.ge [sflag:s12], $0x2800  }
0x4a: {  	[sflag:s12] =	ssyncset.done $0x0  }
0x4b: {  	[sflag:s12] =	ssyncadd.s32 $0xFFFFD800  }
0x4c: {  	v1 =	vld [tilespmem:s21+$0x0];
	_ =	sdelay $0x4  }
0x4d: {  	(v2sf) =	vpush v1, $0x0;
	_ =	sdelay $0xe  }
0x4e: {  	s23 =	spop (v2sf)  }
0x4f: {  	s22 =	simm.s32 $0x1C0;
	s23 =	sshll.u32 s23, $0x9  }
0x50: {  	v1 =	vld [tilespmem:s22+$0xFFFFFFC0];
	s23 =	sshra.s32 s23, $0x2  }
0x51: {  	v2 =	vld [tilespmem:s23+$0x2980];
	_ =	sdelay $0x4  }
0x52: {  	v1 =	vadd.f32 v1, v2;
	_ =	sdelay $0x1  }
0x53: {  	[tilespmem:s23+$0x2980] =	vst v1;
	v1 =	vld [tilespmem:s23+$0x2990]  }
0x54: {  	v2 =	vld [tilespmem:s22+$0xFFFFFFD0];
	_ =	sdelay $0x4  }
0x55: {  	v1 =	vadd.f32 v2, v1;
	_ =	sdelay $0x1  }
0x56: {  	[tilespmem:s23+$0x2990] =	vst v1;
	v1 =	vld [tilespmem:s23+$0x29A0]  }
0x57: {  	v2 =	vld [tilespmem:s22+$0xFFFFFFE0];
	_ =	sdelay $0x4  }
0x58: {  	v1 =	vadd.f32 v2, v1;
	_ =	sdelay $0x1  }
0x59: {  	[tilespmem:s23+$0x29A0] =	vst v1;
	v1 =	vld [tilespmem:s23+$0x29B0]  }
0x5a: {  	v2 =	vld [tilespmem:s22+$0xFFFFFFF0];
	_ =	sdelay $0x4  }
0x5b: {  	v1 =	vadd.f32 v2, v1;
	_ =	sdelay $0x1  }
0x5c: {  	[tilespmem:s23+$0x29B0] =	vst v1;
	v1 =	vld [tilespmem:s23+$0x29C0]  }
0x5d: {  	v2 =	vld [tilespmem:s22+$0x0];
	_ =	sdelay $0x4  }
0x5e: {  	v1 =	vadd.f32 v2, v1;
	_ =	sdelay $0x1  }
0x5f: {  	[tilespmem:s23+$0x29C0] =	vst v1;
	v1 =	vld [tilespmem:s23+$0x29D0]  }
0x60: {  	v2 =	vld [tilespmem:s22+$0x10];
	_ =	sdelay $0x4  }
0x61: {  	v1 =	vadd.f32 v2, v1;
	_ =	sdelay $0x1  }
0x62: {  	[tilespmem:s23+$0x29D0] =	vst v1;
	v1 =	vld [tilespmem:s23+$0x29E0]  }
0x63: {  	v2 =	vld [tilespmem:s22+$0x20];
	_ =	sdelay $0x4  }
0x64: {  	v1 =	vadd.f32 v2, v1  }
0x65: {  	p0 =	sgt.s32 s20, $0x1;
	s24 =	smov.u32 s20  }
0x66: {  	s24 =	simm.s32 @!p0 $0x1;
	[tilespmem:s23+$0x29E0] =	vst v1;
	v1 =	vld [tilespmem:s23+$0x29F0]  }
0x67: {  	s24 =	smin.u32 s24, $0x50;
	v2 =	vld [tilespmem:s22+$0x30]  }
0x68: {  	p0 =	sne.s32 s24, $0x1  }
.Ltmp7:
0x69: {  	_ = 	snop;
	(pc) =	sbr.rel @!p0 .LBB2_7-.Ltmp7, $3  }
0x6a: {  	_ =	sdelay $0x1  }
0x6b: {  	v1 =	vadd.f32 v2, v1  }
0x6c: {  	s24 =	sadd.s32 $0xFFFFFFFF, s24  }
.LBB2_6:
0x6d: {  	p0 =	sne.s32 s24, $0x1;
	[tilespmem:s23+$0x29F0] =	vst v1;
	s21 =	sadd.s32 $0x1, s21;
	s22 =	sadd.s32 $0x80, s22  }
0x6e: {  	s24 =	sadd.s32 $0xFFFFFFFF, s24;
	v1 =	vld [tilespmem:s21+$0x0];
	_ =	sdelay $0x4  }
0x6f: {  	(v2sf) =	vpush v1, $0x0;
	_ =	sdelay $0xe  }
0x70: {  	s23 =	spop (v2sf)  }
0x71: {  	s23 =	sshll.u32 s23, $0x9  }
0x72: {  	s23 =	sshra.s32 s23, $0x2;
	v1 =	vld [tilespmem:s22+$0xFFFFFFC0]  }
0x73: {  	v2 =	vld [tilespmem:s23+$0x2980];
	_ =	sdelay $0x4  }
0x74: {  	v1 =	vadd.f32 v1, v2;
	_ =	sdelay $0x1  }
0x75: {  	[tilespmem:s23+$0x2980] =	vst v1;
	v1 =	vld [tilespmem:s23+$0x2990]  }
0x76: {  	v2 =	vld [tilespmem:s22+$0xFFFFFFD0];
	_ =	sdelay $0x4  }
0x77: {  	v1 =	vadd.f32 v2, v1;
	_ =	sdelay $0x1  }
0x78: {  	[tilespmem:s23+$0x2990] =	vst v1;
	v1 =	vld [tilespmem:s23+$0x29A0]  }
0x79: {  	v2 =	vld [tilespmem:s22+$0xFFFFFFE0];
	_ =	sdelay $0x4  }
0x7a: {  	v1 =	vadd.f32 v2, v1;
	_ =	sdelay $0x1  }
0x7b: {  	[tilespmem:s23+$0x29A0] =	vst v1;
	v1 =	vld [tilespmem:s23+$0x29B0]  }
0x7c: {  	v2 =	vld [tilespmem:s22+$0xFFFFFFF0];
	_ =	sdelay $0x4  }
0x7d: {  	v1 =	vadd.f32 v2, v1;
	_ =	sdelay $0x1  }
0x7e: {  	[tilespmem:s23+$0x29B0] =	vst v1;
	v1 =	vld [tilespmem:s23+$0x29C0]  }
0x7f: {  	v2 =	vld [tilespmem:s22+$0x0];
	_ =	sdelay $0x4  }
0x80: {  	v1 =	vadd.f32 v2, v1;
	_ =	sdelay $0x1  }
0x81: {  	[tilespmem:s23+$0x29C0] =	vst v1;
	v1 =	vld [tilespmem:s23+$0x29D0]  }
0x82: {  	v2 =	vld [tilespmem:s22+$0x10];
	_ =	sdelay $0x4  }
0x83: {  	v1 =	vadd.f32 v2, v1;
	_ =	sdelay $0x1  }
0x84: {  	[tilespmem:s23+$0x29D0] =	vst v1;
	v1 =	vld [tilespmem:s23+$0x29E0]  }
0x85: {  	v2 =	vld [tilespmem:s22+$0x20];
	_ =	sdelay $0x4  }
0x86: {  	v1 =	vadd.f32 v2, v1;
	_ =	sdelay $0x1  }
0x87: {  	[tilespmem:s23+$0x29E0] =	vst v1;
	v1 =	vld [tilespmem:s23+$0x29F0]  }
0x88: {  	v2 =	vld [tilespmem:s22+$0x30]  }
.Ltmp8:
0x89: {  	(pc) =	sbr.rel @p0 .LBB2_6-.Ltmp8, $2  }
0x8a: {  	_ =	sdelay $0x2  }
0x8b: {  	v1 =	vadd.f32 v2, v1  }
.Ltmp9:
0x8c: {  	_ = 	snop;
	(pc) =	sbr.rel .LBB2_7-.Ltmp9, $1  }
0x8d: {  	_ =	sdelay $0x3  }
.LBB2_10:
0x8e: {  	_ =	sfence.sel $0x180000  }
0x8f: {  	[bflag:$0x0] =	sbarrier.arrive $0xFFFF  }
0x90: {  	p0 =	sne.s32 s1, $0x0;
	_ =	strace $0x9000004A  }
0x91: {  	s0 =	sadd.s32 @!p0 $0x100000, s0;
	[bflag:$0x2] =	sbarrier.arrive $0xFFFF  }
0x92: {  	[sflag:s0] =	ssyncadd.tile.s32 @!p0 $0x1;
	_ =	shalt  }
.Lfunc_end2:
_tile_overlayer_lowered:
.L_overlay_start_2:
0x93: {  	(tag) =	ssettag $0x2  }
0x94: {  	s0 =	rddreg [dreg:$0x0];
	s2 =	stileid.u32  }
0x95: {  	s1 =	rddreg [dreg:$0x1];
	p0 =	sne.s32 s2, $0x0  }
0x96: {  	s3 =	rddreg [dreg:$0x2];
	[bflag:$0x3] =	sbarrier.arrive $0xFFFF;
	s2 =	simm.s32 @!p0 $0x1C02  }
0x97: {  	[timem:s3], [sflag:s2] =	dma.local @!p0 [hbm:s0], s1  }
0x98: {  	s0 =	simm.s32 @!p0 $0x2  }
0x99: {  	_ =	swait.ge @!p0 [sflag:s0], s1  }
0x9a: {  	s1 =	ssub.s32 @!p0 $0x0, s1;
	[sflag:s0] =	ssyncset.done @!p0 $0x0  }
0x9b: {  	[sflag:s0] =	ssyncadd.s32 @!p0 s1  }
0x9c: {  	[bflag:$0x3] =	sbarrier.arrive $0xFFFF  }
0x9d: {  	_ =	shalt  }

// kernel: kernel.18.cloned.1.call-start
scs
__scs_entry_jumppad:
0x0: {  	(pc) =	sbr.rel $0x88, $3  }
0x1: {  	(tag) =	ssettag $0x0;
	lr =	simm.s32 $0x1  }
0x2: {  	[smem:$0x3F8D] =	sst lr;
	_ =	strace $0xD0000000  }
0x3: {  	_ = 	snop  }
0x4: {  	_ = 	snop  }
0x5: {  	_ = 	snop  }
0x6: {  	_ = 	snop  }
0x7: {  	_ = 	snop  }
__scs_overlays_trampoline_lowered:
0x8: {  	[smem:$0x3F9C] =	sst s0  }
0x9: {  	[smem:$0x3F9D] =	sst s1  }
0xa: {  	[smem:$0x3F9E] =	sst s2  }
0xb: {  	[smem:$0x3F9F] =	sst s3  }
0xc: {  	[smem:$0x3FA0] =	sst s4  }
0xd: {  	[smem:$0x3FA1] =	sst s5  }
0xe: {  	[smem:$0x3FA2] =	sst s6  }
0xf: {  	[smem:$0x3FA3] =	sst s7  }
0x10: {  	[smem:$0x3FA4] =	sst s8  }
0x11: {  	[smem:$0x3FA5] =	sst s9;
	s0 =	simm.s32 @!p0 $0x0  }
0x12: {  	s1 =	sld [smem:$0x3F8B];
	s0 =	simm.s32 @p0 $0x1  }
0x13: {  	[smem:$0x3FA6] =	sst s0;
	s0 =	simm.s32 @!p1 $0x0  }
0x14: {  	s2 =	sld [smem:$0x3F8A];
	s0 =	simm.s32 @p1 $0x1  }
0x15: {  	[smem:$0x3FA7] =	sst s0;
	s0 =	simm.s32 @!p2 $0x0  }
0x16: {  	s3 =	sld [smem:$0x3FDB];
	s0 =	simm.s32 @p2 $0x1  }
0x17: {  	s4 =	simm.s32 $0x1BF5;
	[smem:$0x3FA9] =	sst s0  }
0x18: {  	s0 =	sld [smem:$0x3F8C];
	_ =	swait.ge [sflag:s4], $0x0  }
0x19: {  	s7 =	sld [smem:$0x3F8D]  }
0x1a: {  	s8 =	sadd.s32 $0xFFFFE003, lr  }
0x1b: {  	s9 =	sadd.s32 $0xFFFFFEF7, lr;
	s5 =	simm.s32 $0xFFFFFFFF;
	p2 =	slt.u32 s8, $0xFFFFF086  }
0x1c: {  	p1 =	slt.u32 s9, $0xF7A;
	s5 =	simm.s32 @!p2 $0x0  }
0x1d: {  	s5 =	simm.s32 @p1 $0x1;
	p0 =	seq.s32 s7, s2  }
0x1e: {  	s7 =	smul.u32 @!p0 $0xF7A, s2;
	p2 =	seq.s32 @!p0 s5, $0x0  }
0x1f: {  	s9 =	smul.u32 $0xF7A, s1;
	s8 =	simm.s32 @!p0 $0x1BF5;
	p2 =	por !p2, p0  }
0x20: {  	[sflag:s8] =	ssyncset.s32 @!p0 $0xFFFFF086;
	s6 =	sadd.s32 @!p0 s3, s7;
	s7 =	simm.s32 @!p0 $0x108  }
0x21: {  	s3 =	sadd.s32 s3, s9;
	s6 =	sadd.s32 @!p0 $0x88, s6;
	s7 =	simm.s32 @p2 $0x1082  }
0x22: {  	[simem:s7], [sflag:s8] =	dma.local @!p0 [hbm:s6], $0xF7A  }
0x23: {  	s9 =	sor.u32 $0xD0000000, s2;
	s6 =	simm.s32 $0x108;
	_ =	swait.ge @!p0 [sflag:s8], $0x0  }
0x24: {  	s3 =	sadd.s32 $0x88, s3;
	s6 =	simm.s32 @!p1 $0x1082;
	[sflag:s4] =	ssyncset.s32 $0xFFFFF086  }
0x25: {  	[simem:s6], [sflag:s4] =	dma.local [hbm:s3], $0xF7A  }
0x26: {  	[smem:$0x3F8D] =	sst s1;
	(tag) =	ssettag s2;
	_ =	strace s9  }
0x27: {  	s1 =	sld [smem:$0x3F9D]  }
0x28: {  	s2 =	sld [smem:$0x3F9E]  }
0x29: {  	s4 =	sld [smem:$0x3FA0]  }
0x2a: {  	p0 =	seq.s32 s5, $0x0;
	s5 =	sld [smem:$0x3FA1]  }
0x2b: {  	s6 =	sld [smem:$0x3FA2]  }
0x2c: {  	s7 =	sld [smem:$0x3FA3]  }
0x2d: {  	s3 =	simm.s32 $0x108;
	s8 =	sld [smem:$0x3FA4]  }
0x2e: {  	s3 =	simm.s32 @!p0 $0x1082;
	s9 =	sld [smem:$0x3FA5]  }
0x2f: {  	lr =	sadd.s32 s0, s3;
	s0 =	sld [smem:$0x3F9C]  }
0x30: {  	s3 =	sld [smem:$0x3F9F]  }
0x31: {  	[smem:$0x3FA8] =	sst s10  }
0x32: {  	s10 =	sld [smem:$0x3FA6];
	_ =	sdelay $0x3  }
0x33: {  	p0 =	seq.s32 s10, $0x1;
	s10 =	sld [smem:$0x3FA8];
	_ =	sdelay $0x3  }
0x34: {  	[smem:$0x3FA8] =	sst s10  }
0x35: {  	s10 =	sld [smem:$0x3FA7];
	_ =	sdelay $0x3  }
0x36: {  	p1 =	seq.s32 s10, $0x1;
	s10 =	sld [smem:$0x3FA8];
	_ =	sdelay $0x3  }
0x37: {  	[smem:$0x3FA8] =	sst s10  }
0x38: {  	s10 =	sld [smem:$0x3FA9]  }
0x39: {  	_ = 	snop;
	(pc) =	sbr.ind lr, $3  }
0x3a: {  	_ = 	snop  }
0x3b: {  	_ = 	snop  }
0x3c: {  	p2 =	seq.s32 s10, $0x1;
	s10 =	sld [smem:$0x3FA8]  }
0x3d: {  	_ =	shalt  }
0x3e: {  	_ =	shalt  }
0x3f: {  	_ =	shalt  }
0x40: {  	_ =	shalt  }
0x41: {  	_ =	shalt  }
0x42: {  	_ =	shalt  }
0x43: {  	_ =	shalt  }
0x44: {  	_ =	shalt  }
0x45: {  	_ =	shalt  }
0x46: {  	_ =	shalt  }
0x47: {  	_ =	shalt  }
0x48: {  	_ =	shalt  }
0x49: {  	_ =	shalt  }
0x4a: {  	_ =	shalt  }
0x4b: {  	_ =	shalt  }
0x4c: {  	_ =	shalt  }
0x4d: {  	_ =	shalt  }
0x4e: {  	_ =	shalt  }
0x4f: {  	_ =	shalt  }
0x50: {  	_ =	shalt  }
0x51: {  	_ =	shalt  }
0x52: {  	_ =	shalt  }
0x53: {  	_ =	shalt  }
0x54: {  	_ =	shalt  }
0x55: {  	_ =	shalt  }
0x56: {  	_ =	shalt  }
0x57: {  	_ =	shalt  }
0x58: {  	_ =	shalt  }
0x59: {  	_ =	shalt  }
0x5a: {  	_ =	shalt  }
0x5b: {  	_ =	shalt  }
0x5c: {  	_ =	shalt  }
0x5d: {  	_ =	shalt  }
0x5e: {  	_ =	shalt  }
0x5f: {  	_ =	shalt  }
0x60: {  	_ =	shalt  }
0x61: {  	_ =	shalt  }
0x62: {  	_ =	shalt  }
0x63: {  	_ =	shalt  }
0x64: {  	_ =	shalt  }
0x65: {  	_ =	shalt  }
0x66: {  	_ =	shalt  }
0x67: {  	_ =	shalt  }
0x68: {  	_ =	shalt  }
0x69: {  	_ =	shalt  }
0x6a: {  	_ =	shalt  }
0x6b: {  	_ =	shalt  }
0x6c: {  	_ =	shalt  }
0x6d: {  	_ =	shalt  }
0x6e: {  	_ =	shalt  }
0x6f: {  	_ =	shalt  }
0x70: {  	_ =	shalt  }
0x71: {  	_ =	shalt  }
0x72: {  	_ =	shalt  }
0x73: {  	_ =	shalt  }
0x74: {  	_ =	shalt  }
0x75: {  	_ =	shalt  }
0x76: {  	_ =	shalt  }
0x77: {  	_ =	shalt  }
0x78: {  	_ =	shalt  }
0x79: {  	_ =	shalt  }
0x7a: {  	_ =	shalt  }
0x7b: {  	_ =	shalt  }
0x7c: {  	_ =	shalt  }
0x7d: {  	_ =	shalt  }
0x7e: {  	_ =	shalt  }
0x7f: {  	_ =	shalt  }
0x80: {  	_ =	shalt  }
0x81: {  	_ =	shalt  }
0x82: {  	_ =	shalt  }
0x83: {  	_ =	shalt  }
0x84: {  	_ =	shalt  }
0x85: {  	_ =	shalt  }
0x86: {  	_ =	shalt  }
0x87: {  	_ =	shalt  }
.Lfunc_end0:
.L_simem_size_0:
called_computation.2_lowered:
.L_overlay_start_0:
0x88: {  	s2 =	sld [smem:$0x3FD9]  }
0x89: {  	s3 =	sld [smem:$0x3FFE];
	_ =	sdelay $0x1  }
0x8a: {  	s1 =	srdreg.scid  }
0x8b: {  	s0 =	sand.u32 $0x1, s1  }
0x8c: {  	s14 =	sshll.u32 s0, $0xA;
	s2 =	sadd.s32 s3, s2  }
0x8d: {  	s2 =	sadd.s32 s2, s14  }
0x8e: {  	[smem:$0x3FB4] =	sst s2  }
0x8f: {  	_ = 	snop  }
0x90: {  	s2 =	sld [smem:$0x3FD0];
	_ =	sdelay $0x2  }
0x91: {  	s15 =	simm.s32 $0xA;
	s4 =	simm.s32 $0x10  }
0x92: {  	[smem:s4], [sflag:s15] =	dma.local [hbm:s2], $0x1  }
0x93: {  	_ =	swait.eq [sflag:s15], $0x1  }
0x94: {  	[sflag:s15] =	ssyncset.done $0x0  }
0x95: {  	[sflag:s15] =	ssyncadd.s32 $0xFFFFFFFF  }
0x96: {  	s16 =	sld [smem:$0x11];
	(tm) =	ssettm $0x1  }
0x97: {  	s17 =	sld [smem:$0x3FFB];
	_ =	sdelay $0x3  }
0x98: {  	_ =	strace s17  }
0x99: {  	s3 =	sld [smem:$0x3FFC];
	_ =	sdelay $0x3  }
0x9a: {  	_ =	strace s3  }
0x9b: {  	s3 =	sld [smem:$0x3FFD];
	_ =	sdelay $0x3  }
0x9c: {  	_ =	strace s3  }
0x9d: {  	_ =	strace $0x8FFFFFFF  }
0x9e: {  	s18 =	sld [smem:$0x3FDB];
	_ =	sdelay $0x1  }
0x9f: {  	s19 =	simm.s32 $_scs_section_size  }
0xa0: {  	s5 =	simm.s32 $_size__tile_overlayer_lowered;
	s6 =	simm.s32 $_tile_overlayer_lowered  }
0xa1: {  	s22 =	simm.s32 $0x1BFF;
	s21 =	sshll.u32 s6, $0x1;
	s3 =	sadd.s32 s19, s18  }
0xa2: {  	s7 =	simm.s32 $0x0;
	s20 =	sshll.u32 s5, $0x1;
	s5 =	sadd.s32 s21, s3  }
0xa3: {  	[timem:s7], [sflag:s22] =	dma.local [hbm:s5], s20  }
0xa4: {  	_ =	swait.ge [sflag:s22], s20  }
0xa5: {  	s4 =	ssub.s32 $0x0, s20;
	[sflag:s22] =	ssyncset.done $0x0  }
0xa6: {  	[sflag:s22] =	ssyncadd.s32 s4;
	_ =	sdelay $0x1  }
0xa7: {  	s23 =	simm.s32 $0x1B8B  }
0xa8: {  	_ =	swait.ge [sflag:s23], $0x1  }
0xa9: {  	[sflag:s23] =	ssyncset.done $0x0  }
0xaa: {  	s25 =	simm.s32 $0x1B8E;
	s24 =	sld [smem:$0x3FFE];
	[sflag:s23] =	ssyncadd.s32 $0xFFFFFFFF  }
0xab: {  	s26 =	simm.s32 $execute0_lowered;
	[smem:$0x3FD2] =	sst s25  }
0xac: {  	s5 =	sshll.u32 s26, $0x1;
	_ =	strace $0x8000004C;
	[dreg:$0x1] =	wrdreg $0xFFFFFFFF  }
0xad: {  	s28 =	simm.s32 $_size_execute0_lowered;
	s3 =	sadd.s32 s3, s5;
	[dreg:$0x0] =	wrdreg $0x0  }
0xae: {  	s5 =	sshll.u32 s28, $0x1;
	[dreg:$0x2] =	wrdreg s3  }
0xaf: {  	[dreg:$0x3] =	wrdreg s5  }
0xb0: {  	[dreg:$0x4] =	wrdreg $0xC0  }
0xb1: {  	_ =	task [dreg:s7], $0x5FFFF  }
0xb2: {  	[dreg:$0x1] =	wrdreg $0xFFFFFFFF  }
0xb3: {  	[dreg:$0x0] =	wrdreg $0x60  }
0xb4: {  	[dreg:$0x2] =	wrdreg s16  }
0xb5: {  	[dreg:$0x3] =	wrdreg s24  }
0xb6: {  	[dreg:$0x4] =	wrdreg $0x9  }
0xb7: {  	_ =	task.clear_ibuf [dreg:s7], $0x5FFFF;
	_ =	strace $0x9000004C  }
0xb8: {  	s29 =	simm.s32 $0x9;
	_ =	strace $0x8000004E  }
0xb9: {  	_ =	swait.ge [sflag:s29], $0x1  }
0xba: {  	[sflag:s29] =	ssyncadd.s32 $0xFFFFFFFF  }
0xbb: {  	_ =	strace $0x9000004E  }
0xbc: {  	_ =	sfence  }
0xbd: {  	s30 =	sld [smem:$0x0];
	_ =	sdelay $0x2  }
0xbe: {  	s31 =	sshll.u32 s1, $0xD;
	s1 =	sshrl.u32 s1, $0x2  }
0xbf: {  	s3 =	sand.u32 $0x4000, s31;
	s1 =	sadd.s32 s1, s30  }
0xc0: {  	s0 =	sor.u32 s3, s0;
	s1 =	sshll.u32 s1, $0x11  }
0xc1: {  	s0 =	sor.u32 s1, s0  }
0xc2: {  	s0 =	sadd.s32 $0x8F2B, s0  }
0xc3: {  	[sflag:s0] =	ssyncadd.remote.s32 $0x1  }
0xc4: {  	_ =	sfence.sel $0xFFFF  }
0xc5: {  	[dreg:$0x0] =	wrdreg $0xFFFFFFFF;
	(pc) =	sbr.abs _section_cstart, $3  }
0xc6: {  	[dreg:$0x1] =	wrdreg $0xFFFFFFFF  }
0xc7: {  	_ =	task.clear_ibuf [dreg:s7], $0x2FFFF;
	_ =	strace $0x9FFFFFFF  }
0xc8: {  	(tm) =	ssettm $0x7FFFFFFF  }
0xc9: {  	_ =	shalt  }
tec
execute0_lowered:
.L_overlay_start_1:
0x0: {  	(tag) =	ssettag $0x1  }
0x1: {  	s2 =	rddreg [dreg:$0x0]  }
0x2: {  	s6 =	rddreg [dreg:$0x1]  }
0x3: {  	s0 =	rddreg [dreg:$0x2]  }
0x4: {  	s4 =	srdreg.scid;
	s1 =	stileid.u32  }
0x5: {  	s3 =	simm.s32 $0x0;
	s12 =	simm.s32 $0x1;
	s13 =	simm.s32 $0x50  }
0x6: {  	s14 =	simm.s32 $0x180;
	s15 =	simm.s32 $0x2980;
	s16 =	simm.s32 $0x0  }
0x7: {  	s7 =	sand.u32 $0x1, s4;
	s30 =	sshll.u32 s1, $0x1;
	[smem:$0x7FF] =	sst s3  }
0x8: {  	s4 =	sadd.s32 $0xF000, s6;
	s5 =	sadd.s32 $0x147800, s6;
	s8 =	sor.u32 s7, s30  }
.Ltmp0:
0x9: {  	_ =	strace $0x8000004D;
	s7 =	ssub.s32 $0x2, s7;
	(pc) =	sbr.rel .LBB2_1-.Ltmp0, $4  }
0xa: {  	s9 =	smul.u32 $0x1400, s8;
	s10 =	sshll.u32 s8, $0x1;
	s31 =	sshrl.u32 s7, $0x1  }
0xb: {  	s10 =	sadd.s32 s10, s6;
	s11 =	ssub.s32 s7, s31;
	s7 =	smul.u32 $0x4E200, s8  }
0xc: {  	s9 =	sadd.s32 s9, s6;
	s6 =	sadd.s32 $0x280000, s10;
	s10 =	simm.s32 $0x100  }
0xd: {  	v0 =	vimm.f32 $0.0e+00;
	s8 =	sadd.s32 $0x2A7400, s9;
	s9 =	smax.u32 s11, $0x1;
	s11 =	simm.s32 $0x2  }
.LBB2_9:
0xe: {  	s16 =	sadd.s32 $0x1, s16  }
0xf: {  	p0 =	sne.s32 s16, s9  }
.Ltmp1:
0x10: {  	_ = 	snop;
	(pc) =	sbr.rel @!p0 .LBB2_10-.Ltmp1, $4  }
0x11: {  	[hbm4b:s8+s3] =	stream.linear.scatter [tilespmem:s15], [sflag:$0x2], $0xA000, $0x38;
	[tilespmem:$0xC980] =	vst v63  }
0x12: {  	_ =	swait.ge [sflag:s11], $0xA000  }
0x13: {  	[sflag:s11] =	ssyncset.done $0x0  }
0x14: {  	[sflag:s11] =	ssyncadd.s32 $0xFFFF6000  }
.LBB2_1:
0x15: {  	s17 =	simm.s32 $0x40;
	s18 =	simm.s32 $0x0  }
.LBB2_2:
0x16: {  	p0 =	sne.s32 s17, $0x27FC0;
	[tilespmem:s18+$0x2980] =	vst v0;
	s18 =	smov.u32 s17;
	s17 =	sadd.s32 $0x40, s17  }
.Ltmp2:
0x17: {  	(pc) =	sbr.rel @p0 .LBB2_2-.Ltmp2, $2  }
0x18: {  	_ =	sdelay $0x2  }
0x19: {  	s18 =	sshra.s32 s18, $0x2  }
0x1a: {  	[tilespmem:s18+$0x2980] =	vst v0;
	s17 =	simm.s32 $0x0  }
0x1b: {  	[tilespmem:s10], [sflag:$0x2] =	stream.linear.gather [hbm4b:s6+s17], $0x10, $0x38;
	[tilespmem:$0xC980] =	vst v63  }
0x1c: {  	_ =	swait.ge [sflag:s11], $0x10  }
0x1d: {  	[sflag:s11] =	ssyncset.done $0x0  }
0x1e: {  	[sflag:s11] =	ssyncadd.s32 $0xFFFFFFF0  }
0x1f: {  	v1 =	vld [tilespmem:$0x100];
	_ =	sdelay $0x4  }
0x20: {  	(v2sf) =	vpush v1, $0x0;
	_ =	sdelay $0xe  }
0x21: {  	s18 =	spop (v2sf)  }
0x22: {  	s19 =	sadd.s32 $0x4F, s18  }
0x23: {  	s20 =	smulhi.u32 $0x66666667, s19;
	s21 =	sshra.s32 s19, $0x1F  }
0x24: {  	s21 =	smul.u32 $0x66666667, s21;
	_ =	sdelay $0x1  }
0x25: {  	s20 =	sadd.s32 s21, s20  }
0x26: {  	s21 =	sshrl.u32 s20, $0x1F;
	s20 =	sshra.s32 s20, $0x5  }
0x27: {  	s20 =	sadd.s32 s21, s20  }
0x28: {  	s21 =	smul.u32 $0xFFFFFFB0, s20  }
0x29: {  	s22 =	ssub.s32 $0xFFFFFFB1, s18  }
0x2a: {  	p0 =	slt.s32 s19, $0x1;
	p1 =	sne.s32 s21, s22  }
0x2b: {  	p0 =	por !p0, !p1  }
0x2c: {  	s19 =	simm.s32 $0x1;
	p0 =	por !p0, !p0  }
0x2d: {  	s19 =	simm.s32 @!p0 $0x0  }
0x2e: {  	s19 =	ssub.s32 s20, s19  }
0x2f: {  	p0 =	slt.s32 s19, $0x1  }
.Ltmp3:
0x30: {  	_ = 	snop;
	(pc) =	sbr.rel @!p0 .LBB2_4-.Ltmp3, $4  }
.Ltmp4:
0x31: {  	_ = 	snop;
	(pc) =	sbr.rel @p0 .LBB2_9-.Ltmp4, $4  }
0x32: {  	_ = 	snop  }
0x33: {  	_ = 	snop  }
0x34: {  	s20 =	smov.u32 s18  }
0x35: {  	_ = 	snop  }
.LBB2_7:
0x36: {  	[tilespmem:s23+$0x29F0] =	vst v1  }
.LBB2_8:
0x37: {  	s17 =	sadd.s32 $0x1, s17  }
0x38: {  	p0 =	sne.s32 s17, s19  }
.Ltmp5:
0x39: {  	_ = 	snop;
	(pc) =	sbr.rel @!p0 .LBB2_9-.Ltmp5, $2  }
0x3a: {  	_ =	sdelay $0x2  }
0x3b: {  	s20 =	sadd.s32 $0xFFFFFFB0, s20  }
.LBB2_4:
0x3c: {  	s22 =	smul.u32 $0x50, s17;
	_ =	sdelay $0x1  }
0x3d: {  	s21 =	sadd.s32 s7, s22  }
0x3e: {  	s21 =	sshrl.u32 s21, $0x3  }
0x3f: {  	s23 =	sadd.s32 s4, s21  }
0x40: {  	[tilespmem:s3], [sflag:$0x2] =	stream.linear.gather [hbm4b:s23+s3], $0x50, $0x38;
	[tilespmem:$0xC980] =	vst v63  }
0x41: {  	_ =	swait.ge [sflag:s11], $0x50  }
0x42: {  	[sflag:s11] =	ssyncset.done $0x0  }
0x43: {  	s31 =	sadd.s32 s5, s21;
	s21 =	simm.s32 $0x80;
	[sflag:s11] =	ssyncadd.s32 $0xFFFFFFB0  }
0x44: {  	[tilespmem:s21], [sflag:$0x2] =	stream.linear.gather [hbm4b:s31+s3], $0x50, $0x38;
	[tilespmem:$0xC980] =	vst v63  }
0x45: {  	s22 =	ssub.s32 s18, s22;
	_ =	swait.ge [sflag:s11], $0x50  }
0x46: {  	p0 =	slt.s32 s22, $0x1;
	[sflag:s11] =	ssyncset.done $0x0  }
.Ltmp6:
0x47: {  	[sflag:s11] =	ssyncadd.s32 $0xFFFFFFB0;
	(pc) =	sbr.rel @p0 .LBB2_8-.Ltmp6, $4  }
0x48: {  	[tilespmem:s14], [sflag:$0x1] =	stream.indirect.gather [hbm4b:s2+s13], $0x80, s3, s13, $0xb8;
	[tilespmem:$0xC980] =	vst v63  }
0x49: {  	_ =	swait.ge [sflag:s12], $0x2800  }
0x4a: {  	[sflag:s12] =	ssyncset.done $0x0  }
0x4b: {  	[sflag:s12] =	ssyncadd.s32 $0xFFFFD800  }
0x4c: {  	v1 =	vld [tilespmem:s21+$0x0];
	_ =	sdelay $0x4  }
0x4d: {  	(v2sf) =	vpush v1, $0x0;
	_ =	sdelay $0xe  }
0x4e: {  	s23 =	spop (v2sf)  }
0x4f: {  	s22 =	simm.s32 $0x1C0;
	s23 =	sshll.u32 s23, $0x9  }
0x50: {  	v1 =	vld [tilespmem:s22+$0xFFFFFFC0];
	s23 =	sshra.s32 s23, $0x2  }
0x51: {  	v2 =	vld [tilespmem:s23+$0x2980];
	_ =	sdelay $0x4  }
0x52: {  	v1 =	vadd.f32 v1, v2;
	_ =	sdelay $0x1  }
0x53: {  	[tilespmem:s23+$0x2980] =	vst v1;
	v1 =	vld [tilespmem:s23+$0x2990]  }
0x54: {  	v2 =	vld [tilespmem:s22+$0xFFFFFFD0];
	_ =	sdelay $0x4  }
0x55: {  	v1 =	vadd.f32 v2, v1;
	_ =	sdelay $0x1  }
0x56: {  	[tilespmem:s23+$0x2990] =	vst v1;
	v1 =	vld [tilespmem:s23+$0x29A0]  }
0x57: {  	v2 =	vld [tilespmem:s22+$0xFFFFFFE0];
	_ =	sdelay $0x4  }
0x58: {  	v1 =	vadd.f32 v2, v1;
	_ =	sdelay $0x1  }
0x59: {  	[tilespmem:s23+$0x29A0] =	vst v1;
	v1 =	vld [tilespmem:s23+$0x29B0]  }
0x5a: {  	v2 =	vld [tilespmem:s22+$0xFFFFFFF0];
	_ =	sdelay $0x4  }
0x5b: {  	v1 =	vadd.f32 v2, v1;
	_ =	sdelay $0x1  }
0x5c: {  	[tilespmem:s23+$0x29B0] =	vst v1;
	v1 =	vld [tilespmem:s23+$0x29C0]  }
0x5d: {  	v2 =	vld [tilespmem:s22+$0x0];
	_ =	sdelay $0x4  }
0x5e: {  	v1 =	vadd.f32 v2, v1;
	_ =	sdelay $0x1  }
0x5f: {  	[tilespmem:s23+$0x29C0] =	vst v1;
	v1 =	vld [tilespmem:s23+$0x29D0]  }
0x60: {  	v2 =	vld [tilespmem:s22+$0x10];
	_ =	sdelay $0x4  }
0x61: {  	v1 =	vadd.f32 v2, v1;
	_ =	sdelay $0x1  }
0x62: {  	[tilespmem:s23+$0x29D0] =	vst v1;
	v1 =	vld [tilespmem:s23+$0x29E0]  }
0x63: {  	v2 =	vld [tilespmem:s22+$0x20];
	_ =	sdelay $0x4  }
0x64: {  	v1 =	vadd.f32 v2, v1  }
0x65: {  	p0 =	sgt.s32 s20, $0x1;
	s24 =	smov.u32 s20  }
0x66: {  	s24 =	simm.s32 @!p0 $0x1;
	[tilespmem:s23+$0x29E0] =	vst v1;
	v1 =	vld [tilespmem:s23+$0x29F0]  }
0x67: {  	s24 =	smin.u32 s24, $0x50;
	v2 =	vld [tilespmem:s22+$0x30]  }
0x68: {  	p0 =	sne.s32 s24, $0x1  }
.Ltmp7:
0x69: {  	_ = 	snop;
	(pc) =	sbr.rel @!p0 .LBB2_7-.Ltmp7, $3  }
0x6a: {  	_ =	sdelay $0x1  }
0x6b: {  	v1 =	vadd.f32 v2, v1  }
0x6c: {  	s24 =	sadd.s32 $0xFFFFFFFF, s24  }
.LBB2_6:
0x6d: {  	p0 =	sne.s32 s24, $0x1;
	[tilespmem:s23+$0x29F0] =	vst v1;
	s21 =	sadd.s32 $0x1, s21;
	s22 =	sadd.s32 $0x80, s22  }
0x6e: {  	s24 =	sadd.s32 $0xFFFFFFFF, s24;
	v1 =	vld [tilespmem:s21+$0x0];
	_ =	sdelay $0x4  }
0x6f: {  	(v2sf) =	vpush v1, $0x0;
	_ =	sdelay $0xe  }
0x70: {  	s23 =	spop (v2sf)  }
0x71: {  	s23 =	sshll.u32 s23, $0x9  }
0x72: {  	s23 =	sshra.s32 s23, $0x2;
	v1 =	vld [tilespmem:s22+$0xFFFFFFC0]  }
0x73: {  	v2 =	vld [tilespmem:s23+$0x2980];
	_ =	sdelay $0x4  }
0x74: {  	v1 =	vadd.f32 v1, v2;
	_ =	sdelay $0x1  }
0x75: {  	[tilespmem:s23+$0x2980] =	vst v1;
	v1 =	vld [tilespmem:s23+$0x2990]  }
0x76: {  	v2 =	vld [tilespmem:s22+$0xFFFFFFD0];
	_ =	sdelay $0x4  }
0x77: {  	v1 =	vadd.f32 v2, v1;
	_ =	sdelay $0x1  }
0x78: {  	[tilespmem:s23+$0x2990] =	vst v1;
	v1 =	vld [tilespmem:s23+$0x29A0]  }
0x79: {  	v2 =	vld [tilespmem:s22+$0xFFFFFFE0];
	_ =	sdelay $0x4  }
0x7a: {  	v1 =	vadd.f32 v2, v1;
	_ =	sdelay $0x1  }
0x7b: {  	[tilespmem:s23+$0x29A0] =	vst v1;
	v1 =	vld [tilespmem:s23+$0x29B0]  }
0x7c: {  	v2 =	vld [tilespmem:s22+$0xFFFFFFF0];
	_ =	sdelay $0x4  }
0x7d: {  	v1 =	vadd.f32 v2, v1;
	_ =	sdelay $0x1  }
0x7e: {  	[tilespmem:s23+$0x29B0] =	vst v1;
	v1 =	vld [tilespmem:s23+$0x29C0]  }
0x7f: {  	v2 =	vld [tilespmem:s22+$0x0];
	_ =	sdelay $0x4  }
0x80: {  	v1 =	vadd.f32 v2, v1;
	_ =	sdelay $0x1  }
0x81: {  	[tilespmem:s23+$0x29C0] =	vst v1;
	v1 =	vld [tilespmem:s23+$0x29D0]  }
0x82: {  	v2 =	vld [tilespmem:s22+$0x10];
	_ =	sdelay $0x4  }
0x83: {  	v1 =	vadd.f32 v2, v1;
	_ =	sdelay $0x1  }
0x84: {  	[tilespmem:s23+$0x29D0] =	vst v1;
	v1 =	vld [tilespmem:s23+$0x29E0]  }
0x85: {  	v2 =	vld [tilespmem:s22+$0x20];
	_ =	sdelay $0x4  }
0x86: {  	v1 =	vadd.f32 v2, v1;
	_ =	sdelay $0x1  }
0x87: {  	[tilespmem:s23+$0x29E0] =	vst v1;
	v1 =	vld [tilespmem:s23+$0x29F0]  }
0x88: {  	v2 =	vld [tilespmem:s22+$0x30]  }
.Ltmp8:
0x89: {  	(pc) =	sbr.rel @p0 .LBB2_6-.Ltmp8, $2  }
0x8a: {  	_ =	sdelay $0x2  }
0x8b: {  	v1 =	vadd.f32 v2, v1  }
.Ltmp9:
0x8c: {  	_ = 	snop;
	(pc) =	sbr.rel .LBB2_7-.Ltmp9, $1  }
0x8d: {  	_ =	sdelay $0x3  }
.LBB2_10:
0x8e: {  	_ =	sfence.sel $0x180000  }
0x8f: {  	[bflag:$0x0] =	sbarrier.arrive $0xFFFF  }
0x90: {  	p0 =	sne.s32 s1, $0x0;
	_ =	strace $0x9000004D  }
0x91: {  	s0 =	sadd.s32 @!p0 $0x100000, s0;
	[bflag:$0x2] =	sbarrier.arrive $0xFFFF  }
0x92: {  	[sflag:s0] =	ssyncadd.tile.s32 @!p0 $0x1;
	_ =	shalt  }
.Lfunc_end2:
_tile_overlayer_lowered:
.L_overlay_start_2:
0x93: {  	(tag) =	ssettag $0x2  }
0x94: {  	s0 =	rddreg [dreg:$0x0];
	s2 =	stileid.u32  }
0x95: {  	s1 =	rddreg [dreg:$0x1];
	p0 =	sne.s32 s2, $0x0  }
0x96: {  	s3 =	rddreg [dreg:$0x2];
	[bflag:$0x3] =	sbarrier.arrive $0xFFFF;
	s2 =	simm.s32 @!p0 $0x1C02  }
0x97: {  	[timem:s3], [sflag:s2] =	dma.local @!p0 [hbm:s0], s1  }
0x98: {  	s0 =	simm.s32 @!p0 $0x2  }
0x99: {  	_ =	swait.ge @!p0 [sflag:s0], s1  }
0x9a: {  	s1 =	ssub.s32 @!p0 $0x0, s1;
	[sflag:s0] =	ssyncset.done @!p0 $0x0  }
0x9b: {  	[sflag:s0] =	ssyncadd.s32 @!p0 s1  }
0x9c: {  	[bflag:$0x3] =	sbarrier.arrive $0xFFFF  }
0x9d: {  	_ =	shalt  }

// kernel: kernel.21.cloned.1.call-start
scs
__scs_entry_jumppad:
0x0: {  	(pc) =	sbr.rel $0x88, $3  }
0x1: {  	(tag) =	ssettag $0x0;
	lr =	simm.s32 $0x1  }
0x2: {  	[smem:$0x3F8D] =	sst lr;
	_ =	strace $0xD0000000  }
0x3: {  	_ = 	snop  }
0x4: {  	_ = 	snop  }
0x5: {  	_ = 	snop  }
0x6: {  	_ = 	snop  }
0x7: {  	_ = 	snop  }
__scs_overlays_trampoline_lowered:
0x8: {  	[smem:$0x3F9C] =	sst s0  }
0x9: {  	[smem:$0x3F9D] =	sst s1  }
0xa: {  	[smem:$0x3F9E] =	sst s2  }
0xb: {  	[smem:$0x3F9F] =	sst s3  }
0xc: {  	[smem:$0x3FA0] =	sst s4  }
0xd: {  	[smem:$0x3FA1] =	sst s5  }
0xe: {  	[smem:$0x3FA2] =	sst s6  }
0xf: {  	[smem:$0x3FA3] =	sst s7  }
0x10: {  	[smem:$0x3FA4] =	sst s8  }
0x11: {  	[smem:$0x3FA5] =	sst s9;
	s0 =	simm.s32 @!p0 $0x0  }
0x12: {  	s1 =	sld [smem:$0x3F8B];
	s0 =	simm.s32 @p0 $0x1  }
0x13: {  	[smem:$0x3FA6] =	sst s0;
	s0 =	simm.s32 @!p1 $0x0  }
0x14: {  	s2 =	sld [smem:$0x3F8A];
	s0 =	simm.s32 @p1 $0x1  }
0x15: {  	[smem:$0x3FA7] =	sst s0;
	s0 =	simm.s32 @!p2 $0x0  }
0x16: {  	s3 =	sld [smem:$0x3FDB];
	s0 =	simm.s32 @p2 $0x1  }
0x17: {  	s4 =	simm.s32 $0x1BF5;
	[smem:$0x3FA9] =	sst s0  }
0x18: {  	s0 =	sld [smem:$0x3F8C];
	_ =	swait.ge [sflag:s4], $0x0  }
0x19: {  	s7 =	sld [smem:$0x3F8D]  }
0x1a: {  	s8 =	sadd.s32 $0xFFFFE003, lr  }
0x1b: {  	s9 =	sadd.s32 $0xFFFFFEF7, lr;
	s5 =	simm.s32 $0xFFFFFFFF;
	p2 =	slt.u32 s8, $0xFFFFF086  }
0x1c: {  	p1 =	slt.u32 s9, $0xF7A;
	s5 =	simm.s32 @!p2 $0x0  }
0x1d: {  	s5 =	simm.s32 @p1 $0x1;
	p0 =	seq.s32 s7, s2  }
0x1e: {  	s7 =	smul.u32 @!p0 $0xF7A, s2;
	p2 =	seq.s32 @!p0 s5, $0x0  }
0x1f: {  	s9 =	smul.u32 $0xF7A, s1;
	s8 =	simm.s32 @!p0 $0x1BF5;
	p2 =	por !p2, p0  }
0x20: {  	[sflag:s8] =	ssyncset.s32 @!p0 $0xFFFFF086;
	s6 =	sadd.s32 @!p0 s3, s7;
	s7 =	simm.s32 @!p0 $0x108  }
0x21: {  	s3 =	sadd.s32 s3, s9;
	s6 =	sadd.s32 @!p0 $0x88, s6;
	s7 =	simm.s32 @p2 $0x1082  }
0x22: {  	[simem:s7], [sflag:s8] =	dma.local @!p0 [hbm:s6], $0xF7A  }
0x23: {  	s9 =	sor.u32 $0xD0000000, s2;
	s6 =	simm.s32 $0x108;
	_ =	swait.ge @!p0 [sflag:s8], $0x0  }
0x24: {  	s3 =	sadd.s32 $0x88, s3;
	s6 =	simm.s32 @!p1 $0x1082;
	[sflag:s4] =	ssyncset.s32 $0xFFFFF086  }
0x25: {  	[simem:s6], [sflag:s4] =	dma.local [hbm:s3], $0xF7A  }
0x26: {  	[smem:$0x3F8D] =	sst s1;
	(tag) =	ssettag s2;
	_ =	strace s9  }
0x27: {  	s1 =	sld [smem:$0x3F9D]  }
0x28: {  	s2 =	sld [smem:$0x3F9E]  }
0x29: {  	s4 =	sld [smem:$0x3FA0]  }
0x2a: {  	p0 =	seq.s32 s5, $0x0;
	s5 =	sld [smem:$0x3FA1]  }
0x2b: {  	s6 =	sld [smem:$0x3FA2]  }
0x2c: {  	s7 =	sld [smem:$0x3FA3]  }
0x2d: {  	s3 =	simm.s32 $0x108;
	s8 =	sld [smem:$0x3FA4]  }
0x2e: {  	s3 =	simm.s32 @!p0 $0x1082;
	s9 =	sld [smem:$0x3FA5]  }
0x2f: {  	lr =	sadd.s32 s0, s3;
	s0 =	sld [smem:$0x3F9C]  }
0x30: {  	s3 =	sld [smem:$0x3F9F]  }
0x31: {  	[smem:$0x3FA8] =	sst s10  }
0x32: {  	s10 =	sld [smem:$0x3FA6];
	_ =	sdelay $0x3  }
0x33: {  	p0 =	seq.s32 s10, $0x1;
	s10 =	sld [smem:$0x3FA8];
	_ =	sdelay $0x3  }
0x34: {  	[smem:$0x3FA8] =	sst s10  }
0x35: {  	s10 =	sld [smem:$0x3FA7];
	_ =	sdelay $0x3  }
0x36: {  	p1 =	seq.s32 s10, $0x1;
	s10 =	sld [smem:$0x3FA8];
	_ =	sdelay $0x3  }
0x37: {  	[smem:$0x3FA8] =	sst s10  }
0x38: {  	s10 =	sld [smem:$0x3FA9]  }
0x39: {  	_ = 	snop;
	(pc) =	sbr.ind lr, $3  }
0x3a: {  	_ = 	snop  }
0x3b: {  	_ = 	snop  }
0x3c: {  	p2 =	seq.s32 s10, $0x1;
	s10 =	sld [smem:$0x3FA8]  }
0x3d: {  	_ =	shalt  }
0x3e: {  	_ =	shalt  }
0x3f: {  	_ =	shalt  }
0x40: {  	_ =	shalt  }
0x41: {  	_ =	shalt  }
0x42: {  	_ =	shalt  }
0x43: {  	_ =	shalt  }
0x44: {  	_ =	shalt  }
0x45: {  	_ =	shalt  }
0x46: {  	_ =	shalt  }
0x47: {  	_ =	shalt  }
0x48: {  	_ =	shalt  }
0x49: {  	_ =	shalt  }
0x4a: {  	_ =	shalt  }
0x4b: {  	_ =	shalt  }
0x4c: {  	_ =	shalt  }
0x4d: {  	_ =	shalt  }
0x4e: {  	_ =	shalt  }
0x4f: {  	_ =	shalt  }
0x50: {  	_ =	shalt  }
0x51: {  	_ =	shalt  }
0x52: {  	_ =	shalt  }
0x53: {  	_ =	shalt  }
0x54: {  	_ =	shalt  }
0x55: {  	_ =	shalt  }
0x56: {  	_ =	shalt  }
0x57: {  	_ =	shalt  }
0x58: {  	_ =	shalt  }
0x59: {  	_ =	shalt  }
0x5a: {  	_ =	shalt  }
0x5b: {  	_ =	shalt  }
0x5c: {  	_ =	shalt  }
0x5d: {  	_ =	shalt  }
0x5e: {  	_ =	shalt  }
0x5f: {  	_ =	shalt  }
0x60: {  	_ =	shalt  }
0x61: {  	_ =	shalt  }
0x62: {  	_ =	shalt  }
0x63: {  	_ =	shalt  }
0x64: {  	_ =	shalt  }
0x65: {  	_ =	shalt  }
0x66: {  	_ =	shalt  }
0x67: {  	_ =	shalt  }
0x68: {  	_ =	shalt  }
0x69: {  	_ =	shalt  }
0x6a: {  	_ =	shalt  }
0x6b: {  	_ =	shalt  }
0x6c: {  	_ =	shalt  }
0x6d: {  	_ =	shalt  }
0x6e: {  	_ =	shalt  }
0x6f: {  	_ =	shalt  }
0x70: {  	_ =	shalt  }
0x71: {  	_ =	shalt  }
0x72: {  	_ =	shalt  }
0x73: {  	_ =	shalt  }
0x74: {  	_ =	shalt  }
0x75: {  	_ =	shalt  }
0x76: {  	_ =	shalt  }
0x77: {  	_ =	shalt  }
0x78: {  	_ =	shalt  }
0x79: {  	_ =	shalt  }
0x7a: {  	_ =	shalt  }
0x7b: {  	_ =	shalt  }
0x7c: {  	_ =	shalt  }
0x7d: {  	_ =	shalt  }
0x7e: {  	_ =	shalt  }
0x7f: {  	_ =	shalt  }
0x80: {  	_ =	shalt  }
0x81: {  	_ =	shalt  }
0x82: {  	_ =	shalt  }
0x83: {  	_ =	shalt  }
0x84: {  	_ =	shalt  }
0x85: {  	_ =	shalt  }
0x86: {  	_ =	shalt  }
0x87: {  	_ =	shalt  }
.Lfunc_end0:
.L_simem_size_0:
called_computation.3_lowered:
.L_overlay_start_0:
0x88: {  	s2 =	sld [smem:$0x3FD9]  }
0x89: {  	s3 =	sld [smem:$0x3FFE];
	_ =	sdelay $0x1  }
0x8a: {  	s1 =	srdreg.scid  }
0x8b: {  	s0 =	sand.u32 $0x1, s1  }
0x8c: {  	s14 =	sshll.u32 s0, $0xA;
	s2 =	sadd.s32 s3, s2  }
0x8d: {  	s2 =	sadd.s32 s2, s14  }
0x8e: {  	[smem:$0x3FB4] =	sst s2  }
0x8f: {  	_ = 	snop  }
0x90: {  	s2 =	sld [smem:$0x3FD0];
	_ =	sdelay $0x2  }
0x91: {  	s15 =	simm.s32 $0xA;
	s4 =	simm.s32 $0x10  }
0x92: {  	[smem:s4], [sflag:s15] =	dma.local [hbm:s2], $0x1  }
0x93: {  	_ =	swait.eq [sflag:s15], $0x1  }
0x94: {  	[sflag:s15] =	ssyncset.done $0x0  }
0x95: {  	[sflag:s15] =	ssyncadd.s32 $0xFFFFFFFF  }
0x96: {  	s16 =	sld [smem:$0x11];
	(tm) =	ssettm $0x1  }
0x97: {  	s17 =	sld [smem:$0x3FFB];
	_ =	sdelay $0x3  }
0x98: {  	_ =	strace s17  }
0x99: {  	s3 =	sld [smem:$0x3FFC];
	_ =	sdelay $0x3  }
0x9a: {  	_ =	strace s3  }
0x9b: {  	s3 =	sld [smem:$0x3FFD];
	_ =	sdelay $0x3  }
0x9c: {  	_ =	strace s3  }
0x9d: {  	_ =	strace $0x8FFFFFFF  }
0x9e: {  	s18 =	sld [smem:$0x3FDB];
	_ =	sdelay $0x1  }
0x9f: {  	s19 =	simm.s32 $_scs_section_size  }
0xa0: {  	s5 =	simm.s32 $_size__tile_overlayer_lowered;
	s6 =	simm.s32 $_tile_overlayer_lowered  }
0xa1: {  	s22 =	simm.s32 $0x1BFF;
	s21 =	sshll.u32 s6, $0x1;
	s3 =	sadd.s32 s19, s18  }
0xa2: {  	s7 =	simm.s32 $0x0;
	s20 =	sshll.u32 s5, $0x1;
	s5 =	sadd.s32 s21, s3  }
0xa3: {  	[timem:s7], [sflag:s22] =	dma.local [hbm:s5], s20  }
0xa4: {  	_ =	swait.ge [sflag:s22], s20  }
0xa5: {  	s4 =	ssub.s32 $0x0, s20;
	[sflag:s22] =	ssyncset.done $0x0  }
0xa6: {  	[sflag:s22] =	ssyncadd.s32 s4;
	_ =	sdelay $0x1  }
0xa7: {  	s23 =	simm.s32 $0x1B8B  }
0xa8: {  	_ =	swait.ge [sflag:s23], $0x1  }
0xa9: {  	[sflag:s23] =	ssyncset.done $0x0  }
0xaa: {  	s25 =	simm.s32 $0x1B8E;
	s24 =	sld [smem:$0x3FFE];
	[sflag:s23] =	ssyncadd.s32 $0xFFFFFFFF  }
0xab: {  	s26 =	simm.s32 $execute0_lowered;
	[smem:$0x3FD2] =	sst s25  }
0xac: {  	s5 =	sshll.u32 s26, $0x1;
	_ =	strace $0x8000004F;
	[dreg:$0x1] =	wrdreg $0xFFFFFFFF  }
0xad: {  	s28 =	simm.s32 $_size_execute0_lowered;
	s3 =	sadd.s32 s3, s5;
	[dreg:$0x0] =	wrdreg $0x0  }
0xae: {  	s5 =	sshll.u32 s28, $0x1;
	[dreg:$0x2] =	wrdreg s3  }
0xaf: {  	[dreg:$0x3] =	wrdreg s5  }
0xb0: {  	[dreg:$0x4] =	wrdreg $0xC0  }
0xb1: {  	_ =	task [dreg:s7], $0x5FFFF  }
0xb2: {  	[dreg:$0x1] =	wrdreg $0xFFFFFFFF  }
0xb3: {  	[dreg:$0x0] =	wrdreg $0x60  }
0xb4: {  	[dreg:$0x2] =	wrdreg s16  }
0xb5: {  	[dreg:$0x3] =	wrdreg s24  }
0xb6: {  	[dreg:$0x4] =	wrdreg $0x9  }
0xb7: {  	_ =	task.clear_ibuf [dreg:s7], $0x5FFFF;
	_ =	strace $0x9000004F  }
0xb8: {  	s29 =	simm.s32 $0x9;
	_ =	strace $0x80000051  }
0xb9: {  	_ =	swait.ge [sflag:s29], $0x1  }
0xba: {  	[sflag:s29] =	ssyncadd.s32 $0xFFFFFFFF  }
0xbb: {  	_ =	strace $0x90000051  }
0xbc: {  	_ =	sfence  }
0xbd: {  	s30 =	sld [smem:$0x0];
	_ =	sdelay $0x2  }
0xbe: {  	s31 =	sshll.u32 s1, $0xD;
	s1 =	sshrl.u32 s1, $0x2  }
0xbf: {  	s3 =	sand.u32 $0x4000, s31;
	s1 =	sadd.s32 s1, s30  }
0xc0: {  	s0 =	sor.u32 s3, s0;
	s1 =	sshll.u32 s1, $0x11  }
0xc1: {  	s0 =	sor.u32 s1, s0  }
0xc2: {  	s0 =	sadd.s32 $0x8F2B, s0  }
0xc3: {  	[sflag:s0] =	ssyncadd.remote.s32 $0x1  }
0xc4: {  	_ =	sfence.sel $0xFFFF  }
0xc5: {  	[dreg:$0x0] =	wrdreg $0xFFFFFFFF;
	(pc) =	sbr.abs _section_cstart, $3  }
0xc6: {  	[dreg:$0x1] =	wrdreg $0xFFFFFFFF  }
0xc7: {  	_ =	task.clear_ibuf [dreg:s7], $0x2FFFF;
	_ =	strace $0x9FFFFFFF  }
0xc8: {  	(tm) =	ssettm $0x7FFFFFFF  }
0xc9: {  	_ =	shalt  }
tec
execute0_lowered:
.L_overlay_start_1:
0x0: {  	(tag) =	ssettag $0x1  }
0x1: {  	s2 =	rddreg [dreg:$0x0]  }
0x2: {  	s6 =	rddreg [dreg:$0x1]  }
0x3: {  	s0 =	rddreg [dreg:$0x2]  }
0x4: {  	s4 =	srdreg.scid;
	s1 =	stileid.u32  }
0x5: {  	s3 =	simm.s32 $0x0;
	s12 =	simm.s32 $0x1;
	s13 =	simm.s32 $0x50  }
0x6: {  	s14 =	simm.s32 $0x180;
	s15 =	simm.s32 $0x2980;
	s16 =	simm.s32 $0x0  }
0x7: {  	s7 =	sand.u32 $0x1, s4;
	s30 =	sshll.u32 s1, $0x1;
	[smem:$0x7FF] =	sst s3  }
0x8: {  	s4 =	sadd.s32 $0xF000, s6;
	s5 =	sadd.s32 $0x147800, s6;
	s8 =	sor.u32 s7, s30  }
.Ltmp0:
0x9: {  	_ =	strace $0x80000050;
	s7 =	ssub.s32 $0x2, s7;
	(pc) =	sbr.rel .LBB2_1-.Ltmp0, $4  }
0xa: {  	s9 =	smul.u32 $0x1400, s8;
	s10 =	sshll.u32 s8, $0x1;
	s31 =	sshrl.u32 s7, $0x1  }
0xb: {  	s10 =	sadd.s32 s10, s6;
	s11 =	ssub.s32 s7, s31;
	s7 =	smul.u32 $0x4E200, s8  }
0xc: {  	s9 =	sadd.s32 s9, s6;
	s6 =	sadd.s32 $0x280000, s10;
	s10 =	simm.s32 $0x100  }
0xd: {  	v0 =	vimm.f32 $0.0e+00;
	s8 =	sadd.s32 $0x2A7400, s9;
	s9 =	smax.u32 s11, $0x1;
	s11 =	simm.s32 $0x2  }
.LBB2_9:
0xe: {  	s16 =	sadd.s32 $0x1, s16  }
0xf: {  	p0 =	sne.s32 s16, s9  }
.Ltmp1:
0x10: {  	_ = 	snop;
	(pc) =	sbr.rel @!p0 .LBB2_10-.Ltmp1, $4  }
0x11: {  	[hbm4b:s8+s3] =	stream.linear.scatter [tilespmem:s15], [sflag:$0x2], $0xA000, $0x38;
	[tilespmem:$0xC980] =	vst v63  }
0x12: {  	_ =	swait.ge [sflag:s11], $0xA000  }
0x13: {  	[sflag:s11] =	ssyncset.done $0x0  }
0x14: {  	[sflag:s11] =	ssyncadd.s32 $0xFFFF6000  }
.LBB2_1:
0x15: {  	s17 =	simm.s32 $0x40;
	s18 =	simm.s32 $0x0  }
.LBB2_2:
0x16: {  	p0 =	sne.s32 s17, $0x27FC0;
	[tilespmem:s18+$0x2980] =	vst v0;
	s18 =	smov.u32 s17;
	s17 =	sadd.s32 $0x40, s17  }
.Ltmp2:
0x17: {  	(pc) =	sbr.rel @p0 .LBB2_2-.Ltmp2, $2  }
0x18: {  	_ =	sdelay $0x2  }
0x19: {  	s18 =	sshra.s32 s18, $0x2  }
0x1a: {  	[tilespmem:s18+$0x2980] =	vst v0;
	s17 =	simm.s32 $0x0  }
0x1b: {  	[tilespmem:s10], [sflag:$0x2] =	stream.linear.gather [hbm4b:s6+s17], $0x10, $0x38;
	[tilespmem:$0xC980] =	vst v63  }
0x1c: {  	_ =	swait.ge [sflag:s11], $0x10  }
0x1d: {  	[sflag:s11] =	ssyncset.done $0x0  }
0x1e: {  	[sflag:s11] =	ssyncadd.s32 $0xFFFFFFF0  }
0x1f: {  	v1 =	vld [tilespmem:$0x100];
	_ =	sdelay $0x4  }
0x20: {  	(v2sf) =	vpush v1, $0x0;
	_ =	sdelay $0xe  }
0x21: {  	s18 =	spop (v2sf)  }
0x22: {  	s19 =	sadd.s32 $0x4F, s18  }
0x23: {  	s20 =	smulhi.u32 $0x66666667, s19;
	s21 =	sshra.s32 s19, $0x1F  }
0x24: {  	s21 =	smul.u32 $0x66666667, s21;
	_ =	sdelay $0x1  }
0x25: {  	s20 =	sadd.s32 s21, s20  }
0x26: {  	s21 =	sshrl.u32 s20, $0x1F;
	s20 =	sshra.s32 s20, $0x5  }
0x27: {  	s20 =	sadd.s32 s21, s20  }
0x28: {  	s21 =	smul.u32 $0xFFFFFFB0, s20  }
0x29: {  	s22 =	ssub.s32 $0xFFFFFFB1, s18  }
0x2a: {  	p0 =	slt.s32 s19, $0x1;
	p1 =	sne.s32 s21, s22  }
0x2b: {  	p0 =	por !p0, !p1  }
0x2c: {  	s19 =	simm.s32 $0x1;
	p0 =	por !p0, !p0  }
0x2d: {  	s19 =	simm.s32 @!p0 $0x0  }
0x2e: {  	s19 =	ssub.s32 s20, s19  }
0x2f: {  	p0 =	slt.s32 s19, $0x1  }
.Ltmp3:
0x30: {  	_ = 	snop;
	(pc) =	sbr.rel @!p0 .LBB2_4-.Ltmp3, $4  }
.Ltmp4:
0x31: {  	_ = 	snop;
	(pc) =	sbr.rel @p0 .LBB2_9-.Ltmp4, $4  }
0x32: {  	_ = 	snop  }
0x33: {  	_ = 	snop  }
0x34: {  	s20 =	smov.u32 s18  }
0x35: {  	_ = 	snop  }
.LBB2_7:
0x36: {  	[tilespmem:s23+$0x29F0] =	vst v1  }
.LBB2_8:
0x37: {  	s17 =	sadd.s32 $0x1, s17  }
0x38: {  	p0 =	sne.s32 s17, s19  }
.Ltmp5:
0x39: {  	_ = 	snop;
	(pc) =	sbr.rel @!p0 .LBB2_9-.Ltmp5, $2  }
0x3a: {  	_ =	sdelay $0x2  }
0x3b: {  	s20 =	sadd.s32 $0xFFFFFFB0, s20  }
.LBB2_4:
0x3c: {  	s22 =	smul.u32 $0x50, s17;
	_ =	sdelay $0x1  }
0x3d: {  	s21 =	sadd.s32 s7, s22  }
0x3e: {  	s21 =	sshrl.u32 s21, $0x3  }
0x3f: {  	s23 =	sadd.s32 s4, s21  }
0x40: {  	[tilespmem:s3], [sflag:$0x2] =	stream.linear.gather [hbm4b:s23+s3], $0x50, $0x38;
	[tilespmem:$0xC980] =	vst v63  }
0x41: {  	_ =	swait.ge [sflag:s11], $0x50  }
0x42: {  	[sflag:s11] =	ssyncset.done $0x0  }
0x43: {  	s31 =	sadd.s32 s5, s21;
	s21 =	simm.s32 $0x80;
	[sflag:s11] =	ssyncadd.s32 $0xFFFFFFB0  }
0x44: {  	[tilespmem:s21], [sflag:$0x2] =	stream.linear.gather [hbm4b:s31+s3], $0x50, $0x38;
	[tilespmem:$0xC980] =	vst v63  }
0x45: {  	s22 =	ssub.s32 s18, s22;
	_ =	swait.ge [sflag:s11], $0x50  }
0x46: {  	p0 =	slt.s32 s22, $0x1;
	[sflag:s11] =	ssyncset.done $0x0  }
.Ltmp6:
0x47: {  	[sflag:s11] =	ssyncadd.s32 $0xFFFFFFB0;
	(pc) =	sbr.rel @p0 .LBB2_8-.Ltmp6, $4  }
0x48: {  	[tilespmem:s14], [sflag:$0x1] =	stream.indirect.gather [hbm4b:s2+s13], $0x80, s3, s13, $0xb8;
	[tilespmem:$0xC980] =	vst v63  }
0x49: {  	_ =	swait.ge [sflag:s12], $0x2800  }
0x4a: {  	[sflag:s12] =	ssyncset.done $0x0  }
0x4b: {  	[sflag:s12] =	ssyncadd.s32 $0xFFFFD800  }
0x4c: {  	v1 =	vld [tilespmem:s21+$0x0];
	_ =	sdelay $0x4  }
0x4d: {  	(v2sf) =	vpush v1, $0x0;
	_ =	sdelay $0xe  }
0x4e: {  	s23 =	spop (v2sf)  }
0x4f: {  	s22 =	simm.s32 $0x1C0;
	s23 =	sshll.u32 s23, $0x9  }
0x50: {  	v1 =	vld [tilespmem:s22+$0xFFFFFFC0];
	s23 =	sshra.s32 s23, $0x2  }
0x51: {  	v2 =	vld [tilespmem:s23+$0x2980];
	_ =	sdelay $0x4  }
0x52: {  	v1 =	vadd.f32 v1, v2;
	_ =	sdelay $0x1  }
0x53: {  	[tilespmem:s23+$0x2980] =	vst v1;
	v1 =	vld [tilespmem:s23+$0x2990]  }
0x54: {  	v2 =	vld [tilespmem:s22+$0xFFFFFFD0];
	_ =	sdelay $0x4  }
0x55: {  	v1 =	vadd.f32 v2, v1;
	_ =	sdelay $0x1  }
0x56: {  	[tilespmem:s23+$0x2990] =	vst v1;
	v1 =	vld [tilespmem:s23+$0x29A0]  }
0x57: {  	v2 =	vld [tilespmem:s22+$0xFFFFFFE0];
	_ =	sdelay $0x4  }
0x58: {  	v1 =	vadd.f32 v2, v1;
	_ =	sdelay $0x1  }
0x59: {  	[tilespmem:s23+$0x29A0] =	vst v1;
	v1 =	vld [tilespmem:s23+$0x29B0]  }
0x5a: {  	v2 =	vld [tilespmem:s22+$0xFFFFFFF0];
	_ =	sdelay $0x4  }
0x5b: {  	v1 =	vadd.f32 v2, v1;
	_ =	sdelay $0x1  }
0x5c: {  	[tilespmem:s23+$0x29B0] =	vst v1;
	v1 =	vld [tilespmem:s23+$0x29C0]  }
0x5d: {  	v2 =	vld [tilespmem:s22+$0x0];
	_ =	sdelay $0x4  }
0x5e: {  	v1 =	vadd.f32 v2, v1;
	_ =	sdelay $0x1  }
0x5f: {  	[tilespmem:s23+$0x29C0] =	vst v1;
	v1 =	vld [tilespmem:s23+$0x29D0]  }
0x60: {  	v2 =	vld [tilespmem:s22+$0x10];
	_ =	sdelay $0x4  }
0x61: {  	v1 =	vadd.f32 v2, v1;
	_ =	sdelay $0x1  }
0x62: {  	[tilespmem:s23+$0x29D0] =	vst v1;
	v1 =	vld [tilespmem:s23+$0x29E0]  }
0x63: {  	v2 =	vld [tilespmem:s22+$0x20];
	_ =	sdelay $0x4  }
0x64: {  	v1 =	vadd.f32 v2, v1  }
0x65: {  	p0 =	sgt.s32 s20, $0x1;
	s24 =	smov.u32 s20  }
0x66: {  	s24 =	simm.s32 @!p0 $0x1;
	[tilespmem:s23+$0x29E0] =	vst v1;
	v1 =	vld [tilespmem:s23+$0x29F0]  }
0x67: {  	s24 =	smin.u32 s24, $0x50;
	v2 =	vld [tilespmem:s22+$0x30]  }
0x68: {  	p0 =	sne.s32 s24, $0x1  }
.Ltmp7:
0x69: {  	_ = 	snop;
	(pc) =	sbr.rel @!p0 .LBB2_7-.Ltmp7, $3  }
0x6a: {  	_ =	sdelay $0x1  }
0x6b: {  	v1 =	vadd.f32 v2, v1  }
0x6c: {  	s24 =	sadd.s32 $0xFFFFFFFF, s24  }
.LBB2_6:
0x6d: {  	p0 =	sne.s32 s24, $0x1;
	[tilespmem:s23+$0x29F0] =	vst v1;
	s21 =	sadd.s32 $0x1, s21;
	s22 =	sadd.s32 $0x80, s22  }
0x6e: {  	s24 =	sadd.s32 $0xFFFFFFFF, s24;
	v1 =	vld [tilespmem:s21+$0x0];
	_ =	sdelay $0x4  }
0x6f: {  	(v2sf) =	vpush v1, $0x0;
	_ =	sdelay $0xe  }
0x70: {  	s23 =	spop (v2sf)  }
0x71: {  	s23 =	sshll.u32 s23, $0x9  }
0x72: {  	s23 =	sshra.s32 s23, $0x2;
	v1 =	vld [tilespmem:s22+$0xFFFFFFC0]  }
0x73: {  	v2 =	vld [tilespmem:s23+$0x2980];
	_ =	sdelay $0x4  }
0x74: {  	v1 =	vadd.f32 v1, v2;
	_ =	sdelay $0x1  }
0x75: {  	[tilespmem:s23+$0x2980] =	vst v1;
	v1 =	vld [tilespmem:s23+$0x2990]  }
0x76: {  	v2 =	vld [tilespmem:s22+$0xFFFFFFD0];
	_ =	sdelay $0x4  }
0x77: {  	v1 =	vadd.f32 v2, v1;
	_ =	sdelay $0x1  }
0x78: {  	[tilespmem:s23+$0x2990] =	vst v1;
	v1 =	vld [tilespmem:s23+$0x29A0]  }
0x79: {  	v2 =	vld [tilespmem:s22+$0xFFFFFFE0];
	_ =	sdelay $0x4  }
0x7a: {  	v1 =	vadd.f32 v2, v1;
	_ =	sdelay $0x1  }
0x7b: {  	[tilespmem:s23+$0x29A0] =	vst v1;
	v1 =	vld [tilespmem:s23+$0x29B0]  }
0x7c: {  	v2 =	vld [tilespmem:s22+$0xFFFFFFF0];
	_ =	sdelay $0x4  }
0x7d: {  	v1 =	vadd.f32 v2, v1;
	_ =	sdelay $0x1  }
0x7e: {  	[tilespmem:s23+$0x29B0] =	vst v1;
	v1 =	vld [tilespmem:s23+$0x29C0]  }
0x7f: {  	v2 =	vld [tilespmem:s22+$0x0];
	_ =	sdelay $0x4  }
0x80: {  	v1 =	vadd.f32 v2, v1;
	_ =	sdelay $0x1  }
0x81: {  	[tilespmem:s23+$0x29C0] =	vst v1;
	v1 =	vld [tilespmem:s23+$0x29D0]  }
0x82: {  	v2 =	vld [tilespmem:s22+$0x10];
	_ =	sdelay $0x4  }
0x83: {  	v1 =	vadd.f32 v2, v1;
	_ =	sdelay $0x1  }
0x84: {  	[tilespmem:s23+$0x29D0] =	vst v1;
	v1 =	vld [tilespmem:s23+$0x29E0]  }
0x85: {  	v2 =	vld [tilespmem:s22+$0x20];
	_ =	sdelay $0x4  }
0x86: {  	v1 =	vadd.f32 v2, v1;
	_ =	sdelay $0x1  }
0x87: {  	[tilespmem:s23+$0x29E0] =	vst v1;
	v1 =	vld [tilespmem:s23+$0x29F0]  }
0x88: {  	v2 =	vld [tilespmem:s22+$0x30]  }
.Ltmp8:
0x89: {  	(pc) =	sbr.rel @p0 .LBB2_6-.Ltmp8, $2  }
0x8a: {  	_ =	sdelay $0x2  }
0x8b: {  	v1 =	vadd.f32 v2, v1  }
.Ltmp9:
0x8c: {  	_ = 	snop;
	(pc) =	sbr.rel .LBB2_7-.Ltmp9, $1  }
0x8d: {  	_ =	sdelay $0x3  }
.LBB2_10:
0x8e: {  	_ =	sfence.sel $0x180000  }
0x8f: {  	[bflag:$0x0] =	sbarrier.arrive $0xFFFF  }
0x90: {  	p0 =	sne.s32 s1, $0x0;
	_ =	strace $0x90000050  }
0x91: {  	s0 =	sadd.s32 @!p0 $0x100000, s0;
	[bflag:$0x2] =	sbarrier.arrive $0xFFFF  }
0x92: {  	[sflag:s0] =	ssyncadd.tile.s32 @!p0 $0x1;
	_ =	shalt  }
.Lfunc_end2:
_tile_overlayer_lowered:
.L_overlay_start_2:
0x93: {  	(tag) =	ssettag $0x2  }
0x94: {  	s0 =	rddreg [dreg:$0x0];
	s2 =	stileid.u32  }
0x95: {  	s1 =	rddreg [dreg:$0x1];
	p0 =	sne.s32 s2, $0x0  }
0x96: {  	s3 =	rddreg [dreg:$0x2];
	[bflag:$0x3] =	sbarrier.arrive $0xFFFF;
	s2 =	simm.s32 @!p0 $0x1C02  }
0x97: {  	[timem:s3], [sflag:s2] =	dma.local @!p0 [hbm:s0], s1  }
0x98: {  	s0 =	simm.s32 @!p0 $0x2  }
0x99: {  	_ =	swait.ge @!p0 [sflag:s0], s1  }
0x9a: {  	s1 =	ssub.s32 @!p0 $0x0, s1;
	[sflag:s0] =	ssyncset.done @!p0 $0x0  }
0x9b: {  	[sflag:s0] =	ssyncadd.s32 @!p0 s1  }
0x9c: {  	[bflag:$0x3] =	sbarrier.arrive $0xFFFF  }
0x9d: {  	_ =	shalt  }

// kernel: kernel.24.cloned.1.call-start
scs
__scs_entry_jumppad:
0x0: {  	(pc) =	sbr.rel $0x88, $3  }
0x1: {  	(tag) =	ssettag $0x0;
	lr =	simm.s32 $0x1  }
0x2: {  	[smem:$0x3F8D] =	sst lr;
	_ =	strace $0xD0000000  }
0x3: {  	_ = 	snop  }
0x4: {  	_ = 	snop  }
0x5: {  	_ = 	snop  }
0x6: {  	_ = 	snop  }
0x7: {  	_ = 	snop  }
__scs_overlays_trampoline_lowered:
0x8: {  	[smem:$0x3F9C] =	sst s0  }
0x9: {  	[smem:$0x3F9D] =	sst s1  }
0xa: {  	[smem:$0x3F9E] =	sst s2  }
0xb: {  	[smem:$0x3F9F] =	sst s3  }
0xc: {  	[smem:$0x3FA0] =	sst s4  }
0xd: {  	[smem:$0x3FA1] =	sst s5  }
0xe: {  	[smem:$0x3FA2] =	sst s6  }
0xf: {  	[smem:$0x3FA3] =	sst s7  }
0x10: {  	[smem:$0x3FA4] =	sst s8  }
0x11: {  	[smem:$0x3FA5] =	sst s9;
	s0 =	simm.s32 @!p0 $0x0  }
0x12: {  	s1 =	sld [smem:$0x3F8B];
	s0 =	simm.s32 @p0 $0x1  }
0x13: {  	[smem:$0x3FA6] =	sst s0;
	s0 =	simm.s32 @!p1 $0x0  }
0x14: {  	s2 =	sld [smem:$0x3F8A];
	s0 =	simm.s32 @p1 $0x1  }
0x15: {  	[smem:$0x3FA7] =	sst s0;
	s0 =	simm.s32 @!p2 $0x0  }
0x16: {  	s3 =	sld [smem:$0x3FDB];
	s0 =	simm.s32 @p2 $0x1  }
0x17: {  	s4 =	simm.s32 $0x1BF5;
	[smem:$0x3FA9] =	sst s0  }
0x18: {  	s0 =	sld [smem:$0x3F8C];
	_ =	swait.ge [sflag:s4], $0x0  }
0x19: {  	s7 =	sld [smem:$0x3F8D]  }
0x1a: {  	s8 =	sadd.s32 $0xFFFFE003, lr  }
0x1b: {  	s9 =	sadd.s32 $0xFFFFFEF7, lr;
	s5 =	simm.s32 $0xFFFFFFFF;
	p2 =	slt.u32 s8, $0xFFFFF086  }
0x1c: {  	p1 =	slt.u32 s9, $0xF7A;
	s5 =	simm.s32 @!p2 $0x0  }
0x1d: {  	s5 =	simm.s32 @p1 $0x1;
	p0 =	seq.s32 s7, s2  }
0x1e: {  	s7 =	smul.u32 @!p0 $0xF7A, s2;
	p2 =	seq.s32 @!p0 s5, $0x0  }
0x1f: {  	s9 =	smul.u32 $0xF7A, s1;
	s8 =	simm.s32 @!p0 $0x1BF5;
	p2 =	por !p2, p0  }
0x20: {  	[sflag:s8] =	ssyncset.s32 @!p0 $0xFFFFF086;
	s6 =	sadd.s32 @!p0 s3, s7;
	s7 =	simm.s32 @!p0 $0x108  }
0x21: {  	s3 =	sadd.s32 s3, s9;
	s6 =	sadd.s32 @!p0 $0x88, s6;
	s7 =	simm.s32 @p2 $0x1082  }
0x22: {  	[simem:s7], [sflag:s8] =	dma.local @!p0 [hbm:s6], $0xF7A  }
0x23: {  	s9 =	sor.u32 $0xD0000000, s2;
	s6 =	simm.s32 $0x108;
	_ =	swait.ge @!p0 [sflag:s8], $0x0  }
0x24: {  	s3 =	sadd.s32 $0x88, s3;
	s6 =	simm.s32 @!p1 $0x1082;
	[sflag:s4] =	ssyncset.s32 $0xFFFFF086  }
0x25: {  	[simem:s6], [sflag:s4] =	dma.local [hbm:s3], $0xF7A  }
0x26: {  	[smem:$0x3F8D] =	sst s1;
	(tag) =	ssettag s2;
	_ =	strace s9  }
0x27: {  	s1 =	sld [smem:$0x3F9D]  }
0x28: {  	s2 =	sld [smem:$0x3F9E]  }
0x29: {  	s4 =	sld [smem:$0x3FA0]  }
0x2a: {  	p0 =	seq.s32 s5, $0x0;
	s5 =	sld [smem:$0x3FA1]  }
0x2b: {  	s6 =	sld [smem:$0x3FA2]  }
0x2c: {  	s7 =	sld [smem:$0x3FA3]  }
0x2d: {  	s3 =	simm.s32 $0x108;
	s8 =	sld [smem:$0x3FA4]  }
0x2e: {  	s3 =	simm.s32 @!p0 $0x1082;
	s9 =	sld [smem:$0x3FA5]  }
0x2f: {  	lr =	sadd.s32 s0, s3;
	s0 =	sld [smem:$0x3F9C]  }
0x30: {  	s3 =	sld [smem:$0x3F9F]  }
0x31: {  	[smem:$0x3FA8] =	sst s10  }
0x32: {  	s10 =	sld [smem:$0x3FA6];
	_ =	sdelay $0x3  }
0x33: {  	p0 =	seq.s32 s10, $0x1;
	s10 =	sld [smem:$0x3FA8];
	_ =	sdelay $0x3  }
0x34: {  	[smem:$0x3FA8] =	sst s10  }
0x35: {  	s10 =	sld [smem:$0x3FA7];
	_ =	sdelay $0x3  }
0x36: {  	p1 =	seq.s32 s10, $0x1;
	s10 =	sld [smem:$0x3FA8];
	_ =	sdelay $0x3  }
0x37: {  	[smem:$0x3FA8] =	sst s10  }
0x38: {  	s10 =	sld [smem:$0x3FA9]  }
0x39: {  	_ = 	snop;
	(pc) =	sbr.ind lr, $3  }
0x3a: {  	_ = 	snop  }
0x3b: {  	_ = 	snop  }
0x3c: {  	p2 =	seq.s32 s10, $0x1;
	s10 =	sld [smem:$0x3FA8]  }
0x3d: {  	_ =	shalt  }
0x3e: {  	_ =	shalt  }
0x3f: {  	_ =	shalt  }
0x40: {  	_ =	shalt  }
0x41: {  	_ =	shalt  }
0x42: {  	_ =	shalt  }
0x43: {  	_ =	shalt  }
0x44: {  	_ =	shalt  }
0x45: {  	_ =	shalt  }
0x46: {  	_ =	shalt  }
0x47: {  	_ =	shalt  }
0x48: {  	_ =	shalt  }
0x49: {  	_ =	shalt  }
0x4a: {  	_ =	shalt  }
0x4b: {  	_ =	shalt  }
0x4c: {  	_ =	shalt  }
0x4d: {  	_ =	shalt  }
0x4e: {  	_ =	shalt  }
0x4f: {  	_ =	shalt  }
0x50: {  	_ =	shalt  }
0x51: {  	_ =	shalt  }
0x52: {  	_ =	shalt  }
0x53: {  	_ =	shalt  }
0x54: {  	_ =	shalt  }
0x55: {  	_ =	shalt  }
0x56: {  	_ =	shalt  }
0x57: {  	_ =	shalt  }
0x58: {  	_ =	shalt  }
0x59: {  	_ =	shalt  }
0x5a: {  	_ =	shalt  }
0x5b: {  	_ =	shalt  }
0x5c: {  	_ =	shalt  }
0x5d: {  	_ =	shalt  }
0x5e: {  	_ =	shalt  }
0x5f: {  	_ =	shalt  }
0x60: {  	_ =	shalt  }
0x61: {  	_ =	shalt  }
0x62: {  	_ =	shalt  }
0x63: {  	_ =	shalt  }
0x64: {  	_ =	shalt  }
0x65: {  	_ =	shalt  }
0x66: {  	_ =	shalt  }
0x67: {  	_ =	shalt  }
0x68: {  	_ =	shalt  }
0x69: {  	_ =	shalt  }
0x6a: {  	_ =	shalt  }
0x6b: {  	_ =	shalt  }
0x6c: {  	_ =	shalt  }
0x6d: {  	_ =	shalt  }
0x6e: {  	_ =	shalt  }
0x6f: {  	_ =	shalt  }
0x70: {  	_ =	shalt  }
0x71: {  	_ =	shalt  }
0x72: {  	_ =	shalt  }
0x73: {  	_ =	shalt  }
0x74: {  	_ =	shalt  }
0x75: {  	_ =	shalt  }
0x76: {  	_ =	shalt  }
0x77: {  	_ =	shalt  }
0x78: {  	_ =	shalt  }
0x79: {  	_ =	shalt  }
0x7a: {  	_ =	shalt  }
0x7b: {  	_ =	shalt  }
0x7c: {  	_ =	shalt  }
0x7d: {  	_ =	shalt  }
0x7e: {  	_ =	shalt  }
0x7f: {  	_ =	shalt  }
0x80: {  	_ =	shalt  }
0x81: {  	_ =	shalt  }
0x82: {  	_ =	shalt  }
0x83: {  	_ =	shalt  }
0x84: {  	_ =	shalt  }
0x85: {  	_ =	shalt  }
0x86: {  	_ =	shalt  }
0x87: {  	_ =	shalt  }
.Lfunc_end0:
.L_simem_size_0:
called_computation.4_lowered:
.L_overlay_start_0:
0x88: {  	s2 =	sld [smem:$0x3FD9]  }
0x89: {  	s3 =	sld [smem:$0x3FFE];
	_ =	sdelay $0x1  }
0x8a: {  	s1 =	srdreg.scid  }
0x8b: {  	s0 =	sand.u32 $0x1, s1  }
0x8c: {  	s14 =	sshll.u32 s0, $0xA;
	s2 =	sadd.s32 s3, s2  }
0x8d: {  	s2 =	sadd.s32 s2, s14  }
0x8e: {  	[smem:$0x3FB4] =	sst s2  }
0x8f: {  	_ = 	snop  }
0x90: {  	s2 =	sld [smem:$0x3FD0];
	_ =	sdelay $0x2  }
0x91: {  	s15 =	simm.s32 $0xA;
	s4 =	simm.s32 $0x10  }
0x92: {  	[smem:s4], [sflag:s15] =	dma.local [hbm:s2], $0x1  }
0x93: {  	_ =	swait.eq [sflag:s15], $0x1  }
0x94: {  	[sflag:s15] =	ssyncset.done $0x0  }
0x95: {  	s16 =	sld [smem:$0x10];
	[sflag:s15] =	ssyncadd.s32 $0xFFFFFFFF  }
0x96: {  	s17 =	sld [smem:$0x11];
	(tm) =	ssettm $0x1  }
0x97: {  	s18 =	sld [smem:$0x3FFB];
	_ =	sdelay $0x3  }
0x98: {  	_ =	strace s18  }
0x99: {  	s4 =	sld [smem:$0x3FFC];
	_ =	sdelay $0x3  }
0x9a: {  	_ =	strace s4  }
0x9b: {  	s4 =	sld [smem:$0x3FFD];
	_ =	sdelay $0x3  }
0x9c: {  	_ =	strace s4  }
0x9d: {  	_ =	strace $0x8FFFFFFF  }
0x9e: {  	s19 =	sld [smem:$0x3FDB];
	_ =	sdelay $0x1  }
0x9f: {  	s5 =	simm.s32 $_scs_section_size  }
0xa0: {  	s6 =	simm.s32 $_size__tile_overlayer_lowered;
	s7 =	simm.s32 $_tile_overlayer_lowered  }
0xa1: {  	s22 =	simm.s32 $0x1BFF;
	s21 =	sshll.u32 s7, $0x1;
	s4 =	sadd.s32 s5, s19  }
0xa2: {  	s8 =	simm.s32 $0x0;
	s20 =	sshll.u32 s6, $0x1;
	s6 =	sadd.s32 s21, s4  }
0xa3: {  	[timem:s8], [sflag:s22] =	dma.local [hbm:s6], s20  }
0xa4: {  	_ =	swait.ge [sflag:s22], s20  }
0xa5: {  	s5 =	ssub.s32 $0x0, s20;
	[sflag:s22] =	ssyncset.done $0x0  }
0xa6: {  	[sflag:s22] =	ssyncadd.s32 s5;
	_ =	sdelay $0x1  }
0xa7: {  	s23 =	simm.s32 $0x1B8B  }
0xa8: {  	_ =	swait.ge [sflag:s23], $0x1  }
0xa9: {  	[sflag:s23] =	ssyncset.done $0x0  }
0xaa: {  	s25 =	simm.s32 $0x1B8E;
	s24 =	sld [smem:$0x3FFE];
	[sflag:s23] =	ssyncadd.s32 $0xFFFFFFFF  }
0xab: {  	s26 =	simm.s32 $execute0_lowered;
	[smem:$0x3FD2] =	sst s25  }
0xac: {  	s6 =	sshll.u32 s26, $0x1;
	_ =	strace $0x80000052;
	[dreg:$0x1] =	wrdreg $0xFFFFFFFF  }
0xad: {  	s28 =	simm.s32 $_size_execute0_lowered;
	s4 =	sadd.s32 s4, s6;
	[dreg:$0x0] =	wrdreg $0x0  }
0xae: {  	s6 =	sshll.u32 s28, $0x1;
	[dreg:$0x2] =	wrdreg s4  }
0xaf: {  	[dreg:$0x3] =	wrdreg s6  }
0xb0: {  	[dreg:$0x4] =	wrdreg $0xC0  }
0xb1: {  	_ =	task [dreg:s8], $0x5FFFF  }
0xb2: {  	[dreg:$0x1] =	wrdreg $0xFFFFFFFF  }
0xb3: {  	[dreg:$0x0] =	wrdreg $0x60  }
0xb4: {  	[dreg:$0x2] =	wrdreg s17  }
0xb5: {  	[dreg:$0x3] =	wrdreg s24  }
0xb6: {  	[dreg:$0x4] =	wrdreg s16  }
0xb7: {  	[dreg:$0x5] =	wrdreg $0x9  }
0xb8: {  	_ =	task.clear_ibuf [dreg:s8], $0x6FFFF;
	_ =	strace $0x90000052  }
0xb9: {  	s29 =	simm.s32 $0x9;
	_ =	strace $0x80000054  }
0xba: {  	_ =	swait.ge [sflag:s29], $0x1  }
0xbb: {  	[sflag:s29] =	ssyncadd.s32 $0xFFFFFFFF  }
0xbc: {  	_ =	strace $0x90000054  }
0xbd: {  	_ =	sfence  }
0xbe: {  	s30 =	sld [smem:$0x0];
	_ =	sdelay $0x2  }
0xbf: {  	s31 =	sshll.u32 s1, $0xD;
	s1 =	sshrl.u32 s1, $0x2  }
0xc0: {  	s3 =	sand.u32 $0x4000, s31;
	s1 =	sadd.s32 s1, s30  }
0xc1: {  	s0 =	sor.u32 s3, s0;
	s1 =	sshll.u32 s1, $0x11  }
0xc2: {  	s0 =	sor.u32 s1, s0  }
0xc3: {  	s0 =	sadd.s32 $0x8F2B, s0  }
0xc4: {  	[sflag:s0] =	ssyncadd.remote.s32 $0x1  }
0xc5: {  	_ =	sfence.sel $0xFFFF  }
0xc6: {  	[dreg:$0x0] =	wrdreg $0xFFFFFFFF;
	(pc) =	sbr.abs _section_cstart, $3  }
0xc7: {  	[dreg:$0x1] =	wrdreg $0xFFFFFFFF  }
0xc8: {  	_ =	task.clear_ibuf [dreg:s8], $0x2FFFF;
	_ =	strace $0x9FFFFFFF  }
0xc9: {  	(tm) =	ssettm $0x7FFFFFFF  }
tec
execute0_lowered:
.L_overlay_start_1:
0x0: {  	(tag) =	ssettag $0x1  }
0x1: {  	s1 =	rddreg [dreg:$0x0]  }
0x2: {  	s6 =	rddreg [dreg:$0x1]  }
0x3: {  	s2 =	rddreg [dreg:$0x2]  }
0x4: {  	s0 =	rddreg [dreg:$0x3];
	s4 =	simm.s32 $0x0;
	s5 =	srdreg.scid  }
0x5: {  	s3 =	stileid.u32;
	s11 =	simm.s32 $0x50;
	s12 =	simm.s32 $0x100  }
0x6: {  	s13 =	simm.s32 $0x2900;
	s14 =	simm.s32 $0x1;
	s15 =	simm.s32 $0x2  }
0x7: {  	s16 =	simm.s32 $0x0;
	[smem:$0x7FF] =	sst s4;
	s7 =	sand.u32 $0x1, s5  }
0x8: {  	s9 =	sshll.u32 s3, $0x1;
	s5 =	sadd.s32 $0x5200, s6;
	s8 =	ssub.s32 $0x2, s7  }
0x9: {  	s6 =	sadd.s32 $0xF000, s6;
	_ =	strace $0x80000053;
	s10 =	sshrl.u32 s8, $0x1  }
0xa: {  	s7 =	sor.u32 s7, s9;
	s9 =	simm.s32 $0x3;
	s8 =	ssub.s32 s8, s10  }
0xb: {  	s7 =	smul.u32 $0x2710, s7;
	s10 =	simm.s32 $0x80;
	s8 =	smax.u32 s8, $0x1  }
.LBB2_1:
0xc: {  	s17 =	simm.s32 $0x0  }
.LBB2_2:
0xd: {  	s18 =	smul.u32 $0x50, s17;
	_ =	sdelay $0x1  }
0xe: {  	s18 =	sadd.s32 s7, s18  }
0xf: {  	s19 =	sshrl.u32 s18, $0x3  }
0x10: {  	s21 =	simm.s32 $0x0;
	s20 =	sadd.s32 s5, s19  }
0x11: {  	[tilespmem:s21], [sflag:$0x3] =	stream.linear.gather [hbm4b:s20+s21], $0x50, $0x38;
	[tilespmem:$0x5100] =	vst v63  }
0x12: {  	_ =	swait.ge [sflag:s9], $0x50  }
0x13: {  	[sflag:s9] =	ssyncset.done $0x0  }
0x14: {  	s19 =	sadd.s32 s2, s19;
	[sflag:s9] =	ssyncadd.s32 $0xFFFFFFB0  }
0x15: {  	[tilespmem:s10], [sflag:$0x3] =	stream.linear.gather [hbm4b:s19+s21], $0x50, $0x38;
	[tilespmem:$0x5100] =	vst v63  }
0x16: {  	_ =	swait.ge [sflag:s9], $0x50  }
0x17: {  	[sflag:s9] =	ssyncset.done $0x0  }
0x18: {  	[sflag:s9] =	ssyncadd.s32 $0xFFFFFFB0  }
0x19: {  	[tilespmem:s12], [sflag:$0x1] =	stream.indirect.gather [hbm4b:s1+s11], $0x80, s21, s11, $0xb8;
	[tilespmem:$0x5100] =	vst v63  }
0x1a: {  	_ = 	snop  }
0x1b: {  	[tilespmem:s13], [sflag:$0x2] =	stream.indirect.gather [hbm4b:s1+s11], $0x80, s10, s11, $0xb8;
	[tilespmem:$0x5100] =	vst v63  }
0x1c: {  	_ =	swait.ge [sflag:s14], $0x2800  }
0x1d: {  	[sflag:s14] =	ssyncset.done $0x0  }
0x1e: {  	[sflag:s14] =	ssyncadd.s32 $0xFFFFD800  }
0x1f: {  	_ =	swait.ge [sflag:s15], $0x2800  }
0x20: {  	[sflag:s15] =	ssyncset.done $0x0  }
0x21: {  	s19 =	simm.s32 $0x0;
	[sflag:s15] =	ssyncadd.s32 $0xFFFFD800  }
0x22: {  	v7 =	vld [tilespmem:s19+$0x2900]  }
0x23: {  	v11 =	vld [tilespmem:s19+$0x2910]  }
0x24: {  	v5 =	vld [tilespmem:s19+$0x2920]  }
0x25: {  	v4 =	vld [tilespmem:s19+$0x2930]  }
0x26: {  	v3 =	vld [tilespmem:s19+$0x2940]  }
0x27: {  	v2 =	vld [tilespmem:s19+$0x2950]  }
0x28: {  	v1 =	vld [tilespmem:s19+$0x2960]  }
0x29: {  	v0 =	vld [tilespmem:s19+$0x2970]  }
0x2a: {  	v12 =	vld [tilespmem:s19+$0x100]  }
0x2b: {  	v13 =	vld [tilespmem:s19+$0x110]  }
0x2c: {  	v10 =	vld [tilespmem:s19+$0x120]  }
0x2d: {  	v9 =	vld [tilespmem:s19+$0x130]  }
0x2e: {  	v8 =	vld [tilespmem:s19+$0x140]  }
0x2f: {  	v6 =	vld [tilespmem:s19+$0x150];
	v12 =	vmul.f32 v7, v12  }
0x30: {  	s20 =	simm.s32 $0x200;
	v11 =	vmul.f32 v11, v13;
	v7 =	vld [tilespmem:s19+$0x160]  }
.LBB2_3:
0x31: {  	s21 =	sshra.s32 s20, $0x2;
	p0 =	sne.s32 s20, $0x9E00;
	[tilespmem:s19+$0x100] =	vst v12;
	v5 =	vmul.f32 v5, v10;
	v10 =	vld [tilespmem:s19+$0x170]  }
0x32: {  	v12 =	vld [tilespmem:s21+$0x2900];
	[tilespmem:s19+$0x110] =	vst v11;
	v4 =	vmul.f32 v4, v9  }
0x33: {  	v11 =	vld [tilespmem:s21+$0x2910];
	[tilespmem:s19+$0x120] =	vst v5;
	v3 =	vmul.f32 v3, v8  }
0x34: {  	v5 =	vld [tilespmem:s21+$0x2920];
	[tilespmem:s19+$0x130] =	vst v4;
	v2 =	vmul.f32 v2, v6  }
0x35: {  	v4 =	vld [tilespmem:s21+$0x2930];
	[tilespmem:s19+$0x140] =	vst v3;
	v1 =	vmul.f32 v1, v7  }
0x36: {  	v3 =	vld [tilespmem:s21+$0x2940];
	[tilespmem:s19+$0x150] =	vst v2;
	v0 =	vmul.f32 v0, v10  }
0x37: {  	v2 =	vld [tilespmem:s21+$0x2950];
	[tilespmem:s19+$0x160] =	vst v1  }
0x38: {  	v1 =	vld [tilespmem:s21+$0x2960];
	[tilespmem:s19+$0x170] =	vst v0;
	s19 =	smov.u32 s21  }
0x39: {  	v0 =	vld [tilespmem:s19+$0x2970]  }
0x3a: {  	v6 =	vld [tilespmem:s19+$0x100]  }
0x3b: {  	v7 =	vld [tilespmem:s19+$0x110]  }
.Ltmp0:
0x3c: {  	v10 =	vld [tilespmem:s19+$0x120];
	(pc) =	sbr.rel @p0 .LBB2_3-.Ltmp0, $4  }
0x3d: {  	v9 =	vld [tilespmem:s19+$0x130]  }
0x3e: {  	v8 =	vld [tilespmem:s19+$0x140]  }
0x3f: {  	v12 =	vmul.f32 v12, v6;
	v6 =	vld [tilespmem:s19+$0x150]  }
0x40: {  	s20 =	sadd.s32 $0x200, s20;
	v11 =	vmul.f32 v11, v7;
	v7 =	vld [tilespmem:s19+$0x160]  }
0x41: {  	[tilespmem:s19+$0x100] =	vst v12;
	v5 =	vmul.f32 v5, v10;
	v63 =	vld [tilespmem:s19+$0x170]  }
0x42: {  	[tilespmem:s19+$0x110] =	vst v11;
	v4 =	vmul.f32 v4, v9  }
0x43: {  	[tilespmem:s19+$0x120] =	vst v5;
	v3 =	vmul.f32 v3, v8  }
0x44: {  	[tilespmem:s19+$0x130] =	vst v4;
	v2 =	vmul.f32 v2, v6  }
0x45: {  	[tilespmem:s19+$0x140] =	vst v3;
	v1 =	vmul.f32 v1, v7  }
0x46: {  	s17 =	sadd.s32 $0x1, s17;
	[tilespmem:s19+$0x150] =	vst v2;
	v0 =	vmul.f32 v0, v63  }
0x47: {  	s18 =	sshll.u32 s18, $0x4;
	p0 =	sne.s32 s17, $0x7D;
	[tilespmem:s19+$0x160] =	vst v1  }
.Ltmp1:
0x48: {  	s18 =	sadd.s32 s6, s18;
	[tilespmem:s19+$0x170] =	vst v0;
	(pc) =	sbr.rel @p0 .LBB2_2-.Ltmp1, $4  }
0x49: {  	[hbm4b:s18+s4] =	stream.linear.scatter [tilespmem:s12], [sflag:$0x3], $0x2800, $0x38;
	[tilespmem:$0x5100] =	vst v63  }
0x4a: {  	_ =	swait.ge [sflag:s9], $0x2800  }
0x4b: {  	[sflag:s9] =	ssyncset.done $0x0  }
0x4c: {  	[sflag:s9] =	ssyncadd.s32 $0xFFFFD800  }
0x4d: {  	s16 =	sadd.s32 $0x1, s16  }
0x4e: {  	p0 =	sne.s32 s16, s8  }
.Ltmp2:
0x4f: {  	_ = 	snop;
	(pc) =	sbr.rel @p0 .LBB2_1-.Ltmp2, $1  }
0x50: {  	_ =	sdelay $0x3  }
0x51: {  	_ =	sfence.sel $0x180000  }
0x52: {  	[bflag:$0x0] =	sbarrier.arrive $0xFFFF  }
0x53: {  	p0 =	sne.s32 s3, $0x0;
	_ =	strace $0x90000053  }
0x54: {  	s0 =	sadd.s32 @!p0 $0x100000, s0;
	[bflag:$0x2] =	sbarrier.arrive $0xFFFF  }
0x55: {  	[sflag:s0] =	ssyncadd.tile.s32 @!p0 $0x1;
	_ =	shalt  }
.Lfunc_end2:
_tile_overlayer_lowered:
.L_overlay_start_2:
0x56: {  	(tag) =	ssettag $0x2  }
0x57: {  	s0 =	rddreg [dreg:$0x0];
	s2 =	stileid.u32  }
0x58: {  	s1 =	rddreg [dreg:$0x1];
	p0 =	sne.s32 s2, $0x0  }
0x59: {  	s3 =	rddreg [dreg:$0x2];
	[bflag:$0x3] =	sbarrier.arrive $0xFFFF;
	s2 =	simm.s32 @!p0 $0x1C03  }
0x5a: {  	[timem:s3], [sflag:s2] =	dma.local @!p0 [hbm:s0], s1  }
0x5b: {  	s0 =	simm.s32 @!p0 $0x3  }
0x5c: {  	_ =	swait.ge @!p0 [sflag:s0], s1  }
0x5d: {  	s1 =	ssub.s32 @!p0 $0x0, s1;
	[sflag:s0] =	ssyncset.done @!p0 $0x0  }
0x5e: {  	[sflag:s0] =	ssyncadd.s32 @!p0 s1  }
0x5f: {  	[bflag:$0x3] =	sbarrier.arrive $0xFFFF  }
0x60: {  	_ =	shalt  }

</sc_bundles>
